<compile_context>
chip_gen: v7x
topology: tpu7x:2x2x1
jax: 0.10.2.dev20260603
libtpu: 0.0.44.dev20260713+nightly
codegen_flags: <defaults>
</compile_context>

<pallas_src>
import functools

import jax
import jax.numpy as jnp
import numpy as np
from jax import lax
from jax.experimental import pallas as pl
from jax.experimental.pallas import tpu as pltpu
from jax.experimental.pallas import tpu_sc as plsc

N_ATOMS = 32768
MAX_NBR = 12
NBR_FEA_LEN = 64
HID_DIM = 768
MAX_GRAPH_LEN = 300
B = 16
L = 2048

NW = 32
ROWS = B * MAX_GRAPH_LEN
CH = 16
POS_PAD = 304
CPC = POS_PAD // CH
NCHUNK = B * CPC
NTYPE = 119
EBLK_ROWS = N_ATOMS // 8
APT = N_ATOMS // NW

_THREEFRY_ROTATIONS = ((13, 15, 26, 6), (17, 29, 16, 24))


def _threefry2x32(k0, k1, x0, x1):
    ks = (k0, k1, k0 ^ k1 ^ np.uint32(0x1BD11BDA))
    x0 = x0 + ks[0]
    x1 = x1 + ks[1]
    for i in range(5):
        for r in _THREEFRY_ROTATIONS[i % 2]:
            x0 = x0 + x1
            x1 = (x1 << np.uint32(r)) | (x1 >> np.uint32(32 - r))
            x1 = x0 ^ x1
        x0 = x0 + ks[(i + 1) % 3]
        x1 = x1 + ks[(i + 1) % 3] + np.uint32(i + 1)
    return x0, x1


def _prefix_bits(subkey, n):
    if jax.config.jax_threefry_partitionable:
        return jax.random.bits(subkey, (L,), jnp.uint32)
    kd = jax.random.key_data(subkey).astype(jnp.uint32)
    half = L // 2
    pos = jnp.arange(L)
    j = jnp.arange(half, dtype=jnp.uint32)
    n32 = jnp.asarray(n, jnp.uint32)
    m = (n32 + (n32 & jnp.uint32(1))) // jnp.uint32(2)
    x1 = jnp.where(j + m < n32, j + m, jnp.uint32(0))
    o0, o1 = _threefry2x32(kd[0], kd[1], j, x1)
    mi = m.astype(pos.dtype)
    idx0 = jnp.clip(pos, 0, half - 1)
    idx1 = jnp.clip(pos - mi, 0, half - 1)
    return jnp.where(pos < mi, o0[idx0], o1[idx1])


def _subkeys(key):
    key1, sub1 = jax.random.split(key)
    _, sub2 = jax.random.split(key1)
    return sub1, sub2


def _build_positions(n_others, n_carbon):
    ns = jnp.stack([n_others, n_carbon], axis=1).reshape(-1)
    perm_base = jax.random.key(1)
    keys = jax.vmap(lambda i: jax.random.fold_in(perm_base, i))(jnp.arange(2 * B))
    sub1, sub2 = jax.vmap(_subkeys)(keys)
    bits1 = jax.vmap(_prefix_bits)(sub1, ns)
    bits2 = jax.vmap(_prefix_bits)(sub2, ns)
    pos = jnp.arange(L)
    sentinel = jnp.uint32(0xFFFFFFFF)
    msk = pos[None, :] < ns[:, None]
    k1 = jnp.where(msk, bits1, sentinel)
    k2 = jnp.where(msk, bits2, sentinel)
    vals = jnp.broadcast_to(jnp.arange(L), (4 * B, L))
    _, vs = jax.lax.sort_key_val(jnp.concatenate([k1, k2], axis=0), vals)
    v1 = vs[:2 * B]
    w2 = vs[2 * B:, :180]
    v2 = jnp.take_along_axis(v1, w2, axis=1)
    two_round = ns > int(np.iinfo(np.uint32).max ** (1.0 / 3.0))
    pref = jnp.where(two_round[:, None], v2, v1[:, :180])
    perm_o = pref[0::2, :180]
    perm_c = pref[1::2, :120]
    sel_pos = jnp.concatenate([perm_o, perm_c], axis=1)
    return jnp.pad(sel_pos, ((0, 0), (0, POS_PAD - MAX_GRAPH_LEN))
                   ).reshape(B * POS_PAD).astype(jnp.int32)


@functools.lru_cache(maxsize=1)
def _make_count_kernel():
    mesh = plsc.VectorSubcoreMesh(core_axis_name="c", subcore_axis_name="s",
                                  num_cores=2, num_subcores=16)

    @functools.partial(
        pl.kernel,
        out_type=(jax.ShapeDtypeStruct((NW * 16,), jnp.int32),
                  jax.ShapeDtypeStruct((EBLK_ROWS, 128), jnp.int32)),
        mesh=mesh,
        compiler_params=pltpu.CompilerParams(needs_layout_passes=False),
        scratch_types=[
            pltpu.VMEM((N_ATOMS,), jnp.int32),
            pltpu.VMEM((APT,), jnp.int32),
            pltpu.VMEM((64, MAX_NBR), jnp.int32),
            pltpu.VMEM((64, MAX_NBR), jnp.int32),
            pltpu.VMEM((APT // 8, 128), jnp.int32),
            pltpu.VMEM((16,), jnp.int32),
            pltpu.SemaphoreType.DMA,
            pltpu.SemaphoreType.DMA,
        ],
    )
    def count_kernel(anum_h, cai_h, nbr_h, cnt_h, eblk_h,
                     anum_v, cai_v, slab_a, slab_b, eout_v, res_v,
                     sem_a, sem_b):
        wid = lax.axis_index("s") * 2 + lax.axis_index("c")
        pltpu.sync_copy(anum_h, anum_v)
        pltpu.sync_copy(cai_h.at[pl.ds(wid * APT, APT)], cai_v)

        iota = lax.iota(jnp.int32, 16)
        col = jnp.minimum(iota, MAX_NBR - 1)
        nslab = APT // 64
        slabs = ((slab_a, sem_a), (slab_b, sem_b))

        def nbr_rows(g):
            return nbr_h.at[pl.ds(wid * APT + g * 64, 64)]

        def eslab(g, slab_v, sem):
            pltpu.make_async_copy(nbr_rows(g), slab_v, sem).wait()
            base = g * 64

            def ebody(t, carry):
                for u in range(4):
                    rel = t * 4 + u
                    a = base + rel
                    nids = plsc.load_gather(
                        slab_v, [jnp.full((16,), rel, jnp.int32), col])
                    self_id = jnp.full((16,), wid * APT + a, jnp.int32)
                    nids = jnp.where(iota < MAX_NBR, nids, self_id)
                    ei = plsc.load_gather(anum_v, [nids])
                    eout_v[lax.shift_right_logical(a, 3),
                           pl.ds((a & 7) * 16, 16)] = ei
                return carry

            lax.fori_loop(0, 16, ebody, 0)

        pltpu.async_copy(nbr_rows(0), slab_a, sem_a)

        def spair(g2, carry):
            pltpu.async_copy(nbr_rows(2 * g2 + 1), slab_b, sem_b)
            eslab(2 * g2, slab_a, sem_a)

            @pl.when(g2 < nslab // 2 - 1)
            def _next():
                pltpu.async_copy(nbr_rows(2 * g2 + 2), slab_a, sem_a)

            eslab(2 * g2 + 1, slab_b, sem_b)
            return carry

        lax.fori_loop(0, nslab // 2, spair, 0)
        pltpu.sync_copy(eout_v, eblk_h.at[pl.ds(wid * (APT // 8), APT // 8)])

        def body(v, accs):
            acc_o, acc_c = accs
            an = plsc.load_gather(anum_v, [cai_v[pl.ds(v * 16, 16)]])
            one = jnp.ones((16,), jnp.int32)
            zero = jnp.zeros((16,), jnp.int32)
            is_c = an == 6
            is_o = jnp.logical_and(an != 6, an != 1)
            return (acc_o + jnp.where(is_o, one, zero),
                    acc_c + jnp.where(is_c, one, zero))

        acc_o, acc_c = lax.fori_loop(
            0, APT // 16, body,
            (jnp.zeros((16,), jnp.int32), jnp.zeros((16,), jnp.int32)))
        so = jnp.sum(acc_o)
        sc = jnp.sum(acc_c)
        res = jnp.where(iota == 0, jnp.full((16,), so, jnp.int32),
                        jnp.where(iota == 1, jnp.full((16,), sc, jnp.int32),
                                  jnp.zeros((16,), jnp.int32)))
        res_v[...] = res
        pltpu.sync_copy(res_v, cnt_h.at[pl.ds(wid * 16, 16)])

    return count_kernel


@functools.lru_cache(maxsize=1)
def _make_main_kernel():
    mesh = plsc.VectorSubcoreMesh(core_axis_name="c", subcore_axis_name="s",
                                  num_cores=2, num_subcores=16)

    @functools.partial(
        pl.kernel,
        out_type=jax.ShapeDtypeStruct((B, POS_PAD, HID_DIM), jnp.float32),
        mesh=mesh,
        compiler_params=pltpu.CompilerParams(needs_layout_passes=False),
        scratch_types=[
            pltpu.VMEM((N_ATOMS,), jnp.int32),
            pltpu.VMEM((NTYPE, NBR_FEA_LEN), jnp.float32),
            pltpu.VMEM((NTYPE, NBR_FEA_LEN), jnp.float32),
            pltpu.VMEM((32,), jnp.int32),
            pltpu.VMEM((160,), jnp.int32),
            pltpu.VMEM((16,), jnp.int32),
            pltpu.VMEM((16,), jnp.int32),
            pltpu.VMEM((16,), jnp.int32),
            pltpu.VMEM((16,), jnp.int32),
            pltpu.VMEM((CH, 128), jnp.int32),
            pltpu.VMEM((CH, 128), jnp.int32),
            pltpu.VMEM((CH, HID_DIM), jnp.float32),
            pltpu.VMEM((CH, HID_DIM), jnp.float32),
            pltpu.SemaphoreType.DMA,
            pltpu.SemaphoreType.DMA,
            pltpu.SemaphoreType.DMA,
            pltpu.SemaphoreType.DMA,
        ],
    )
    def main_kernel(cai_h, eblk_h, fea_h, node_h, edge_h, pos_h, nn_h,
                    out_h, cai_v, node_v, edge_v, nn_v, posall_v,
                    aidx_a, arow_a, aidx_b, arow_b, eb_a, eb_b, buf_a, buf_b,
                    semf_a, seme_a, semf_b, seme_b):
        wid = lax.axis_index("s") * 2 + lax.axis_index("c")
        pltpu.sync_copy(cai_h, cai_v)
        pltpu.sync_copy(node_h, node_v)
        pltpu.sync_copy(edge_h, edge_v)
        pltpu.sync_copy(nn_h, nn_v)
        pltpu.sync_copy(pos_h.at[pl.ds(wid * 160, 160)], posall_v)

        iota = lax.iota(jnp.int32, 16)
        nchunks = jnp.where(wid < NCHUNK - (NCHUNK // NW) * NW,
                            NCHUNK // NW + 1, NCHUNK // NW)

        slots = ((aidx_a, arow_a, eb_a, buf_a, semf_a, seme_a),
                 (aidx_b, arow_b, eb_b, buf_b, semf_b, seme_b))

        def issue(k, slot):
            aidx_v, arow_v, eb_v, buf_v, semf, seme = slot
            c = wid + k * NW
            bi = lax.div(c, CPC)
            a = plsc.load_gather(cai_v, [bi * L + posall_v[pl.ds(k * CH, CH)]])
            aidx_v[...] = a
            arow_v[...] = lax.shift_right_logical(a, 3)
            pltpu.async_copy(fea_h.at[aidx_v], buf_v, semf)
            pltpu.async_copy(eblk_h.at[arow_v], eb_v, seme)

        def process(k, slot):
            aidx_v, arow_v, eb_v, buf_v, semf, seme = slot
            c = wid + k * NW
            bi = lax.div(c, CPC)
            jc = c - bi * CPC
            j0 = jc * CH
            bi_spl = jnp.full((16,), bi, jnp.int32)
            no = plsc.load_gather(nn_v, [bi_spl])
            nc = plsc.load_gather(nn_v, [bi_spl + 16])
            pltpu.make_async_copy(fea_h.at[aidx_v], buf_v, semf).wait()
            pltpu.make_async_copy(eblk_h.at[arow_v], eb_v, seme).wait()

            def row_body(r, carry2):
                r_spl = jnp.full((16,), r, jnp.int32)
                a_spl = plsc.load_gather(aidx_v, [r_spl])
                ecol = (a_spl & 7) * 16
                na_spl = plsc.load_gather(eb_v, [r_spl, ecol + MAX_NBR])
                j_spl = jnp.full((16,), j0 + r, jnp.int32)
                ok = jnp.where(j_spl < 180, j_spl < no, j_spl - 180 < nc)
                val_spl = jnp.where(ok, jnp.full((16,), 1.0, jnp.float32),
                                    jnp.zeros((16,), jnp.float32))
                nd = [plsc.load_gather(node_v, [na_spl, iota + q * 16])
                      for q in range(4)]
                for m in range(MAX_NBR):
                    ei_spl = plsc.load_gather(eb_v, [r_spl, ecol + m])
                    for q in range(4):
                        ed = plsc.load_gather(edge_v, [ei_spl, iota + q * 16])
                        fe = buf_v[r, pl.ds(m * NBR_FEA_LEN + q * 16, 16)]
                        buf_v[r, pl.ds(m * NBR_FEA_LEN + q * 16, 16)] = (
                            (nd[q] + ed + fe) * val_spl)
                return carry2

            lax.fori_loop(0, CH, row_body, 0)
            pltpu.sync_copy(buf_v, out_h.at[bi, pl.ds(j0, CH)])

        issue(0, slots[0])

        def pair_body(k2, carry):
            k_b = 2 * k2 + 1
            k_a2 = 2 * k2 + 2

            @pl.when(k_b < nchunks)
            def _issue_b():
                issue(k_b, slots[1])

            process(2 * k2, slots[0])

            @pl.when(k_a2 < nchunks)
            def _issue_a():
                issue(k_a2, slots[0])

            @pl.when(k_b < nchunks)
            def _process_b():
                process(k_b, slots[1])

            return carry

        lax.fori_loop(0, (NCHUNK // NW + 2) // 2, pair_body, 0)

    return main_kernel


def kernel(atom_num, nbr_idx, nbr_fea, crystal_atom_idx, node_table, edge_table):
    atom_num = atom_num.astype(jnp.int32)
    nbr_idx = nbr_idx.astype(jnp.int32)
    cai_flat = crystal_atom_idx.astype(jnp.int32).reshape(-1)

    cnts, eblk = _make_count_kernel()(atom_num, cai_flat, nbr_idx)
    parts = cnts.reshape(NW, 16)
    n_others = parts[0::2, 0] + parts[1::2, 0]
    n_carbon = parts[0::2, 1] + parts[1::2, 1]

    pos = _build_positions(n_others, n_carbon)
    nn = jnp.concatenate([n_others, n_carbon]).astype(jnp.int32)

    pos_chunks = jnp.pad(pos.reshape(NCHUNK, CH), ((0, 320 - NCHUNK), (0, 0)))
    pos_wm = pos_chunks.reshape(10, NW, CH).transpose(1, 0, 2).reshape(-1)

    fea2 = nbr_fea.reshape(N_ATOMS, HID_DIM)
    out = _make_main_kernel()(cai_flat, eblk, fea2, node_table, edge_table,
                              pos_wm, nn)
    graph_emb = out[:, :MAX_GRAPH_LEN]
    mask = (graph_emb.sum(axis=-1) != 0).astype(jnp.float32)
    return graph_emb, mask

# --- scband reference (transcript-rebuilt; emitter-appended) ---
"""Pipeline reference for scband-graph-embeddings-66073776881702 (READ-ONLY COPY).

The authoritative reference and input builder live on the scoring server;
editing this copy changes nothing except your own understanding.
"""

import jax, jax.numpy as jnp
import numpy as np

N_ATOMS = 32768
MAX_NBR = 12
NBR_FEA_LEN = 64
HID_DIM = 768
MAX_GRAPH_LEN = 300
B = 16
L = 2048


def setup_inputs(seed: int = 0) -> dict:
    key = jax.random.key(seed)
    ks = jax.random.split(key, 6)
    atom_num = jax.random.randint(ks[0], (N_ATOMS,), 0, 119)
    nbr_idx = jax.random.randint(ks[1], (N_ATOMS, MAX_NBR), 0, N_ATOMS)
    nbr_fea = jax.random.normal(ks[2], (N_ATOMS, MAX_NBR, NBR_FEA_LEN), dtype=jnp.float32)
    crystal_atom_idx = jax.random.randint(ks[3], (B, L), 0, N_ATOMS)
    node_table = jax.random.normal(ks[4], (119, NBR_FEA_LEN), dtype=jnp.float32) * 0.02
    edge_table = jax.random.normal(ks[5], (119, NBR_FEA_LEN), dtype=jnp.float32) * 0.02
    return {"atom_num": atom_num, "nbr_idx": nbr_idx, "nbr_fea": nbr_fea,
            "crystal_atom_idx": crystal_atom_idx,
            "node_table": node_table, "edge_table": edge_table}


_THREEFRY_ROTATIONS = ((13, 15, 26, 6), (17, 29, 16, 24))


def _threefry2x32(k0, k1, x0, x1):
    ks = (k0, k1, k0 ^ k1 ^ np.uint32(0x1BD11BDA))
    x0 = x0 + ks[0]
    x1 = x1 + ks[1]
    for i in range(5):
        for r in _THREEFRY_ROTATIONS[i % 2]:
            x0 = x0 + x1
            x1 = (x1 << np.uint32(r)) | (x1 >> np.uint32(32 - r))
            x1 = x0 ^ x1
        x0 = x0 + ks[(i + 1) % 3]
        x1 = x1 + ks[(i + 1) % 3] + np.uint32(i + 1)
    return x0, x1


def _prefix_bits(subkey, n):
    # random bits equal, on positions < n, to a size-n uint32 draw from subkey
    if jax.config.jax_threefry_partitionable:
        return jax.random.bits(subkey, (L,), jnp.uint32)
    kd = jax.random.key_data(subkey).astype(jnp.uint32)
    half = L // 2
    pos = jnp.arange(L)
    j = jnp.arange(half, dtype=jnp.uint32)
    n32 = jnp.asarray(n, jnp.uint32)
    m = (n32 + (n32 & jnp.uint32(1))) // jnp.uint32(2)
    x1 = jnp.where(j + m < n32, j + m, jnp.uint32(0))
    o0, o1 = _threefry2x32(kd[0], kd[1], j, x1)
    mi = m.astype(pos.dtype)
    idx0 = jnp.clip(pos, 0, half - 1)
    idx1 = jnp.clip(pos - mi, 0, half - 1)
    return jnp.where(pos < mi, o0[idx0], o1[idx1])


def _padded_permutation(key, n):
    # first n entries equal jax.random.permutation(key, n); entries >= n are identity
    pos = jnp.arange(L)
    vals = jnp.arange(L)
    sentinel = jnp.uint32(0xFFFFFFFF)
    key1, sub1 = jax.random.split(key)
    _, sub2 = jax.random.split(key1)
    k1 = jnp.where(pos < n, _prefix_bits(sub1, n), sentinel)
    _, v1 = jax.lax.sort_key_val(k1, vals)
    k2 = jnp.where(pos < n, _prefix_bits(sub2, n), sentinel)
    _, v2 = jax.lax.sort_key_val(k2, v1)
    two_round = n > int(np.iinfo(np.uint32).max ** (1.0 / 3.0))
    return jnp.where(two_round, v2, v1)


def reference(atom_num, nbr_idx, nbr_fea, crystal_atom_idx, node_table, edge_table):
    # nbr_atom_num = atom_num[nbr_idx]  [N, M]
    nbr_atom_num = atom_num[nbr_idx]
    # node embedding broadcast over neighbors, edge embedding per neighbor
    emb_node = jnp.repeat(node_table[atom_num][:, None, :], MAX_NBR, axis=1)
    emb_edge = edge_table[nbr_atom_num]
    emb_dist = nbr_fea
    emb_total = (emb_node + emb_edge + emb_dist).reshape(atom_num.shape[0], -1)  # [N, hid_dim]
    graph_emb = jnp.zeros((B, MAX_GRAPH_LEN, HID_DIM), dtype=emb_total.dtype)
    perm_base = jax.random.key(1)
    for bi in range(B):
        c_atom_idx = crystal_atom_idx[bi]
        c_total_emb = emb_total[c_atom_idx]
        c_atom_num = atom_num[c_atom_idx]
        mask_others = jnp.logical_and(c_atom_num != 6, c_atom_num != 1)
        n_others = jnp.sum(mask_others)
        k_o = jax.random.fold_in(perm_base, 2 * bi)
        perm_o = _padded_permutation(k_o, n_others)
        emb_others = jnp.where((jnp.arange(180) < n_others)[:, None],
                               c_total_emb[perm_o[:180]],
                               jnp.zeros((1, HID_DIM), dtype=c_total_emb.dtype))
        n_carbon = jnp.sum(c_atom_num == 6)
        k_c = jax.random.fold_in(perm_base, 2 * bi + 1)
        perm_c = _padded_permutation(k_c, n_carbon)
        emb_carbon = jnp.where((jnp.arange(120) < n_carbon)[:, None],
                               c_total_emb[perm_c[:120]],
                               jnp.zeros((1, HID_DIM), dtype=c_total_emb.dtype))
        final_emb = jnp.concatenate([emb_others, emb_carbon], axis=0)
        graph_emb = graph_emb.at[bi].set(final_emb)
    mask = (graph_emb.sum(axis=-1) != 0).astype(jnp.float32)
    return graph_emb, mask

if __name__ == "__main__":
    import jax
    _d = setup_inputs()
    print(jax.jit(kernel)(*tuple(_d.values())))

</pallas_src>

<mosaic_0001>
#map = affine_map<(d0, d1) -> (0)>
#map1 = affine_map<(d0, d1) -> (0, 0)>
module attributes {stable_mosaic.version = 14 : i64} {
  func.func @count_kernel(%arg0: i32, %arg1: i32, %arg2: memref<32768xi32, #tpu.memory_space<hbm>>, %arg3: memref<32768xi32, #tpu.memory_space<hbm>>, %arg4: memref<32768x12xi32, #tpu.memory_space<hbm>>, %arg5: memref<512xi32, #tpu.memory_space<hbm>>, %arg6: memref<4096x128xi32, #tpu.memory_space<hbm>>, %arg7: memref<32768xi32, #tpu.memory_space<vmem>>, %arg8: memref<1024xi32, #tpu.memory_space<vmem>>, %arg9: memref<64x12xi32, #tpu.memory_space<vmem>>, %arg10: memref<64x12xi32, #tpu.memory_space<vmem>>, %arg11: memref<128x128xi32, #tpu.memory_space<vmem>>, %arg12: memref<16xi32, #tpu.memory_space<vmem>>, %arg13: memref<!tpu.dma_semaphore, #tpu.memory_space<semaphore_mem>>, %arg14: memref<!tpu.dma_semaphore, #tpu.memory_space<semaphore_mem>>) attributes {dimension_semantics = [#tpu.dimension_semantics<core_parallel>, #tpu.dimension_semantics<subcore_parallel>], iteration_bounds = array<i64: 2, 16>, scalar_prefetch = 0 : i64, scratch_operands = 8 : i64, tpu.core_type = #tpu.core_type<sc_vector_subcore>, window_params = [{transform_indices = #map}, {transform_indices = #map}, {transform_indices = #map1}, {transform_indices = #map}, {transform_indices = #map1}]} {
    %mul3A = arith.constant 2 : i32
    %mul3A_0 = arith.muli %arg1, %mul3A : i32
    %add3A = arith.addi %mul3A_0, %arg0 : i32
    "tpu.region"() ({
      %run_scoped3A = tpu.sem_alloc : memref<!tpu.dma_semaphore, #tpu.memory_space<semaphore_mem>>
      tpu.enqueue_dma source(%arg2 : memref<32768xi32, #tpu.memory_space<hbm>>) target(%arg7 : memref<32768xi32, #tpu.memory_space<vmem>>) target_semaphore(%run_scoped3A : memref<!tpu.dma_semaphore, #tpu.memory_space<semaphore_mem>>)
      tpu.wait_dma2 semaphore(%run_scoped3A : memref<!tpu.dma_semaphore, #tpu.memory_space<semaphore_mem>>) src(%arg2 : memref<32768xi32, #tpu.memory_space<hbm>>) dst(%arg7 : memref<32768xi32, #tpu.memory_space<vmem>>)
      tpu.yield
    }) : () -> ()
    %mul3A_1 = arith.constant 1024 : i32
    %mul3A_2 = arith.muli %add3A, %mul3A_1 : i32
    "tpu.region"() ({
      %run_scoped3A = tpu.sem_alloc : memref<!tpu.dma_semaphore, #tpu.memory_space<semaphore_mem>>
      %dma_start3A_48 = tpu.memref_slice %arg3[%mul3A_2] : memref<32768xi32, #tpu.memory_space<hbm>> -> memref<1024xi32, #tpu.memory_space<hbm>>
      %dma_start3A_49 = tpu.memref_slice %arg3[%mul3A_2] : memref<32768xi32, #tpu.memory_space<hbm>> -> memref<1024xi32, #tpu.memory_space<hbm>>
      tpu.enqueue_dma source(%dma_start3A_49 : memref<1024xi32, #tpu.memory_space<hbm>>) target(%arg8 : memref<1024xi32, #tpu.memory_space<vmem>>) target_semaphore(%run_scoped3A : memref<!tpu.dma_semaphore, #tpu.memory_space<semaphore_mem>>)
      %dma_wait3A = tpu.memref_slice %arg3[%mul3A_2] : memref<32768xi32, #tpu.memory_space<hbm>> -> memref<1024xi32, #tpu.memory_space<hbm>>
      %dma_wait3A_50 = tpu.memref_slice %arg3[%mul3A_2] : memref<32768xi32, #tpu.memory_space<hbm>> -> memref<1024xi32, #tpu.memory_space<hbm>>
      tpu.wait_dma2 semaphore(%run_scoped3A : memref<!tpu.dma_semaphore, #tpu.memory_space<semaphore_mem>>) src(%dma_wait3A_50 : memref<1024xi32, #tpu.memory_space<hbm>>) dst(%arg8 : memref<1024xi32, #tpu.memory_space<vmem>>)
      tpu.yield
    }) : () -> ()
    %iota3A = tpu.iota {dimensions = array<i32: 0>} : vector<16xi32>
    %min3A = arith.constant 11 : i32
    %min3A_3 = vector.broadcast %min3A : i32 to vector<16xi32>
    %min3A_4 = arith.minsi %iota3A, %min3A_3 : vector<16xi32>
    %mul3A_5 = arith.constant 1024 : i32
    %mul3A_6 = arith.muli %add3A, %mul3A_5 : i32
    %add3A_7 = arith.constant 0 : i32
    %add3A_8 = arith.addi %mul3A_6, %add3A_7 : i32
    %dma_start3A = arith.constant 0 : i32
    %dma_start3A_9 = tpu.memref_slice %arg4[%add3A_8, %dma_start3A] : memref<32768x12xi32, #tpu.memory_space<hbm>> -> memref<64x12xi32, #tpu.memory_space<hbm>>
    %dma_start3A_10 = arith.constant 0 : i32
    %dma_start3A_11 = tpu.memref_slice %arg4[%add3A_8, %dma_start3A_10] : memref<32768x12xi32, #tpu.memory_space<hbm>> -> memref<64x12xi32, #tpu.memory_space<hbm>>
    tpu.enqueue_dma source(%dma_start3A_11 : memref<64x12xi32, #tpu.memory_space<hbm>>) target(%arg9 : memref<64x12xi32, #tpu.memory_space<vmem>>) target_semaphore(%arg13 : memref<!tpu.dma_semaphore, #tpu.memory_space<semaphore_mem>>)
    %scan3A = arith.constant 0 : i32
    %scan3A_12 = arith.constant 0 : i32
    %scan3A_13 = arith.constant 8 : i32
    %scan3A_14 = arith.addi %scan3A_12, %scan3A_13 : i32
    %scan3A_15 = arith.constant 1 : i32
    scf.for %scan3A_48 = %scan3A_12 to %scan3A_14 step %scan3A_15  : i32 {
      %mul3A_49 = arith.constant 2 : i32
      %mul3A_50 = arith.muli %mul3A_49, %scan3A_48 : i32
      %add3A_51 = arith.constant 1 : i32
      %add3A_52 = arith.addi %mul3A_50, %add3A_51 : i32
      %mul3A_53 = arith.constant 1024 : i32
      %mul3A_54 = arith.muli %add3A, %mul3A_53 : i32
      %mul3A_55 = arith.constant 64 : i32
      %mul3A_56 = arith.muli %add3A_52, %mul3A_55 : i32
      %add3A_57 = arith.addi %mul3A_54, %mul3A_56 : i32
      %dma_start3A_58 = arith.constant 0 : i32
      %dma_start3A_59 = tpu.memref_slice %arg4[%add3A_57, %dma_start3A_58] : memref<32768x12xi32, #tpu.memory_space<hbm>> -> memref<64x12xi32, #tpu.memory_space<hbm>>
      %dma_start3A_60 = arith.constant 0 : i32
      %dma_start3A_61 = tpu.memref_slice %arg4[%add3A_57, %dma_start3A_60] : memref<32768x12xi32, #tpu.memory_space<hbm>> -> memref<64x12xi32, #tpu.memory_space<hbm>>
      tpu.enqueue_dma source(%dma_start3A_61 : memref<64x12xi32, #tpu.memory_space<hbm>>) target(%arg10 : memref<64x12xi32, #tpu.memory_space<vmem>>) target_semaphore(%arg14 : memref<!tpu.dma_semaphore, #tpu.memory_space<semaphore_mem>>)
      %mul3A_62 = arith.constant 2 : i32
      %mul3A_63 = arith.muli %mul3A_62, %scan3A_48 : i32
      %mul3A_64 = arith.constant 1024 : i32
      %mul3A_65 = arith.muli %add3A, %mul3A_64 : i32
      %mul3A_66 = arith.constant 64 : i32
      %mul3A_67 = arith.muli %mul3A_63, %mul3A_66 : i32
      %add3A_68 = arith.addi %mul3A_65, %mul3A_67 : i32
      %dma_wait3A = arith.constant 0 : i32
      %dma_wait3A_69 = tpu.memref_slice %arg4[%add3A_68, %dma_wait3A] : memref<32768x12xi32, #tpu.memory_space<hbm>> -> memref<64x12xi32, #tpu.memory_space<hbm>>
      %dma_wait3A_70 = arith.constant 0 : i32
      %dma_wait3A_71 = tpu.memref_slice %arg4[%add3A_68, %dma_wait3A_70] : memref<32768x12xi32, #tpu.memory_space<hbm>> -> memref<64x12xi32, #tpu.memory_space<hbm>>
      tpu.wait_dma2 semaphore(%arg13 : memref<!tpu.dma_semaphore, #tpu.memory_space<semaphore_mem>>) src(%dma_wait3A_71 : memref<64x12xi32, #tpu.memory_space<hbm>>) dst(%arg9 : memref<64x12xi32, #tpu.memory_space<vmem>>)
      %mul3A_72 = arith.constant 64 : i32
      %mul3A_73 = arith.muli %mul3A_63, %mul3A_72 : i32
      %scan3A_74 = arith.constant 0 : i32
      %scan3A_75 = arith.constant 0 : i32
      %scan3A_76 = arith.constant 16 : i32
      %scan3A_77 = arith.addi %scan3A_75, %scan3A_76 : i32
      %scan3A_78 = arith.constant 1 : i32
      scf.for %scan3A_103 = %scan3A_75 to %scan3A_77 step %scan3A_78  : i32 {
        %mul3A_104 = arith.constant 4 : i32
        %mul3A_105 = arith.muli %scan3A_103, %mul3A_104 : i32
        %add3A_106 = arith.constant 0 : i32
        %add3A_107 = arith.addi %mul3A_105, %add3A_106 : i32
        %add3A_108 = arith.addi %mul3A_73, %add3A_107 : i32
        %broadcast_in_dim3A_109 = vector.broadcast %add3A_107 : i32 to vector<16xi32>
        %gather3A = tpu.vector_load_idx %arg9[%broadcast_in_dim3A_109, %min3A_4] : memref<64x12xi32, #tpu.memory_space<vmem>>[vector<16xi32>, vector<16xi32>], vector<16xi32>,
        %mul3A_110 = arith.constant 1024 : i32
        %mul3A_111 = arith.muli %add3A, %mul3A_110 : i32
        %add3A_112 = arith.addi %mul3A_111, %add3A_108 : i32
        %broadcast_in_dim3A_113 = vector.broadcast %add3A_112 : i32 to vector<16xi32>
        %lt3A_114 = arith.constant 12 : i32
        %lt3A_115 = vector.broadcast %lt3A_114 : i32 to vector<16xi32>
        %lt3A_116 = arith.cmpi slt, %iota3A, %lt3A_115 : vector<16xi32>
        %select_n3A_117 = arith.select %lt3A_116, %gather3A, %broadcast_in_dim3A_113 : vector<16xi1>, vector<16xi32>
        %gather3A_118 = tpu.vector_load_idx %arg7[%select_n3A_117] : memref<32768xi32, #tpu.memory_space<vmem>>[vector<16xi32>], vector<16xi32>,
        %shift_right_logical3A = arith.constant 3 : i32
        %shift_right_logical3A_119 = arith.shrui %add3A_108, %shift_right_logical3A : i32
        %and3A = arith.constant 7 : i32
        %and3A_120 = arith.andi %add3A_108, %and3A : i32
        %mul3A_121 = arith.constant 16 : i32
        %mul3A_122 = arith.muli %and3A_120, %mul3A_121 : i32
        %swap3A_123 = arith.index_cast %shift_right_logical3A_119 : i32 to index
        %swap3A_124 = arith.index_cast %mul3A_122 : i32 to index
        %swap3A_125 = tpu.vector_load %arg11[%swap3A_123, %swap3A_124] {strides = array<i32>} : memref<128x128xi32, #tpu.memory_space<vmem>>, vector<16xi32>,
        tpu.vector_store %arg11[%swap3A_123, %swap3A_124], %gather3A_118 {strides = array<i32>} : memref<128x128xi32, #tpu.memory_space<vmem>>, vector<16xi32>,
        %mul3A_126 = arith.constant 4 : i32
        %mul3A_127 = arith.muli %scan3A_103, %mul3A_126 : i32
        %add3A_128 = arith.constant 1 : i32
        %add3A_129 = arith.addi %mul3A_127, %add3A_128 : i32
        %add3A_130 = arith.addi %mul3A_73, %add3A_129 : i32
        %broadcast_in_dim3A_131 = vector.broadcast %add3A_129 : i32 to vector<16xi32>
        %gather3A_132 = tpu.vector_load_idx %arg9[%broadcast_in_dim3A_131, %min3A_4] : memref<64x12xi32, #tpu.memory_space<vmem>>[vector<16xi32>, vector<16xi32>], vector<16xi32>,
        %mul3A_133 = arith.constant 1024 : i32
        %mul3A_134 = arith.muli %add3A, %mul3A_133 : i32
        %add3A_135 = arith.addi %mul3A_134, %add3A_130 : i32
        %broadcast_in_dim3A_136 = vector.broadcast %add3A_135 : i32 to vector<16xi32>
        %lt3A_137 = arith.constant 12 : i32
        %lt3A_138 = vector.broadcast %lt3A_137 : i32 to vector<16xi32>
        %lt3A_139 = arith.cmpi slt, %iota3A, %lt3A_138 : vector<16xi32>
        %select_n3A_140 = arith.select %lt3A_139, %gather3A_132, %broadcast_in_dim3A_136 : vector<16xi1>, vector<16xi32>
        %gather3A_141 = tpu.vector_load_idx %arg7[%select_n3A_140] : memref<32768xi32, #tpu.memory_space<vmem>>[vector<16xi32>], vector<16xi32>,
        %shift_right_logical3A_142 = arith.constant 3 : i32
        %shift_right_logical3A_143 = arith.shrui %add3A_130, %shift_right_logical3A_142 : i32
        %and3A_144 = arith.constant 7 : i32
        %and3A_145 = arith.andi %add3A_130, %and3A_144 : i32
        %mul3A_146 = arith.constant 16 : i32
        %mul3A_147 = arith.muli %and3A_145, %mul3A_146 : i32
        %swap3A_148 = arith.index_cast %shift_right_logical3A_143 : i32 to index
        %swap3A_149 = arith.index_cast %mul3A_147 : i32 to index
        %swap3A_150 = tpu.vector_load %arg11[%swap3A_148, %swap3A_149] {strides = array<i32>} : memref<128x128xi32, #tpu.memory_space<vmem>>, vector<16xi32>,
        tpu.vector_store %arg11[%swap3A_148, %swap3A_149], %gather3A_141 {strides = array<i32>} : memref<128x128xi32, #tpu.memory_space<vmem>>, vector<16xi32>,
        %mul3A_151 = arith.constant 4 : i32
        %mul3A_152 = arith.muli %scan3A_103, %mul3A_151 : i32
        %add3A_153 = arith.constant 2 : i32
        %add3A_154 = arith.addi %mul3A_152, %add3A_153 : i32
        %add3A_155 = arith.addi %mul3A_73, %add3A_154 : i32
        %broadcast_in_dim3A_156 = vector.broadcast %add3A_154 : i32 to vector<16xi32>
        %gather3A_157 = tpu.vector_load_idx %arg9[%broadcast_in_dim3A_156, %min3A_4] : memref<64x12xi32, #tpu.memory_space<vmem>>[vector<16xi32>, vector<16xi32>], vector<16xi32>,
        %mul3A_158 = arith.constant 1024 : i32
        %mul3A_159 = arith.muli %add3A, %mul3A_158 : i32
        %add3A_160 = arith.addi %mul3A_159, %add3A_155 : i32
        %broadcast_in_dim3A_161 = vector.broadcast %add3A_160 : i32 to vector<16xi32>
        %lt3A_162 = arith.constant 12 : i32
        %lt3A_163 = vector.broadcast %lt3A_162 : i32 to vector<16xi32>
        %lt3A_164 = arith.cmpi slt, %iota3A, %lt3A_163 : vector<16xi32>
        %select_n3A_165 = arith.select %lt3A_164, %gather3A_157, %broadcast_in_dim3A_161 : vector<16xi1>, vector<16xi32>
        %gather3A_166 = tpu.vector_load_idx %arg7[%select_n3A_165] : memref<32768xi32, #tpu.memory_space<vmem>>[vector<16xi32>], vector<16xi32>,
        %shift_right_logical3A_167 = arith.constant 3 : i32
        %shift_right_logical3A_168 = arith.shrui %add3A_155, %shift_right_logical3A_167 : i32
        %and3A_169 = arith.constant 7 : i32
        %and3A_170 = arith.andi %add3A_155, %and3A_169 : i32
        %mul3A_171 = arith.constant 16 : i32
        %mul3A_172 = arith.muli %and3A_170, %mul3A_171 : i32
        %swap3A_173 = arith.index_cast %shift_right_logical3A_168 : i32 to index
        %swap3A_174 = arith.index_cast %mul3A_172 : i32 to index
        %swap3A_175 = tpu.vector_load %arg11[%swap3A_173, %swap3A_174] {strides = array<i32>} : memref<128x128xi32, #tpu.memory_space<vmem>>, vector<16xi32>,
        tpu.vector_store %arg11[%swap3A_173, %swap3A_174], %gather3A_166 {strides = array<i32>} : memref<128x128xi32, #tpu.memory_space<vmem>>, vector<16xi32>,
        %mul3A_176 = arith.constant 4 : i32
        %mul3A_177 = arith.muli %scan3A_103, %mul3A_176 : i32
        %add3A_178 = arith.constant 3 : i32
        %add3A_179 = arith.addi %mul3A_177, %add3A_178 : i32
        %add3A_180 = arith.addi %mul3A_73, %add3A_179 : i32
        %broadcast_in_dim3A_181 = vector.broadcast %add3A_179 : i32 to vector<16xi32>
        %gather3A_182 = tpu.vector_load_idx %arg9[%broadcast_in_dim3A_181, %min3A_4] : memref<64x12xi32, #tpu.memory_space<vmem>>[vector<16xi32>, vector<16xi32>], vector<16xi32>,
        %mul3A_183 = arith.constant 1024 : i32
        %mul3A_184 = arith.muli %add3A, %mul3A_183 : i32
        %add3A_185 = arith.addi %mul3A_184, %add3A_180 : i32
        %broadcast_in_dim3A_186 = vector.broadcast %add3A_185 : i32 to vector<16xi32>
        %lt3A_187 = arith.constant 12 : i32
        %lt3A_188 = vector.broadcast %lt3A_187 : i32 to vector<16xi32>
        %lt3A_189 = arith.cmpi slt, %iota3A, %lt3A_188 : vector<16xi32>
        %select_n3A_190 = arith.select %lt3A_189, %gather3A_182, %broadcast_in_dim3A_186 : vector<16xi1>, vector<16xi32>
        %gather3A_191 = tpu.vector_load_idx %arg7[%select_n3A_190] : memref<32768xi32, #tpu.memory_space<vmem>>[vector<16xi32>], vector<16xi32>,
        %shift_right_logical3A_192 = arith.constant 3 : i32
        %shift_right_logical3A_193 = arith.shrui %add3A_180, %shift_right_logical3A_192 : i32
        %and3A_194 = arith.constant 7 : i32
        %and3A_195 = arith.andi %add3A_180, %and3A_194 : i32
        %mul3A_196 = arith.constant 16 : i32
        %mul3A_197 = arith.muli %and3A_195, %mul3A_196 : i32
        %swap3A_198 = arith.index_cast %shift_right_logical3A_193 : i32 to index
        %swap3A_199 = arith.index_cast %mul3A_197 : i32 to index
        %swap3A_200 = tpu.vector_load %arg11[%swap3A_198, %swap3A_199] {strides = array<i32>} : memref<128x128xi32, #tpu.memory_space<vmem>>, vector<16xi32>,
        tpu.vector_store %arg11[%swap3A_198, %swap3A_199], %gather3A_191 {strides = array<i32>} : memref<128x128xi32, #tpu.memory_space<vmem>>, vector<16xi32>,
      }
      %scan3A_79 = arith.constant 16 : i32
      %lt3A = arith.constant 7 : i32
      %lt3A_80 = arith.cmpi slt, %scan3A_48, %lt3A : i32
      %convert_element_type3A = arith.extui %lt3A_80 : i1 to i32
      %cond3A = arith.constant 0 : i32
      %cond3A_81 = arith.cmpi ne, %convert_element_type3A, %cond3A : i32
      scf.if %cond3A_81 {
        %mul3A_103 = arith.constant 2 : i32
        %mul3A_104 = arith.muli %mul3A_103, %scan3A_48 : i32
        %add3A_105 = arith.constant 2 : i32
        %add3A_106 = arith.addi %mul3A_104, %add3A_105 : i32
        %mul3A_107 = arith.constant 1024 : i32
        %mul3A_108 = arith.muli %add3A, %mul3A_107 : i32
        %mul3A_109 = arith.constant 64 : i32
        %mul3A_110 = arith.muli %add3A_106, %mul3A_109 : i32
        %add3A_111 = arith.addi %mul3A_108, %mul3A_110 : i32
        %dma_start3A_112 = arith.constant 0 : i32
        %dma_start3A_113 = tpu.memref_slice %arg4[%add3A_111, %dma_start3A_112] : memref<32768x12xi32, #tpu.memory_space<hbm>> -> memref<64x12xi32, #tpu.memory_space<hbm>>
        %dma_start3A_114 = arith.constant 0 : i32
        %dma_start3A_115 = tpu.memref_slice %arg4[%add3A_111, %dma_start3A_114] : memref<32768x12xi32, #tpu.memory_space<hbm>> -> memref<64x12xi32, #tpu.memory_space<hbm>>
        tpu.enqueue_dma source(%dma_start3A_115 : memref<64x12xi32, #tpu.memory_space<hbm>>) target(%arg9 : memref<64x12xi32, #tpu.memory_space<vmem>>) target_semaphore(%arg13 : memref<!tpu.dma_semaphore, #tpu.memory_space<semaphore_mem>>)
      } else {
      }
      %mul3A_82 = arith.constant 2 : i32
      %mul3A_83 = arith.muli %mul3A_82, %scan3A_48 : i32
      %add3A_84 = arith.constant 1 : i32
      %add3A_85 = arith.addi %mul3A_83, %add3A_84 : i32
      %mul3A_86 = arith.constant 1024 : i32
      %mul3A_87 = arith.muli %add3A, %mul3A_86 : i32
      %mul3A_88 = arith.constant 64 : i32
      %mul3A_89 = arith.muli %add3A_85, %mul3A_88 : i32
      %add3A_90 = arith.addi %mul3A_87, %mul3A_89 : i32
      %dma_wait3A_91 = arith.constant 0 : i32
      %dma_wait3A_92 = tpu.memref_slice %arg4[%add3A_90, %dma_wait3A_91] : memref<32768x12xi32, #tpu.memory_space<hbm>> -> memref<64x12xi32, #tpu.memory_space<hbm>>
      %dma_wait3A_93 = arith.constant 0 : i32
      %dma_wait3A_94 = tpu.memref_slice %arg4[%add3A_90, %dma_wait3A_93] : memref<32768x12xi32, #tpu.memory_space<hbm>> -> memref<64x12xi32, #tpu.memory_space<hbm>>
      tpu.wait_dma2 semaphore(%arg14 : memref<!tpu.dma_semaphore, #tpu.memory_space<semaphore_mem>>) src(%dma_wait3A_94 : memref<64x12xi32, #tpu.memory_space<hbm>>) dst(%arg10 : memref<64x12xi32, #tpu.memory_space<vmem>>)
      %mul3A_95 = arith.constant 64 : i32
      %mul3A_96 = arith.muli %add3A_85, %mul3A_95 : i32
      %scan3A_97 = arith.constant 0 : i32
      %scan3A_98 = arith.constant 0 : i32
      %scan3A_99 = arith.constant 16 : i32
      %scan3A_100 = arith.addi %scan3A_98, %scan3A_99 : i32
      %scan3A_101 = arith.constant 1 : i32
      scf.for %scan3A_103 = %scan3A_98 to %scan3A_100 step %scan3A_101  : i32 {
        %mul3A_104 = arith.constant 4 : i32
        %mul3A_105 = arith.muli %scan3A_103, %mul3A_104 : i32
        %add3A_106 = arith.constant 0 : i32
        %add3A_107 = arith.addi %mul3A_105, %add3A_106 : i32
        %add3A_108 = arith.addi %mul3A_96, %add3A_107 : i32
        %broadcast_in_dim3A_109 = vector.broadcast %add3A_107 : i32 to vector<16xi32>
        %gather3A = tpu.vector_load_idx %arg10[%broadcast_in_dim3A_109, %min3A_4] : memref<64x12xi32, #tpu.memory_space<vmem>>[vector<16xi32>, vector<16xi32>], vector<16xi32>,
        %mul3A_110 = arith.constant 1024 : i32
        %mul3A_111 = arith.muli %add3A, %mul3A_110 : i32
        %add3A_112 = arith.addi %mul3A_111, %add3A_108 : i32
        %broadcast_in_dim3A_113 = vector.broadcast %add3A_112 : i32 to vector<16xi32>
        %lt3A_114 = arith.constant 12 : i32
        %lt3A_115 = vector.broadcast %lt3A_114 : i32 to vector<16xi32>
        %lt3A_116 = arith.cmpi slt, %iota3A, %lt3A_115 : vector<16xi32>
        %select_n3A_117 = arith.select %lt3A_116, %gather3A, %broadcast_in_dim3A_113 : vector<16xi1>, vector<16xi32>
        %gather3A_118 = tpu.vector_load_idx %arg7[%select_n3A_117] : memref<32768xi32, #tpu.memory_space<vmem>>[vector<16xi32>], vector<16xi32>,
        %shift_right_logical3A = arith.constant 3 : i32
        %shift_right_logical3A_119 = arith.shrui %add3A_108, %shift_right_logical3A : i32
        %and3A = arith.constant 7 : i32
        %and3A_120 = arith.andi %add3A_108, %and3A : i32
        %mul3A_121 = arith.constant 16 : i32
        %mul3A_122 = arith.muli %and3A_120, %mul3A_121 : i32
        %swap3A_123 = arith.index_cast %shift_right_logical3A_119 : i32 to index
        %swap3A_124 = arith.index_cast %mul3A_122 : i32 to index
        %swap3A_125 = tpu.vector_load %arg11[%swap3A_123, %swap3A_124] {strides = array<i32>} : memref<128x128xi32, #tpu.memory_space<vmem>>, vector<16xi32>,
        tpu.vector_store %arg11[%swap3A_123, %swap3A_124], %gather3A_118 {strides = array<i32>} : memref<128x128xi32, #tpu.memory_space<vmem>>, vector<16xi32>,
        %mul3A_126 = arith.constant 4 : i32
        %mul3A_127 = arith.muli %scan3A_103, %mul3A_126 : i32
        %add3A_128 = arith.constant 1 : i32
        %add3A_129 = arith.addi %mul3A_127, %add3A_128 : i32
        %add3A_130 = arith.addi %mul3A_96, %add3A_129 : i32
        %broadcast_in_dim3A_131 = vector.broadcast %add3A_129 : i32 to vector<16xi32>
        %gather3A_132 = tpu.vector_load_idx %arg10[%broadcast_in_dim3A_131, %min3A_4] : memref<64x12xi32, #tpu.memory_space<vmem>>[vector<16xi32>, vector<16xi32>], vector<16xi32>,
        %mul3A_133 = arith.constant 1024 : i32
        %mul3A_134 = arith.muli %add3A, %mul3A_133 : i32
        %add3A_135 = arith.addi %mul3A_134, %add3A_130 : i32
        %broadcast_in_dim3A_136 = vector.broadcast %add3A_135 : i32 to vector<16xi32>
        %lt3A_137 = arith.constant 12 : i32
        %lt3A_138 = vector.broadcast %lt3A_137 : i32 to vector<16xi32>
        %lt3A_139 = arith.cmpi slt, %iota3A, %lt3A_138 : vector<16xi32>
        %select_n3A_140 = arith.select %lt3A_139, %gather3A_132, %broadcast_in_dim3A_136 : vector<16xi1>, vector<16xi32>
        %gather3A_141 = tpu.vector_load_idx %arg7[%select_n3A_140] : memref<32768xi32, #tpu.memory_space<vmem>>[vector<16xi32>], vector<16xi32>,
        %shift_right_logical3A_142 = arith.constant 3 : i32
        %shift_right_logical3A_143 = arith.shrui %add3A_130, %shift_right_logical3A_142 : i32
        %and3A_144 = arith.constant 7 : i32
        %and3A_145 = arith.andi %add3A_130, %and3A_144 : i32
        %mul3A_146 = arith.constant 16 : i32
        %mul3A_147 = arith.muli %and3A_145, %mul3A_146 : i32
        %swap3A_148 = arith.index_cast %shift_right_logical3A_143 : i32 to index
        %swap3A_149 = arith.index_cast %mul3A_147 : i32 to index
        %swap3A_150 = tpu.vector_load %arg11[%swap3A_148, %swap3A_149] {strides = array<i32>} : memref<128x128xi32, #tpu.memory_space<vmem>>, vector<16xi32>,
        tpu.vector_store %arg11[%swap3A_148, %swap3A_149], %gather3A_141 {strides = array<i32>} : memref<128x128xi32, #tpu.memory_space<vmem>>, vector<16xi32>,
        %mul3A_151 = arith.constant 4 : i32
        %mul3A_152 = arith.muli %scan3A_103, %mul3A_151 : i32
        %add3A_153 = arith.constant 2 : i32
        %add3A_154 = arith.addi %mul3A_152, %add3A_153 : i32
        %add3A_155 = arith.addi %mul3A_96, %add3A_154 : i32
        %broadcast_in_dim3A_156 = vector.broadcast %add3A_154 : i32 to vector<16xi32>
        %gather3A_157 = tpu.vector_load_idx %arg10[%broadcast_in_dim3A_156, %min3A_4] : memref<64x12xi32, #tpu.memory_space<vmem>>[vector<16xi32>, vector<16xi32>], vector<16xi32>,
        %mul3A_158 = arith.constant 1024 : i32
        %mul3A_159 = arith.muli %add3A, %mul3A_158 : i32
        %add3A_160 = arith.addi %mul3A_159, %add3A_155 : i32
        %broadcast_in_dim3A_161 = vector.broadcast %add3A_160 : i32 to vector<16xi32>
        %lt3A_162 = arith.constant 12 : i32
        %lt3A_163 = vector.broadcast %lt3A_162 : i32 to vector<16xi32>
        %lt3A_164 = arith.cmpi slt, %iota3A, %lt3A_163 : vector<16xi32>
        %select_n3A_165 = arith.select %lt3A_164, %gather3A_157, %broadcast_in_dim3A_161 : vector<16xi1>, vector<16xi32>
        %gather3A_166 = tpu.vector_load_idx %arg7[%select_n3A_165] : memref<32768xi32, #tpu.memory_space<vmem>>[vector<16xi32>], vector<16xi32>,
        %shift_right_logical3A_167 = arith.constant 3 : i32
        %shift_right_logical3A_168 = arith.shrui %add3A_155, %shift_right_logical3A_167 : i32
        %and3A_169 = arith.constant 7 : i32
        %and3A_170 = arith.andi %add3A_155, %and3A_169 : i32
        %mul3A_171 = arith.constant 16 : i32
        %mul3A_172 = arith.muli %and3A_170, %mul3A_171 : i32
        %swap3A_173 = arith.index_cast %shift_right_logical3A_168 : i32 to index
        %swap3A_174 = arith.index_cast %mul3A_172 : i32 to index
        %swap3A_175 = tpu.vector_load %arg11[%swap3A_173, %swap3A_174] {strides = array<i32>} : memref<128x128xi32, #tpu.memory_space<vmem>>, vector<16xi32>,
        tpu.vector_store %arg11[%swap3A_173, %swap3A_174], %gather3A_166 {strides = array<i32>} : memref<128x128xi32, #tpu.memory_space<vmem>>, vector<16xi32>,
        %mul3A_176 = arith.constant 4 : i32
        %mul3A_177 = arith.muli %scan3A_103, %mul3A_176 : i32
        %add3A_178 = arith.constant 3 : i32
        %add3A_179 = arith.addi %mul3A_177, %add3A_178 : i32
        %add3A_180 = arith.addi %mul3A_96, %add3A_179 : i32
        %broadcast_in_dim3A_181 = vector.broadcast %add3A_179 : i32 to vector<16xi32>
        %gather3A_182 = tpu.vector_load_idx %arg10[%broadcast_in_dim3A_181, %min3A_4] : memref<64x12xi32, #tpu.memory_space<vmem>>[vector<16xi32>, vector<16xi32>], vector<16xi32>,
        %mul3A_183 = arith.constant 1024 : i32
        %mul3A_184 = arith.muli %add3A, %mul3A_183 : i32
        %add3A_185 = arith.addi %mul3A_184, %add3A_180 : i32
        %broadcast_in_dim3A_186 = vector.broadcast %add3A_185 : i32 to vector<16xi32>
        %lt3A_187 = arith.constant 12 : i32
        %lt3A_188 = vector.broadcast %lt3A_187 : i32 to vector<16xi32>
        %lt3A_189 = arith.cmpi slt, %iota3A, %lt3A_188 : vector<16xi32>
        %select_n3A_190 = arith.select %lt3A_189, %gather3A_182, %broadcast_in_dim3A_186 : vector<16xi1>, vector<16xi32>
        %gather3A_191 = tpu.vector_load_idx %arg7[%select_n3A_190] : memref<32768xi32, #tpu.memory_space<vmem>>[vector<16xi32>], vector<16xi32>,
        %shift_right_logical3A_192 = arith.constant 3 : i32
        %shift_right_logical3A_193 = arith.shrui %add3A_180, %shift_right_logical3A_192 : i32
        %and3A_194 = arith.constant 7 : i32
        %and3A_195 = arith.andi %add3A_180, %and3A_194 : i32
        %mul3A_196 = arith.constant 16 : i32
        %mul3A_197 = arith.muli %and3A_195, %mul3A_196 : i32
        %swap3A_198 = arith.index_cast %shift_right_logical3A_193 : i32 to index
        %swap3A_199 = arith.index_cast %mul3A_197 : i32 to index
        %swap3A_200 = tpu.vector_load %arg11[%swap3A_198, %swap3A_199] {strides = array<i32>} : memref<128x128xi32, #tpu.memory_space<vmem>>, vector<16xi32>,
        tpu.vector_store %arg11[%swap3A_198, %swap3A_199], %gather3A_191 {strides = array<i32>} : memref<128x128xi32, #tpu.memory_space<vmem>>, vector<16xi32>,
      }
      %scan3A_102 = arith.constant 16 : i32
    }
    %scan3A_16 = arith.constant 8 : i32
    %mul3A_17 = arith.constant 128 : i32
    %mul3A_18 = arith.muli %add3A, %mul3A_17 : i32
    "tpu.region"() ({
      %run_scoped3A = tpu.sem_alloc : memref<!tpu.dma_semaphore, #tpu.memory_space<semaphore_mem>>
      %dma_start3A_48 = arith.constant 0 : i32
      %dma_start3A_49 = tpu.memref_slice %arg6[%mul3A_18, %dma_start3A_48] : memref<4096x128xi32, #tpu.memory_space<hbm>> -> memref<128x128xi32, #tpu.memory_space<hbm>>
      %dma_start3A_50 = arith.constant 0 : i32
      %dma_start3A_51 = tpu.memref_slice %arg6[%mul3A_18, %dma_start3A_50] : memref<4096x128xi32, #tpu.memory_space<hbm>> -> memref<128x128xi32, #tpu.memory_space<hbm>>
      tpu.enqueue_dma source(%arg11 : memref<128x128xi32, #tpu.memory_space<vmem>>) target(%dma_start3A_51 : memref<128x128xi32, #tpu.memory_space<hbm>>) target_semaphore(%run_scoped3A : memref<!tpu.dma_semaphore, #tpu.memory_space<semaphore_mem>>)
      %dma_wait3A = arith.constant 0 : i32
      %dma_wait3A_52 = tpu.memref_slice %arg6[%mul3A_18, %dma_wait3A] : memref<4096x128xi32, #tpu.memory_space<hbm>> -> memref<128x128xi32, #tpu.memory_space<hbm>>
      %dma_wait3A_53 = arith.constant 0 : i32
      %dma_wait3A_54 = tpu.memref_slice %arg6[%mul3A_18, %dma_wait3A_53] : memref<4096x128xi32, #tpu.memory_space<hbm>> -> memref<128x128xi32, #tpu.memory_space<hbm>>
      tpu.wait_dma2 semaphore(%run_scoped3A : memref<!tpu.dma_semaphore, #tpu.memory_space<semaphore_mem>>) src(%arg11 : memref<128x128xi32, #tpu.memory_space<vmem>>) dst(%dma_wait3A_54 : memref<128x128xi32, #tpu.memory_space<hbm>>)
      tpu.yield
    }) : () -> ()
    %broadcast_in_dim3A = arith.constant 0 : i32
    %broadcast_in_dim3A_19 = vector.broadcast %broadcast_in_dim3A : i32 to vector<16xi32>
    %broadcast_in_dim3A_20 = arith.constant 0 : i32
    %broadcast_in_dim3A_21 = vector.broadcast %broadcast_in_dim3A_20 : i32 to vector<16xi32>
    %scan3A_22 = arith.constant 0 : i32
    %scan3A_23 = arith.constant 64 : i32
    %scan3A_24 = arith.addi %scan3A_22, %scan3A_23 : i32
    %scan3A_25 = arith.constant 1 : i32
    %scan3A_26:2 = scf.for %scan3A_48 = %scan3A_22 to %scan3A_24 step %scan3A_25 iter_args(%scan3A_49 = %broadcast_in_dim3A_19, %scan3A_50 = %broadcast_in_dim3A_21) -> (vector<16xi32>, vector<16xi32>)  : i32 {
      %mul3A_51 = arith.constant 16 : i32
      %mul3A_52 = arith.muli %scan3A_48, %mul3A_51 : i32
      %get3A = arith.index_cast %mul3A_52 : i32 to index
      %get3A_53 = tpu.vector_load %arg8[%get3A] {strides = array<i32>} : memref<1024xi32, #tpu.memory_space<vmem>>, vector<16xi32>,
      %gather3A = tpu.vector_load_idx %arg7[%get3A_53] : memref<32768xi32, #tpu.memory_space<vmem>>[vector<16xi32>], vector<16xi32>,
      %broadcast_in_dim3A_54 = arith.constant 1 : i32
      %broadcast_in_dim3A_55 = vector.broadcast %broadcast_in_dim3A_54 : i32 to vector<16xi32>
      %broadcast_in_dim3A_56 = arith.constant 0 : i32
      %broadcast_in_dim3A_57 = vector.broadcast %broadcast_in_dim3A_56 : i32 to vector<16xi32>
      %eq3A_58 = arith.constant 6 : i32
      %eq3A_59 = vector.broadcast %eq3A_58 : i32 to vector<16xi32>
      %eq3A_60 = arith.cmpi eq, %gather3A, %eq3A_59 : vector<16xi32>
      %ne3A = arith.constant 6 : i32
      %ne3A_61 = vector.broadcast %ne3A : i32 to vector<16xi32>
      %ne3A_62 = arith.cmpi ne, %gather3A, %ne3A_61 : vector<16xi32>
      %ne3A_63 = arith.constant 1 : i32
      %ne3A_64 = vector.broadcast %ne3A_63 : i32 to vector<16xi32>
      %ne3A_65 = arith.cmpi ne, %gather3A, %ne3A_64 : vector<16xi32>
      %and3A = arith.andi %ne3A_62, %ne3A_65 : vector<16xi1>
      %select_n3A_66 = arith.select %and3A, %broadcast_in_dim3A_55, %broadcast_in_dim3A_57 : vector<16xi1>, vector<16xi32>
      %add3A_67 = arith.addi %scan3A_49, %select_n3A_66 : vector<16xi32>
      %select_n3A_68 = arith.select %eq3A_60, %broadcast_in_dim3A_55, %broadcast_in_dim3A_57 : vector<16xi1>, vector<16xi32>
      %add3A_69 = arith.addi %scan3A_50, %select_n3A_68 : vector<16xi32>
      scf.yield %add3A_67, %add3A_69 : vector<16xi32>, vector<16xi32>
    }
    %scan3A_27 = arith.constant 64 : i32
    %reduce_sum3A = arith.constant true
    %reduce_sum3A_28 = vector.broadcast %reduce_sum3A : i1 to vector<16xi1>
    %reduce_sum3A_29 = tpu.scan <sum>, %scan3A_26#0 masked %reduce_sum3A_28 : vector<16xi32>, vector<16xi1> -> vector<16xi32>
    %reduce_sum3A_30 = vector.extract %reduce_sum3A_29[15] : i32 from vector<16xi32>
    %reduce_sum3A_31 = arith.constant true
    %reduce_sum3A_32 = vector.broadcast %reduce_sum3A_31 : i1 to vector<16xi1>
    %reduce_sum3A_33 = tpu.scan <sum>, %scan3A_26#1 masked %reduce_sum3A_32 : vector<16xi32>, vector<16xi1> -> vector<16xi32>
    %reduce_sum3A_34 = vector.extract %reduce_sum3A_33[15] : i32 from vector<16xi32>
    %eq3A = arith.constant 0 : i32
    %eq3A_35 = vector.broadcast %eq3A : i32 to vector<16xi32>
    %eq3A_36 = arith.cmpi eq, %iota3A, %eq3A_35 : vector<16xi32>
    %broadcast_in_dim3A_37 = vector.broadcast %reduce_sum3A_30 : i32 to vector<16xi32>
    %eq3A_38 = arith.constant 1 : i32
    %eq3A_39 = vector.broadcast %eq3A_38 : i32 to vector<16xi32>
    %eq3A_40 = arith.cmpi eq, %iota3A, %eq3A_39 : vector<16xi32>
    %broadcast_in_dim3A_41 = vector.broadcast %reduce_sum3A_34 : i32 to vector<16xi32>
    %broadcast_in_dim3A_42 = arith.constant 0 : i32
    %broadcast_in_dim3A_43 = vector.broadcast %broadcast_in_dim3A_42 : i32 to vector<16xi32>
    %select_n3A = arith.select %eq3A_40, %broadcast_in_dim3A_41, %broadcast_in_dim3A_43 : vector<16xi1>, vector<16xi32>
    %select_n3A_44 = arith.select %eq3A_36, %broadcast_in_dim3A_37, %select_n3A : vector<16xi1>, vector<16xi32>
    %swap3A = arith.constant 0 : index
    %swap3A_45 = tpu.vector_load %arg12[%swap3A] {strides = array<i32>} : memref<16xi32, #tpu.memory_space<vmem>>, vector<16xi32>,
    tpu.vector_store %arg12[%swap3A], %select_n3A_44 {strides = array<i32>} : memref<16xi32, #tpu.memory_space<vmem>>, vector<16xi32>,
    %mul3A_46 = arith.constant 16 : i32
    %mul3A_47 = arith.muli %add3A, %mul3A_46 : i32
    "tpu.region"() ({
      %run_scoped3A = tpu.sem_alloc : memref<!tpu.dma_semaphore, #tpu.memory_space<semaphore_mem>>
      %dma_start3A_48 = tpu.memref_slice %arg5[%mul3A_47] : memref<512xi32, #tpu.memory_space<hbm>> -> memref<16xi32, #tpu.memory_space<hbm>>
      %dma_start3A_49 = tpu.memref_slice %arg5[%mul3A_47] : memref<512xi32, #tpu.memory_space<hbm>> -> memref<16xi32, #tpu.memory_space<hbm>>
      tpu.enqueue_dma source(%arg12 : memref<16xi32, #tpu.memory_space<vmem>>) target(%dma_start3A_49 : memref<16xi32, #tpu.memory_space<hbm>>) target_semaphore(%run_scoped3A : memref<!tpu.dma_semaphore, #tpu.memory_space<semaphore_mem>>)
      %dma_wait3A = tpu.memref_slice %arg5[%mul3A_47] : memref<512xi32, #tpu.memory_space<hbm>> -> memref<16xi32, #tpu.memory_space<hbm>>
      %dma_wait3A_50 = tpu.memref_slice %arg5[%mul3A_47] : memref<512xi32, #tpu.memory_space<hbm>> -> memref<16xi32, #tpu.memory_space<hbm>>
      tpu.wait_dma2 semaphore(%run_scoped3A : memref<!tpu.dma_semaphore, #tpu.memory_space<semaphore_mem>>) src(%arg12 : memref<16xi32, #tpu.memory_space<vmem>>) dst(%dma_wait3A_50 : memref<16xi32, #tpu.memory_space<hbm>>)
      tpu.yield
    }) : () -> ()
    return
  }
}

#map = affine_map<(d0, d1) -> (0)>
#map1 = affine_map<(d0, d1) -> (0, 0)>
#map2 = affine_map<(d0, d1) -> (0, 0, 0)>
module attributes {stable_mosaic.version = 14 : i64} {
  func.func @main_kernel(%arg0: i32, %arg1: i32, %arg2: memref<32768xi32, #tpu.memory_space<hbm>>, %arg3: memref<4096x128xi32, #tpu.memory_space<hbm>>, %arg4: memref<32768x768xf32, #tpu.memory_space<hbm>>, %arg5: memref<119x64xf32, #tpu.memory_space<hbm>>, %arg6: memref<119x64xf32, #tpu.memory_space<hbm>>, %arg7: memref<5120xi32, #tpu.memory_space<hbm>>, %arg8: memref<32xi32, #tpu.memory_space<hbm>>, %arg9: memref<16x304x768xf32, #tpu.memory_space<hbm>>, %arg10: memref<32768xi32, #tpu.memory_space<vmem>>, %arg11: memref<119x64xf32, #tpu.memory_space<vmem>>, %arg12: memref<119x64xf32, #tpu.memory_space<vmem>>, %arg13: memref<32xi32, #tpu.memory_space<vmem>>, %arg14: memref<160xi32, #tpu.memory_space<vmem>>, %arg15: memref<16xi32, #tpu.memory_space<vmem>>, %arg16: memref<16xi32, #tpu.memory_space<vmem>>, %arg17: memref<16xi32, #tpu.memory_space<vmem>>, %arg18: memref<16xi32, #tpu.memory_space<vmem>>, %arg19: memref<16x128xi32, #tpu.memory_space<vmem>>, %arg20: memref<16x128xi32, #tpu.memory_space<vmem>>, %arg21: memref<16x768xf32, #tpu.memory_space<vmem>>, %arg22: memref<16x768xf32, #tpu.memory_space<vmem>>, %arg23: memref<!tpu.dma_semaphore, #tpu.memory_space<semaphore_mem>>, %arg24: memref<!tpu.dma_semaphore, #tpu.memory_space<semaphore_mem>>, %arg25: memref<!tpu.dma_semaphore, #tpu.memory_space<semaphore_mem>>, %arg26: memref<!tpu.dma_semaphore, #tpu.memory_space<semaphore_mem>>) attributes {dimension_semantics = [#tpu.dimension_semantics<core_parallel>, #tpu.dimension_semantics<subcore_parallel>], iteration_bounds = array<i64: 2, 16>, scalar_prefetch = 0 : i64, scratch_operands = 17 : i64, tpu.core_type = #tpu.core_type<sc_vector_subcore>, window_params = [{transform_indices = #map}, {transform_indices = #map1}, {transform_indices = #map1}, {transform_indices = #map1}, {transform_indices = #map1}, {transform_indices = #map}, {transform_indices = #map}, {transform_indices = #map2}]} {
    %mul3A = arith.constant 2 : i32
    %mul3A_0 = arith.muli %arg1, %mul3A : i32
    %add3A = arith.addi %mul3A_0, %arg0 : i32
    "tpu.region"() ({
      %run_scoped3A = tpu.sem_alloc : memref<!tpu.dma_semaphore, #tpu.memory_space<semaphore_mem>>
      tpu.enqueue_dma source(%arg2 : memref<32768xi32, #tpu.memory_space<hbm>>) target(%arg10 : memref<32768xi32, #tpu.memory_space<vmem>>) target_semaphore(%run_scoped3A : memref<!tpu.dma_semaphore, #tpu.memory_space<semaphore_mem>>)
      tpu.wait_dma2 semaphore(%run_scoped3A : memref<!tpu.dma_semaphore, #tpu.memory_space<semaphore_mem>>) src(%arg2 : memref<32768xi32, #tpu.memory_space<hbm>>) dst(%arg10 : memref<32768xi32, #tpu.memory_space<vmem>>)
      tpu.yield
    }) : () -> ()
    "tpu.region"() ({
      %run_scoped3A = tpu.sem_alloc : memref<!tpu.dma_semaphore, #tpu.memory_space<semaphore_mem>>
      tpu.enqueue_dma source(%arg5 : memref<119x64xf32, #tpu.memory_space<hbm>>) target(%arg11 : memref<119x64xf32, #tpu.memory_space<vmem>>) target_semaphore(%run_scoped3A : memref<!tpu.dma_semaphore, #tpu.memory_space<semaphore_mem>>)
      tpu.wait_dma2 semaphore(%run_scoped3A : memref<!tpu.dma_semaphore, #tpu.memory_space<semaphore_mem>>) src(%arg5 : memref<119x64xf32, #tpu.memory_space<hbm>>) dst(%arg11 : memref<119x64xf32, #tpu.memory_space<vmem>>)
      tpu.yield
    }) : () -> ()
    "tpu.region"() ({
      %run_scoped3A = tpu.sem_alloc : memref<!tpu.dma_semaphore, #tpu.memory_space<semaphore_mem>>
      tpu.enqueue_dma source(%arg6 : memref<119x64xf32, #tpu.memory_space<hbm>>) target(%arg12 : memref<119x64xf32, #tpu.memory_space<vmem>>) target_semaphore(%run_scoped3A : memref<!tpu.dma_semaphore, #tpu.memory_space<semaphore_mem>>)
      tpu.wait_dma2 semaphore(%run_scoped3A : memref<!tpu.dma_semaphore, #tpu.memory_space<semaphore_mem>>) src(%arg6 : memref<119x64xf32, #tpu.memory_space<hbm>>) dst(%arg12 : memref<119x64xf32, #tpu.memory_space<vmem>>)
      tpu.yield
    }) : () -> ()
    "tpu.region"() ({
      %run_scoped3A = tpu.sem_alloc : memref<!tpu.dma_semaphore, #tpu.memory_space<semaphore_mem>>
      tpu.enqueue_dma source(%arg8 : memref<32xi32, #tpu.memory_space<hbm>>) target(%arg13 : memref<32xi32, #tpu.memory_space<vmem>>) target_semaphore(%run_scoped3A : memref<!tpu.dma_semaphore, #tpu.memory_space<semaphore_mem>>)
      tpu.wait_dma2 semaphore(%run_scoped3A : memref<!tpu.dma_semaphore, #tpu.memory_space<semaphore_mem>>) src(%arg8 : memref<32xi32, #tpu.memory_space<hbm>>) dst(%arg13 : memref<32xi32, #tpu.memory_space<vmem>>)
      tpu.yield
    }) : () -> ()
    %mul3A_1 = arith.constant 160 : i32
    %mul3A_2 = arith.muli %add3A, %mul3A_1 : i32
    "tpu.region"() ({
      %run_scoped3A = tpu.sem_alloc : memref<!tpu.dma_semaphore, #tpu.memory_space<semaphore_mem>>
      %dma_start3A_28 = tpu.memref_slice %arg7[%mul3A_2] : memref<5120xi32, #tpu.memory_space<hbm>> -> memref<160xi32, #tpu.memory_space<hbm>>
      %dma_start3A_29 = tpu.memref_slice %arg7[%mul3A_2] : memref<5120xi32, #tpu.memory_space<hbm>> -> memref<160xi32, #tpu.memory_space<hbm>>
      tpu.enqueue_dma source(%dma_start3A_29 : memref<160xi32, #tpu.memory_space<hbm>>) target(%arg14 : memref<160xi32, #tpu.memory_space<vmem>>) target_semaphore(%run_scoped3A : memref<!tpu.dma_semaphore, #tpu.memory_space<semaphore_mem>>)
      %dma_wait3A = tpu.memref_slice %arg7[%mul3A_2] : memref<5120xi32, #tpu.memory_space<hbm>> -> memref<160xi32, #tpu.memory_space<hbm>>
      %dma_wait3A_30 = tpu.memref_slice %arg7[%mul3A_2] : memref<5120xi32, #tpu.memory_space<hbm>> -> memref<160xi32, #tpu.memory_space<hbm>>
      tpu.wait_dma2 semaphore(%run_scoped3A : memref<!tpu.dma_semaphore, #tpu.memory_space<semaphore_mem>>) src(%dma_wait3A_30 : memref<160xi32, #tpu.memory_space<hbm>>) dst(%arg14 : memref<160xi32, #tpu.memory_space<vmem>>)
      tpu.yield
    }) : () -> ()
    %iota3A = tpu.iota {dimensions = array<i32: 0>} : vector<16xi32>
    %lt3A = arith.constant 16 : i32
    %lt3A_3 = arith.cmpi slt, %add3A, %lt3A : i32
    %jit3A = arith.constant 10 : i32
    %jit3A_4 = arith.constant 9 : i32
    %select_n3A = arith.select %lt3A_3, %jit3A, %jit3A_4 : i32
    %add3A_5 = arith.constant 0 : i32
    %add3A_6 = arith.addi %add3A, %add3A_5 : i32
    %div3A = arith.constant 19 : i32
    %div3A_7 = arith.divsi %add3A_6, %div3A : i32
    %mul3A_8 = arith.constant 2048 : i32
    %mul3A_9 = arith.muli %div3A_7, %mul3A_8 : i32
    %get3A = arith.constant 0 : index
    %get3A_10 = tpu.vector_load %arg14[%get3A] {strides = array<i32>} : memref<160xi32, #tpu.memory_space<vmem>>, vector<16xi32>,
    %add3A_11 = vector.broadcast %mul3A_9 : i32 to vector<16xi32>
    %add3A_12 = arith.addi %add3A_11, %get3A_10 : vector<16xi32>
    %gather3A = tpu.vector_load_idx %arg10[%add3A_12] : memref<32768xi32, #tpu.memory_space<vmem>>[vector<16xi32>], vector<16xi32>,
    %swap3A = arith.constant 0 : index
    %swap3A_13 = tpu.vector_load %arg15[%swap3A] {strides = array<i32>} : memref<16xi32, #tpu.memory_space<vmem>>, vector<16xi32>,
    tpu.vector_store %arg15[%swap3A], %gather3A {strides = array<i32>} : memref<16xi32, #tpu.memory_space<vmem>>, vector<16xi32>,
    %shift_right_logical3A = arith.constant 3 : i32
    %shift_right_logical3A_14 = vector.broadcast %shift_right_logical3A : i32 to vector<16xi32>
    %shift_right_logical3A_15 = arith.shrui %gather3A, %shift_right_logical3A_14 : vector<16xi32>
    %swap3A_16 = arith.constant 0 : index
    %swap3A_17 = tpu.vector_load %arg16[%swap3A_16] {strides = array<i32>} : memref<16xi32, #tpu.memory_space<vmem>>, vector<16xi32>,
    tpu.vector_store %arg16[%swap3A_16], %shift_right_logical3A_15 {strides = array<i32>} : memref<16xi32, #tpu.memory_space<vmem>>, vector<16xi32>,
    %dma_start3A = arith.constant 0 : i32
    %dma_start3A_18 = arith.constant 0 : i32
    %dma_start3A_19 = tpu.memref_slice %arg4[%dma_start3A, %dma_start3A_18] : memref<32768x768xf32, #tpu.memory_space<hbm>> -> memref<32768x768xf32, #tpu.memory_space<hbm>>
    tpu.enqueue_indirect_dma source(%dma_start3A_19 : memref<32768x768xf32, #tpu.memory_space<hbm>>) target(%arg21 : memref<16x768xf32, #tpu.memory_space<vmem>>) offsets(%arg15 : memref<16xi32, #tpu.memory_space<vmem>>) semaphore(%arg23 : memref<!tpu.dma_semaphore, #tpu.memory_space<semaphore_mem>>)
    %dma_start3A_20 = arith.constant 0 : i32
    %dma_start3A_21 = arith.constant 0 : i32
    %dma_start3A_22 = tpu.memref_slice %arg3[%dma_start3A_20, %dma_start3A_21] : memref<4096x128xi32, #tpu.memory_space<hbm>> -> memref<4096x128xi32, #tpu.memory_space<hbm>>
    tpu.enqueue_indirect_dma source(%dma_start3A_22 : memref<4096x128xi32, #tpu.memory_space<hbm>>) target(%arg19 : memref<16x128xi32, #tpu.memory_space<vmem>>) offsets(%arg16 : memref<16xi32, #tpu.memory_space<vmem>>) semaphore(%arg24 : memref<!tpu.dma_semaphore, #tpu.memory_space<semaphore_mem>>)
    %scan3A = arith.constant 0 : i32
    %scan3A_23 = arith.constant 0 : i32
    %scan3A_24 = arith.constant 5 : i32
    %scan3A_25 = arith.addi %scan3A_23, %scan3A_24 : i32
    %scan3A_26 = arith.constant 1 : i32
    scf.for %scan3A_28 = %scan3A_23 to %scan3A_25 step %scan3A_26  : i32 {
      %mul3A_29 = arith.constant 2 : i32
      %mul3A_30 = arith.muli %mul3A_29, %scan3A_28 : i32
      %add3A_31 = arith.constant 1 : i32
      %add3A_32 = arith.addi %mul3A_30, %add3A_31 : i32
      %mul3A_33 = arith.constant 2 : i32
      %mul3A_34 = arith.muli %mul3A_33, %scan3A_28 : i32
      %add3A_35 = arith.constant 2 : i32
      %add3A_36 = arith.addi %mul3A_34, %add3A_35 : i32
      %lt3A_37 = arith.cmpi slt, %add3A_32, %select_n3A : i32
      %convert_element_type3A = arith.extui %lt3A_37 : i1 to i32
      %cond3A = arith.constant 0 : i32
      %cond3A_38 = arith.cmpi ne, %convert_element_type3A, %cond3A : i32
      scf.if %cond3A_38 {
        %mul3A_74 = arith.constant 32 : i32
        %mul3A_75 = arith.muli %add3A_32, %mul3A_74 : i32
        %add3A_76 = arith.addi %add3A, %mul3A_75 : i32
        %div3A_77 = arith.constant 19 : i32
        %div3A_78 = arith.divsi %add3A_76, %div3A_77 : i32
        %mul3A_79 = arith.constant 2048 : i32
        %mul3A_80 = arith.muli %div3A_78, %mul3A_79 : i32
        %mul3A_81 = arith.constant 16 : i32
        %mul3A_82 = arith.muli %add3A_32, %mul3A_81 : i32
        %get3A_83 = arith.index_cast %mul3A_82 : i32 to index
        %get3A_84 = tpu.vector_load %arg14[%get3A_83] {strides = array<i32>} : memref<160xi32, #tpu.memory_space<vmem>>, vector<16xi32>,
        %add3A_85 = vector.broadcast %mul3A_80 : i32 to vector<16xi32>
        %add3A_86 = arith.addi %add3A_85, %get3A_84 : vector<16xi32>
        %gather3A_87 = tpu.vector_load_idx %arg10[%add3A_86] : memref<32768xi32, #tpu.memory_space<vmem>>[vector<16xi32>], vector<16xi32>,
        %swap3A_88 = arith.constant 0 : index
        %swap3A_89 = tpu.vector_load %arg17[%swap3A_88] {strides = array<i32>} : memref<16xi32, #tpu.memory_space<vmem>>, vector<16xi32>,
        tpu.vector_store %arg17[%swap3A_88], %gather3A_87 {strides = array<i32>} : memref<16xi32, #tpu.memory_space<vmem>>, vector<16xi32>,
        %shift_right_logical3A_90 = arith.constant 3 : i32
        %shift_right_logical3A_91 = vector.broadcast %shift_right_logical3A_90 : i32 to vector<16xi32>
        %shift_right_logical3A_92 = arith.shrui %gather3A_87, %shift_right_logical3A_91 : vector<16xi32>
        %swap3A_93 = arith.constant 0 : index
        %swap3A_94 = tpu.vector_load %arg18[%swap3A_93] {strides = array<i32>} : memref<16xi32, #tpu.memory_space<vmem>>, vector<16xi32>,
        tpu.vector_store %arg18[%swap3A_93], %shift_right_logical3A_92 {strides = array<i32>} : memref<16xi32, #tpu.memory_space<vmem>>, vector<16xi32>,
        %dma_start3A_95 = arith.constant 0 : i32
        %dma_start3A_96 = arith.constant 0 : i32
        %dma_start3A_97 = tpu.memref_slice %arg4[%dma_start3A_95, %dma_start3A_96] : memref<32768x768xf32, #tpu.memory_space<hbm>> -> memref<32768x768xf32, #tpu.memory_space<hbm>>
        tpu.enqueue_indirect_dma source(%dma_start3A_97 : memref<32768x768xf32, #tpu.memory_space<hbm>>) target(%arg22 : memref<16x768xf32, #tpu.memory_space<vmem>>) offsets(%arg17 : memref<16xi32, #tpu.memory_space<vmem>>) semaphore(%arg25 : memref<!tpu.dma_semaphore, #tpu.memory_space<semaphore_mem>>)
        %dma_start3A_98 = arith.constant 0 : i32
        %dma_start3A_99 = arith.constant 0 : i32
        %dma_start3A_100 = tpu.memref_slice %arg3[%dma_start3A_98, %dma_start3A_99] : memref<4096x128xi32, #tpu.memory_space<hbm>> -> memref<4096x128xi32, #tpu.memory_space<hbm>>
        tpu.enqueue_indirect_dma source(%dma_start3A_100 : memref<4096x128xi32, #tpu.memory_space<hbm>>) target(%arg20 : memref<16x128xi32, #tpu.memory_space<vmem>>) offsets(%arg18 : memref<16xi32, #tpu.memory_space<vmem>>) semaphore(%arg26 : memref<!tpu.dma_semaphore, #tpu.memory_space<semaphore_mem>>)
      } else {
      }
      %mul3A_39 = arith.constant 2 : i32
      %mul3A_40 = arith.muli %mul3A_39, %scan3A_28 : i32
      %mul3A_41 = arith.constant 32 : i32
      %mul3A_42 = arith.muli %mul3A_40, %mul3A_41 : i32
      %add3A_43 = arith.addi %add3A, %mul3A_42 : i32
      %div3A_44 = arith.constant 19 : i32
      %div3A_45 = arith.divsi %add3A_43, %div3A_44 : i32
      %mul3A_46 = arith.constant 19 : i32
      %mul3A_47 = arith.muli %div3A_45, %mul3A_46 : i32
      %sub3A = arith.subi %add3A_43, %mul3A_47 : i32
      %mul3A_48 = arith.constant 16 : i32
      %mul3A_49 = arith.muli %sub3A, %mul3A_48 : i32
      %broadcast_in_dim3A = vector.broadcast %div3A_45 : i32 to vector<16xi32>
      %gather3A_50 = tpu.vector_load_idx %arg13[%broadcast_in_dim3A] : memref<32xi32, #tpu.memory_space<vmem>>[vector<16xi32>], vector<16xi32>,
      %add3A_51 = arith.constant 16 : i32
      %add3A_52 = vector.broadcast %add3A_51 : i32 to vector<16xi32>
      %add3A_53 = arith.addi %broadcast_in_dim3A, %add3A_52 : vector<16xi32>
      %gather3A_54 = tpu.vector_load_idx %arg13[%add3A_53] : memref<32xi32, #tpu.memory_space<vmem>>[vector<16xi32>], vector<16xi32>,
      %dma_wait3A = arith.constant 0 : i32
      %dma_wait3A_55 = arith.constant 0 : i32
      %dma_wait3A_56 = tpu.memref_slice %arg4[%dma_wait3A, %dma_wait3A_55] : memref<32768x768xf32, #tpu.memory_space<hbm>> -> memref<32768x768xf32, #tpu.memory_space<hbm>>
      tpu.wait_indirect_dma semaphore(%arg23 : memref<!tpu.dma_semaphore, #tpu.memory_space<semaphore_mem>>) src(%dma_wait3A_56 : memref<32768x768xf32, #tpu.memory_space<hbm>>) dst(%arg21 : memref<16x768xf32, #tpu.memory_space<vmem>>)
      %dma_wait3A_57 = arith.constant 0 : i32
      %dma_wait3A_58 = arith.constant 0 : i32
      %dma_wait3A_59 = tpu.memref_slice %arg3[%dma_wait3A_57, %dma_wait3A_58] : memref<4096x128xi32, #tpu.memory_space<hbm>> -> memref<4096x128xi32, #tpu.memory_space<hbm>>
      tpu.wait_indirect_dma semaphore(%arg24 : memref<!tpu.dma_semaphore, #tpu.memory_space<semaphore_mem>>) src(%dma_wait3A_59 : memref<4096x128xi32, #tpu.memory_space<hbm>>) dst(%arg19 : memref<16x128xi32, #tpu.memory_space<vmem>>)
      %scan3A_60 = arith.constant 0 : i32
      %scan3A_61 = arith.constant 0 : i32
      %scan3A_62 = arith.constant 16 : i32
      %scan3A_63 = arith.addi %scan3A_61, %scan3A_62 : i32
      %scan3A_64 = arith.constant 1 : i32
      scf.for %scan3A_74 = %scan3A_61 to %scan3A_63 step %scan3A_64  : i32 {
        %broadcast_in_dim3A_75 = vector.broadcast %scan3A_74 : i32 to vector<16xi32>
        %gather3A_76 = tpu.vector_load_idx %arg15[%broadcast_in_dim3A_75] : memref<16xi32, #tpu.memory_space<vmem>>[vector<16xi32>], vector<16xi32>,
        %and3A = arith.constant 7 : i32
        %and3A_77 = vector.broadcast %and3A : i32 to vector<16xi32>
        %and3A_78 = arith.andi %gather3A_76, %and3A_77 : vector<16xi32>
        %mul3A_79 = arith.constant 16 : i32
        %mul3A_80 = vector.broadcast %mul3A_79 : i32 to vector<16xi32>
        %mul3A_81 = arith.muli %and3A_78, %mul3A_80 : vector<16xi32>
        %add3A_82 = arith.constant 12 : i32
        %add3A_83 = vector.broadcast %add3A_82 : i32 to vector<16xi32>
        %add3A_84 = arith.addi %mul3A_81, %add3A_83 : vector<16xi32>
        %gather3A_85 = tpu.vector_load_idx %arg19[%broadcast_in_dim3A_75, %add3A_84] : memref<16x128xi32, #tpu.memory_space<vmem>>[vector<16xi32>, vector<16xi32>], vector<16xi32>,
        %add3A_86 = arith.addi %mul3A_49, %scan3A_74 : i32
        %broadcast_in_dim3A_87 = vector.broadcast %add3A_86 : i32 to vector<16xi32>
        %lt3A_88 = arith.constant 180 : i32
        %lt3A_89 = vector.broadcast %lt3A_88 : i32 to vector<16xi32>
        %lt3A_90 = arith.cmpi slt, %broadcast_in_dim3A_87, %lt3A_89 : vector<16xi32>
        %lt3A_91 = arith.cmpi slt, %broadcast_in_dim3A_87, %gather3A_50 : vector<16xi32>
        %sub3A_92 = arith.constant 180 : i32
        %sub3A_93 = vector.broadcast %sub3A_92 : i32 to vector<16xi32>
        %sub3A_94 = arith.subi %broadcast_in_dim3A_87, %sub3A_93 : vector<16xi32>
        %lt3A_95 = arith.cmpi slt, %sub3A_94, %gather3A_54 : vector<16xi32>
        %select_n3A_96 = arith.select %lt3A_90, %lt3A_91, %lt3A_95 : vector<16xi1>, vector<16xi1>
        %broadcast_in_dim3A_97 = arith.constant 1.000000e+00 : f32
        %broadcast_in_dim3A_98 = vector.broadcast %broadcast_in_dim3A_97 : f32 to vector<16xf32>
        %broadcast_in_dim3A_99 = arith.constant 0.000000e+00 : f32
        %broadcast_in_dim3A_100 = vector.broadcast %broadcast_in_dim3A_99 : f32 to vector<16xf32>
        %select_n3A_101 = arith.select %select_n3A_96, %broadcast_in_dim3A_98, %broadcast_in_dim3A_100 : vector<16xi1>, vector<16xf32>
        %add3A_102 = arith.constant 0 : i32
        %add3A_103 = vector.broadcast %add3A_102 : i32 to vector<16xi32>
        %add3A_104 = arith.addi %iota3A, %add3A_103 : vector<16xi32>
        %gather3A_105 = tpu.vector_load_idx %arg11[%gather3A_85, %add3A_104] : memref<119x64xf32, #tpu.memory_space<vmem>>[vector<16xi32>, vector<16xi32>], vector<16xf32>,
        %add3A_106 = arith.constant 16 : i32
        %add3A_107 = vector.broadcast %add3A_106 : i32 to vector<16xi32>
        %add3A_108 = arith.addi %iota3A, %add3A_107 : vector<16xi32>
        %gather3A_109 = tpu.vector_load_idx %arg11[%gather3A_85, %add3A_108] : memref<119x64xf32, #tpu.memory_space<vmem>>[vector<16xi32>, vector<16xi32>], vector<16xf32>,
        %add3A_110 = arith.constant 32 : i32
        %add3A_111 = vector.broadcast %add3A_110 : i32 to vector<16xi32>
        %add3A_112 = arith.addi %iota3A, %add3A_111 : vector<16xi32>
        %gather3A_113 = tpu.vector_load_idx %arg11[%gather3A_85, %add3A_112] : memref<119x64xf32, #tpu.memory_space<vmem>>[vector<16xi32>, vector<16xi32>], vector<16xf32>,
        %add3A_114 = arith.constant 48 : i32
        %add3A_115 = vector.broadcast %add3A_114 : i32 to vector<16xi32>
        %add3A_116 = arith.addi %iota3A, %add3A_115 : vector<16xi32>
        %gather3A_117 = tpu.vector_load_idx %arg11[%gather3A_85, %add3A_116] : memref<119x64xf32, #tpu.memory_space<vmem>>[vector<16xi32>, vector<16xi32>], vector<16xf32>,
        %add3A_118 = arith.constant 0 : i32
        %add3A_119 = vector.broadcast %add3A_118 : i32 to vector<16xi32>
        %add3A_120 = arith.addi %mul3A_81, %add3A_119 : vector<16xi32>
        %gather3A_121 = tpu.vector_load_idx %arg19[%broadcast_in_dim3A_75, %add3A_120] : memref<16x128xi32, #tpu.memory_space<vmem>>[vector<16xi32>, vector<16xi32>], vector<16xi32>,
        %add3A_122 = arith.constant 0 : i32
        %add3A_123 = vector.broadcast %add3A_122 : i32 to vector<16xi32>
        %add3A_124 = arith.addi %iota3A, %add3A_123 : vector<16xi32>
        %gather3A_125 = tpu.vector_load_idx %arg12[%gather3A_121, %add3A_124] : memref<119x64xf32, #tpu.memory_space<vmem>>[vector<16xi32>, vector<16xi32>], vector<16xf32>,
        %get3A_126 = arith.index_cast %scan3A_74 : i32 to index
        %get3A_127 = arith.constant 0 : index
        %get3A_128 = tpu.vector_load %arg21[%get3A_126, %get3A_127] {strides = array<i32>} : memref<16x768xf32, #tpu.memory_space<vmem>>, vector<16xf32>,
        %add3A_129 = arith.addf %gather3A_105, %gather3A_125 : vector<16xf32>
        %add3A_130 = arith.addf %add3A_129, %get3A_128 : vector<16xf32>
        %mul3A_131 = arith.mulf %add3A_130, %select_n3A_101 : vector<16xf32>
        %swap3A_132 = arith.index_cast %scan3A_74 : i32 to index
        %swap3A_133 = arith.constant 0 : index
        %swap3A_134 = tpu.vector_load %arg21[%swap3A_132, %swap3A_133] {strides = array<i32>} : memref<16x768xf32, #tpu.memory_space<vmem>>, vector<16xf32>,
        tpu.vector_store %arg21[%swap3A_132, %swap3A_133], %mul3A_131 {strides = array<i32>} : memref<16x768xf32, #tpu.memory_space<vmem>>, vector<16xf32>,
        %add3A_135 = arith.constant 16 : i32
        %add3A_136 = vector.broadcast %add3A_135 : i32 to vector<16xi32>
        %add3A_137 = arith.addi %iota3A, %add3A_136 : vector<16xi32>
        %gather3A_138 = tpu.vector_load_idx %arg12[%gather3A_121, %add3A_137] : memref<119x64xf32, #tpu.memory_space<vmem>>[vector<16xi32>, vector<16xi32>], vector<16xf32>,
        %get3A_139 = arith.index_cast %scan3A_74 : i32 to index
        %get3A_140 = arith.constant 16 : index
        %get3A_141 = tpu.vector_load %arg21[%get3A_139, %get3A_140] {strides = array<i32>} : memref<16x768xf32, #tpu.memory_space<vmem>>, vector<16xf32>,
        %add3A_142 = arith.addf %gather3A_109, %gather3A_138 : vector<16xf32>
        %add3A_143 = arith.addf %add3A_142, %get3A_141 : vector<16xf32>
        %mul3A_144 = arith.mulf %add3A_143, %select_n3A_101 : vector<16xf32>
        %swap3A_145 = arith.index_cast %scan3A_74 : i32 to index
        %swap3A_146 = arith.constant 16 : index
        %swap3A_147 = tpu.vector_load %arg21[%swap3A_145, %swap3A_146] {strides = array<i32>} : memref<16x768xf32, #tpu.memory_space<vmem>>, vector<16xf32>,
        tpu.vector_store %arg21[%swap3A_145, %swap3A_146], %mul3A_144 {strides = array<i32>} : memref<16x768xf32, #tpu.memory_space<vmem>>, vector<16xf32>,
        %add3A_148 = arith.constant 32 : i32
        %add3A_149 = vector.broadcast %add3A_148 : i32 to vector<16xi32>
        %add3A_150 = arith.addi %iota3A, %add3A_149 : vector<16xi32>
        %gather3A_151 = tpu.vector_load_idx %arg12[%gather3A_121, %add3A_150] : memref<119x64xf32, #tpu.memory_space<vmem>>[vector<16xi32>, vector<16xi32>], vector<16xf32>,
        %get3A_152 = arith.index_cast %scan3A_74 : i32 to index
        %get3A_153 = arith.constant 32 : index
        %get3A_154 = tpu.vector_load %arg21[%get3A_152, %get3A_153] {strides = array<i32>} : memref<16x768xf32, #tpu.memory_space<vmem>>, vector<16xf32>,
        %add3A_155 = arith.addf %gather3A_113, %gather3A_151 : vector<16xf32>
        %add3A_156 = arith.addf %add3A_155, %get3A_154 : vector<16xf32>
        %mul3A_157 = arith.mulf %add3A_156, %select_n3A_101 : vector<16xf32>
        %swap3A_158 = arith.index_cast %scan3A_74 : i32 to index
        %swap3A_159 = arith.constant 32 : index
        %swap3A_160 = tpu.vector_load %arg21[%swap3A_158, %swap3A_159] {strides = array<i32>} : memref<16x768xf32, #tpu.memory_space<vmem>>, vector<16xf32>,
        tpu.vector_store %arg21[%swap3A_158, %swap3A_159], %mul3A_157 {strides = array<i32>} : memref<16x768xf32, #tpu.memory_space<vmem>>, vector<16xf32>,
        %add3A_161 = arith.constant 48 : i32
        %add3A_162 = vector.broadcast %add3A_161 : i32 to vector<16xi32>
        %add3A_163 = arith.addi %iota3A, %add3A_162 : vector<16xi32>
        %gather3A_164 = tpu.vector_load_idx %arg12[%gather3A_121, %add3A_163] : memref<119x64xf32, #tpu.memory_space<vmem>>[vector<16xi32>, vector<16xi32>], vector<16xf32>,
        %get3A_165 = arith.index_cast %scan3A_74 : i32 to index
        %get3A_166 = arith.constant 48 : index
        %get3A_167 = tpu.vector_load %arg21[%get3A_165, %get3A_166] {strides = array<i32>} : memref<16x768xf32, #tpu.memory_space<vmem>>, vector<16xf32>,
        %add3A_168 = arith.addf %gather3A_117, %gather3A_164 : vector<16xf32>
        %add3A_169 = arith.addf %add3A_168, %get3A_167 : vector<16xf32>
        %mul3A_170 = arith.mulf %add3A_169, %select_n3A_101 : vector<16xf32>
        %swap3A_171 = arith.index_cast %scan3A_74 : i32 to index
        %swap3A_172 = arith.constant 48 : index
        %swap3A_173 = tpu.vector_load %arg21[%swap3A_171, %swap3A_172] {strides = array<i32>} : memref<16x768xf32, #tpu.memory_space<vmem>>, vector<16xf32>,
        tpu.vector_store %arg21[%swap3A_171, %swap3A_172], %mul3A_170 {strides = array<i32>} : memref<16x768xf32, #tpu.memory_space<vmem>>, vector<16xf32>,
        %add3A_174 = arith.constant 1 : i32
        %add3A_175 = vector.broadcast %add3A_174 : i32 to vector<16xi32>
        %add3A_176 = arith.addi %mul3A_81, %add3A_175 : vector<16xi32>
        %gather3A_177 = tpu.vector_load_idx %arg19[%broadcast_in_dim3A_75, %add3A_176] : memref<16x128xi32, #tpu.memory_space<vmem>>[vector<16xi32>, vector<16xi32>], vector<16xi32>,
        %add3A_178 = arith.constant 0 : i32
        %add3A_179 = vector.broadcast %add3A_178 : i32 to vector<16xi32>
        %add3A_180 = arith.addi %iota3A, %add3A_179 : vector<16xi32>
        %gather3A_181 = tpu.vector_load_idx %arg12[%gather3A_177, %add3A_180] : memref<119x64xf32, #tpu.memory_space<vmem>>[vector<16xi32>, vector<16xi32>], vector<16xf32>,
        %get3A_182 = arith.index_cast %scan3A_74 : i32 to index
        %get3A_183 = arith.constant 64 : index
        %get3A_184 = tpu.vector_load %arg21[%get3A_182, %get3A_183] {strides = array<i32>} : memref<16x768xf32, #tpu.memory_space<vmem>>, vector<16xf32>,
        %add3A_185 = arith.addf %gather3A_105, %gather3A_181 : vector<16xf32>
        %add3A_186 = arith.addf %add3A_185, %get3A_184 : vector<16xf32>
        %mul3A_187 = arith.mulf %add3A_186, %select_n3A_101 : vector<16xf32>
        %swap3A_188 = arith.index_cast %scan3A_74 : i32 to index
        %swap3A_189 = arith.constant 64 : index
        %swap3A_190 = tpu.vector_load %arg21[%swap3A_188, %swap3A_189] {strides = array<i32>} : memref<16x768xf32, #tpu.memory_space<vmem>>, vector<16xf32>,
        tpu.vector_store %arg21[%swap3A_188, %swap3A_189], %mul3A_187 {strides = array<i32>} : memref<16x768xf32, #tpu.memory_space<vmem>>, vector<16xf32>,
        %add3A_191 = arith.constant 16 : i32
        %add3A_192 = vector.broadcast %add3A_191 : i32 to vector<16xi32>
        %add3A_193 = arith.addi %iota3A, %add3A_192 : vector<16xi32>
        %gather3A_194 = tpu.vector_load_idx %arg12[%gather3A_177, %add3A_193] : memref<119x64xf32, #tpu.memory_space<vmem>>[vector<16xi32>, vector<16xi32>], vector<16xf32>,
        %get3A_195 = arith.index_cast %scan3A_74 : i32 to index
        %get3A_196 = arith.constant 80 : index
        %get3A_197 = tpu.vector_load %arg21[%get3A_195, %get3A_196] {strides = array<i32>} : memref<16x768xf32, #tpu.memory_space<vmem>>, vector<16xf32>,
        %add3A_198 = arith.addf %gather3A_109, %gather3A_194 : vector<16xf32>
        %add3A_199 = arith.addf %add3A_198, %get3A_197 : vector<16xf32>
        %mul3A_200 = arith.mulf %add3A_199, %select_n3A_101 : vector<16xf32>
        %swap3A_201 = arith.index_cast %scan3A_74 : i32 to index
        %swap3A_202 = arith.constant 80 : index
        %swap3A_203 = tpu.vector_load %arg21[%swap3A_201, %swap3A_202] {strides = array<i32>} : memref<16x768xf32, #tpu.memory_space<vmem>>, vector<16xf32>,
        tpu.vector_store %arg21[%swap3A_201, %swap3A_202], %mul3A_200 {strides = array<i32>} : memref<16x768xf32, #tpu.memory_space<vmem>>, vector<16xf32>,
        %add3A_204 = arith.constant 32 : i32
        %add3A_205 = vector.broadcast %add3A_204 : i32 to vector<16xi32>
        %add3A_206 = arith.addi %iota3A, %add3A_205 : vector<16xi32>
        %gather3A_207 = tpu.vector_load_idx %arg12[%gather3A_177, %add3A_206] : memref<119x64xf32, #tpu.memory_space<vmem>>[vector<16xi32>, vector<16xi32>], vector<16xf32>,
        %get3A_208 = arith.index_cast %scan3A_74 : i32 to index
        %get3A_209 = arith.constant 96 : index
        %get3A_210 = tpu.vector_load %arg21[%get3A_208, %get3A_209] {strides = array<i32>} : memref<16x768xf32, #tpu.memory_space<vmem>>, vector<16xf32>,
        %add3A_211 = arith.addf %gather3A_113, %gather3A_207 : vector<16xf32>
        %add3A_212 = arith.addf %add3A_211, %get3A_210 : vector<16xf32>
        %mul3A_213 = arith.mulf %add3A_212, %select_n3A_101 : vector<16xf32>
        %swap3A_214 = arith.index_cast %scan3A_74 : i32 to index
        %swap3A_215 = arith.constant 96 : index
        %swap3A_216 = tpu.vector_load %arg21[%swap3A_214, %swap3A_215] {strides = array<i32>} : memref<16x768xf32, #tpu.memory_space<vmem>>, vector<16xf32>,
        tpu.vector_store %arg21[%swap3A_214, %swap3A_215], %mul3A_213 {strides = array<i32>} : memref<16x768xf32, #tpu.memory_space<vmem>>, vector<16xf32>,
        %add3A_217 = arith.constant 48 : i32
        %add3A_218 = vector.broadcast %add3A_217 : i32 to vector<16xi32>
        %add3A_219 = arith.addi %iota3A, %add3A_218 : vector<16xi32>
        %gather3A_220 = tpu.vector_load_idx %arg12[%gather3A_177, %add3A_219] : memref<119x64xf32, #tpu.memory_space<vmem>>[vector<16xi32>, vector<16xi32>], vector<16xf32>,
        %get3A_221 = arith.index_cast %scan3A_74 : i32 to index
        %get3A_222 = arith.constant 112 : index
        %get3A_223 = tpu.vector_load %arg21[%get3A_221, %get3A_222] {strides = array<i32>} : memref<16x768xf32, #tpu.memory_space<vmem>>, vector<16xf32>,
        %add3A_224 = arith.addf %gather3A_117, %gather3A_220 : vector<16xf32>
        %add3A_225 = arith.addf %add3A_224, %get3A_223 : vector<16xf32>
        %mul3A_226 = arith.mulf %add3A_225, %select_n3A_101 : vector<16xf32>
        %swap3A_227 = arith.index_cast %scan3A_74 : i32 to index
        %swap3A_228 = arith.constant 112 : index
        %swap3A_229 = tpu.vector_load %arg21[%swap3A_227, %swap3A_228] {strides = array<i32>} : memref<16x768xf32, #tpu.memory_space<vmem>>, vector<16xf32>,
        tpu.vector_store %arg21[%swap3A_227, %swap3A_228], %mul3A_226 {strides = array<i32>} : memref<16x768xf32, #tpu.memory_space<vmem>>, vector<16xf32>,
        %add3A_230 = arith.constant 2 : i32
        %add3A_231 = vector.broadcast %add3A_230 : i32 to vector<16xi32>
        %add3A_232 = arith.addi %mul3A_81, %add3A_231 : vector<16xi32>
        %gather3A_233 = tpu.vector_load_idx %arg19[%broadcast_in_dim3A_75, %add3A_232] : memref<16x128xi32, #tpu.memory_space<vmem>>[vector<16xi32>, vector<16xi32>], vector<16xi32>,
        %add3A_234 = arith.constant 0 : i32
        %add3A_235 = vector.broadcast %add3A_234 : i32 to vector<16xi32>
        %add3A_236 = arith.addi %iota3A, %add3A_235 : vector<16xi32>
        %gather3A_237 = tpu.vector_load_idx %arg12[%gather3A_233, %add3A_236] : memref<119x64xf32, #tpu.memory_space<vmem>>[vector<16xi32>, vector<16xi32>], vector<16xf32>,
        %get3A_238 = arith.index_cast %scan3A_74 : i32 to index
        %get3A_239 = arith.constant 128 : index
        %get3A_240 = tpu.vector_load %arg21[%get3A_238, %get3A_239] {strides = array<i32>} : memref<16x768xf32, #tpu.memory_space<vmem>>, vector<16xf32>,
        %add3A_241 = arith.addf %gather3A_105, %gather3A_237 : vector<16xf32>
        %add3A_242 = arith.addf %add3A_241, %get3A_240 : vector<16xf32>
        %mul3A_243 = arith.mulf %add3A_242, %select_n3A_101 : vector<16xf32>
        %swap3A_244 = arith.index_cast %scan3A_74 : i32 to index
        %swap3A_245 = arith.constant 128 : index
        %swap3A_246 = tpu.vector_load %arg21[%swap3A_244, %swap3A_245] {strides = array<i32>} : memref<16x768xf32, #tpu.memory_space<vmem>>, vector<16xf32>,
        tpu.vector_store %arg21[%swap3A_244, %swap3A_245], %mul3A_243 {strides = array<i32>} : memref<16x768xf32, #tpu.memory_space<vmem>>, vector<16xf32>,
        %add3A_247 = arith.constant 16 : i32
        %add3A_248 = vector.broadcast %add3A_247 : i32 to vector<16xi32>
        %add3A_249 = arith.addi %iota3A, %add3A_248 : vector<16xi32>
        %gather3A_250 = tpu.vector_load_idx %arg12[%gather3A_233, %add3A_249] : memref<119x64xf32, #tpu.memory_space<vmem>>[vector<16xi32>, vector<16xi32>], vector<16xf32>,
        %get3A_251 = arith.index_cast %scan3A_74 : i32 to index
        %get3A_252 = arith.constant 144 : index
        %get3A_253 = tpu.vector_load %arg21[%get3A_251, %get3A_252] {strides = array<i32>} : memref<16x768xf32, #tpu.memory_space<vmem>>, vector<16xf32>,
        %add3A_254 = arith.addf %gather3A_109, %gather3A_250 : vector<16xf32>
        %add3A_255 = arith.addf %add3A_254, %get3A_253 : vector<16xf32>
        %mul3A_256 = arith.mulf %add3A_255, %select_n3A_101 : vector<16xf32>
        %swap3A_257 = arith.index_cast %scan3A_74 : i32 to index
        %swap3A_258 = arith.constant 144 : index
        %swap3A_259 = tpu.vector_load %arg21[%swap3A_257, %swap3A_258] {strides = array<i32>} : memref<16x768xf32, #tpu.memory_space<vmem>>, vector<16xf32>,
        tpu.vector_store %arg21[%swap3A_257, %swap3A_258], %mul3A_256 {strides = array<i32>} : memref<16x768xf32, #tpu.memory_space<vmem>>, vector<16xf32>,
        %add3A_260 = arith.constant 32 : i32
        %add3A_261 = vector.broadcast %add3A_260 : i32 to vector<16xi32>
        %add3A_262 = arith.addi %iota3A, %add3A_261 : vector<16xi32>
        %gather3A_263 = tpu.vector_load_idx %arg12[%gather3A_233, %add3A_262] : memref<119x64xf32, #tpu.memory_space<vmem>>[vector<16xi32>, vector<16xi32>], vector<16xf32>,
        %get3A_264 = arith.index_cast %scan3A_74 : i32 to index
        %get3A_265 = arith.constant 160 : index
        %get3A_266 = tpu.vector_load %arg21[%get3A_264, %get3A_265] {strides = array<i32>} : memref<16x768xf32, #tpu.memory_space<vmem>>, vector<16xf32>,
        %add3A_267 = arith.addf %gather3A_113, %gather3A_263 : vector<16xf32>
        %add3A_268 = arith.addf %add3A_267, %get3A_266 : vector<16xf32>
        %mul3A_269 = arith.mulf %add3A_268, %select_n3A_101 : vector<16xf32>
        %swap3A_270 = arith.index_cast %scan3A_74 : i32 to index
        %swap3A_271 = arith.constant 160 : index
        %swap3A_272 = tpu.vector_load %arg21[%swap3A_270, %swap3A_271] {strides = array<i32>} : memref<16x768xf32, #tpu.memory_space<vmem>>, vector<16xf32>,
        tpu.vector_store %arg21[%swap3A_270, %swap3A_271], %mul3A_269 {strides = array<i32>} : memref<16x768xf32, #tpu.memory_space<vmem>>, vector<16xf32>,
        %add3A_273 = arith.constant 48 : i32
        %add3A_274 = vector.broadcast %add3A_273 : i32 to vector<16xi32>
        %add3A_275 = arith.addi %iota3A, %add3A_274 : vector<16xi32>
        %gather3A_276 = tpu.vector_load_idx %arg12[%gather3A_233, %add3A_275] : memref<119x64xf32, #tpu.memory_space<vmem>>[vector<16xi32>, vector<16xi32>], vector<16xf32>,
        %get3A_277 = arith.index_cast %scan3A_74 : i32 to index
        %get3A_278 = arith.constant 176 : index
        %get3A_279 = tpu.vector_load %arg21[%get3A_277, %get3A_278] {strides = array<i32>} : memref<16x768xf32, #tpu.memory_space<vmem>>, vector<16xf32>,
        %add3A_280 = arith.addf %gather3A_117, %gather3A_276 : vector<16xf32>
        %add3A_281 = arith.addf %add3A_280, %get3A_279 : vector<16xf32>
        %mul3A_282 = arith.mulf %add3A_281, %select_n3A_101 : vector<16xf32>
        %swap3A_283 = arith.index_cast %scan3A_74 : i32 to index
        %swap3A_284 = arith.constant 176 : index
        %swap3A_285 = tpu.vector_load %arg21[%swap3A_283, %swap3A_284] {strides = array<i32>} : memref<16x768xf32, #tpu.memory_space<vmem>>, vector<16xf32>,
        tpu.vector_store %arg21[%swap3A_283, %swap3A_284], %mul3A_282 {strides = array<i32>} : memref<16x768xf32, #tpu.memory_space<vmem>>, vector<16xf32>,
        %add3A_286 = arith.constant 3 : i32
        %add3A_287 = vector.broadcast %add3A_286 : i32 to vector<16xi32>
        %add3A_288 = arith.addi %mul3A_81, %add3A_287 : vector<16xi32>
        %gather3A_289 = tpu.vector_load_idx %arg19[%broadcast_in_dim3A_75, %add3A_288] : memref<16x128xi32, #tpu.memory_space<vmem>>[vector<16xi32>, vector<16xi32>], vector<16xi32>,
        %add3A_290 = arith.constant 0 : i32
        %add3A_291 = vector.broadcast %add3A_290 : i32 to vector<16xi32>
        %add3A_292 = arith.addi %iota3A, %add3A_291 : vector<16xi32>
        %gather3A_293 = tpu.vector_load_idx %arg12[%gather3A_289, %add3A_292] : memref<119x64xf32, #tpu.memory_space<vmem>>[vector<16xi32>, vector<16xi32>], vector<16xf32>,
        %get3A_294 = arith.index_cast %scan3A_74 : i32 to index
        %get3A_295 = arith.constant 192 : index
        %get3A_296 = tpu.vector_load %arg21[%get3A_294, %get3A_295] {strides = array<i32>} : memref<16x768xf32, #tpu.memory_space<vmem>>, vector<16xf32>,
        %add3A_297 = arith.addf %gather3A_105, %gather3A_293 : vector<16xf32>
        %add3A_298 = arith.addf %add3A_297, %get3A_296 : vector<16xf32>
        %mul3A_299 = arith.mulf %add3A_298, %select_n3A_101 : vector<16xf32>
        %swap3A_300 = arith.index_cast %scan3A_74 : i32 to index
        %swap3A_301 = arith.constant 192 : index
        %swap3A_302 = tpu.vector_load %arg21[%swap3A_300, %swap3A_301] {strides = array<i32>} : memref<16x768xf32, #tpu.memory_space<vmem>>, vector<16xf32>,
        tpu.vector_store %arg21[%swap3A_300, %swap3A_301], %mul3A_299 {strides = array<i32>} : memref<16x768xf32, #tpu.memory_space<vmem>>, vector<16xf32>,
        %add3A_303 = arith.constant 16 : i32
        %add3A_304 = vector.broadcast %add3A_303 : i32 to vector<16xi32>
        %add3A_305 = arith.addi %iota3A, %add3A_304 : vector<16xi32>
        %gather3A_306 = tpu.vector_load_idx %arg12[%gather3A_289, %add3A_305] : memref<119x64xf32, #tpu.memory_space<vmem>>[vector<16xi32>, vector<16xi32>], vector<16xf32>,
        %get3A_307 = arith.index_cast %scan3A_74 : i32 to index
        %get3A_308 = arith.constant 208 : index
        %get3A_309 = tpu.vector_load %arg21[%get3A_307, %get3A_308] {strides = array<i32>} : memref<16x768xf32, #tpu.memory_space<vmem>>, vector<16xf32>,
        %add3A_310 = arith.addf %gather3A_109, %gather3A_306 : vector<16xf32>
        %add3A_311 = arith.addf %add3A_310, %get3A_309 : vector<16xf32>
        %mul3A_312 = arith.mulf %add3A_311, %select_n3A_101 : vector<16xf32>
        %swap3A_313 = arith.index_cast %scan3A_74 : i32 to index
        %swap3A_314 = arith.constant 208 : index
        %swap3A_315 = tpu.vector_load %arg21[%swap3A_313, %swap3A_314] {strides = array<i32>} : memref<16x768xf32, #tpu.memory_space<vmem>>, vector<16xf32>,
        tpu.vector_store %arg21[%swap3A_313, %swap3A_314], %mul3A_312 {strides = array<i32>} : memref<16x768xf32, #tpu.memory_space<vmem>>, vector<16xf32>,
        %add3A_316 = arith.constant 32 : i32
        %add3A_317 = vector.broadcast %add3A_316 : i32 to vector<16xi32>
        %add3A_318 = arith.addi %iota3A, %add3A_317 : vector<16xi32>
        %gather3A_319 = tpu.vector_load_idx %arg12[%gather3A_289, %add3A_318] : memref<119x64xf32, #tpu.memory_space<vmem>>[vector<16xi32>, vector<16xi32>], vector<16xf32>,
        %get3A_320 = arith.index_cast %scan3A_74 : i32 to index
        %get3A_321 = arith.constant 224 : index
        %get3A_322 = tpu.vector_load %arg21[%get3A_320, %get3A_321] {strides = array<i32>} : memref<16x768xf32, #tpu.memory_space<vmem>>, vector<16xf32>,
        %add3A_323 = arith.addf %gather3A_113, %gather3A_319 : vector<16xf32>
        %add3A_324 = arith.addf %add3A_323, %get3A_322 : vector<16xf32>
        %mul3A_325 = arith.mulf %add3A_324, %select_n3A_101 : vector<16xf32>
        %swap3A_326 = arith.index_cast %scan3A_74 : i32 to index
        %swap3A_327 = arith.constant 224 : index
        %swap3A_328 = tpu.vector_load %arg21[%swap3A_326, %swap3A_327] {strides = array<i32>} : memref<16x768xf32, #tpu.memory_space<vmem>>, vector<16xf32>,
        tpu.vector_store %arg21[%swap3A_326, %swap3A_327], %mul3A_325 {strides = array<i32>} : memref<16x768xf32, #tpu.memory_space<vmem>>, vector<16xf32>,
        %add3A_329 = arith.constant 48 : i32
        %add3A_330 = vector.broadcast %add3A_329 : i32 to vector<16xi32>
        %add3A_331 = arith.addi %iota3A, %add3A_330 : vector<16xi32>
        %gather3A_332 = tpu.vector_load_idx %arg12[%gather3A_289, %add3A_331] : memref<119x64xf32, #tpu.memory_space<vmem>>[vector<16xi32>, vector<16xi32>], vector<16xf32>,
        %get3A_333 = arith.index_cast %scan3A_74 : i32 to index
        %get3A_334 = arith.constant 240 : index
        %get3A_335 = tpu.vector_load %arg21[%get3A_333, %get3A_334] {strides = array<i32>} : memref<16x768xf32, #tpu.memory_space<vmem>>, vector<16xf32>,
        %add3A_336 = arith.addf %gather3A_117, %gather3A_332 : vector<16xf32>
        %add3A_337 = arith.addf %add3A_336, %get3A_335 : vector<16xf32>
        %mul3A_338 = arith.mulf %add3A_337, %select_n3A_101 : vector<16xf32>
        %swap3A_339 = arith.index_cast %scan3A_74 : i32 to index
        %swap3A_340 = arith.constant 240 : index
        %swap3A_341 = tpu.vector_load %arg21[%swap3A_339, %swap3A_340] {strides = array<i32>} : memref<16x768xf32, #tpu.memory_space<vmem>>, vector<16xf32>,
        tpu.vector_store %arg21[%swap3A_339, %swap3A_340], %mul3A_338 {strides = array<i32>} : memref<16x768xf32, #tpu.memory_space<vmem>>, vector<16xf32>,
        %add3A_342 = arith.constant 4 : i32
        %add3A_343 = vector.broadcast %add3A_342 : i32 to vector<16xi32>
        %add3A_344 = arith.addi %mul3A_81, %add3A_343 : vector<16xi32>
        %gather3A_345 = tpu.vector_load_idx %arg19[%broadcast_in_dim3A_75, %add3A_344] : memref<16x128xi32, #tpu.memory_space<vmem>>[vector<16xi32>, vector<16xi32>], vector<16xi32>,
        %add3A_346 = arith.constant 0 : i32
        %add3A_347 = vector.broadcast %add3A_346 : i32 to vector<16xi32>
        %add3A_348 = arith.addi %iota3A, %add3A_347 : vector<16xi32>
        %gather3A_349 = tpu.vector_load_idx %arg12[%gather3A_345, %add3A_348] : memref<119x64xf32, #tpu.memory_space<vmem>>[vector<16xi32>, vector<16xi32>], vector<16xf32>,
        %get3A_350 = arith.index_cast %scan3A_74 : i32 to index
        %get3A_351 = arith.constant 256 : index
        %get3A_352 = tpu.vector_load %arg21[%get3A_350, %get3A_351] {strides = array<i32>} : memref<16x768xf32, #tpu.memory_space<vmem>>, vector<16xf32>,
        %add3A_353 = arith.addf %gather3A_105, %gather3A_349 : vector<16xf32>
        %add3A_354 = arith.addf %add3A_353, %get3A_352 : vector<16xf32>
        %mul3A_355 = arith.mulf %add3A_354, %select_n3A_101 : vector<16xf32>
        %swap3A_356 = arith.index_cast %scan3A_74 : i32 to index
        %swap3A_357 = arith.constant 256 : index
        %swap3A_358 = tpu.vector_load %arg21[%swap3A_356, %swap3A_357] {strides = array<i32>} : memref<16x768xf32, #tpu.memory_space<vmem>>, vector<16xf32>,
        tpu.vector_store %arg21[%swap3A_356, %swap3A_357], %mul3A_355 {strides = array<i32>} : memref<16x768xf32, #tpu.memory_space<vmem>>, vector<16xf32>,
        %add3A_359 = arith.constant 16 : i32
        %add3A_360 = vector.broadcast %add3A_359 : i32 to vector<16xi32>
        %add3A_361 = arith.addi %iota3A, %add3A_360 : vector<16xi32>
        %gather3A_362 = tpu.vector_load_idx %arg12[%gather3A_345, %add3A_361] : memref<119x64xf32, #tpu.memory_space<vmem>>[vector<16xi32>, vector<16xi32>], vector<16xf32>,
        %get3A_363 = arith.index_cast %scan3A_74 : i32 to index
        %get3A_364 = arith.constant 272 : index
        %get3A_365 = tpu.vector_load %arg21[%get3A_363, %get3A_364] {strides = array<i32>} : memref<16x768xf32, #tpu.memory_space<vmem>>, vector<16xf32>,
        %add3A_366 = arith.addf %gather3A_109, %gather3A_362 : vector<16xf32>
        %add3A_367 = arith.addf %add3A_366, %get3A_365 : vector<16xf32>
        %mul3A_368 = arith.mulf %add3A_367, %select_n3A_101 : vector<16xf32>
        %swap3A_369 = arith.index_cast %scan3A_74 : i32 to index
        %swap3A_370 = arith.constant 272 : index
        %swap3A_371 = tpu.vector_load %arg21[%swap3A_369, %swap3A_370] {strides = array<i32>} : memref<16x768xf32, #tpu.memory_space<vmem>>, vector<16xf32>,
        tpu.vector_store %arg21[%swap3A_369, %swap3A_370], %mul3A_368 {strides = array<i32>} : memref<16x768xf32, #tpu.memory_space<vmem>>, vector<16xf32>,
        %add3A_372 = arith.constant 32 : i32
        %add3A_373 = vector.broadcast %add3A_372 : i32 to vector<16xi32>
        %add3A_374 = arith.addi %iota3A, %add3A_373 : vector<16xi32>
        %gather3A_375 = tpu.vector_load_idx %arg12[%gather3A_345, %add3A_374] : memref<119x64xf32, #tpu.memory_space<vmem>>[vector<16xi32>, vector<16xi32>], vector<16xf32>,
        %get3A_376 = arith.index_cast %scan3A_74 : i32 to index
        %get3A_377 = arith.constant 288 : index
        %get3A_378 = tpu.vector_load %arg21[%get3A_376, %get3A_377] {strides = array<i32>} : memref<16x768xf32, #tpu.memory_space<vmem>>, vector<16xf32>,
        %add3A_379 = arith.addf %gather3A_113, %gather3A_375 : vector<16xf32>
        %add3A_380 = arith.addf %add3A_379, %get3A_378 : vector<16xf32>
        %mul3A_381 = arith.mulf %add3A_380, %select_n3A_101 : vector<16xf32>
        %swap3A_382 = arith.index_cast %scan3A_74 : i32 to index
        %swap3A_383 = arith.constant 288 : index
        %swap3A_384 = tpu.vector_load %arg21[%swap3A_382, %swap3A_383] {strides = array<i32>} : memref<16x768xf32, #tpu.memory_space<vmem>>, vector<16xf32>,
        tpu.vector_store %arg21[%swap3A_382, %swap3A_383], %mul3A_381 {strides = array<i32>} : memref<16x768xf32, #tpu.memory_space<vmem>>, vector<16xf32>,
        %add3A_385 = arith.constant 48 : i32
        %add3A_386 = vector.broadcast %add3A_385 : i32 to vector<16xi32>
        %add3A_387 = arith.addi %iota3A, %add3A_386 : vector<16xi32>
        %gather3A_388 = tpu.vector_load_idx %arg12[%gather3A_345, %add3A_387] : memref<119x64xf32, #tpu.memory_space<vmem>>[vector<16xi32>, vector<16xi32>], vector<16xf32>,
        %get3A_389 = arith.index_cast %scan3A_74 : i32 to index
        %get3A_390 = arith.constant 304 : index
        %get3A_391 = tpu.vector_load %arg21[%get3A_389, %get3A_390] {strides = array<i32>} : memref<16x768xf32, #tpu.memory_space<vmem>>, vector<16xf32>,
        %add3A_392 = arith.addf %gather3A_117, %gather3A_388 : vector<16xf32>
        %add3A_393 = arith.addf %add3A_392, %get3A_391 : vector<16xf32>
        %mul3A_394 = arith.mulf %add3A_393, %select_n3A_101 : vector<16xf32>
        %swap3A_395 = arith.index_cast %scan3A_74 : i32 to index
        %swap3A_396 = arith.constant 304 : index
        %swap3A_397 = tpu.vector_load %arg21[%swap3A_395, %swap3A_396] {strides = array<i32>} : memref<16x768xf32, #tpu.memory_space<vmem>>, vector<16xf32>,
        tpu.vector_store %arg21[%swap3A_395, %swap3A_396], %mul3A_394 {strides = array<i32>} : memref<16x768xf32, #tpu.memory_space<vmem>>, vector<16xf32>,
        %add3A_398 = arith.constant 5 : i32
        %add3A_399 = vector.broadcast %add3A_398 : i32 to vector<16xi32>
        %add3A_400 = arith.addi %mul3A_81, %add3A_399 : vector<16xi32>
        %gather3A_401 = tpu.vector_load_idx %arg19[%broadcast_in_dim3A_75, %add3A_400] : memref<16x128xi32, #tpu.memory_space<vmem>>[vector<16xi32>, vector<16xi32>], vector<16xi32>,
        %add3A_402 = arith.constant 0 : i32
        %add3A_403 = vector.broadcast %add3A_402 : i32 to vector<16xi32>
        %add3A_404 = arith.addi %iota3A, %add3A_403 : vector<16xi32>
        %gather3A_405 = tpu.vector_load_idx %arg12[%gather3A_401, %add3A_404] : memref<119x64xf32, #tpu.memory_space<vmem>>[vector<16xi32>, vector<16xi32>], vector<16xf32>,
        %get3A_406 = arith.index_cast %scan3A_74 : i32 to index
        %get3A_407 = arith.constant 320 : index
        %get3A_408 = tpu.vector_load %arg21[%get3A_406, %get3A_407] {strides = array<i32>} : memref<16x768xf32, #tpu.memory_space<vmem>>, vector<16xf32>,
        %add3A_409 = arith.addf %gather3A_105, %gather3A_405 : vector<16xf32>
        %add3A_410 = arith.addf %add3A_409, %get3A_408 : vector<16xf32>
        %mul3A_411 = arith.mulf %add3A_410, %select_n3A_101 : vector<16xf32>
        %swap3A_412 = arith.index_cast %scan3A_74 : i32 to index
        %swap3A_413 = arith.constant 320 : index
        %swap3A_414 = tpu.vector_load %arg21[%swap3A_412, %swap3A_413] {strides = array<i32>} : memref<16x768xf32, #tpu.memory_space<vmem>>, vector<16xf32>,
        tpu.vector_store %arg21[%swap3A_412, %swap3A_413], %mul3A_411 {strides = array<i32>} : memref<16x768xf32, #tpu.memory_space<vmem>>, vector<16xf32>,
        %add3A_415 = arith.constant 16 : i32
        %add3A_416 = vector.broadcast %add3A_415 : i32 to vector<16xi32>
        %add3A_417 = arith.addi %iota3A, %add3A_416 : vector<16xi32>
        %gather3A_418 = tpu.vector_load_idx %arg12[%gather3A_401, %add3A_417] : memref<119x64xf32, #tpu.memory_space<vmem>>[vector<16xi32>, vector<16xi32>], vector<16xf32>,
        %get3A_419 = arith.index_cast %scan3A_74 : i32 to index
        %get3A_420 = arith.constant 336 : index
        %get3A_421 = tpu.vector_load %arg21[%get3A_419, %get3A_420] {strides = array<i32>} : memref<16x768xf32, #tpu.memory_space<vmem>>, vector<16xf32>,
        %add3A_422 = arith.addf %gather3A_109, %gather3A_418 : vector<16xf32>
        %add3A_423 = arith.addf %add3A_422, %get3A_421 : vector<16xf32>
        %mul3A_424 = arith.mulf %add3A_423, %select_n3A_101 : vector<16xf32>
        %swap3A_425 = arith.index_cast %scan3A_74 : i32 to index
        %swap3A_426 = arith.constant 336 : index
        %swap3A_427 = tpu.vector_load %arg21[%swap3A_425, %swap3A_426] {strides = array<i32>} : memref<16x768xf32, #tpu.memory_space<vmem>>, vector<16xf32>,
        tpu.vector_store %arg21[%swap3A_425, %swap3A_426], %mul3A_424 {strides = array<i32>} : memref<16x768xf32, #tpu.memory_space<vmem>>, vector<16xf32>,
        %add3A_428 = arith.constant 32 : i32
        %add3A_429 = vector.broadcast %add3A_428 : i32 to vector<16xi32>
        %add3A_430 = arith.addi %iota3A, %add3A_429 : vector<16xi32>
        %gather3A_431 = tpu.vector_load_idx %arg12[%gather3A_401, %add3A_430] : memref<119x64xf32, #tpu.memory_space<vmem>>[vector<16xi32>, vector<16xi32>], vector<16xf32>,
        %get3A_432 = arith.index_cast %scan3A_74 : i32 to index
        %get3A_433 = arith.constant 352 : index
        %get3A_434 = tpu.vector_load %arg21[%get3A_432, %get3A_433] {strides = array<i32>} : memref<16x768xf32, #tpu.memory_space<vmem>>, vector<16xf32>,
        %add3A_435 = arith.addf %gather3A_113, %gather3A_431 : vector<16xf32>
        %add3A_436 = arith.addf %add3A_435, %get3A_434 : vector<16xf32>
        %mul3A_437 = arith.mulf %add3A_436, %select_n3A_101 : vector<16xf32>
        %swap3A_438 = arith.index_cast %scan3A_74 : i32 to index
        %swap3A_439 = arith.constant 352 : index
        %swap3A_440 = tpu.vector_load %arg21[%swap3A_438, %swap3A_439] {strides = array<i32>} : memref<16x768xf32, #tpu.memory_space<vmem>>, vector<16xf32>,
        tpu.vector_store %arg21[%swap3A_438, %swap3A_439], %mul3A_437 {strides = array<i32>} : memref<16x768xf32, #tpu.memory_space<vmem>>, vector<16xf32>,
        %add3A_441 = arith.constant 48 : i32
        %add3A_442 = vector.broadcast %add3A_441 : i32 to vector<16xi32>
        %add3A_443 = arith.addi %iota3A, %add3A_442 : vector<16xi32>
        %gather3A_444 = tpu.vector_load_idx %arg12[%gather3A_401, %add3A_443] : memref<119x64xf32, #tpu.memory_space<vmem>>[vector<16xi32>, vector<16xi32>], vector<16xf32>,
        %get3A_445 = arith.index_cast %scan3A_74 : i32 to index
        %get3A_446 = arith.constant 368 : index
        %get3A_447 = tpu.vector_load %arg21[%get3A_445, %get3A_446] {strides = array<i32>} : memref<16x768xf32, #tpu.memory_space<vmem>>, vector<16xf32>,
        %add3A_448 = arith.addf %gather3A_117, %gather3A_444 : vector<16xf32>
        %add3A_449 = arith.addf %add3A_448, %get3A_447 : vector<16xf32>
        %mul3A_450 = arith.mulf %add3A_449, %select_n3A_101 : vector<16xf32>
        %swap3A_451 = arith.index_cast %scan3A_74 : i32 to index
        %swap3A_452 = arith.constant 368 : index
        %swap3A_453 = tpu.vector_load %arg21[%swap3A_451, %swap3A_452] {strides = array<i32>} : memref<16x768xf32, #tpu.memory_space<vmem>>, vector<16xf32>,
        tpu.vector_store %arg21[%swap3A_451, %swap3A_452], %mul3A_450 {strides = array<i32>} : memref<16x768xf32, #tpu.memory_space<vmem>>, vector<16xf32>,
        %add3A_454 = arith.constant 6 : i32
        %add3A_455 = vector.broadcast %add3A_454 : i32 to vector<16xi32>
        %add3A_456 = arith.addi %mul3A_81, %add3A_455 : vector<16xi32>
        %gather3A_457 = tpu.vector_load_idx %arg19[%broadcast_in_dim3A_75, %add3A_456] : memref<16x128xi32, #tpu.memory_space<vmem>>[vector<16xi32>, vector<16xi32>], vector<16xi32>,
        %add3A_458 = arith.constant 0 : i32
        %add3A_459 = vector.broadcast %add3A_458 : i32 to vector<16xi32>
        %add3A_460 = arith.addi %iota3A, %add3A_459 : vector<16xi32>
        %gather3A_461 = tpu.vector_load_idx %arg12[%gather3A_457, %add3A_460] : memref<119x64xf32, #tpu.memory_space<vmem>>[vector<16xi32>, vector<16xi32>], vector<16xf32>,
        %get3A_462 = arith.index_cast %scan3A_74 : i32 to index
        %get3A_463 = arith.constant 384 : index
        %get3A_464 = tpu.vector_load %arg21[%get3A_462, %get3A_463] {strides = array<i32>} : memref<16x768xf32, #tpu.memory_space<vmem>>, vector<16xf32>,
        %add3A_465 = arith.addf %gather3A_105, %gather3A_461 : vector<16xf32>
        %add3A_466 = arith.addf %add3A_465, %get3A_464 : vector<16xf32>
        %mul3A_467 = arith.mulf %add3A_466, %select_n3A_101 : vector<16xf32>
        %swap3A_468 = arith.index_cast %scan3A_74 : i32 to index
        %swap3A_469 = arith.constant 384 : index
        %swap3A_470 = tpu.vector_load %arg21[%swap3A_468, %swap3A_469] {strides = array<i32>} : memref<16x768xf32, #tpu.memory_space<vmem>>, vector<16xf32>,
        tpu.vector_store %arg21[%swap3A_468, %swap3A_469], %mul3A_467 {strides = array<i32>} : memref<16x768xf32, #tpu.memory_space<vmem>>, vector<16xf32>,
        %add3A_471 = arith.constant 16 : i32
        %add3A_472 = vector.broadcast %add3A_471 : i32 to vector<16xi32>
        %add3A_473 = arith.addi %iota3A, %add3A_472 : vector<16xi32>
        %gather3A_474 = tpu.vector_load_idx %arg12[%gather3A_457, %add3A_473] : memref<119x64xf32, #tpu.memory_space<vmem>>[vector<16xi32>, vector<16xi32>], vector<16xf32>,
        %get3A_475 = arith.index_cast %scan3A_74 : i32 to index
        %get3A_476 = arith.constant 400 : index
        %get3A_477 = tpu.vector_load %arg21[%get3A_475, %get3A_476] {strides = array<i32>} : memref<16x768xf32, #tpu.memory_space<vmem>>, vector<16xf32>,
        %add3A_478 = arith.addf %gather3A_109, %gather3A_474 : vector<16xf32>
        %add3A_479 = arith.addf %add3A_478, %get3A_477 : vector<16xf32>
        %mul3A_480 = arith.mulf %add3A_479, %select_n3A_101 : vector<16xf32>
        %swap3A_481 = arith.index_cast %scan3A_74 : i32 to index
        %swap3A_482 = arith.constant 400 : index
        %swap3A_483 = tpu.vector_load %arg21[%swap3A_481, %swap3A_482] {strides = array<i32>} : memref<16x768xf32, #tpu.memory_space<vmem>>, vector<16xf32>,
        tpu.vector_store %arg21[%swap3A_481, %swap3A_482], %mul3A_480 {strides = array<i32>} : memref<16x768xf32, #tpu.memory_space<vmem>>, vector<16xf32>,
        %add3A_484 = arith.constant 32 : i32
        %add3A_485 = vector.broadcast %add3A_484 : i32 to vector<16xi32>
        %add3A_486 = arith.addi %iota3A, %add3A_485 : vector<16xi32>
        %gather3A_487 = tpu.vector_load_idx %arg12[%gather3A_457, %add3A_486] : memref<119x64xf32, #tpu.memory_space<vmem>>[vector<16xi32>, vector<16xi32>], vector<16xf32>,
        %get3A_488 = arith.index_cast %scan3A_74 : i32 to index
        %get3A_489 = arith.constant 416 : index
        %get3A_490 = tpu.vector_load %arg21[%get3A_488, %get3A_489] {strides = array<i32>} : memref<16x768xf32, #tpu.memory_space<vmem>>, vector<16xf32>,
        %add3A_491 = arith.addf %gather3A_113, %gather3A_487 : vector<16xf32>
        %add3A_492 = arith.addf %add3A_491, %get3A_490 : vector<16xf32>
        %mul3A_493 = arith.mulf %add3A_492, %select_n3A_101 : vector<16xf32>
        %swap3A_494 = arith.index_cast %scan3A_74 : i32 to index
        %swap3A_495 = arith.constant 416 : index
        %swap3A_496 = tpu.vector_load %arg21[%swap3A_494, %swap3A_495] {strides = array<i32>} : memref<16x768xf32, #tpu.memory_space<vmem>>, vector<16xf32>,
        tpu.vector_store %arg21[%swap3A_494, %swap3A_495], %mul3A_493 {strides = array<i32>} : memref<16x768xf32, #tpu.memory_space<vmem>>, vector<16xf32>,
        %add3A_497 = arith.constant 48 : i32
        %add3A_498 = vector.broadcast %add3A_497 : i32 to vector<16xi32>
        %add3A_499 = arith.addi %iota3A, %add3A_498 : vector<16xi32>
        %gather3A_500 = tpu.vector_load_idx %arg12[%gather3A_457, %add3A_499] : memref<119x64xf32, #tpu.memory_space<vmem>>[vector<16xi32>, vector<16xi32>], vector<16xf32>,
        %get3A_501 = arith.index_cast %scan3A_74 : i32 to index
        %get3A_502 = arith.constant 432 : index
        %get3A_503 = tpu.vector_load %arg21[%get3A_501, %get3A_502] {strides = array<i32>} : memref<16x768xf32, #tpu.memory_space<vmem>>, vector<16xf32>,
        %add3A_504 = arith.addf %gather3A_117, %gather3A_500 : vector<16xf32>
        %add3A_505 = arith.addf %add3A_504, %get3A_503 : vector<16xf32>
        %mul3A_506 = arith.mulf %add3A_505, %select_n3A_101 : vector<16xf32>
        %swap3A_507 = arith.index_cast %scan3A_74 : i32 to index
        %swap3A_508 = arith.constant 432 : index
        %swap3A_509 = tpu.vector_load %arg21[%swap3A_507, %swap3A_508] {strides = array<i32>} : memref<16x768xf32, #tpu.memory_space<vmem>>, vector<16xf32>,
        tpu.vector_store %arg21[%swap3A_507, %swap3A_508], %mul3A_506 {strides = array<i32>} : memref<16x768xf32, #tpu.memory_space<vmem>>, vector<16xf32>,
        %add3A_510 = arith.constant 7 : i32
        %add3A_511 = vector.broadcast %add3A_510 : i32 to vector<16xi32>
        %add3A_512 = arith.addi %mul3A_81, %add3A_511 : vector<16xi32>
        %gather3A_513 = tpu.vector_load_idx %arg19[%broadcast_in_dim3A_75, %add3A_512] : memref<16x128xi32, #tpu.memory_space<vmem>>[vector<16xi32>, vector<16xi32>], vector<16xi32>,
        %add3A_514 = arith.constant 0 : i32
        %add3A_515 = vector.broadcast %add3A_514 : i32 to vector<16xi32>
        %add3A_516 = arith.addi %iota3A, %add3A_515 : vector<16xi32>
        %gather3A_517 = tpu.vector_load_idx %arg12[%gather3A_513, %add3A_516] : memref<119x64xf32, #tpu.memory_space<vmem>>[vector<16xi32>, vector<16xi32>], vector<16xf32>,
        %get3A_518 = arith.index_cast %scan3A_74 : i32 to index
        %get3A_519 = arith.constant 448 : index
        %get3A_520 = tpu.vector_load %arg21[%get3A_518, %get3A_519] {strides = array<i32>} : memref<16x768xf32, #tpu.memory_space<vmem>>, vector<16xf32>,
        %add3A_521 = arith.addf %gather3A_105, %gather3A_517 : vector<16xf32>
        %add3A_522 = arith.addf %add3A_521, %get3A_520 : vector<16xf32>
        %mul3A_523 = arith.mulf %add3A_522, %select_n3A_101 : vector<16xf32>
        %swap3A_524 = arith.index_cast %scan3A_74 : i32 to index
        %swap3A_525 = arith.constant 448 : index
        %swap3A_526 = tpu.vector_load %arg21[%swap3A_524, %swap3A_525] {strides = array<i32>} : memref<16x768xf32, #tpu.memory_space<vmem>>, vector<16xf32>,
        tpu.vector_store %arg21[%swap3A_524, %swap3A_525], %mul3A_523 {strides = array<i32>} : memref<16x768xf32, #tpu.memory_space<vmem>>, vector<16xf32>,
        %add3A_527 = arith.constant 16 : i32
        %add3A_528 = vector.broadcast %add3A_527 : i32 to vector<16xi32>
        %add3A_529 = arith.addi %iota3A, %add3A_528 : vector<16xi32>
        %gather3A_530 = tpu.vector_load_idx %arg12[%gather3A_513, %add3A_529] : memref<119x64xf32, #tpu.memory_space<vmem>>[vector<16xi32>, vector<16xi32>], vector<16xf32>,
        %get3A_531 = arith.index_cast %scan3A_74 : i32 to index
        %get3A_532 = arith.constant 464 : index
        %get3A_533 = tpu.vector_load %arg21[%get3A_531, %get3A_532] {strides = array<i32>} : memref<16x768xf32, #tpu.memory_space<vmem>>, vector<16xf32>,
        %add3A_534 = arith.addf %gather3A_109, %gather3A_530 : vector<16xf32>
        %add3A_535 = arith.addf %add3A_534, %get3A_533 : vector<16xf32>
        %mul3A_536 = arith.mulf %add3A_535, %select_n3A_101 : vector<16xf32>
        %swap3A_537 = arith.index_cast %scan3A_74 : i32 to index
        %swap3A_538 = arith.constant 464 : index
        %swap3A_539 = tpu.vector_load %arg21[%swap3A_537, %swap3A_538] {strides = array<i32>} : memref<16x768xf32, #tpu.memory_space<vmem>>, vector<16xf32>,
        tpu.vector_store %arg21[%swap3A_537, %swap3A_538], %mul3A_536 {strides = array<i32>} : memref<16x768xf32, #tpu.memory_space<vmem>>, vector<16xf32>,
        %add3A_540 = arith.constant 32 : i32
        %add3A_541 = vector.broadcast %add3A_540 : i32 to vector<16xi32>
        %add3A_542 = arith.addi %iota3A, %add3A_541 : vector<16xi32>
        %gather3A_543 = tpu.vector_load_idx %arg12[%gather3A_513, %add3A_542] : memref<119x64xf32, #tpu.memory_space<vmem>>[vector<16xi32>, vector<16xi32>], vector<16xf32>,
        %get3A_544 = arith.index_cast %scan3A_74 : i32 to index
        %get3A_545 = arith.constant 480 : index
        %get3A_546 = tpu.vector_load %arg21[%get3A_544, %get3A_545] {strides = array<i32>} : memref<16x768xf32, #tpu.memory_space<vmem>>, vector<16xf32>,
        %add3A_547 = arith.addf %gather3A_113, %gather3A_543 : vector<16xf32>
        %add3A_548 = arith.addf %add3A_547, %get3A_546 : vector<16xf32>
        %mul3A_549 = arith.mulf %add3A_548, %select_n3A_101 : vector<16xf32>
        %swap3A_550 = arith.index_cast %scan3A_74 : i32 to index
        %swap3A_551 = arith.constant 480 : index
        %swap3A_552 = tpu.vector_load %arg21[%swap3A_550, %swap3A_551] {strides = array<i32>} : memref<16x768xf32, #tpu.memory_space<vmem>>, vector<16xf32>,
        tpu.vector_store %arg21[%swap3A_550, %swap3A_551], %mul3A_549 {strides = array<i32>} : memref<16x768xf32, #tpu.memory_space<vmem>>, vector<16xf32>,
        %add3A_553 = arith.constant 48 : i32
        %add3A_554 = vector.broadcast %add3A_553 : i32 to vector<16xi32>
        %add3A_555 = arith.addi %iota3A, %add3A_554 : vector<16xi32>
        %gather3A_556 = tpu.vector_load_idx %arg12[%gather3A_513, %add3A_555] : memref<119x64xf32, #tpu.memory_space<vmem>>[vector<16xi32>, vector<16xi32>], vector<16xf32>,
        %get3A_557 = arith.index_cast %scan3A_74 : i32 to index
        %get3A_558 = arith.constant 496 : index
        %get3A_559 = tpu.vector_load %arg21[%get3A_557, %get3A_558] {strides = array<i32>} : memref<16x768xf32, #tpu.memory_space<vmem>>, vector<16xf32>,
        %add3A_560 = arith.addf %gather3A_117, %gather3A_556 : vector<16xf32>
        %add3A_561 = arith.addf %add3A_560, %get3A_559 : vector<16xf32>
        %mul3A_562 = arith.mulf %add3A_561, %select_n3A_101 : vector<16xf32>
        %swap3A_563 = arith.index_cast %scan3A_74 : i32 to index
        %swap3A_564 = arith.constant 496 : index
        %swap3A_565 = tpu.vector_load %arg21[%swap3A_563, %swap3A_564] {strides = array<i32>} : memref<16x768xf32, #tpu.memory_space<vmem>>, vector<16xf32>,
        tpu.vector_store %arg21[%swap3A_563, %swap3A_564], %mul3A_562 {strides = array<i32>} : memref<16x768xf32, #tpu.memory_space<vmem>>, vector<16xf32>,
        %add3A_566 = arith.constant 8 : i32
        %add3A_567 = vector.broadcast %add3A_566 : i32 to vector<16xi32>
        %add3A_568 = arith.addi %mul3A_81, %add3A_567 : vector<16xi32>
        %gather3A_569 = tpu.vector_load_idx %arg19[%broadcast_in_dim3A_75, %add3A_568] : memref<16x128xi32, #tpu.memory_space<vmem>>[vector<16xi32>, vector<16xi32>], vector<16xi32>,
        %add3A_570 = arith.constant 0 : i32
        %add3A_571 = vector.broadcast %add3A_570 : i32 to vector<16xi32>
        %add3A_572 = arith.addi %iota3A, %add3A_571 : vector<16xi32>
        %gather3A_573 = tpu.vector_load_idx %arg12[%gather3A_569, %add3A_572] : memref<119x64xf32, #tpu.memory_space<vmem>>[vector<16xi32>, vector<16xi32>], vector<16xf32>,
        %get3A_574 = arith.index_cast %scan3A_74 : i32 to index
        %get3A_575 = arith.constant 512 : index
        %get3A_576 = tpu.vector_load %arg21[%get3A_574, %get3A_575] {strides = array<i32>} : memref<16x768xf32, #tpu.memory_space<vmem>>, vector<16xf32>,
        %add3A_577 = arith.addf %gather3A_105, %gather3A_573 : vector<16xf32>
        %add3A_578 = arith.addf %add3A_577, %get3A_576 : vector<16xf32>
        %mul3A_579 = arith.mulf %add3A_578, %select_n3A_101 : vector<16xf32>
        %swap3A_580 = arith.index_cast %scan3A_74 : i32 to index
        %swap3A_581 = arith.constant 512 : index
        %swap3A_582 = tpu.vector_load %arg21[%swap3A_580, %swap3A_581] {strides = array<i32>} : memref<16x768xf32, #tpu.memory_space<vmem>>, vector<16xf32>,
        tpu.vector_store %arg21[%swap3A_580, %swap3A_581], %mul3A_579 {strides = array<i32>} : memref<16x768xf32, #tpu.memory_space<vmem>>, vector<16xf32>,
        %add3A_583 = arith.constant 16 : i32
        %add3A_584 = vector.broadcast %add3A_583 : i32 to vector<16xi32>
        %add3A_585 = arith.addi %iota3A, %add3A_584 : vector<16xi32>
        %gather3A_586 = tpu.vector_load_idx %arg12[%gather3A_569, %add3A_585] : memref<119x64xf32, #tpu.memory_space<vmem>>[vector<16xi32>, vector<16xi32>], vector<16xf32>,
        %get3A_587 = arith.index_cast %scan3A_74 : i32 to index
        %get3A_588 = arith.constant 528 : index
        %get3A_589 = tpu.vector_load %arg21[%get3A_587, %get3A_588] {strides = array<i32>} : memref<16x768xf32, #tpu.memory_space<vmem>>, vector<16xf32>,
        %add3A_590 = arith.addf %gather3A_109, %gather3A_586 : vector<16xf32>
        %add3A_591 = arith.addf %add3A_590, %get3A_589 : vector<16xf32>
        %mul3A_592 = arith.mulf %add3A_591, %select_n3A_101 : vector<16xf32>
        %swap3A_593 = arith.index_cast %scan3A_74 : i32 to index
        %swap3A_594 = arith.constant 528 : index
        %swap3A_595 = tpu.vector_load %arg21[%swap3A_593, %swap3A_594] {strides = array<i32>} : memref<16x768xf32, #tpu.memory_space<vmem>>, vector<16xf32>,
        tpu.vector_store %arg21[%swap3A_593, %swap3A_594], %mul3A_592 {strides = array<i32>} : memref<16x768xf32, #tpu.memory_space<vmem>>, vector<16xf32>,
        %add3A_596 = arith.constant 32 : i32
        %add3A_597 = vector.broadcast %add3A_596 : i32 to vector<16xi32>
        %add3A_598 = arith.addi %iota3A, %add3A_597 : vector<16xi32>
        %gather3A_599 = tpu.vector_load_idx %arg12[%gather3A_569, %add3A_598] : memref<119x64xf32, #tpu.memory_space<vmem>>[vector<16xi32>, vector<16xi32>], vector<16xf32>,
        %get3A_600 = arith.index_cast %scan3A_74 : i32 to index
        %get3A_601 = arith.constant 544 : index
        %get3A_602 = tpu.vector_load %arg21[%get3A_600, %get3A_601] {strides = array<i32>} : memref<16x768xf32, #tpu.memory_space<vmem>>, vector<16xf32>,
        %add3A_603 = arith.addf %gather3A_113, %gather3A_599 : vector<16xf32>
        %add3A_604 = arith.addf %add3A_603, %get3A_602 : vector<16xf32>
        %mul3A_605 = arith.mulf %add3A_604, %select_n3A_101 : vector<16xf32>
        %swap3A_606 = arith.index_cast %scan3A_74 : i32 to index
        %swap3A_607 = arith.constant 544 : index
        %swap3A_608 = tpu.vector_load %arg21[%swap3A_606, %swap3A_607] {strides = array<i32>} : memref<16x768xf32, #tpu.memory_space<vmem>>, vector<16xf32>,
        tpu.vector_store %arg21[%swap3A_606, %swap3A_607], %mul3A_605 {strides = array<i32>} : memref<16x768xf32, #tpu.memory_space<vmem>>, vector<16xf32>,
        %add3A_609 = arith.constant 48 : i32
        %add3A_610 = vector.broadcast %add3A_609 : i32 to vector<16xi32>
        %add3A_611 = arith.addi %iota3A, %add3A_610 : vector<16xi32>
        %gather3A_612 = tpu.vector_load_idx %arg12[%gather3A_569, %add3A_611] : memref<119x64xf32, #tpu.memory_space<vmem>>[vector<16xi32>, vector<16xi32>], vector<16xf32>,
        %get3A_613 = arith.index_cast %scan3A_74 : i32 to index
        %get3A_614 = arith.constant 560 : index
        %get3A_615 = tpu.vector_load %arg21[%get3A_613, %get3A_614] {strides = array<i32>} : memref<16x768xf32, #tpu.memory_space<vmem>>, vector<16xf32>,
        %add3A_616 = arith.addf %gather3A_117, %gather3A_612 : vector<16xf32>
        %add3A_617 = arith.addf %add3A_616, %get3A_615 : vector<16xf32>
        %mul3A_618 = arith.mulf %add3A_617, %select_n3A_101 : vector<16xf32>
        %swap3A_619 = arith.index_cast %scan3A_74 : i32 to index
        %swap3A_620 = arith.constant 560 : index
        %swap3A_621 = tpu.vector_load %arg21[%swap3A_619, %swap3A_620] {strides = array<i32>} : memref<16x768xf32, #tpu.memory_space<vmem>>, vector<16xf32>,
        tpu.vector_store %arg21[%swap3A_619, %swap3A_620], %mul3A_618 {strides = array<i32>} : memref<16x768xf32, #tpu.memory_space<vmem>>, vector<16xf32>,
        %add3A_622 = arith.constant 9 : i32
        %add3A_623 = vector.broadcast %add3A_622 : i32 to vector<16xi32>
        %add3A_624 = arith.addi %mul3A_81, %add3A_623 : vector<16xi32>
        %gather3A_625 = tpu.vector_load_idx %arg19[%broadcast_in_dim3A_75, %add3A_624] : memref<16x128xi32, #tpu.memory_space<vmem>>[vector<16xi32>, vector<16xi32>], vector<16xi32>,
        %add3A_626 = arith.constant 0 : i32
        %add3A_627 = vector.broadcast %add3A_626 : i32 to vector<16xi32>
        %add3A_628 = arith.addi %iota3A, %add3A_627 : vector<16xi32>
        %gather3A_629 = tpu.vector_load_idx %arg12[%gather3A_625, %add3A_628] : memref<119x64xf32, #tpu.memory_space<vmem>>[vector<16xi32>, vector<16xi32>], vector<16xf32>,
        %get3A_630 = arith.index_cast %scan3A_74 : i32 to index
        %get3A_631 = arith.constant 576 : index
        %get3A_632 = tpu.vector_load %arg21[%get3A_630, %get3A_631] {strides = array<i32>} : memref<16x768xf32, #tpu.memory_space<vmem>>, vector<16xf32>,
        %add3A_633 = arith.addf %gather3A_105, %gather3A_629 : vector<16xf32>
        %add3A_634 = arith.addf %add3A_633, %get3A_632 : vector<16xf32>
        %mul3A_635 = arith.mulf %add3A_634, %select_n3A_101 : vector<16xf32>
        %swap3A_636 = arith.index_cast %scan3A_74 : i32 to index
        %swap3A_637 = arith.constant 576 : index
        %swap3A_638 = tpu.vector_load %arg21[%swap3A_636, %swap3A_637] {strides = array<i32>} : memref<16x768xf32, #tpu.memory_space<vmem>>, vector<16xf32>,
        tpu.vector_store %arg21[%swap3A_636, %swap3A_637], %mul3A_635 {strides = array<i32>} : memref<16x768xf32, #tpu.memory_space<vmem>>, vector<16xf32>,
        %add3A_639 = arith.constant 16 : i32
        %add3A_640 = vector.broadcast %add3A_639 : i32 to vector<16xi32>
        %add3A_641 = arith.addi %iota3A, %add3A_640 : vector<16xi32>
        %gather3A_642 = tpu.vector_load_idx %arg12[%gather3A_625, %add3A_641] : memref<119x64xf32, #tpu.memory_space<vmem>>[vector<16xi32>, vector<16xi32>], vector<16xf32>,
        %get3A_643 = arith.index_cast %scan3A_74 : i32 to index
        %get3A_644 = arith.constant 592 : index
        %get3A_645 = tpu.vector_load %arg21[%get3A_643, %get3A_644] {strides = array<i32>} : memref<16x768xf32, #tpu.memory_space<vmem>>, vector<16xf32>,
        %add3A_646 = arith.addf %gather3A_109, %gather3A_642 : vector<16xf32>
        %add3A_647 = arith.addf %add3A_646, %get3A_645 : vector<16xf32>
        %mul3A_648 = arith.mulf %add3A_647, %select_n3A_101 : vector<16xf32>
        %swap3A_649 = arith.index_cast %scan3A_74 : i32 to index
        %swap3A_650 = arith.constant 592 : index
        %swap3A_651 = tpu.vector_load %arg21[%swap3A_649, %swap3A_650] {strides = array<i32>} : memref<16x768xf32, #tpu.memory_space<vmem>>, vector<16xf32>,
        tpu.vector_store %arg21[%swap3A_649, %swap3A_650], %mul3A_648 {strides = array<i32>} : memref<16x768xf32, #tpu.memory_space<vmem>>, vector<16xf32>,
        %add3A_652 = arith.constant 32 : i32
        %add3A_653 = vector.broadcast %add3A_652 : i32 to vector<16xi32>
        %add3A_654 = arith.addi %iota3A, %add3A_653 : vector<16xi32>
        %gather3A_655 = tpu.vector_load_idx %arg12[%gather3A_625, %add3A_654] : memref<119x64xf32, #tpu.memory_space<vmem>>[vector<16xi32>, vector<16xi32>], vector<16xf32>,
        %get3A_656 = arith.index_cast %scan3A_74 : i32 to index
        %get3A_657 = arith.constant 608 : index
        %get3A_658 = tpu.vector_load %arg21[%get3A_656, %get3A_657] {strides = array<i32>} : memref<16x768xf32, #tpu.memory_space<vmem>>, vector<16xf32>,
        %add3A_659 = arith.addf %gather3A_113, %gather3A_655 : vector<16xf32>
        %add3A_660 = arith.addf %add3A_659, %get3A_658 : vector<16xf32>
        %mul3A_661 = arith.mulf %add3A_660, %select_n3A_101 : vector<16xf32>
        %swap3A_662 = arith.index_cast %scan3A_74 : i32 to index
        %swap3A_663 = arith.constant 608 : index
        %swap3A_664 = tpu.vector_load %arg21[%swap3A_662, %swap3A_663] {strides = array<i32>} : memref<16x768xf32, #tpu.memory_space<vmem>>, vector<16xf32>,
        tpu.vector_store %arg21[%swap3A_662, %swap3A_663], %mul3A_661 {strides = array<i32>} : memref<16x768xf32, #tpu.memory_space<vmem>>, vector<16xf32>,
        %add3A_665 = arith.constant 48 : i32
        %add3A_666 = vector.broadcast %add3A_665 : i32 to vector<16xi32>
        %add3A_667 = arith.addi %iota3A, %add3A_666 : vector<16xi32>
        %gather3A_668 = tpu.vector_load_idx %arg12[%gather3A_625, %add3A_667] : memref<119x64xf32, #tpu.memory_space<vmem>>[vector<16xi32>, vector<16xi32>], vector<16xf32>,
        %get3A_669 = arith.index_cast %scan3A_74 : i32 to index
        %get3A_670 = arith.constant 624 : index
        %get3A_671 = tpu.vector_load %arg21[%get3A_669, %get3A_670] {strides = array<i32>} : memref<16x768xf32, #tpu.memory_space<vmem>>, vector<16xf32>,
        %add3A_672 = arith.addf %gather3A_117, %gather3A_668 : vector<16xf32>
        %add3A_673 = arith.addf %add3A_672, %get3A_671 : vector<16xf32>
        %mul3A_674 = arith.mulf %add3A_673, %select_n3A_101 : vector<16xf32>
        %swap3A_675 = arith.index_cast %scan3A_74 : i32 to index
        %swap3A_676 = arith.constant 624 : index
        %swap3A_677 = tpu.vector_load %arg21[%swap3A_675, %swap3A_676] {strides = array<i32>} : memref<16x768xf32, #tpu.memory_space<vmem>>, vector<16xf32>,
        tpu.vector_store %arg21[%swap3A_675, %swap3A_676], %mul3A_674 {strides = array<i32>} : memref<16x768xf32, #tpu.memory_space<vmem>>, vector<16xf32>,
        %add3A_678 = arith.constant 10 : i32
        %add3A_679 = vector.broadcast %add3A_678 : i32 to vector<16xi32>
        %add3A_680 = arith.addi %mul3A_81, %add3A_679 : vector<16xi32>
        %gather3A_681 = tpu.vector_load_idx %arg19[%broadcast_in_dim3A_75, %add3A_680] : memref<16x128xi32, #tpu.memory_space<vmem>>[vector<16xi32>, vector<16xi32>], vector<16xi32>,
        %add3A_682 = arith.constant 0 : i32
        %add3A_683 = vector.broadcast %add3A_682 : i32 to vector<16xi32>
        %add3A_684 = arith.addi %iota3A, %add3A_683 : vector<16xi32>
        %gather3A_685 = tpu.vector_load_idx %arg12[%gather3A_681, %add3A_684] : memref<119x64xf32, #tpu.memory_space<vmem>>[vector<16xi32>, vector<16xi32>], vector<16xf32>,
        %get3A_686 = arith.index_cast %scan3A_74 : i32 to index
        %get3A_687 = arith.constant 640 : index
        %get3A_688 = tpu.vector_load %arg21[%get3A_686, %get3A_687] {strides = array<i32>} : memref<16x768xf32, #tpu.memory_space<vmem>>, vector<16xf32>,
        %add3A_689 = arith.addf %gather3A_105, %gather3A_685 : vector<16xf32>
        %add3A_690 = arith.addf %add3A_689, %get3A_688 : vector<16xf32>
        %mul3A_691 = arith.mulf %add3A_690, %select_n3A_101 : vector<16xf32>
        %swap3A_692 = arith.index_cast %scan3A_74 : i32 to index
        %swap3A_693 = arith.constant 640 : index
        %swap3A_694 = tpu.vector_load %arg21[%swap3A_692, %swap3A_693] {strides = array<i32>} : memref<16x768xf32, #tpu.memory_space<vmem>>, vector<16xf32>,
        tpu.vector_store %arg21[%swap3A_692, %swap3A_693], %mul3A_691 {strides = array<i32>} : memref<16x768xf32, #tpu.memory_space<vmem>>, vector<16xf32>,
        %add3A_695 = arith.constant 16 : i32
        %add3A_696 = vector.broadcast %add3A_695 : i32 to vector<16xi32>
        %add3A_697 = arith.addi %iota3A, %add3A_696 : vector<16xi32>
        %gather3A_698 = tpu.vector_load_idx %arg12[%gather3A_681, %add3A_697] : memref<119x64xf32, #tpu.memory_space<vmem>>[vector<16xi32>, vector<16xi32>], vector<16xf32>,
        %get3A_699 = arith.index_cast %scan3A_74 : i32 to index
        %get3A_700 = arith.constant 656 : index
        %get3A_701 = tpu.vector_load %arg21[%get3A_699, %get3A_700] {strides = array<i32>} : memref<16x768xf32, #tpu.memory_space<vmem>>, vector<16xf32>,
        %add3A_702 = arith.addf %gather3A_109, %gather3A_698 : vector<16xf32>
        %add3A_703 = arith.addf %add3A_702, %get3A_701 : vector<16xf32>
        %mul3A_704 = arith.mulf %add3A_703, %select_n3A_101 : vector<16xf32>
        %swap3A_705 = arith.index_cast %scan3A_74 : i32 to index
        %swap3A_706 = arith.constant 656 : index
        %swap3A_707 = tpu.vector_load %arg21[%swap3A_705, %swap3A_706] {strides = array<i32>} : memref<16x768xf32, #tpu.memory_space<vmem>>, vector<16xf32>,
        tpu.vector_store %arg21[%swap3A_705, %swap3A_706], %mul3A_704 {strides = array<i32>} : memref<16x768xf32, #tpu.memory_space<vmem>>, vector<16xf32>,
        %add3A_708 = arith.constant 32 : i32
        %add3A_709 = vector.broadcast %add3A_708 : i32 to vector<16xi32>
        %add3A_710 = arith.addi %iota3A, %add3A_709 : vector<16xi32>
        %gather3A_711 = tpu.vector_load_idx %arg12[%gather3A_681, %add3A_710] : memref<119x64xf32, #tpu.memory_space<vmem>>[vector<16xi32>, vector<16xi32>], vector<16xf32>,
        %get3A_712 = arith.index_cast %scan3A_74 : i32 to index
        %get3A_713 = arith.constant 672 : index
        %get3A_714 = tpu.vector_load %arg21[%get3A_712, %get3A_713] {strides = array<i32>} : memref<16x768xf32, #tpu.memory_space<vmem>>, vector<16xf32>,
        %add3A_715 = arith.addf %gather3A_113, %gather3A_711 : vector<16xf32>
        %add3A_716 = arith.addf %add3A_715, %get3A_714 : vector<16xf32>
        %mul3A_717 = arith.mulf %add3A_716, %select_n3A_101 : vector<16xf32>
        %swap3A_718 = arith.index_cast %scan3A_74 : i32 to index
        %swap3A_719 = arith.constant 672 : index
        %swap3A_720 = tpu.vector_load %arg21[%swap3A_718, %swap3A_719] {strides = array<i32>} : memref<16x768xf32, #tpu.memory_space<vmem>>, vector<16xf32>,
        tpu.vector_store %arg21[%swap3A_718, %swap3A_719], %mul3A_717 {strides = array<i32>} : memref<16x768xf32, #tpu.memory_space<vmem>>, vector<16xf32>,
        %add3A_721 = arith.constant 48 : i32
        %add3A_722 = vector.broadcast %add3A_721 : i32 to vector<16xi32>
        %add3A_723 = arith.addi %iota3A, %add3A_722 : vector<16xi32>
        %gather3A_724 = tpu.vector_load_idx %arg12[%gather3A_681, %add3A_723] : memref<119x64xf32, #tpu.memory_space<vmem>>[vector<16xi32>, vector<16xi32>], vector<16xf32>,
        %get3A_725 = arith.index_cast %scan3A_74 : i32 to index
        %get3A_726 = arith.constant 688 : index
        %get3A_727 = tpu.vector_load %arg21[%get3A_725, %get3A_726] {strides = array<i32>} : memref<16x768xf32, #tpu.memory_space<vmem>>, vector<16xf32>,
        %add3A_728 = arith.addf %gather3A_117, %gather3A_724 : vector<16xf32>
        %add3A_729 = arith.addf %add3A_728, %get3A_727 : vector<16xf32>
        %mul3A_730 = arith.mulf %add3A_729, %select_n3A_101 : vector<16xf32>
        %swap3A_731 = arith.index_cast %scan3A_74 : i32 to index
        %swap3A_732 = arith.constant 688 : index
        %swap3A_733 = tpu.vector_load %arg21[%swap3A_731, %swap3A_732] {strides = array<i32>} : memref<16x768xf32, #tpu.memory_space<vmem>>, vector<16xf32>,
        tpu.vector_store %arg21[%swap3A_731, %swap3A_732], %mul3A_730 {strides = array<i32>} : memref<16x768xf32, #tpu.memory_space<vmem>>, vector<16xf32>,
        %add3A_734 = arith.constant 11 : i32
        %add3A_735 = vector.broadcast %add3A_734 : i32 to vector<16xi32>
        %add3A_736 = arith.addi %mul3A_81, %add3A_735 : vector<16xi32>
        %gather3A_737 = tpu.vector_load_idx %arg19[%broadcast_in_dim3A_75, %add3A_736] : memref<16x128xi32, #tpu.memory_space<vmem>>[vector<16xi32>, vector<16xi32>], vector<16xi32>,
        %add3A_738 = arith.constant 0 : i32
        %add3A_739 = vector.broadcast %add3A_738 : i32 to vector<16xi32>
        %add3A_740 = arith.addi %iota3A, %add3A_739 : vector<16xi32>
        %gather3A_741 = tpu.vector_load_idx %arg12[%gather3A_737, %add3A_740] : memref<119x64xf32, #tpu.memory_space<vmem>>[vector<16xi32>, vector<16xi32>], vector<16xf32>,
        %get3A_742 = arith.index_cast %scan3A_74 : i32 to index
        %get3A_743 = arith.constant 704 : index
        %get3A_744 = tpu.vector_load %arg21[%get3A_742, %get3A_743] {strides = array<i32>} : memref<16x768xf32, #tpu.memory_space<vmem>>, vector<16xf32>,
        %add3A_745 = arith.addf %gather3A_105, %gather3A_741 : vector<16xf32>
        %add3A_746 = arith.addf %add3A_745, %get3A_744 : vector<16xf32>
        %mul3A_747 = arith.mulf %add3A_746, %select_n3A_101 : vector<16xf32>
        %swap3A_748 = arith.index_cast %scan3A_74 : i32 to index
        %swap3A_749 = arith.constant 704 : index
        %swap3A_750 = tpu.vector_load %arg21[%swap3A_748, %swap3A_749] {strides = array<i32>} : memref<16x768xf32, #tpu.memory_space<vmem>>, vector<16xf32>,
        tpu.vector_store %arg21[%swap3A_748, %swap3A_749], %mul3A_747 {strides = array<i32>} : memref<16x768xf32, #tpu.memory_space<vmem>>, vector<16xf32>,
        %add3A_751 = arith.constant 16 : i32
        %add3A_752 = vector.broadcast %add3A_751 : i32 to vector<16xi32>
        %add3A_753 = arith.addi %iota3A, %add3A_752 : vector<16xi32>
        %gather3A_754 = tpu.vector_load_idx %arg12[%gather3A_737, %add3A_753] : memref<119x64xf32, #tpu.memory_space<vmem>>[vector<16xi32>, vector<16xi32>], vector<16xf32>,
        %get3A_755 = arith.index_cast %scan3A_74 : i32 to index
        %get3A_756 = arith.constant 720 : index
        %get3A_757 = tpu.vector_load %arg21[%get3A_755, %get3A_756] {strides = array<i32>} : memref<16x768xf32, #tpu.memory_space<vmem>>, vector<16xf32>,
        %add3A_758 = arith.addf %gather3A_109, %gather3A_754 : vector<16xf32>
        %add3A_759 = arith.addf %add3A_758, %get3A_757 : vector<16xf32>
        %mul3A_760 = arith.mulf %add3A_759, %select_n3A_101 : vector<16xf32>
        %swap3A_761 = arith.index_cast %scan3A_74 : i32 to index
        %swap3A_762 = arith.constant 720 : index
        %swap3A_763 = tpu.vector_load %arg21[%swap3A_761, %swap3A_762] {strides = array<i32>} : memref<16x768xf32, #tpu.memory_space<vmem>>, vector<16xf32>,
        tpu.vector_store %arg21[%swap3A_761, %swap3A_762], %mul3A_760 {strides = array<i32>} : memref<16x768xf32, #tpu.memory_space<vmem>>, vector<16xf32>,
        %add3A_764 = arith.constant 32 : i32
        %add3A_765 = vector.broadcast %add3A_764 : i32 to vector<16xi32>
        %add3A_766 = arith.addi %iota3A, %add3A_765 : vector<16xi32>
        %gather3A_767 = tpu.vector_load_idx %arg12[%gather3A_737, %add3A_766] : memref<119x64xf32, #tpu.memory_space<vmem>>[vector<16xi32>, vector<16xi32>], vector<16xf32>,
        %get3A_768 = arith.index_cast %scan3A_74 : i32 to index
        %get3A_769 = arith.constant 736 : index
        %get3A_770 = tpu.vector_load %arg21[%get3A_768, %get3A_769] {strides = array<i32>} : memref<16x768xf32, #tpu.memory_space<vmem>>, vector<16xf32>,
        %add3A_771 = arith.addf %gather3A_113, %gather3A_767 : vector<16xf32>
        %add3A_772 = arith.addf %add3A_771, %get3A_770 : vector<16xf32>
        %mul3A_773 = arith.mulf %add3A_772, %select_n3A_101 : vector<16xf32>
        %swap3A_774 = arith.index_cast %scan3A_74 : i32 to index
        %swap3A_775 = arith.constant 736 : index
        %swap3A_776 = tpu.vector_load %arg21[%swap3A_774, %swap3A_775] {strides = array<i32>} : memref<16x768xf32, #tpu.memory_space<vmem>>, vector<16xf32>,
        tpu.vector_store %arg21[%swap3A_774, %swap3A_775], %mul3A_773 {strides = array<i32>} : memref<16x768xf32, #tpu.memory_space<vmem>>, vector<16xf32>,
        %add3A_777 = arith.constant 48 : i32
        %add3A_778 = vector.broadcast %add3A_777 : i32 to vector<16xi32>
        %add3A_779 = arith.addi %iota3A, %add3A_778 : vector<16xi32>
        %gather3A_780 = tpu.vector_load_idx %arg12[%gather3A_737, %add3A_779] : memref<119x64xf32, #tpu.memory_space<vmem>>[vector<16xi32>, vector<16xi32>], vector<16xf32>,
        %get3A_781 = arith.index_cast %scan3A_74 : i32 to index
        %get3A_782 = arith.constant 752 : index
        %get3A_783 = tpu.vector_load %arg21[%get3A_781, %get3A_782] {strides = array<i32>} : memref<16x768xf32, #tpu.memory_space<vmem>>, vector<16xf32>,
        %add3A_784 = arith.addf %gather3A_117, %gather3A_780 : vector<16xf32>
        %add3A_785 = arith.addf %add3A_784, %get3A_783 : vector<16xf32>
        %mul3A_786 = arith.mulf %add3A_785, %select_n3A_101 : vector<16xf32>
        %swap3A_787 = arith.index_cast %scan3A_74 : i32 to index
        %swap3A_788 = arith.constant 752 : index
        %swap3A_789 = tpu.vector_load %arg21[%swap3A_787, %swap3A_788] {strides = array<i32>} : memref<16x768xf32, #tpu.memory_space<vmem>>, vector<16xf32>,
        tpu.vector_store %arg21[%swap3A_787, %swap3A_788], %mul3A_786 {strides = array<i32>} : memref<16x768xf32, #tpu.memory_space<vmem>>, vector<16xf32>,
      }
      %scan3A_65 = arith.constant 16 : i32
      "tpu.region"() ({
        %run_scoped3A = tpu.sem_alloc : memref<!tpu.dma_semaphore, #tpu.memory_space<semaphore_mem>>
        %dma_start3A_74 = arith.constant 0 : i32
        %dma_start3A_75 = tpu.memref_slice %arg9[%div3A_45, %mul3A_49, %dma_start3A_74] : memref<16x304x768xf32, #tpu.memory_space<hbm>> -> memref<1x16x768xf32, #tpu.memory_space<hbm>>
        %dma_start3A_76 = tpu.memref_squeeze %dma_start3A_75 : memref<1x16x768xf32, #tpu.memory_space<hbm>> -> memref<16x768xf32, #tpu.memory_space<hbm>>
        %dma_start3A_77 = arith.constant 0 : i32
        %dma_start3A_78 = tpu.memref_slice %arg9[%div3A_45, %mul3A_49, %dma_start3A_77] : memref<16x304x768xf32, #tpu.memory_space<hbm>> -> memref<1x16x768xf32, #tpu.memory_space<hbm>>
        %dma_start3A_79 = tpu.memref_squeeze %dma_start3A_78 : memref<1x16x768xf32, #tpu.memory_space<hbm>> -> memref<16x768xf32, #tpu.memory_space<hbm>>
        tpu.enqueue_dma source(%arg21 : memref<16x768xf32, #tpu.memory_space<vmem>>) target(%dma_start3A_79 : memref<16x768xf32, #tpu.memory_space<hbm>>) target_semaphore(%run_scoped3A : memref<!tpu.dma_semaphore, #tpu.memory_space<semaphore_mem>>)
        %dma_wait3A_80 = arith.constant 0 : i32
        %dma_wait3A_81 = tpu.memref_slice %arg9[%div3A_45, %mul3A_49, %dma_wait3A_80] : memref<16x304x768xf32, #tpu.memory_space<hbm>> -> memref<1x16x768xf32, #tpu.memory_space<hbm>>
        %dma_wait3A_82 = tpu.memref_squeeze %dma_wait3A_81 : memref<1x16x768xf32, #tpu.memory_space<hbm>> -> memref<16x768xf32, #tpu.memory_space<hbm>>
        %dma_wait3A_83 = arith.constant 0 : i32
        %dma_wait3A_84 = tpu.memref_slice %arg9[%div3A_45, %mul3A_49, %dma_wait3A_83] : memref<16x304x768xf32, #tpu.memory_space<hbm>> -> memref<1x16x768xf32, #tpu.memory_space<hbm>>
        %dma_wait3A_85 = tpu.memref_squeeze %dma_wait3A_84 : memref<1x16x768xf32, #tpu.memory_space<hbm>> -> memref<16x768xf32, #tpu.memory_space<hbm>>
        tpu.wait_dma2 semaphore(%run_scoped3A : memref<!tpu.dma_semaphore, #tpu.memory_space<semaphore_mem>>) src(%arg21 : memref<16x768xf32, #tpu.memory_space<vmem>>) dst(%dma_wait3A_85 : memref<16x768xf32, #tpu.memory_space<hbm>>)
        tpu.yield
      }) : () -> ()
      %lt3A_66 = arith.cmpi slt, %add3A_36, %select_n3A : i32
      %convert_element_type3A_67 = arith.extui %lt3A_66 : i1 to i32
      %cond3A_68 = arith.constant 0 : i32
      %cond3A_69 = arith.cmpi ne, %convert_element_type3A_67, %cond3A_68 : i32
      scf.if %cond3A_69 {
        %mul3A_74 = arith.constant 32 : i32
        %mul3A_75 = arith.muli %add3A_36, %mul3A_74 : i32
        %add3A_76 = arith.addi %add3A, %mul3A_75 : i32
        %div3A_77 = arith.constant 19 : i32
        %div3A_78 = arith.divsi %add3A_76, %div3A_77 : i32
        %mul3A_79 = arith.constant 2048 : i32
        %mul3A_80 = arith.muli %div3A_78, %mul3A_79 : i32
        %mul3A_81 = arith.constant 16 : i32
        %mul3A_82 = arith.muli %add3A_36, %mul3A_81 : i32
        %get3A_83 = arith.index_cast %mul3A_82 : i32 to index
        %get3A_84 = tpu.vector_load %arg14[%get3A_83] {strides = array<i32>} : memref<160xi32, #tpu.memory_space<vmem>>, vector<16xi32>,
        %add3A_85 = vector.broadcast %mul3A_80 : i32 to vector<16xi32>
        %add3A_86 = arith.addi %add3A_85, %get3A_84 : vector<16xi32>
        %gather3A_87 = tpu.vector_load_idx %arg10[%add3A_86] : memref<32768xi32, #tpu.memory_space<vmem>>[vector<16xi32>], vector<16xi32>,
        %swap3A_88 = arith.constant 0 : index
        %swap3A_89 = tpu.vector_load %arg15[%swap3A_88] {strides = array<i32>} : memref<16xi32, #tpu.memory_space<vmem>>, vector<16xi32>,
        tpu.vector_store %arg15[%swap3A_88], %gather3A_87 {strides = array<i32>} : memref<16xi32, #tpu.memory_space<vmem>>, vector<16xi32>,
        %shift_right_logical3A_90 = arith.constant 3 : i32
        %shift_right_logical3A_91 = vector.broadcast %shift_right_logical3A_90 : i32 to vector<16xi32>
        %shift_right_logical3A_92 = arith.shrui %gather3A_87, %shift_right_logical3A_91 : vector<16xi32>
        %swap3A_93 = arith.constant 0 : index
        %swap3A_94 = tpu.vector_load %arg16[%swap3A_93] {strides = array<i32>} : memref<16xi32, #tpu.memory_space<vmem>>, vector<16xi32>,
        tpu.vector_store %arg16[%swap3A_93], %shift_right_logical3A_92 {strides = array<i32>} : memref<16xi32, #tpu.memory_space<vmem>>, vector<16xi32>,
        %dma_start3A_95 = arith.constant 0 : i32
        %dma_start3A_96 = arith.constant 0 : i32
        %dma_start3A_97 = tpu.memref_slice %arg4[%dma_start3A_95, %dma_start3A_96] : memref<32768x768xf32, #tpu.memory_space<hbm>> -> memref<32768x768xf32, #tpu.memory_space<hbm>>
        tpu.enqueue_indirect_dma source(%dma_start3A_97 : memref<32768x768xf32, #tpu.memory_space<hbm>>) target(%arg21 : memref<16x768xf32, #tpu.memory_space<vmem>>) offsets(%arg15 : memref<16xi32, #tpu.memory_space<vmem>>) semaphore(%arg23 : memref<!tpu.dma_semaphore, #tpu.memory_space<semaphore_mem>>)
        %dma_start3A_98 = arith.constant 0 : i32
        %dma_start3A_99 = arith.constant 0 : i32
        %dma_start3A_100 = tpu.memref_slice %arg3[%dma_start3A_98, %dma_start3A_99] : memref<4096x128xi32, #tpu.memory_space<hbm>> -> memref<4096x128xi32, #tpu.memory_space<hbm>>
        tpu.enqueue_indirect_dma source(%dma_start3A_100 : memref<4096x128xi32, #tpu.memory_space<hbm>>) target(%arg19 : memref<16x128xi32, #tpu.memory_space<vmem>>) offsets(%arg16 : memref<16xi32, #tpu.memory_space<vmem>>) semaphore(%arg24 : memref<!tpu.dma_semaphore, #tpu.memory_space<semaphore_mem>>)
      } else {
      }
      %lt3A_70 = arith.cmpi slt, %add3A_32, %select_n3A : i32
      %convert_element_type3A_71 = arith.extui %lt3A_70 : i1 to i32
      %cond3A_72 = arith.constant 0 : i32
      %cond3A_73 = arith.cmpi ne, %convert_element_type3A_71, %cond3A_72 : i32
      scf.if %cond3A_73 {
        %mul3A_74 = arith.constant 32 : i32
        %mul3A_75 = arith.muli %add3A_32, %mul3A_74 : i32
        %add3A_76 = arith.addi %add3A, %mul3A_75 : i32
        %div3A_77 = arith.constant 19 : i32
        %div3A_78 = arith.divsi %add3A_76, %div3A_77 : i32
        %mul3A_79 = arith.constant 19 : i32
        %mul3A_80 = arith.muli %div3A_78, %mul3A_79 : i32
        %sub3A_81 = arith.subi %add3A_76, %mul3A_80 : i32
        %mul3A_82 = arith.constant 16 : i32
        %mul3A_83 = arith.muli %sub3A_81, %mul3A_82 : i32
        %broadcast_in_dim3A_84 = vector.broadcast %div3A_78 : i32 to vector<16xi32>
        %gather3A_85 = tpu.vector_load_idx %arg13[%broadcast_in_dim3A_84] : memref<32xi32, #tpu.memory_space<vmem>>[vector<16xi32>], vector<16xi32>,
        %add3A_86 = arith.constant 16 : i32
        %add3A_87 = vector.broadcast %add3A_86 : i32 to vector<16xi32>
        %add3A_88 = arith.addi %broadcast_in_dim3A_84, %add3A_87 : vector<16xi32>
        %gather3A_89 = tpu.vector_load_idx %arg13[%add3A_88] : memref<32xi32, #tpu.memory_space<vmem>>[vector<16xi32>], vector<16xi32>,
        %dma_wait3A_90 = arith.constant 0 : i32
        %dma_wait3A_91 = arith.constant 0 : i32
        %dma_wait3A_92 = tpu.memref_slice %arg4[%dma_wait3A_90, %dma_wait3A_91] : memref<32768x768xf32, #tpu.memory_space<hbm>> -> memref<32768x768xf32, #tpu.memory_space<hbm>>
        tpu.wait_indirect_dma semaphore(%arg25 : memref<!tpu.dma_semaphore, #tpu.memory_space<semaphore_mem>>) src(%dma_wait3A_92 : memref<32768x768xf32, #tpu.memory_space<hbm>>) dst(%arg22 : memref<16x768xf32, #tpu.memory_space<vmem>>)
        %dma_wait3A_93 = arith.constant 0 : i32
        %dma_wait3A_94 = arith.constant 0 : i32
        %dma_wait3A_95 = tpu.memref_slice %arg3[%dma_wait3A_93, %dma_wait3A_94] : memref<4096x128xi32, #tpu.memory_space<hbm>> -> memref<4096x128xi32, #tpu.memory_space<hbm>>
        tpu.wait_indirect_dma semaphore(%arg26 : memref<!tpu.dma_semaphore, #tpu.memory_space<semaphore_mem>>) src(%dma_wait3A_95 : memref<4096x128xi32, #tpu.memory_space<hbm>>) dst(%arg20 : memref<16x128xi32, #tpu.memory_space<vmem>>)
        %scan3A_96 = arith.constant 0 : i32
        %scan3A_97 = arith.constant 0 : i32
        %scan3A_98 = arith.constant 16 : i32
        %scan3A_99 = arith.addi %scan3A_97, %scan3A_98 : i32
        %scan3A_100 = arith.constant 1 : i32
        scf.for %scan3A_102 = %scan3A_97 to %scan3A_99 step %scan3A_100  : i32 {
          %broadcast_in_dim3A_103 = vector.broadcast %scan3A_102 : i32 to vector<16xi32>
          %gather3A_104 = tpu.vector_load_idx %arg17[%broadcast_in_dim3A_103] : memref<16xi32, #tpu.memory_space<vmem>>[vector<16xi32>], vector<16xi32>,
          %and3A = arith.constant 7 : i32
          %and3A_105 = vector.broadcast %and3A : i32 to vector<16xi32>
          %and3A_106 = arith.andi %gather3A_104, %and3A_105 : vector<16xi32>
          %mul3A_107 = arith.constant 16 : i32
          %mul3A_108 = vector.broadcast %mul3A_107 : i32 to vector<16xi32>
          %mul3A_109 = arith.muli %and3A_106, %mul3A_108 : vector<16xi32>
          %add3A_110 = arith.constant 12 : i32
          %add3A_111 = vector.broadcast %add3A_110 : i32 to vector<16xi32>
          %add3A_112 = arith.addi %mul3A_109, %add3A_111 : vector<16xi32>
          %gather3A_113 = tpu.vector_load_idx %arg20[%broadcast_in_dim3A_103, %add3A_112] : memref<16x128xi32, #tpu.memory_space<vmem>>[vector<16xi32>, vector<16xi32>], vector<16xi32>,
          %add3A_114 = arith.addi %mul3A_83, %scan3A_102 : i32
          %broadcast_in_dim3A_115 = vector.broadcast %add3A_114 : i32 to vector<16xi32>
          %lt3A_116 = arith.constant 180 : i32
          %lt3A_117 = vector.broadcast %lt3A_116 : i32 to vector<16xi32>
          %lt3A_118 = arith.cmpi slt, %broadcast_in_dim3A_115, %lt3A_117 : vector<16xi32>
          %lt3A_119 = arith.cmpi slt, %broadcast_in_dim3A_115, %gather3A_85 : vector<16xi32>
          %sub3A_120 = arith.constant 180 : i32
          %sub3A_121 = vector.broadcast %sub3A_120 : i32 to vector<16xi32>
          %sub3A_122 = arith.subi %broadcast_in_dim3A_115, %sub3A_121 : vector<16xi32>
          %lt3A_123 = arith.cmpi slt, %sub3A_122, %gather3A_89 : vector<16xi32>
          %select_n3A_124 = arith.select %lt3A_118, %lt3A_119, %lt3A_123 : vector<16xi1>, vector<16xi1>
          %broadcast_in_dim3A_125 = arith.constant 1.000000e+00 : f32
          %broadcast_in_dim3A_126 = vector.broadcast %broadcast_in_dim3A_125 : f32 to vector<16xf32>
          %broadcast_in_dim3A_127 = arith.constant 0.000000e+00 : f32
          %broadcast_in_dim3A_128 = vector.broadcast %broadcast_in_dim3A_127 : f32 to vector<16xf32>
          %select_n3A_129 = arith.select %select_n3A_124, %broadcast_in_dim3A_126, %broadcast_in_dim3A_128 : vector<16xi1>, vector<16xf32>
          %add3A_130 = arith.constant 0 : i32
          %add3A_131 = vector.broadcast %add3A_130 : i32 to vector<16xi32>
          %add3A_132 = arith.addi %iota3A, %add3A_131 : vector<16xi32>
          %gather3A_133 = tpu.vector_load_idx %arg11[%gather3A_113, %add3A_132] : memref<119x64xf32, #tpu.memory_space<vmem>>[vector<16xi32>, vector<16xi32>], vector<16xf32>,
          %add3A_134 = arith.constant 16 : i32
          %add3A_135 = vector.broadcast %add3A_134 : i32 to vector<16xi32>
          %add3A_136 = arith.addi %iota3A, %add3A_135 : vector<16xi32>
          %gather3A_137 = tpu.vector_load_idx %arg11[%gather3A_113, %add3A_136] : memref<119x64xf32, #tpu.memory_space<vmem>>[vector<16xi32>, vector<16xi32>], vector<16xf32>,
          %add3A_138 = arith.constant 32 : i32
          %add3A_139 = vector.broadcast %add3A_138 : i32 to vector<16xi32>
          %add3A_140 = arith.addi %iota3A, %add3A_139 : vector<16xi32>
          %gather3A_141 = tpu.vector_load_idx %arg11[%gather3A_113, %add3A_140] : memref<119x64xf32, #tpu.memory_space<vmem>>[vector<16xi32>, vector<16xi32>], vector<16xf32>,
          %add3A_142 = arith.constant 48 : i32
          %add3A_143 = vector.broadcast %add3A_142 : i32 to vector<16xi32>
          %add3A_144 = arith.addi %iota3A, %add3A_143 : vector<16xi32>
          %gather3A_145 = tpu.vector_load_idx %arg11[%gather3A_113, %add3A_144] : memref<119x64xf32, #tpu.memory_space<vmem>>[vector<16xi32>, vector<16xi32>], vector<16xf32>,
          %add3A_146 = arith.constant 0 : i32
          %add3A_147 = vector.broadcast %add3A_146 : i32 to vector<16xi32>
          %add3A_148 = arith.addi %mul3A_109, %add3A_147 : vector<16xi32>
          %gather3A_149 = tpu.vector_load_idx %arg20[%broadcast_in_dim3A_103, %add3A_148] : memref<16x128xi32, #tpu.memory_space<vmem>>[vector<16xi32>, vector<16xi32>], vector<16xi32>,
          %add3A_150 = arith.constant 0 : i32
          %add3A_151 = vector.broadcast %add3A_150 : i32 to vector<16xi32>
          %add3A_152 = arith.addi %iota3A, %add3A_151 : vector<16xi32>
          %gather3A_153 = tpu.vector_load_idx %arg12[%gather3A_149, %add3A_152] : memref<119x64xf32, #tpu.memory_space<vmem>>[vector<16xi32>, vector<16xi32>], vector<16xf32>,
          %get3A_154 = arith.index_cast %scan3A_102 : i32 to index
          %get3A_155 = arith.constant 0 : index
          %get3A_156 = tpu.vector_load %arg22[%get3A_154, %get3A_155] {strides = array<i32>} : memref<16x768xf32, #tpu.memory_space<vmem>>, vector<16xf32>,
          %add3A_157 = arith.addf %gather3A_133, %gather3A_153 : vector<16xf32>
          %add3A_158 = arith.addf %add3A_157, %get3A_156 : vector<16xf32>
          %mul3A_159 = arith.mulf %add3A_158, %select_n3A_129 : vector<16xf32>
          %swap3A_160 = arith.index_cast %scan3A_102 : i32 to index
          %swap3A_161 = arith.constant 0 : index
          %swap3A_162 = tpu.vector_load %arg22[%swap3A_160, %swap3A_161] {strides = array<i32>} : memref<16x768xf32, #tpu.memory_space<vmem>>, vector<16xf32>,
          tpu.vector_store %arg22[%swap3A_160, %swap3A_161], %mul3A_159 {strides = array<i32>} : memref<16x768xf32, #tpu.memory_space<vmem>>, vector<16xf32>,
          %add3A_163 = arith.constant 16 : i32
          %add3A_164 = vector.broadcast %add3A_163 : i32 to vector<16xi32>
          %add3A_165 = arith.addi %iota3A, %add3A_164 : vector<16xi32>
          %gather3A_166 = tpu.vector_load_idx %arg12[%gather3A_149, %add3A_165] : memref<119x64xf32, #tpu.memory_space<vmem>>[vector<16xi32>, vector<16xi32>], vector<16xf32>,
          %get3A_167 = arith.index_cast %scan3A_102 : i32 to index
          %get3A_168 = arith.constant 16 : index
          %get3A_169 = tpu.vector_load %arg22[%get3A_167, %get3A_168] {strides = array<i32>} : memref<16x768xf32, #tpu.memory_space<vmem>>, vector<16xf32>,
          %add3A_170 = arith.addf %gather3A_137, %gather3A_166 : vector<16xf32>
          %add3A_171 = arith.addf %add3A_170, %get3A_169 : vector<16xf32>
          %mul3A_172 = arith.mulf %add3A_171, %select_n3A_129 : vector<16xf32>
          %swap3A_173 = arith.index_cast %scan3A_102 : i32 to index
          %swap3A_174 = arith.constant 16 : index
          %swap3A_175 = tpu.vector_load %arg22[%swap3A_173, %swap3A_174] {strides = array<i32>} : memref<16x768xf32, #tpu.memory_space<vmem>>, vector<16xf32>,
          tpu.vector_store %arg22[%swap3A_173, %swap3A_174], %mul3A_172 {strides = array<i32>} : memref<16x768xf32, #tpu.memory_space<vmem>>, vector<16xf32>,
          %add3A_176 = arith.constant 32 : i32
          %add3A_177 = vector.broadcast %add3A_176 : i32 to vector<16xi32>
          %add3A_178 = arith.addi %iota3A, %add3A_177 : vector<16xi32>
          %gather3A_179 = tpu.vector_load_idx %arg12[%gather3A_149, %add3A_178] : memref<119x64xf32, #tpu.memory_space<vmem>>[vector<16xi32>, vector<16xi32>], vector<16xf32>,
          %get3A_180 = arith.index_cast %scan3A_102 : i32 to index
          %get3A_181 = arith.constant 32 : index
          %get3A_182 = tpu.vector_load %arg22[%get3A_180, %get3A_181] {strides = array<i32>} : memref<16x768xf32, #tpu.memory_space<vmem>>, vector<16xf32>,
          %add3A_183 = arith.addf %gather3A_141, %gather3A_179 : vector<16xf32>
          %add3A_184 = arith.addf %add3A_183, %get3A_182 : vector<16xf32>
          %mul3A_185 = arith.mulf %add3A_184, %select_n3A_129 : vector<16xf32>
          %swap3A_186 = arith.index_cast %scan3A_102 : i32 to index
          %swap3A_187 = arith.constant 32 : index
          %swap3A_188 = tpu.vector_load %arg22[%swap3A_186, %swap3A_187] {strides = array<i32>} : memref<16x768xf32, #tpu.memory_space<vmem>>, vector<16xf32>,
          tpu.vector_store %arg22[%swap3A_186, %swap3A_187], %mul3A_185 {strides = array<i32>} : memref<16x768xf32, #tpu.memory_space<vmem>>, vector<16xf32>,
          %add3A_189 = arith.constant 48 : i32
          %add3A_190 = vector.broadcast %add3A_189 : i32 to vector<16xi32>
          %add3A_191 = arith.addi %iota3A, %add3A_190 : vector<16xi32>
          %gather3A_192 = tpu.vector_load_idx %arg12[%gather3A_149, %add3A_191] : memref<119x64xf32, #tpu.memory_space<vmem>>[vector<16xi32>, vector<16xi32>], vector<16xf32>,
          %get3A_193 = arith.index_cast %scan3A_102 : i32 to index
          %get3A_194 = arith.constant 48 : index
          %get3A_195 = tpu.vector_load %arg22[%get3A_193, %get3A_194] {strides = array<i32>} : memref<16x768xf32, #tpu.memory_space<vmem>>, vector<16xf32>,
          %add3A_196 = arith.addf %gather3A_145, %gather3A_192 : vector<16xf32>
          %add3A_197 = arith.addf %add3A_196, %get3A_195 : vector<16xf32>
          %mul3A_198 = arith.mulf %add3A_197, %select_n3A_129 : vector<16xf32>
          %swap3A_199 = arith.index_cast %scan3A_102 : i32 to index
          %swap3A_200 = arith.constant 48 : index
          %swap3A_201 = tpu.vector_load %arg22[%swap3A_199, %swap3A_200] {strides = array<i32>} : memref<16x768xf32, #tpu.memory_space<vmem>>, vector<16xf32>,
          tpu.vector_store %arg22[%swap3A_199, %swap3A_200], %mul3A_198 {strides = array<i32>} : memref<16x768xf32, #tpu.memory_space<vmem>>, vector<16xf32>,
          %add3A_202 = arith.constant 1 : i32
          %add3A_203 = vector.broadcast %add3A_202 : i32 to vector<16xi32>
          %add3A_204 = arith.addi %mul3A_109, %add3A_203 : vector<16xi32>
          %gather3A_205 = tpu.vector_load_idx %arg20[%broadcast_in_dim3A_103, %add3A_204] : memref<16x128xi32, #tpu.memory_space<vmem>>[vector<16xi32>, vector<16xi32>], vector<16xi32>,
          %add3A_206 = arith.constant 0 : i32
          %add3A_207 = vector.broadcast %add3A_206 : i32 to vector<16xi32>
          %add3A_208 = arith.addi %iota3A, %add3A_207 : vector<16xi32>
          %gather3A_209 = tpu.vector_load_idx %arg12[%gather3A_205, %add3A_208] : memref<119x64xf32, #tpu.memory_space<vmem>>[vector<16xi32>, vector<16xi32>], vector<16xf32>,
          %get3A_210 = arith.index_cast %scan3A_102 : i32 to index
          %get3A_211 = arith.constant 64 : index
          %get3A_212 = tpu.vector_load %arg22[%get3A_210, %get3A_211] {strides = array<i32>} : memref<16x768xf32, #tpu.memory_space<vmem>>, vector<16xf32>,
          %add3A_213 = arith.addf %gather3A_133, %gather3A_209 : vector<16xf32>
          %add3A_214 = arith.addf %add3A_213, %get3A_212 : vector<16xf32>
          %mul3A_215 = arith.mulf %add3A_214, %select_n3A_129 : vector<16xf32>
          %swap3A_216 = arith.index_cast %scan3A_102 : i32 to index
          %swap3A_217 = arith.constant 64 : index
          %swap3A_218 = tpu.vector_load %arg22[%swap3A_216, %swap3A_217] {strides = array<i32>} : memref<16x768xf32, #tpu.memory_space<vmem>>, vector<16xf32>,
          tpu.vector_store %arg22[%swap3A_216, %swap3A_217], %mul3A_215 {strides = array<i32>} : memref<16x768xf32, #tpu.memory_space<vmem>>, vector<16xf32>,
          %add3A_219 = arith.constant 16 : i32
          %add3A_220 = vector.broadcast %add3A_219 : i32 to vector<16xi32>
          %add3A_221 = arith.addi %iota3A, %add3A_220 : vector<16xi32>
          %gather3A_222 = tpu.vector_load_idx %arg12[%gather3A_205, %add3A_221] : memref<119x64xf32, #tpu.memory_space<vmem>>[vector<16xi32>, vector<16xi32>], vector<16xf32>,
          %get3A_223 = arith.index_cast %scan3A_102 : i32 to index
          %get3A_224 = arith.constant 80 : index
          %get3A_225 = tpu.vector_load %arg22[%get3A_223, %get3A_224] {strides = array<i32>} : memref<16x768xf32, #tpu.memory_space<vmem>>, vector<16xf32>,
          %add3A_226 = arith.addf %gather3A_137, %gather3A_222 : vector<16xf32>
          %add3A_227 = arith.addf %add3A_226, %get3A_225 : vector<16xf32>
          %mul3A_228 = arith.mulf %add3A_227, %select_n3A_129 : vector<16xf32>
          %swap3A_229 = arith.index_cast %scan3A_102 : i32 to index
          %swap3A_230 = arith.constant 80 : index
          %swap3A_231 = tpu.vector_load %arg22[%swap3A_229, %swap3A_230] {strides = array<i32>} : memref<16x768xf32, #tpu.memory_space<vmem>>, vector<16xf32>,
          tpu.vector_store %arg22[%swap3A_229, %swap3A_230], %mul3A_228 {strides = array<i32>} : memref<16x768xf32, #tpu.memory_space<vmem>>, vector<16xf32>,
          %add3A_232 = arith.constant 32 : i32
          %add3A_233 = vector.broadcast %add3A_232 : i32 to vector<16xi32>
          %add3A_234 = arith.addi %iota3A, %add3A_233 : vector<16xi32>
          %gather3A_235 = tpu.vector_load_idx %arg12[%gather3A_205, %add3A_234] : memref<119x64xf32, #tpu.memory_space<vmem>>[vector<16xi32>, vector<16xi32>], vector<16xf32>,
          %get3A_236 = arith.index_cast %scan3A_102 : i32 to index
          %get3A_237 = arith.constant 96 : index
          %get3A_238 = tpu.vector_load %arg22[%get3A_236, %get3A_237] {strides = array<i32>} : memref<16x768xf32, #tpu.memory_space<vmem>>, vector<16xf32>,
          %add3A_239 = arith.addf %gather3A_141, %gather3A_235 : vector<16xf32>
          %add3A_240 = arith.addf %add3A_239, %get3A_238 : vector<16xf32>
          %mul3A_241 = arith.mulf %add3A_240, %select_n3A_129 : vector<16xf32>
          %swap3A_242 = arith.index_cast %scan3A_102 : i32 to index
          %swap3A_243 = arith.constant 96 : index
          %swap3A_244 = tpu.vector_load %arg22[%swap3A_242, %swap3A_243] {strides = array<i32>} : memref<16x768xf32, #tpu.memory_space<vmem>>, vector<16xf32>,
          tpu.vector_store %arg22[%swap3A_242, %swap3A_243], %mul3A_241 {strides = array<i32>} : memref<16x768xf32, #tpu.memory_space<vmem>>, vector<16xf32>,
          %add3A_245 = arith.constant 48 : i32
          %add3A_246 = vector.broadcast %add3A_245 : i32 to vector<16xi32>
          %add3A_247 = arith.addi %iota3A, %add3A_246 : vector<16xi32>
          %gather3A_248 = tpu.vector_load_idx %arg12[%gather3A_205, %add3A_247] : memref<119x64xf32, #tpu.memory_space<vmem>>[vector<16xi32>, vector<16xi32>], vector<16xf32>,
          %get3A_249 = arith.index_cast %scan3A_102 : i32 to index
          %get3A_250 = arith.constant 112 : index
          %get3A_251 = tpu.vector_load %arg22[%get3A_249, %get3A_250] {strides = array<i32>} : memref<16x768xf32, #tpu.memory_space<vmem>>, vector<16xf32>,
          %add3A_252 = arith.addf %gather3A_145, %gather3A_248 : vector<16xf32>
          %add3A_253 = arith.addf %add3A_252, %get3A_251 : vector<16xf32>
          %mul3A_254 = arith.mulf %add3A_253, %select_n3A_129 : vector<16xf32>
          %swap3A_255 = arith.index_cast %scan3A_102 : i32 to index
          %swap3A_256 = arith.constant 112 : index
          %swap3A_257 = tpu.vector_load %arg22[%swap3A_255, %swap3A_256] {strides = array<i32>} : memref<16x768xf32, #tpu.memory_space<vmem>>, vector<16xf32>,
          tpu.vector_store %arg22[%swap3A_255, %swap3A_256], %mul3A_254 {strides = array<i32>} : memref<16x768xf32, #tpu.memory_space<vmem>>, vector<16xf32>,
          %add3A_258 = arith.constant 2 : i32
          %add3A_259 = vector.broadcast %add3A_258 : i32 to vector<16xi32>
          %add3A_260 = arith.addi %mul3A_109, %add3A_259 : vector<16xi32>
          %gather3A_261 = tpu.vector_load_idx %arg20[%broadcast_in_dim3A_103, %add3A_260] : memref<16x128xi32, #tpu.memory_space<vmem>>[vector<16xi32>, vector<16xi32>], vector<16xi32>,
          %add3A_262 = arith.constant 0 : i32
          %add3A_263 = vector.broadcast %add3A_262 : i32 to vector<16xi32>
          %add3A_264 = arith.addi %iota3A, %add3A_263 : vector<16xi32>
          %gather3A_265 = tpu.vector_load_idx %arg12[%gather3A_261, %add3A_264] : memref<119x64xf32, #tpu.memory_space<vmem>>[vector<16xi32>, vector<16xi32>], vector<16xf32>,
          %get3A_266 = arith.index_cast %scan3A_102 : i32 to index
          %get3A_267 = arith.constant 128 : index
          %get3A_268 = tpu.vector_load %arg22[%get3A_266, %get3A_267] {strides = array<i32>} : memref<16x768xf32, #tpu.memory_space<vmem>>, vector<16xf32>,
          %add3A_269 = arith.addf %gather3A_133, %gather3A_265 : vector<16xf32>
          %add3A_270 = arith.addf %add3A_269, %get3A_268 : vector<16xf32>
          %mul3A_271 = arith.mulf %add3A_270, %select_n3A_129 : vector<16xf32>
          %swap3A_272 = arith.index_cast %scan3A_102 : i32 to index
          %swap3A_273 = arith.constant 128 : index
          %swap3A_274 = tpu.vector_load %arg22[%swap3A_272, %swap3A_273] {strides = array<i32>} : memref<16x768xf32, #tpu.memory_space<vmem>>, vector<16xf32>,
          tpu.vector_store %arg22[%swap3A_272, %swap3A_273], %mul3A_271 {strides = array<i32>} : memref<16x768xf32, #tpu.memory_space<vmem>>, vector<16xf32>,
          %add3A_275 = arith.constant 16 : i32
          %add3A_276 = vector.broadcast %add3A_275 : i32 to vector<16xi32>
          %add3A_277 = arith.addi %iota3A, %add3A_276 : vector<16xi32>
          %gather3A_278 = tpu.vector_load_idx %arg12[%gather3A_261, %add3A_277] : memref<119x64xf32, #tpu.memory_space<vmem>>[vector<16xi32>, vector<16xi32>], vector<16xf32>,
          %get3A_279 = arith.index_cast %scan3A_102 : i32 to index
          %get3A_280 = arith.constant 144 : index
          %get3A_281 = tpu.vector_load %arg22[%get3A_279, %get3A_280] {strides = array<i32>} : memref<16x768xf32, #tpu.memory_space<vmem>>, vector<16xf32>,
          %add3A_282 = arith.addf %gather3A_137, %gather3A_278 : vector<16xf32>
          %add3A_283 = arith.addf %add3A_282, %get3A_281 : vector<16xf32>
          %mul3A_284 = arith.mulf %add3A_283, %select_n3A_129 : vector<16xf32>
          %swap3A_285 = arith.index_cast %scan3A_102 : i32 to index
          %swap3A_286 = arith.constant 144 : index
          %swap3A_287 = tpu.vector_load %arg22[%swap3A_285, %swap3A_286] {strides = array<i32>} : memref<16x768xf32, #tpu.memory_space<vmem>>, vector<16xf32>,
          tpu.vector_store %arg22[%swap3A_285, %swap3A_286], %mul3A_284 {strides = array<i32>} : memref<16x768xf32, #tpu.memory_space<vmem>>, vector<16xf32>,
          %add3A_288 = arith.constant 32 : i32
          %add3A_289 = vector.broadcast %add3A_288 : i32 to vector<16xi32>
          %add3A_290 = arith.addi %iota3A, %add3A_289 : vector<16xi32>
          %gather3A_291 = tpu.vector_load_idx %arg12[%gather3A_261, %add3A_290] : memref<119x64xf32, #tpu.memory_space<vmem>>[vector<16xi32>, vector<16xi32>], vector<16xf32>,
          %get3A_292 = arith.index_cast %scan3A_102 : i32 to index
          %get3A_293 = arith.constant 160 : index
          %get3A_294 = tpu.vector_load %arg22[%get3A_292, %get3A_293] {strides = array<i32>} : memref<16x768xf32, #tpu.memory_space<vmem>>, vector<16xf32>,
          %add3A_295 = arith.addf %gather3A_141, %gather3A_291 : vector<16xf32>
          %add3A_296 = arith.addf %add3A_295, %get3A_294 : vector<16xf32>
          %mul3A_297 = arith.mulf %add3A_296, %select_n3A_129 : vector<16xf32>
          %swap3A_298 = arith.index_cast %scan3A_102 : i32 to index
          %swap3A_299 = arith.constant 160 : index
          %swap3A_300 = tpu.vector_load %arg22[%swap3A_298, %swap3A_299] {strides = array<i32>} : memref<16x768xf32, #tpu.memory_space<vmem>>, vector<16xf32>,
          tpu.vector_store %arg22[%swap3A_298, %swap3A_299], %mul3A_297 {strides = array<i32>} : memref<16x768xf32, #tpu.memory_space<vmem>>, vector<16xf32>,
          %add3A_301 = arith.constant 48 : i32
          %add3A_302 = vector.broadcast %add3A_301 : i32 to vector<16xi32>
          %add3A_303 = arith.addi %iota3A, %add3A_302 : vector<16xi32>
          %gather3A_304 = tpu.vector_load_idx %arg12[%gather3A_261, %add3A_303] : memref<119x64xf32, #tpu.memory_space<vmem>>[vector<16xi32>, vector<16xi32>], vector<16xf32>,
          %get3A_305 = arith.index_cast %scan3A_102 : i32 to index
          %get3A_306 = arith.constant 176 : index
          %get3A_307 = tpu.vector_load %arg22[%get3A_305, %get3A_306] {strides = array<i32>} : memref<16x768xf32, #tpu.memory_space<vmem>>, vector<16xf32>,
          %add3A_308 = arith.addf %gather3A_145, %gather3A_304 : vector<16xf32>
          %add3A_309 = arith.addf %add3A_308, %get3A_307 : vector<16xf32>
          %mul3A_310 = arith.mulf %add3A_309, %select_n3A_129 : vector<16xf32>
          %swap3A_311 = arith.index_cast %scan3A_102 : i32 to index
          %swap3A_312 = arith.constant 176 : index
          %swap3A_313 = tpu.vector_load %arg22[%swap3A_311, %swap3A_312] {strides = array<i32>} : memref<16x768xf32, #tpu.memory_space<vmem>>, vector<16xf32>,
          tpu.vector_store %arg22[%swap3A_311, %swap3A_312], %mul3A_310 {strides = array<i32>} : memref<16x768xf32, #tpu.memory_space<vmem>>, vector<16xf32>,
          %add3A_314 = arith.constant 3 : i32
          %add3A_315 = vector.broadcast %add3A_314 : i32 to vector<16xi32>
          %add3A_316 = arith.addi %mul3A_109, %add3A_315 : vector<16xi32>
          %gather3A_317 = tpu.vector_load_idx %arg20[%broadcast_in_dim3A_103, %add3A_316] : memref<16x128xi32, #tpu.memory_space<vmem>>[vector<16xi32>, vector<16xi32>], vector<16xi32>,
          %add3A_318 = arith.constant 0 : i32
          %add3A_319 = vector.broadcast %add3A_318 : i32 to vector<16xi32>
          %add3A_320 = arith.addi %iota3A, %add3A_319 : vector<16xi32>
          %gather3A_321 = tpu.vector_load_idx %arg12[%gather3A_317, %add3A_320] : memref<119x64xf32, #tpu.memory_space<vmem>>[vector<16xi32>, vector<16xi32>], vector<16xf32>,
          %get3A_322 = arith.index_cast %scan3A_102 : i32 to index
          %get3A_323 = arith.constant 192 : index
          %get3A_324 = tpu.vector_load %arg22[%get3A_322, %get3A_323] {strides = array<i32>} : memref<16x768xf32, #tpu.memory_space<vmem>>, vector<16xf32>,
          %add3A_325 = arith.addf %gather3A_133, %gather3A_321 : vector<16xf32>
          %add3A_326 = arith.addf %add3A_325, %get3A_324 : vector<16xf32>
          %mul3A_327 = arith.mulf %add3A_326, %select_n3A_129 : vector<16xf32>
          %swap3A_328 = arith.index_cast %scan3A_102 : i32 to index
          %swap3A_329 = arith.constant 192 : index
          %swap3A_330 = tpu.vector_load %arg22[%swap3A_328, %swap3A_329] {strides = array<i32>} : memref<16x768xf32, #tpu.memory_space<vmem>>, vector<16xf32>,
          tpu.vector_store %arg22[%swap3A_328, %swap3A_329], %mul3A_327 {strides = array<i32>} : memref<16x768xf32, #tpu.memory_space<vmem>>, vector<16xf32>,
          %add3A_331 = arith.constant 16 : i32
          %add3A_332 = vector.broadcast %add3A_331 : i32 to vector<16xi32>
          %add3A_333 = arith.addi %iota3A, %add3A_332 : vector<16xi32>
          %gather3A_334 = tpu.vector_load_idx %arg12[%gather3A_317, %add3A_333] : memref<119x64xf32, #tpu.memory_space<vmem>>[vector<16xi32>, vector<16xi32>], vector<16xf32>,
          %get3A_335 = arith.index_cast %scan3A_102 : i32 to index
          %get3A_336 = arith.constant 208 : index
          %get3A_337 = tpu.vector_load %arg22[%get3A_335, %get3A_336] {strides = array<i32>} : memref<16x768xf32, #tpu.memory_space<vmem>>, vector<16xf32>,
          %add3A_338 = arith.addf %gather3A_137, %gather3A_334 : vector<16xf32>
          %add3A_339 = arith.addf %add3A_338, %get3A_337 : vector<16xf32>
          %mul3A_340 = arith.mulf %add3A_339, %select_n3A_129 : vector<16xf32>
          %swap3A_341 = arith.index_cast %scan3A_102 : i32 to index
          %swap3A_342 = arith.constant 208 : index
          %swap3A_343 = tpu.vector_load %arg22[%swap3A_341, %swap3A_342] {strides = array<i32>} : memref<16x768xf32, #tpu.memory_space<vmem>>, vector<16xf32>,
          tpu.vector_store %arg22[%swap3A_341, %swap3A_342], %mul3A_340 {strides = array<i32>} : memref<16x768xf32, #tpu.memory_space<vmem>>, vector<16xf32>,
          %add3A_344 = arith.constant 32 : i32
          %add3A_345 = vector.broadcast %add3A_344 : i32 to vector<16xi32>
          %add3A_346 = arith.addi %iota3A, %add3A_345 : vector<16xi32>
          %gather3A_347 = tpu.vector_load_idx %arg12[%gather3A_317, %add3A_346] : memref<119x64xf32, #tpu.memory_space<vmem>>[vector<16xi32>, vector<16xi32>], vector<16xf32>,
          %get3A_348 = arith.index_cast %scan3A_102 : i32 to index
          %get3A_349 = arith.constant 224 : index
          %get3A_350 = tpu.vector_load %arg22[%get3A_348, %get3A_349] {strides = array<i32>} : memref<16x768xf32, #tpu.memory_space<vmem>>, vector<16xf32>,
          %add3A_351 = arith.addf %gather3A_141, %gather3A_347 : vector<16xf32>
          %add3A_352 = arith.addf %add3A_351, %get3A_350 : vector<16xf32>
          %mul3A_353 = arith.mulf %add3A_352, %select_n3A_129 : vector<16xf32>
          %swap3A_354 = arith.index_cast %scan3A_102 : i32 to index
          %swap3A_355 = arith.constant 224 : index
          %swap3A_356 = tpu.vector_load %arg22[%swap3A_354, %swap3A_355] {strides = array<i32>} : memref<16x768xf32, #tpu.memory_space<vmem>>, vector<16xf32>,
          tpu.vector_store %arg22[%swap3A_354, %swap3A_355], %mul3A_353 {strides = array<i32>} : memref<16x768xf32, #tpu.memory_space<vmem>>, vector<16xf32>,
          %add3A_357 = arith.constant 48 : i32
          %add3A_358 = vector.broadcast %add3A_357 : i32 to vector<16xi32>
          %add3A_359 = arith.addi %iota3A, %add3A_358 : vector<16xi32>
          %gather3A_360 = tpu.vector_load_idx %arg12[%gather3A_317, %add3A_359] : memref<119x64xf32, #tpu.memory_space<vmem>>[vector<16xi32>, vector<16xi32>], vector<16xf32>,
          %get3A_361 = arith.index_cast %scan3A_102 : i32 to index
          %get3A_362 = arith.constant 240 : index
          %get3A_363 = tpu.vector_load %arg22[%get3A_361, %get3A_362] {strides = array<i32>} : memref<16x768xf32, #tpu.memory_space<vmem>>, vector<16xf32>,
          %add3A_364 = arith.addf %gather3A_145, %gather3A_360 : vector<16xf32>
          %add3A_365 = arith.addf %add3A_364, %get3A_363 : vector<16xf32>
          %mul3A_366 = arith.mulf %add3A_365, %select_n3A_129 : vector<16xf32>
          %swap3A_367 = arith.index_cast %scan3A_102 : i32 to index
          %swap3A_368 = arith.constant 240 : index
          %swap3A_369 = tpu.vector_load %arg22[%swap3A_367, %swap3A_368] {strides = array<i32>} : memref<16x768xf32, #tpu.memory_space<vmem>>, vector<16xf32>,
          tpu.vector_store %arg22[%swap3A_367, %swap3A_368], %mul3A_366 {strides = array<i32>} : memref<16x768xf32, #tpu.memory_space<vmem>>, vector<16xf32>,
          %add3A_370 = arith.constant 4 : i32
          %add3A_371 = vector.broadcast %add3A_370 : i32 to vector<16xi32>
          %add3A_372 = arith.addi %mul3A_109, %add3A_371 : vector<16xi32>
          %gather3A_373 = tpu.vector_load_idx %arg20[%broadcast_in_dim3A_103, %add3A_372] : memref<16x128xi32, #tpu.memory_space<vmem>>[vector<16xi32>, vector<16xi32>], vector<16xi32>,
          %add3A_374 = arith.constant 0 : i32
          %add3A_375 = vector.broadcast %add3A_374 : i32 to vector<16xi32>
          %add3A_376 = arith.addi %iota3A, %add3A_375 : vector<16xi32>
          %gather3A_377 = tpu.vector_load_idx %arg12[%gather3A_373, %add3A_376] : memref<119x64xf32, #tpu.memory_space<vmem>>[vector<16xi32>, vector<16xi32>], vector<16xf32>,
          %get3A_378 = arith.index_cast %scan3A_102 : i32 to index
          %get3A_379 = arith.constant 256 : index
          %get3A_380 = tpu.vector_load %arg22[%get3A_378, %get3A_379] {strides = array<i32>} : memref<16x768xf32, #tpu.memory_space<vmem>>, vector<16xf32>,
          %add3A_381 = arith.addf %gather3A_133, %gather3A_377 : vector<16xf32>
          %add3A_382 = arith.addf %add3A_381, %get3A_380 : vector<16xf32>
          %mul3A_383 = arith.mulf %add3A_382, %select_n3A_129 : vector<16xf32>
          %swap3A_384 = arith.index_cast %scan3A_102 : i32 to index
          %swap3A_385 = arith.constant 256 : index
          %swap3A_386 = tpu.vector_load %arg22[%swap3A_384, %swap3A_385] {strides = array<i32>} : memref<16x768xf32, #tpu.memory_space<vmem>>, vector<16xf32>,
          tpu.vector_store %arg22[%swap3A_384, %swap3A_385], %mul3A_383 {strides = array<i32>} : memref<16x768xf32, #tpu.memory_space<vmem>>, vector<16xf32>,
          %add3A_387 = arith.constant 16 : i32
          %add3A_388 = vector.broadcast %add3A_387 : i32 to vector<16xi32>
          %add3A_389 = arith.addi %iota3A, %add3A_388 : vector<16xi32>
          %gather3A_390 = tpu.vector_load_idx %arg12[%gather3A_373, %add3A_389] : memref<119x64xf32, #tpu.memory_space<vmem>>[vector<16xi32>, vector<16xi32>], vector<16xf32>,
          %get3A_391 = arith.index_cast %scan3A_102 : i32 to index
          %get3A_392 = arith.constant 272 : index
          %get3A_393 = tpu.vector_load %arg22[%get3A_391, %get3A_392] {strides = array<i32>} : memref<16x768xf32, #tpu.memory_space<vmem>>, vector<16xf32>,
          %add3A_394 = arith.addf %gather3A_137, %gather3A_390 : vector<16xf32>
          %add3A_395 = arith.addf %add3A_394, %get3A_393 : vector<16xf32>
          %mul3A_396 = arith.mulf %add3A_395, %select_n3A_129 : vector<16xf32>
          %swap3A_397 = arith.index_cast %scan3A_102 : i32 to index
          %swap3A_398 = arith.constant 272 : index
          %swap3A_399 = tpu.vector_load %arg22[%swap3A_397, %swap3A_398] {strides = array<i32>} : memref<16x768xf32, #tpu.memory_space<vmem>>, vector<16xf32>,
          tpu.vector_store %arg22[%swap3A_397, %swap3A_398], %mul3A_396 {strides = array<i32>} : memref<16x768xf32, #tpu.memory_space<vmem>>, vector<16xf32>,
          %add3A_400 = arith.constant 32 : i32
          %add3A_401 = vector.broadcast %add3A_400 : i32 to vector<16xi32>
          %add3A_402 = arith.addi %iota3A, %add3A_401 : vector<16xi32>
          %gather3A_403 = tpu.vector_load_idx %arg12[%gather3A_373, %add3A_402] : memref<119x64xf32, #tpu.memory_space<vmem>>[vector<16xi32>, vector<16xi32>], vector<16xf32>,
          %get3A_404 = arith.index_cast %scan3A_102 : i32 to index
          %get3A_405 = arith.constant 288 : index
          %get3A_406 = tpu.vector_load %arg22[%get3A_404, %get3A_405] {strides = array<i32>} : memref<16x768xf32, #tpu.memory_space<vmem>>, vector<16xf32>,
          %add3A_407 = arith.addf %gather3A_141, %gather3A_403 : vector<16xf32>
          %add3A_408 = arith.addf %add3A_407, %get3A_406 : vector<16xf32>
          %mul3A_409 = arith.mulf %add3A_408, %select_n3A_129 : vector<16xf32>
          %swap3A_410 = arith.index_cast %scan3A_102 : i32 to index
          %swap3A_411 = arith.constant 288 : index
          %swap3A_412 = tpu.vector_load %arg22[%swap3A_410, %swap3A_411] {strides = array<i32>} : memref<16x768xf32, #tpu.memory_space<vmem>>, vector<16xf32>,
          tpu.vector_store %arg22[%swap3A_410, %swap3A_411], %mul3A_409 {strides = array<i32>} : memref<16x768xf32, #tpu.memory_space<vmem>>, vector<16xf32>,
          %add3A_413 = arith.constant 48 : i32
          %add3A_414 = vector.broadcast %add3A_413 : i32 to vector<16xi32>
          %add3A_415 = arith.addi %iota3A, %add3A_414 : vector<16xi32>
          %gather3A_416 = tpu.vector_load_idx %arg12[%gather3A_373, %add3A_415] : memref<119x64xf32, #tpu.memory_space<vmem>>[vector<16xi32>, vector<16xi32>], vector<16xf32>,
          %get3A_417 = arith.index_cast %scan3A_102 : i32 to index
          %get3A_418 = arith.constant 304 : index
          %get3A_419 = tpu.vector_load %arg22[%get3A_417, %get3A_418] {strides = array<i32>} : memref<16x768xf32, #tpu.memory_space<vmem>>, vector<16xf32>,
          %add3A_420 = arith.addf %gather3A_145, %gather3A_416 : vector<16xf32>
          %add3A_421 = arith.addf %add3A_420, %get3A_419 : vector<16xf32>
          %mul3A_422 = arith.mulf %add3A_421, %select_n3A_129 : vector<16xf32>
          %swap3A_423 = arith.index_cast %scan3A_102 : i32 to index
          %swap3A_424 = arith.constant 304 : index
          %swap3A_425 = tpu.vector_load %arg22[%swap3A_423, %swap3A_424] {strides = array<i32>} : memref<16x768xf32, #tpu.memory_space<vmem>>, vector<16xf32>,
          tpu.vector_store %arg22[%swap3A_423, %swap3A_424], %mul3A_422 {strides = array<i32>} : memref<16x768xf32, #tpu.memory_space<vmem>>, vector<16xf32>,
          %add3A_426 = arith.constant 5 : i32
          %add3A_427 = vector.broadcast %add3A_426 : i32 to vector<16xi32>
          %add3A_428 = arith.addi %mul3A_109, %add3A_427 : vector<16xi32>
          %gather3A_429 = tpu.vector_load_idx %arg20[%broadcast_in_dim3A_103, %add3A_428] : memref<16x128xi32, #tpu.memory_space<vmem>>[vector<16xi32>, vector<16xi32>], vector<16xi32>,
          %add3A_430 = arith.constant 0 : i32
          %add3A_431 = vector.broadcast %add3A_430 : i32 to vector<16xi32>
          %add3A_432 = arith.addi %iota3A, %add3A_431 : vector<16xi32>
          %gather3A_433 = tpu.vector_load_idx %arg12[%gather3A_429, %add3A_432] : memref<119x64xf32, #tpu.memory_space<vmem>>[vector<16xi32>, vector<16xi32>], vector<16xf32>,
          %get3A_434 = arith.index_cast %scan3A_102 : i32 to index
          %get3A_435 = arith.constant 320 : index
          %get3A_436 = tpu.vector_load %arg22[%get3A_434, %get3A_435] {strides = array<i32>} : memref<16x768xf32, #tpu.memory_space<vmem>>, vector<16xf32>,
          %add3A_437 = arith.addf %gather3A_133, %gather3A_433 : vector<16xf32>
          %add3A_438 = arith.addf %add3A_437, %get3A_436 : vector<16xf32>
          %mul3A_439 = arith.mulf %add3A_438, %select_n3A_129 : vector<16xf32>
          %swap3A_440 = arith.index_cast %scan3A_102 : i32 to index
          %swap3A_441 = arith.constant 320 : index
          %swap3A_442 = tpu.vector_load %arg22[%swap3A_440, %swap3A_441] {strides = array<i32>} : memref<16x768xf32, #tpu.memory_space<vmem>>, vector<16xf32>,
          tpu.vector_store %arg22[%swap3A_440, %swap3A_441], %mul3A_439 {strides = array<i32>} : memref<16x768xf32, #tpu.memory_space<vmem>>, vector<16xf32>,
          %add3A_443 = arith.constant 16 : i32
          %add3A_444 = vector.broadcast %add3A_443 : i32 to vector<16xi32>
          %add3A_445 = arith.addi %iota3A, %add3A_444 : vector<16xi32>
          %gather3A_446 = tpu.vector_load_idx %arg12[%gather3A_429, %add3A_445] : memref<119x64xf32, #tpu.memory_space<vmem>>[vector<16xi32>, vector<16xi32>], vector<16xf32>,
          %get3A_447 = arith.index_cast %scan3A_102 : i32 to index
          %get3A_448 = arith.constant 336 : index
          %get3A_449 = tpu.vector_load %arg22[%get3A_447, %get3A_448] {strides = array<i32>} : memref<16x768xf32, #tpu.memory_space<vmem>>, vector<16xf32>,
          %add3A_450 = arith.addf %gather3A_137, %gather3A_446 : vector<16xf32>
          %add3A_451 = arith.addf %add3A_450, %get3A_449 : vector<16xf32>
          %mul3A_452 = arith.mulf %add3A_451, %select_n3A_129 : vector<16xf32>
          %swap3A_453 = arith.index_cast %scan3A_102 : i32 to index
          %swap3A_454 = arith.constant 336 : index
          %swap3A_455 = tpu.vector_load %arg22[%swap3A_453, %swap3A_454] {strides = array<i32>} : memref<16x768xf32, #tpu.memory_space<vmem>>, vector<16xf32>,
          tpu.vector_store %arg22[%swap3A_453, %swap3A_454], %mul3A_452 {strides = array<i32>} : memref<16x768xf32, #tpu.memory_space<vmem>>, vector<16xf32>,
          %add3A_456 = arith.constant 32 : i32
          %add3A_457 = vector.broadcast %add3A_456 : i32 to vector<16xi32>
          %add3A_458 = arith.addi %iota3A, %add3A_457 : vector<16xi32>
          %gather3A_459 = tpu.vector_load_idx %arg12[%gather3A_429, %add3A_458] : memref<119x64xf32, #tpu.memory_space<vmem>>[vector<16xi32>, vector<16xi32>], vector<16xf32>,
          %get3A_460 = arith.index_cast %scan3A_102 : i32 to index
          %get3A_461 = arith.constant 352 : index
          %get3A_462 = tpu.vector_load %arg22[%get3A_460, %get3A_461] {strides = array<i32>} : memref<16x768xf32, #tpu.memory_space<vmem>>, vector<16xf32>,
          %add3A_463 = arith.addf %gather3A_141, %gather3A_459 : vector<16xf32>
          %add3A_464 = arith.addf %add3A_463, %get3A_462 : vector<16xf32>
          %mul3A_465 = arith.mulf %add3A_464, %select_n3A_129 : vector<16xf32>
          %swap3A_466 = arith.index_cast %scan3A_102 : i32 to index
          %swap3A_467 = arith.constant 352 : index
          %swap3A_468 = tpu.vector_load %arg22[%swap3A_466, %swap3A_467] {strides = array<i32>} : memref<16x768xf32, #tpu.memory_space<vmem>>, vector<16xf32>,
          tpu.vector_store %arg22[%swap3A_466, %swap3A_467], %mul3A_465 {strides = array<i32>} : memref<16x768xf32, #tpu.memory_space<vmem>>, vector<16xf32>,
          %add3A_469 = arith.constant 48 : i32
          %add3A_470 = vector.broadcast %add3A_469 : i32 to vector<16xi32>
          %add3A_471 = arith.addi %iota3A, %add3A_470 : vector<16xi32>
          %gather3A_472 = tpu.vector_load_idx %arg12[%gather3A_429, %add3A_471] : memref<119x64xf32, #tpu.memory_space<vmem>>[vector<16xi32>, vector<16xi32>], vector<16xf32>,
          %get3A_473 = arith.index_cast %scan3A_102 : i32 to index
          %get3A_474 = arith.constant 368 : index
          %get3A_475 = tpu.vector_load %arg22[%get3A_473, %get3A_474] {strides = array<i32>} : memref<16x768xf32, #tpu.memory_space<vmem>>, vector<16xf32>,
          %add3A_476 = arith.addf %gather3A_145, %gather3A_472 : vector<16xf32>
          %add3A_477 = arith.addf %add3A_476, %get3A_475 : vector<16xf32>
          %mul3A_478 = arith.mulf %add3A_477, %select_n3A_129 : vector<16xf32>
          %swap3A_479 = arith.index_cast %scan3A_102 : i32 to index
          %swap3A_480 = arith.constant 368 : index
          %swap3A_481 = tpu.vector_load %arg22[%swap3A_479, %swap3A_480] {strides = array<i32>} : memref<16x768xf32, #tpu.memory_space<vmem>>, vector<16xf32>,
          tpu.vector_store %arg22[%swap3A_479, %swap3A_480], %mul3A_478 {strides = array<i32>} : memref<16x768xf32, #tpu.memory_space<vmem>>, vector<16xf32>,
          %add3A_482 = arith.constant 6 : i32
          %add3A_483 = vector.broadcast %add3A_482 : i32 to vector<16xi32>
          %add3A_484 = arith.addi %mul3A_109, %add3A_483 : vector<16xi32>
          %gather3A_485 = tpu.vector_load_idx %arg20[%broadcast_in_dim3A_103, %add3A_484] : memref<16x128xi32, #tpu.memory_space<vmem>>[vector<16xi32>, vector<16xi32>], vector<16xi32>,
          %add3A_486 = arith.constant 0 : i32
          %add3A_487 = vector.broadcast %add3A_486 : i32 to vector<16xi32>
          %add3A_488 = arith.addi %iota3A, %add3A_487 : vector<16xi32>
          %gather3A_489 = tpu.vector_load_idx %arg12[%gather3A_485, %add3A_488] : memref<119x64xf32, #tpu.memory_space<vmem>>[vector<16xi32>, vector<16xi32>], vector<16xf32>,
          %get3A_490 = arith.index_cast %scan3A_102 : i32 to index
          %get3A_491 = arith.constant 384 : index
          %get3A_492 = tpu.vector_load %arg22[%get3A_490, %get3A_491] {strides = array<i32>} : memref<16x768xf32, #tpu.memory_space<vmem>>, vector<16xf32>,
          %add3A_493 = arith.addf %gather3A_133, %gather3A_489 : vector<16xf32>
          %add3A_494 = arith.addf %add3A_493, %get3A_492 : vector<16xf32>
          %mul3A_495 = arith.mulf %add3A_494, %select_n3A_129 : vector<16xf32>
          %swap3A_496 = arith.index_cast %scan3A_102 : i32 to index
          %swap3A_497 = arith.constant 384 : index
          %swap3A_498 = tpu.vector_load %arg22[%swap3A_496, %swap3A_497] {strides = array<i32>} : memref<16x768xf32, #tpu.memory_space<vmem>>, vector<16xf32>,
          tpu.vector_store %arg22[%swap3A_496, %swap3A_497], %mul3A_495 {strides = array<i32>} : memref<16x768xf32, #tpu.memory_space<vmem>>, vector<16xf32>,
          %add3A_499 = arith.constant 16 : i32
          %add3A_500 = vector.broadcast %add3A_499 : i32 to vector<16xi32>
          %add3A_501 = arith.addi %iota3A, %add3A_500 : vector<16xi32>
          %gather3A_502 = tpu.vector_load_idx %arg12[%gather3A_485, %add3A_501] : memref<119x64xf32, #tpu.memory_space<vmem>>[vector<16xi32>, vector<16xi32>], vector<16xf32>,
          %get3A_503 = arith.index_cast %scan3A_102 : i32 to index
          %get3A_504 = arith.constant 400 : index
          %get3A_505 = tpu.vector_load %arg22[%get3A_503, %get3A_504] {strides = array<i32>} : memref<16x768xf32, #tpu.memory_space<vmem>>, vector<16xf32>,
          %add3A_506 = arith.addf %gather3A_137, %gather3A_502 : vector<16xf32>
          %add3A_507 = arith.addf %add3A_506, %get3A_505 : vector<16xf32>
          %mul3A_508 = arith.mulf %add3A_507, %select_n3A_129 : vector<16xf32>
          %swap3A_509 = arith.index_cast %scan3A_102 : i32 to index
          %swap3A_510 = arith.constant 400 : index
          %swap3A_511 = tpu.vector_load %arg22[%swap3A_509, %swap3A_510] {strides = array<i32>} : memref<16x768xf32, #tpu.memory_space<vmem>>, vector<16xf32>,
          tpu.vector_store %arg22[%swap3A_509, %swap3A_510], %mul3A_508 {strides = array<i32>} : memref<16x768xf32, #tpu.memory_space<vmem>>, vector<16xf32>,
          %add3A_512 = arith.constant 32 : i32
          %add3A_513 = vector.broadcast %add3A_512 : i32 to vector<16xi32>
          %add3A_514 = arith.addi %iota3A, %add3A_513 : vector<16xi32>
          %gather3A_515 = tpu.vector_load_idx %arg12[%gather3A_485, %add3A_514] : memref<119x64xf32, #tpu.memory_space<vmem>>[vector<16xi32>, vector<16xi32>], vector<16xf32>,
          %get3A_516 = arith.index_cast %scan3A_102 : i32 to index
          %get3A_517 = arith.constant 416 : index
          %get3A_518 = tpu.vector_load %arg22[%get3A_516, %get3A_517] {strides = array<i32>} : memref<16x768xf32, #tpu.memory_space<vmem>>, vector<16xf32>,
          %add3A_519 = arith.addf %gather3A_141, %gather3A_515 : vector<16xf32>
          %add3A_520 = arith.addf %add3A_519, %get3A_518 : vector<16xf32>
          %mul3A_521 = arith.mulf %add3A_520, %select_n3A_129 : vector<16xf32>
          %swap3A_522 = arith.index_cast %scan3A_102 : i32 to index
          %swap3A_523 = arith.constant 416 : index
          %swap3A_524 = tpu.vector_load %arg22[%swap3A_522, %swap3A_523] {strides = array<i32>} : memref<16x768xf32, #tpu.memory_space<vmem>>, vector<16xf32>,
          tpu.vector_store %arg22[%swap3A_522, %swap3A_523], %mul3A_521 {strides = array<i32>} : memref<16x768xf32, #tpu.memory_space<vmem>>, vector<16xf32>,
          %add3A_525 = arith.constant 48 : i32
          %add3A_526 = vector.broadcast %add3A_525 : i32 to vector<16xi32>
          %add3A_527 = arith.addi %iota3A, %add3A_526 : vector<16xi32>
          %gather3A_528 = tpu.vector_load_idx %arg12[%gather3A_485, %add3A_527] : memref<119x64xf32, #tpu.memory_space<vmem>>[vector<16xi32>, vector<16xi32>], vector<16xf32>,
          %get3A_529 = arith.index_cast %scan3A_102 : i32 to index
          %get3A_530 = arith.constant 432 : index
          %get3A_531 = tpu.vector_load %arg22[%get3A_529, %get3A_530] {strides = array<i32>} : memref<16x768xf32, #tpu.memory_space<vmem>>, vector<16xf32>,
          %add3A_532 = arith.addf %gather3A_145, %gather3A_528 : vector<16xf32>
          %add3A_533 = arith.addf %add3A_532, %get3A_531 : vector<16xf32>
          %mul3A_534 = arith.mulf %add3A_533, %select_n3A_129 : vector<16xf32>
          %swap3A_535 = arith.index_cast %scan3A_102 : i32 to index
          %swap3A_536 = arith.constant 432 : index
          %swap3A_537 = tpu.vector_load %arg22[%swap3A_535, %swap3A_536] {strides = array<i32>} : memref<16x768xf32, #tpu.memory_space<vmem>>, vector<16xf32>,
          tpu.vector_store %arg22[%swap3A_535, %swap3A_536], %mul3A_534 {strides = array<i32>} : memref<16x768xf32, #tpu.memory_space<vmem>>, vector<16xf32>,
          %add3A_538 = arith.constant 7 : i32
          %add3A_539 = vector.broadcast %add3A_538 : i32 to vector<16xi32>
          %add3A_540 = arith.addi %mul3A_109, %add3A_539 : vector<16xi32>
          %gather3A_541 = tpu.vector_load_idx %arg20[%broadcast_in_dim3A_103, %add3A_540] : memref<16x128xi32, #tpu.memory_space<vmem>>[vector<16xi32>, vector<16xi32>], vector<16xi32>,
          %add3A_542 = arith.constant 0 : i32
          %add3A_543 = vector.broadcast %add3A_542 : i32 to vector<16xi32>
          %add3A_544 = arith.addi %iota3A, %add3A_543 : vector<16xi32>
          %gather3A_545 = tpu.vector_load_idx %arg12[%gather3A_541, %add3A_544] : memref<119x64xf32, #tpu.memory_space<vmem>>[vector<16xi32>, vector<16xi32>], vector<16xf32>,
          %get3A_546 = arith.index_cast %scan3A_102 : i32 to index
          %get3A_547 = arith.constant 448 : index
          %get3A_548 = tpu.vector_load %arg22[%get3A_546, %get3A_547] {strides = array<i32>} : memref<16x768xf32, #tpu.memory_space<vmem>>, vector<16xf32>,
          %add3A_549 = arith.addf %gather3A_133, %gather3A_545 : vector<16xf32>
          %add3A_550 = arith.addf %add3A_549, %get3A_548 : vector<16xf32>
          %mul3A_551 = arith.mulf %add3A_550, %select_n3A_129 : vector<16xf32>
          %swap3A_552 = arith.index_cast %scan3A_102 : i32 to index
          %swap3A_553 = arith.constant 448 : index
          %swap3A_554 = tpu.vector_load %arg22[%swap3A_552, %swap3A_553] {strides = array<i32>} : memref<16x768xf32, #tpu.memory_space<vmem>>, vector<16xf32>,
          tpu.vector_store %arg22[%swap3A_552, %swap3A_553], %mul3A_551 {strides = array<i32>} : memref<16x768xf32, #tpu.memory_space<vmem>>, vector<16xf32>,
          %add3A_555 = arith.constant 16 : i32
          %add3A_556 = vector.broadcast %add3A_555 : i32 to vector<16xi32>
          %add3A_557 = arith.addi %iota3A, %add3A_556 : vector<16xi32>
          %gather3A_558 = tpu.vector_load_idx %arg12[%gather3A_541, %add3A_557] : memref<119x64xf32, #tpu.memory_space<vmem>>[vector<16xi32>, vector<16xi32>], vector<16xf32>,
          %get3A_559 = arith.index_cast %scan3A_102 : i32 to index
          %get3A_560 = arith.constant 464 : index
          %get3A_561 = tpu.vector_load %arg22[%get3A_559, %get3A_560] {strides = array<i32>} : memref<16x768xf32, #tpu.memory_space<vmem>>, vector<16xf32>,
          %add3A_562 = arith.addf %gather3A_137, %gather3A_558 : vector<16xf32>
          %add3A_563 = arith.addf %add3A_562, %get3A_561 : vector<16xf32>
          %mul3A_564 = arith.mulf %add3A_563, %select_n3A_129 : vector<16xf32>
          %swap3A_565 = arith.index_cast %scan3A_102 : i32 to index
          %swap3A_566 = arith.constant 464 : index
          %swap3A_567 = tpu.vector_load %arg22[%swap3A_565, %swap3A_566] {strides = array<i32>} : memref<16x768xf32, #tpu.memory_space<vmem>>, vector<16xf32>,
          tpu.vector_store %arg22[%swap3A_565, %swap3A_566], %mul3A_564 {strides = array<i32>} : memref<16x768xf32, #tpu.memory_space<vmem>>, vector<16xf32>,
          %add3A_568 = arith.constant 32 : i32
          %add3A_569 = vector.broadcast %add3A_568 : i32 to vector<16xi32>
          %add3A_570 = arith.addi %iota3A, %add3A_569 : vector<16xi32>
          %gather3A_571 = tpu.vector_load_idx %arg12[%gather3A_541, %add3A_570] : memref<119x64xf32, #tpu.memory_space<vmem>>[vector<16xi32>, vector<16xi32>], vector<16xf32>,
          %get3A_572 = arith.index_cast %scan3A_102 : i32 to index
          %get3A_573 = arith.constant 480 : index
          %get3A_574 = tpu.vector_load %arg22[%get3A_572, %get3A_573] {strides = array<i32>} : memref<16x768xf32, #tpu.memory_space<vmem>>, vector<16xf32>,
          %add3A_575 = arith.addf %gather3A_141, %gather3A_571 : vector<16xf32>
          %add3A_576 = arith.addf %add3A_575, %get3A_574 : vector<16xf32>
          %mul3A_577 = arith.mulf %add3A_576, %select_n3A_129 : vector<16xf32>
          %swap3A_578 = arith.index_cast %scan3A_102 : i32 to index
          %swap3A_579 = arith.constant 480 : index
          %swap3A_580 = tpu.vector_load %arg22[%swap3A_578, %swap3A_579] {strides = array<i32>} : memref<16x768xf32, #tpu.memory_space<vmem>>, vector<16xf32>,
          tpu.vector_store %arg22[%swap3A_578, %swap3A_579], %mul3A_577 {strides = array<i32>} : memref<16x768xf32, #tpu.memory_space<vmem>>, vector<16xf32>,
          %add3A_581 = arith.constant 48 : i32
          %add3A_582 = vector.broadcast %add3A_581 : i32 to vector<16xi32>
          %add3A_583 = arith.addi %iota3A, %add3A_582 : vector<16xi32>
          %gather3A_584 = tpu.vector_load_idx %arg12[%gather3A_541, %add3A_583] : memref<119x64xf32, #tpu.memory_space<vmem>>[vector<16xi32>, vector<16xi32>], vector<16xf32>,
          %get3A_585 = arith.index_cast %scan3A_102 : i32 to index
          %get3A_586 = arith.constant 496 : index
          %get3A_587 = tpu.vector_load %arg22[%get3A_585, %get3A_586] {strides = array<i32>} : memref<16x768xf32, #tpu.memory_space<vmem>>, vector<16xf32>,
          %add3A_588 = arith.addf %gather3A_145, %gather3A_584 : vector<16xf32>
          %add3A_589 = arith.addf %add3A_588, %get3A_587 : vector<16xf32>
          %mul3A_590 = arith.mulf %add3A_589, %select_n3A_129 : vector<16xf32>
          %swap3A_591 = arith.index_cast %scan3A_102 : i32 to index
          %swap3A_592 = arith.constant 496 : index
          %swap3A_593 = tpu.vector_load %arg22[%swap3A_591, %swap3A_592] {strides = array<i32>} : memref<16x768xf32, #tpu.memory_space<vmem>>, vector<16xf32>,
          tpu.vector_store %arg22[%swap3A_591, %swap3A_592], %mul3A_590 {strides = array<i32>} : memref<16x768xf32, #tpu.memory_space<vmem>>, vector<16xf32>,
          %add3A_594 = arith.constant 8 : i32
          %add3A_595 = vector.broadcast %add3A_594 : i32 to vector<16xi32>
          %add3A_596 = arith.addi %mul3A_109, %add3A_595 : vector<16xi32>
          %gather3A_597 = tpu.vector_load_idx %arg20[%broadcast_in_dim3A_103, %add3A_596] : memref<16x128xi32, #tpu.memory_space<vmem>>[vector<16xi32>, vector<16xi32>], vector<16xi32>,
          %add3A_598 = arith.constant 0 : i32
          %add3A_599 = vector.broadcast %add3A_598 : i32 to vector<16xi32>
          %add3A_600 = arith.addi %iota3A, %add3A_599 : vector<16xi32>
          %gather3A_601 = tpu.vector_load_idx %arg12[%gather3A_597, %add3A_600] : memref<119x64xf32, #tpu.memory_space<vmem>>[vector<16xi32>, vector<16xi32>], vector<16xf32>,
          %get3A_602 = arith.index_cast %scan3A_102 : i32 to index
          %get3A_603 = arith.constant 512 : index
          %get3A_604 = tpu.vector_load %arg22[%get3A_602, %get3A_603] {strides = array<i32>} : memref<16x768xf32, #tpu.memory_space<vmem>>, vector<16xf32>,
          %add3A_605 = arith.addf %gather3A_133, %gather3A_601 : vector<16xf32>
          %add3A_606 = arith.addf %add3A_605, %get3A_604 : vector<16xf32>
          %mul3A_607 = arith.mulf %add3A_606, %select_n3A_129 : vector<16xf32>
          %swap3A_608 = arith.index_cast %scan3A_102 : i32 to index
          %swap3A_609 = arith.constant 512 : index
          %swap3A_610 = tpu.vector_load %arg22[%swap3A_608, %swap3A_609] {strides = array<i32>} : memref<16x768xf32, #tpu.memory_space<vmem>>, vector<16xf32>,
          tpu.vector_store %arg22[%swap3A_608, %swap3A_609], %mul3A_607 {strides = array<i32>} : memref<16x768xf32, #tpu.memory_space<vmem>>, vector<16xf32>,
          %add3A_611 = arith.constant 16 : i32
          %add3A_612 = vector.broadcast %add3A_611 : i32 to vector<16xi32>
          %add3A_613 = arith.addi %iota3A, %add3A_612 : vector<16xi32>
          %gather3A_614 = tpu.vector_load_idx %arg12[%gather3A_597, %add3A_613] : memref<119x64xf32, #tpu.memory_space<vmem>>[vector<16xi32>, vector<16xi32>], vector<16xf32>,
          %get3A_615 = arith.index_cast %scan3A_102 : i32 to index
          %get3A_616 = arith.constant 528 : index
          %get3A_617 = tpu.vector_load %arg22[%get3A_615, %get3A_616] {strides = array<i32>} : memref<16x768xf32, #tpu.memory_space<vmem>>, vector<16xf32>,
          %add3A_618 = arith.addf %gather3A_137, %gather3A_614 : vector<16xf32>
          %add3A_619 = arith.addf %add3A_618, %get3A_617 : vector<16xf32>
          %mul3A_620 = arith.mulf %add3A_619, %select_n3A_129 : vector<16xf32>
          %swap3A_621 = arith.index_cast %scan3A_102 : i32 to index
          %swap3A_622 = arith.constant 528 : index
          %swap3A_623 = tpu.vector_load %arg22[%swap3A_621, %swap3A_622] {strides = array<i32>} : memref<16x768xf32, #tpu.memory_space<vmem>>, vector<16xf32>,
          tpu.vector_store %arg22[%swap3A_621, %swap3A_622], %mul3A_620 {strides = array<i32>} : memref<16x768xf32, #tpu.memory_space<vmem>>, vector<16xf32>,
          %add3A_624 = arith.constant 32 : i32
          %add3A_625 = vector.broadcast %add3A_624 : i32 to vector<16xi32>
          %add3A_626 = arith.addi %iota3A, %add3A_625 : vector<16xi32>
          %gather3A_627 = tpu.vector_load_idx %arg12[%gather3A_597, %add3A_626] : memref<119x64xf32, #tpu.memory_space<vmem>>[vector<16xi32>, vector<16xi32>], vector<16xf32>,
          %get3A_628 = arith.index_cast %scan3A_102 : i32 to index
          %get3A_629 = arith.constant 544 : index
          %get3A_630 = tpu.vector_load %arg22[%get3A_628, %get3A_629] {strides = array<i32>} : memref<16x768xf32, #tpu.memory_space<vmem>>, vector<16xf32>,
          %add3A_631 = arith.addf %gather3A_141, %gather3A_627 : vector<16xf32>
          %add3A_632 = arith.addf %add3A_631, %get3A_630 : vector<16xf32>
          %mul3A_633 = arith.mulf %add3A_632, %select_n3A_129 : vector<16xf32>
          %swap3A_634 = arith.index_cast %scan3A_102 : i32 to index
          %swap3A_635 = arith.constant 544 : index
          %swap3A_636 = tpu.vector_load %arg22[%swap3A_634, %swap3A_635] {strides = array<i32>} : memref<16x768xf32, #tpu.memory_space<vmem>>, vector<16xf32>,
          tpu.vector_store %arg22[%swap3A_634, %swap3A_635], %mul3A_633 {strides = array<i32>} : memref<16x768xf32, #tpu.memory_space<vmem>>, vector<16xf32>,
          %add3A_637 = arith.constant 48 : i32
          %add3A_638 = vector.broadcast %add3A_637 : i32 to vector<16xi32>
          %add3A_639 = arith.addi %iota3A, %add3A_638 : vector<16xi32>
          %gather3A_640 = tpu.vector_load_idx %arg12[%gather3A_597, %add3A_639] : memref<119x64xf32, #tpu.memory_space<vmem>>[vector<16xi32>, vector<16xi32>], vector<16xf32>,
          %get3A_641 = arith.index_cast %scan3A_102 : i32 to index
          %get3A_642 = arith.constant 560 : index
          %get3A_643 = tpu.vector_load %arg22[%get3A_641, %get3A_642] {strides = array<i32>} : memref<16x768xf32, #tpu.memory_space<vmem>>, vector<16xf32>,
          %add3A_644 = arith.addf %gather3A_145, %gather3A_640 : vector<16xf32>
          %add3A_645 = arith.addf %add3A_644, %get3A_643 : vector<16xf32>
          %mul3A_646 = arith.mulf %add3A_645, %select_n3A_129 : vector<16xf32>
          %swap3A_647 = arith.index_cast %scan3A_102 : i32 to index
          %swap3A_648 = arith.constant 560 : index
          %swap3A_649 = tpu.vector_load %arg22[%swap3A_647, %swap3A_648] {strides = array<i32>} : memref<16x768xf32, #tpu.memory_space<vmem>>, vector<16xf32>,
          tpu.vector_store %arg22[%swap3A_647, %swap3A_648], %mul3A_646 {strides = array<i32>} : memref<16x768xf32, #tpu.memory_space<vmem>>, vector<16xf32>,
          %add3A_650 = arith.constant 9 : i32
          %add3A_651 = vector.broadcast %add3A_650 : i32 to vector<16xi32>
          %add3A_652 = arith.addi %mul3A_109, %add3A_651 : vector<16xi32>
          %gather3A_653 = tpu.vector_load_idx %arg20[%broadcast_in_dim3A_103, %add3A_652] : memref<16x128xi32, #tpu.memory_space<vmem>>[vector<16xi32>, vector<16xi32>], vector<16xi32>,
          %add3A_654 = arith.constant 0 : i32
          %add3A_655 = vector.broadcast %add3A_654 : i32 to vector<16xi32>
          %add3A_656 = arith.addi %iota3A, %add3A_655 : vector<16xi32>
          %gather3A_657 = tpu.vector_load_idx %arg12[%gather3A_653, %add3A_656] : memref<119x64xf32, #tpu.memory_space<vmem>>[vector<16xi32>, vector<16xi32>], vector<16xf32>,
          %get3A_658 = arith.index_cast %scan3A_102 : i32 to index
          %get3A_659 = arith.constant 576 : index
          %get3A_660 = tpu.vector_load %arg22[%get3A_658, %get3A_659] {strides = array<i32>} : memref<16x768xf32, #tpu.memory_space<vmem>>, vector<16xf32>,
          %add3A_661 = arith.addf %gather3A_133, %gather3A_657 : vector<16xf32>
          %add3A_662 = arith.addf %add3A_661, %get3A_660 : vector<16xf32>
          %mul3A_663 = arith.mulf %add3A_662, %select_n3A_129 : vector<16xf32>
          %swap3A_664 = arith.index_cast %scan3A_102 : i32 to index
          %swap3A_665 = arith.constant 576 : index
          %swap3A_666 = tpu.vector_load %arg22[%swap3A_664, %swap3A_665] {strides = array<i32>} : memref<16x768xf32, #tpu.memory_space<vmem>>, vector<16xf32>,
          tpu.vector_store %arg22[%swap3A_664, %swap3A_665], %mul3A_663 {strides = array<i32>} : memref<16x768xf32, #tpu.memory_space<vmem>>, vector<16xf32>,
          %add3A_667 = arith.constant 16 : i32
          %add3A_668 = vector.broadcast %add3A_667 : i32 to vector<16xi32>
          %add3A_669 = arith.addi %iota3A, %add3A_668 : vector<16xi32>
          %gather3A_670 = tpu.vector_load_idx %arg12[%gather3A_653, %add3A_669] : memref<119x64xf32, #tpu.memory_space<vmem>>[vector<16xi32>, vector<16xi32>], vector<16xf32>,
          %get3A_671 = arith.index_cast %scan3A_102 : i32 to index
          %get3A_672 = arith.constant 592 : index
          %get3A_673 = tpu.vector_load %arg22[%get3A_671, %get3A_672] {strides = array<i32>} : memref<16x768xf32, #tpu.memory_space<vmem>>, vector<16xf32>,
          %add3A_674 = arith.addf %gather3A_137, %gather3A_670 : vector<16xf32>
          %add3A_675 = arith.addf %add3A_674, %get3A_673 : vector<16xf32>
          %mul3A_676 = arith.mulf %add3A_675, %select_n3A_129 : vector<16xf32>
          %swap3A_677 = arith.index_cast %scan3A_102 : i32 to index
          %swap3A_678 = arith.constant 592 : index
          %swap3A_679 = tpu.vector_load %arg22[%swap3A_677, %swap3A_678] {strides = array<i32>} : memref<16x768xf32, #tpu.memory_space<vmem>>, vector<16xf32>,
          tpu.vector_store %arg22[%swap3A_677, %swap3A_678], %mul3A_676 {strides = array<i32>} : memref<16x768xf32, #tpu.memory_space<vmem>>, vector<16xf32>,
          %add3A_680 = arith.constant 32 : i32
          %add3A_681 = vector.broadcast %add3A_680 : i32 to vector<16xi32>
          %add3A_682 = arith.addi %iota3A, %add3A_681 : vector<16xi32>
          %gather3A_683 = tpu.vector_load_idx %arg12[%gather3A_653, %add3A_682] : memref<119x64xf32, #tpu.memory_space<vmem>>[vector<16xi32>, vector<16xi32>], vector<16xf32>,
          %get3A_684 = arith.index_cast %scan3A_102 : i32 to index
          %get3A_685 = arith.constant 608 : index
          %get3A_686 = tpu.vector_load %arg22[%get3A_684, %get3A_685] {strides = array<i32>} : memref<16x768xf32, #tpu.memory_space<vmem>>, vector<16xf32>,
          %add3A_687 = arith.addf %gather3A_141, %gather3A_683 : vector<16xf32>
          %add3A_688 = arith.addf %add3A_687, %get3A_686 : vector<16xf32>
          %mul3A_689 = arith.mulf %add3A_688, %select_n3A_129 : vector<16xf32>
          %swap3A_690 = arith.index_cast %scan3A_102 : i32 to index
          %swap3A_691 = arith.constant 608 : index
          %swap3A_692 = tpu.vector_load %arg22[%swap3A_690, %swap3A_691] {strides = array<i32>} : memref<16x768xf32, #tpu.memory_space<vmem>>, vector<16xf32>,
          tpu.vector_store %arg22[%swap3A_690, %swap3A_691], %mul3A_689 {strides = array<i32>} : memref<16x768xf32, #tpu.memory_space<vmem>>, vector<16xf32>,
          %add3A_693 = arith.constant 48 : i32
          %add3A_694 = vector.broadcast %add3A_693 : i32 to vector<16xi32>
          %add3A_695 = arith.addi %iota3A, %add3A_694 : vector<16xi32>
          %gather3A_696 = tpu.vector_load_idx %arg12[%gather3A_653, %add3A_695] : memref<119x64xf32, #tpu.memory_space<vmem>>[vector<16xi32>, vector<16xi32>], vector<16xf32>,
          %get3A_697 = arith.index_cast %scan3A_102 : i32 to index
          %get3A_698 = arith.constant 624 : index
          %get3A_699 = tpu.vector_load %arg22[%get3A_697, %get3A_698] {strides = array<i32>} : memref<16x768xf32, #tpu.memory_space<vmem>>, vector<16xf32>,
          %add3A_700 = arith.addf %gather3A_145, %gather3A_696 : vector<16xf32>
          %add3A_701 = arith.addf %add3A_700, %get3A_699 : vector<16xf32>
          %mul3A_702 = arith.mulf %add3A_701, %select_n3A_129 : vector<16xf32>
          %swap3A_703 = arith.index_cast %scan3A_102 : i32 to index
          %swap3A_704 = arith.constant 624 : index
          %swap3A_705 = tpu.vector_load %arg22[%swap3A_703, %swap3A_704] {strides = array<i32>} : memref<16x768xf32, #tpu.memory_space<vmem>>, vector<16xf32>,
          tpu.vector_store %arg22[%swap3A_703, %swap3A_704], %mul3A_702 {strides = array<i32>} : memref<16x768xf32, #tpu.memory_space<vmem>>, vector<16xf32>,
          %add3A_706 = arith.constant 10 : i32
          %add3A_707 = vector.broadcast %add3A_706 : i32 to vector<16xi32>
          %add3A_708 = arith.addi %mul3A_109, %add3A_707 : vector<16xi32>
          %gather3A_709 = tpu.vector_load_idx %arg20[%broadcast_in_dim3A_103, %add3A_708] : memref<16x128xi32, #tpu.memory_space<vmem>>[vector<16xi32>, vector<16xi32>], vector<16xi32>,
          %add3A_710 = arith.constant 0 : i32
          %add3A_711 = vector.broadcast %add3A_710 : i32 to vector<16xi32>
          %add3A_712 = arith.addi %iota3A, %add3A_711 : vector<16xi32>
          %gather3A_713 = tpu.vector_load_idx %arg12[%gather3A_709, %add3A_712] : memref<119x64xf32, #tpu.memory_space<vmem>>[vector<16xi32>, vector<16xi32>], vector<16xf32>,
          %get3A_714 = arith.index_cast %scan3A_102 : i32 to index
          %get3A_715 = arith.constant 640 : index
          %get3A_716 = tpu.vector_load %arg22[%get3A_714, %get3A_715] {strides = array<i32>} : memref<16x768xf32, #tpu.memory_space<vmem>>, vector<16xf32>,
          %add3A_717 = arith.addf %gather3A_133, %gather3A_713 : vector<16xf32>
          %add3A_718 = arith.addf %add3A_717, %get3A_716 : vector<16xf32>
          %mul3A_719 = arith.mulf %add3A_718, %select_n3A_129 : vector<16xf32>
          %swap3A_720 = arith.index_cast %scan3A_102 : i32 to index
          %swap3A_721 = arith.constant 640 : index
          %swap3A_722 = tpu.vector_load %arg22[%swap3A_720, %swap3A_721] {strides = array<i32>} : memref<16x768xf32, #tpu.memory_space<vmem>>, vector<16xf32>,
          tpu.vector_store %arg22[%swap3A_720, %swap3A_721], %mul3A_719 {strides = array<i32>} : memref<16x768xf32, #tpu.memory_space<vmem>>, vector<16xf32>,
          %add3A_723 = arith.constant 16 : i32
          %add3A_724 = vector.broadcast %add3A_723 : i32 to vector<16xi32>
          %add3A_725 = arith.addi %iota3A, %add3A_724 : vector<16xi32>
          %gather3A_726 = tpu.vector_load_idx %arg12[%gather3A_709, %add3A_725] : memref<119x64xf32, #tpu.memory_space<vmem>>[vector<16xi32>, vector<16xi32>], vector<16xf32>,
          %get3A_727 = arith.index_cast %scan3A_102 : i32 to index
          %get3A_728 = arith.constant 656 : index
          %get3A_729 = tpu.vector_load %arg22[%get3A_727, %get3A_728] {strides = array<i32>} : memref<16x768xf32, #tpu.memory_space<vmem>>, vector<16xf32>,
          %add3A_730 = arith.addf %gather3A_137, %gather3A_726 : vector<16xf32>
          %add3A_731 = arith.addf %add3A_730, %get3A_729 : vector<16xf32>
          %mul3A_732 = arith.mulf %add3A_731, %select_n3A_129 : vector<16xf32>
          %swap3A_733 = arith.index_cast %scan3A_102 : i32 to index
          %swap3A_734 = arith.constant 656 : index
          %swap3A_735 = tpu.vector_load %arg22[%swap3A_733, %swap3A_734] {strides = array<i32>} : memref<16x768xf32, #tpu.memory_space<vmem>>, vector<16xf32>,
          tpu.vector_store %arg22[%swap3A_733, %swap3A_734], %mul3A_732 {strides = array<i32>} : memref<16x768xf32, #tpu.memory_space<vmem>>, vector<16xf32>,
          %add3A_736 = arith.constant 32 : i32
          %add3A_737 = vector.broadcast %add3A_736 : i32 to vector<16xi32>
          %add3A_738 = arith.addi %iota3A, %add3A_737 : vector<16xi32>
          %gather3A_739 = tpu.vector_load_idx %arg12[%gather3A_709, %add3A_738] : memref<119x64xf32, #tpu.memory_space<vmem>>[vector<16xi32>, vector<16xi32>], vector<16xf32>,
          %get3A_740 = arith.index_cast %scan3A_102 : i32 to index
          %get3A_741 = arith.constant 672 : index
          %get3A_742 = tpu.vector_load %arg22[%get3A_740, %get3A_741] {strides = array<i32>} : memref<16x768xf32, #tpu.memory_space<vmem>>, vector<16xf32>,
          %add3A_743 = arith.addf %gather3A_141, %gather3A_739 : vector<16xf32>
          %add3A_744 = arith.addf %add3A_743, %get3A_742 : vector<16xf32>
          %mul3A_745 = arith.mulf %add3A_744, %select_n3A_129 : vector<16xf32>
          %swap3A_746 = arith.index_cast %scan3A_102 : i32 to index
          %swap3A_747 = arith.constant 672 : index
          %swap3A_748 = tpu.vector_load %arg22[%swap3A_746, %swap3A_747] {strides = array<i32>} : memref<16x768xf32, #tpu.memory_space<vmem>>, vector<16xf32>,
          tpu.vector_store %arg22[%swap3A_746, %swap3A_747], %mul3A_745 {strides = array<i32>} : memref<16x768xf32, #tpu.memory_space<vmem>>, vector<16xf32>,
          %add3A_749 = arith.constant 48 : i32
          %add3A_750 = vector.broadcast %add3A_749 : i32 to vector<16xi32>
          %add3A_751 = arith.addi %iota3A, %add3A_750 : vector<16xi32>
          %gather3A_752 = tpu.vector_load_idx %arg12[%gather3A_709, %add3A_751] : memref<119x64xf32, #tpu.memory_space<vmem>>[vector<16xi32>, vector<16xi32>], vector<16xf32>,
          %get3A_753 = arith.index_cast %scan3A_102 : i32 to index
          %get3A_754 = arith.constant 688 : index
          %get3A_755 = tpu.vector_load %arg22[%get3A_753, %get3A_754] {strides = array<i32>} : memref<16x768xf32, #tpu.memory_space<vmem>>, vector<16xf32>,
          %add3A_756 = arith.addf %gather3A_145, %gather3A_752 : vector<16xf32>
          %add3A_757 = arith.addf %add3A_756, %get3A_755 : vector<16xf32>
          %mul3A_758 = arith.mulf %add3A_757, %select_n3A_129 : vector<16xf32>
          %swap3A_759 = arith.index_cast %scan3A_102 : i32 to index
          %swap3A_760 = arith.constant 688 : index
          %swap3A_761 = tpu.vector_load %arg22[%swap3A_759, %swap3A_760] {strides = array<i32>} : memref<16x768xf32, #tpu.memory_space<vmem>>, vector<16xf32>,
          tpu.vector_store %arg22[%swap3A_759, %swap3A_760], %mul3A_758 {strides = array<i32>} : memref<16x768xf32, #tpu.memory_space<vmem>>, vector<16xf32>,
          %add3A_762 = arith.constant 11 : i32
          %add3A_763 = vector.broadcast %add3A_762 : i32 to vector<16xi32>
          %add3A_764 = arith.addi %mul3A_109, %add3A_763 : vector<16xi32>
          %gather3A_765 = tpu.vector_load_idx %arg20[%broadcast_in_dim3A_103, %add3A_764] : memref<16x128xi32, #tpu.memory_space<vmem>>[vector<16xi32>, vector<16xi32>], vector<16xi32>,
          %add3A_766 = arith.constant 0 : i32
          %add3A_767 = vector.broadcast %add3A_766 : i32 to vector<16xi32>
          %add3A_768 = arith.addi %iota3A, %add3A_767 : vector<16xi32>
          %gather3A_769 = tpu.vector_load_idx %arg12[%gather3A_765, %add3A_768] : memref<119x64xf32, #tpu.memory_space<vmem>>[vector<16xi32>, vector<16xi32>], vector<16xf32>,
          %get3A_770 = arith.index_cast %scan3A_102 : i32 to index
          %get3A_771 = arith.constant 704 : index
          %get3A_772 = tpu.vector_load %arg22[%get3A_770, %get3A_771] {strides = array<i32>} : memref<16x768xf32, #tpu.memory_space<vmem>>, vector<16xf32>,
          %add3A_773 = arith.addf %gather3A_133, %gather3A_769 : vector<16xf32>
          %add3A_774 = arith.addf %add3A_773, %get3A_772 : vector<16xf32>
          %mul3A_775 = arith.mulf %add3A_774, %select_n3A_129 : vector<16xf32>
          %swap3A_776 = arith.index_cast %scan3A_102 : i32 to index
          %swap3A_777 = arith.constant 704 : index
          %swap3A_778 = tpu.vector_load %arg22[%swap3A_776, %swap3A_777] {strides = array<i32>} : memref<16x768xf32, #tpu.memory_space<vmem>>, vector<16xf32>,
          tpu.vector_store %arg22[%swap3A_776, %swap3A_777], %mul3A_775 {strides = array<i32>} : memref<16x768xf32, #tpu.memory_space<vmem>>, vector<16xf32>,
          %add3A_779 = arith.constant 16 : i32
          %add3A_780 = vector.broadcast %add3A_779 : i32 to vector<16xi32>
          %add3A_781 = arith.addi %iota3A, %add3A_780 : vector<16xi32>
          %gather3A_782 = tpu.vector_load_idx %arg12[%gather3A_765, %add3A_781] : memref<119x64xf32, #tpu.memory_space<vmem>>[vector<16xi32>, vector<16xi32>], vector<16xf32>,
          %get3A_783 = arith.index_cast %scan3A_102 : i32 to index
          %get3A_784 = arith.constant 720 : index
          %get3A_785 = tpu.vector_load %arg22[%get3A_783, %get3A_784] {strides = array<i32>} : memref<16x768xf32, #tpu.memory_space<vmem>>, vector<16xf32>,
          %add3A_786 = arith.addf %gather3A_137, %gather3A_782 : vector<16xf32>
          %add3A_787 = arith.addf %add3A_786, %get3A_785 : vector<16xf32>
          %mul3A_788 = arith.mulf %add3A_787, %select_n3A_129 : vector<16xf32>
          %swap3A_789 = arith.index_cast %scan3A_102 : i32 to index
          %swap3A_790 = arith.constant 720 : index
          %swap3A_791 = tpu.vector_load %arg22[%swap3A_789, %swap3A_790] {strides = array<i32>} : memref<16x768xf32, #tpu.memory_space<vmem>>, vector<16xf32>,
          tpu.vector_store %arg22[%swap3A_789, %swap3A_790], %mul3A_788 {strides = array<i32>} : memref<16x768xf32, #tpu.memory_space<vmem>>, vector<16xf32>,
          %add3A_792 = arith.constant 32 : i32
          %add3A_793 = vector.broadcast %add3A_792 : i32 to vector<16xi32>
          %add3A_794 = arith.addi %iota3A, %add3A_793 : vector<16xi32>
          %gather3A_795 = tpu.vector_load_idx %arg12[%gather3A_765, %add3A_794] : memref<119x64xf32, #tpu.memory_space<vmem>>[vector<16xi32>, vector<16xi32>], vector<16xf32>,
          %get3A_796 = arith.index_cast %scan3A_102 : i32 to index
          %get3A_797 = arith.constant 736 : index
          %get3A_798 = tpu.vector_load %arg22[%get3A_796, %get3A_797] {strides = array<i32>} : memref<16x768xf32, #tpu.memory_space<vmem>>, vector<16xf32>,
          %add3A_799 = arith.addf %gather3A_141, %gather3A_795 : vector<16xf32>
          %add3A_800 = arith.addf %add3A_799, %get3A_798 : vector<16xf32>
          %mul3A_801 = arith.mulf %add3A_800, %select_n3A_129 : vector<16xf32>
          %swap3A_802 = arith.index_cast %scan3A_102 : i32 to index
          %swap3A_803 = arith.constant 736 : index
          %swap3A_804 = tpu.vector_load %arg22[%swap3A_802, %swap3A_803] {strides = array<i32>} : memref<16x768xf32, #tpu.memory_space<vmem>>, vector<16xf32>,
          tpu.vector_store %arg22[%swap3A_802, %swap3A_803], %mul3A_801 {strides = array<i32>} : memref<16x768xf32, #tpu.memory_space<vmem>>, vector<16xf32>,
          %add3A_805 = arith.constant 48 : i32
          %add3A_806 = vector.broadcast %add3A_805 : i32 to vector<16xi32>
          %add3A_807 = arith.addi %iota3A, %add3A_806 : vector<16xi32>
          %gather3A_808 = tpu.vector_load_idx %arg12[%gather3A_765, %add3A_807] : memref<119x64xf32, #tpu.memory_space<vmem>>[vector<16xi32>, vector<16xi32>], vector<16xf32>,
          %get3A_809 = arith.index_cast %scan3A_102 : i32 to index
          %get3A_810 = arith.constant 752 : index
          %get3A_811 = tpu.vector_load %arg22[%get3A_809, %get3A_810] {strides = array<i32>} : memref<16x768xf32, #tpu.memory_space<vmem>>, vector<16xf32>,
          %add3A_812 = arith.addf %gather3A_145, %gather3A_808 : vector<16xf32>
          %add3A_813 = arith.addf %add3A_812, %get3A_811 : vector<16xf32>
          %mul3A_814 = arith.mulf %add3A_813, %select_n3A_129 : vector<16xf32>
          %swap3A_815 = arith.index_cast %scan3A_102 : i32 to index
          %swap3A_816 = arith.constant 752 : index
          %swap3A_817 = tpu.vector_load %arg22[%swap3A_815, %swap3A_816] {strides = array<i32>} : memref<16x768xf32, #tpu.memory_space<vmem>>, vector<16xf32>,
          tpu.vector_store %arg22[%swap3A_815, %swap3A_816], %mul3A_814 {strides = array<i32>} : memref<16x768xf32, #tpu.memory_space<vmem>>, vector<16xf32>,
        }
        %scan3A_101 = arith.constant 16 : i32
        "tpu.region"() ({
          %run_scoped3A = tpu.sem_alloc : memref<!tpu.dma_semaphore, #tpu.memory_space<semaphore_mem>>
          %dma_start3A_102 = arith.constant 0 : i32
          %dma_start3A_103 = tpu.memref_slice %arg9[%div3A_78, %mul3A_83, %dma_start3A_102] : memref<16x304x768xf32, #tpu.memory_space<hbm>> -> memref<1x16x768xf32, #tpu.memory_space<hbm>>
          %dma_start3A_104 = tpu.memref_squeeze %dma_start3A_103 : memref<1x16x768xf32, #tpu.memory_space<hbm>> -> memref<16x768xf32, #tpu.memory_space<hbm>>
          %dma_start3A_105 = arith.constant 0 : i32
          %dma_start3A_106 = tpu.memref_slice %arg9[%div3A_78, %mul3A_83, %dma_start3A_105] : memref<16x304x768xf32, #tpu.memory_space<hbm>> -> memref<1x16x768xf32, #tpu.memory_space<hbm>>
          %dma_start3A_107 = tpu.memref_squeeze %dma_start3A_106 : memref<1x16x768xf32, #tpu.memory_space<hbm>> -> memref<16x768xf32, #tpu.memory_space<hbm>>
          tpu.enqueue_dma source(%arg22 : memref<16x768xf32, #tpu.memory_space<vmem>>) target(%dma_start3A_107 : memref<16x768xf32, #tpu.memory_space<hbm>>) target_semaphore(%run_scoped3A : memref<!tpu.dma_semaphore, #tpu.memory_space<semaphore_mem>>)
          %dma_wait3A_108 = arith.constant 0 : i32
          %dma_wait3A_109 = tpu.memref_slice %arg9[%div3A_78, %mul3A_83, %dma_wait3A_108] : memref<16x304x768xf32, #tpu.memory_space<hbm>> -> memref<1x16x768xf32, #tpu.memory_space<hbm>>
          %dma_wait3A_110 = tpu.memref_squeeze %dma_wait3A_109 : memref<1x16x768xf32, #tpu.memory_space<hbm>> -> memref<16x768xf32, #tpu.memory_space<hbm>>
          %dma_wait3A_111 = arith.constant 0 : i32
          %dma_wait3A_112 = tpu.memref_slice %arg9[%div3A_78, %mul3A_83, %dma_wait3A_111] : memref<16x304x768xf32, #tpu.memory_space<hbm>> -> memref<1x16x768xf32, #tpu.memory_space<hbm>>
          %dma_wait3A_113 = tpu.memref_squeeze %dma_wait3A_112 : memref<1x16x768xf32, #tpu.memory_space<hbm>> -> memref<16x768xf32, #tpu.memory_space<hbm>>
          tpu.wait_dma2 semaphore(%run_scoped3A : memref<!tpu.dma_semaphore, #tpu.memory_space<semaphore_mem>>) src(%arg22 : memref<16x768xf32, #tpu.memory_space<vmem>>) dst(%dma_wait3A_113 : memref<16x768xf32, #tpu.memory_space<hbm>>)
          tpu.yield
        }) : () -> ()
      } else {
      }
    }
    %scan3A_27 = arith.constant 5 : i32
    return
  }
}

</mosaic_0001>

<sc_bundles>
// kernel: gather_offload_async_start
scs
__scs_entry_jumppad:
0x0: {  	(pc) =	sbr.rel $0x88, $3  }
0x1: {  	(tag) =	ssettag $0x0;
	lr =	simm.s32 $0x1  }
0x2: {  	[smem:$0x3F9B] =	sst lr;
	_ =	strace $0xD0000000  }
0x3: {  	_ = 	snop  }
0x4: {  	_ = 	snop  }
0x5: {  	_ = 	snop  }
0x6: {  	_ = 	snop  }
0x7: {  	_ = 	snop  }
__scs_overlays_trampoline_lowered:
0x8: {  	[smem:$0x3FAA] =	sst s0  }
0x9: {  	[smem:$0x3FAB] =	sst s1  }
0xa: {  	[smem:$0x3FAC] =	sst s2  }
0xb: {  	[smem:$0x3FAD] =	sst s3  }
0xc: {  	[smem:$0x3FAE] =	sst s4  }
0xd: {  	[smem:$0x3FAF] =	sst s5  }
0xe: {  	[smem:$0x3FB0] =	sst s6  }
0xf: {  	[smem:$0x3FB1] =	sst s7  }
0x10: {  	[smem:$0x3FB2] =	sst s8  }
0x11: {  	[smem:$0x3FB3] =	sst s9;
	s0 =	simm.s32 @!p0 $0x0  }
0x12: {  	s1 =	sld [smem:$0x3F99];
	s0 =	simm.s32 @p0 $0x1  }
0x13: {  	[smem:$0x3FB4] =	sst s0;
	s0 =	simm.s32 @!p1 $0x0  }
0x14: {  	s2 =	sld [smem:$0x3F98];
	s0 =	simm.s32 @p1 $0x1  }
0x15: {  	[smem:$0x3FB5] =	sst s0;
	s0 =	simm.s32 @!p2 $0x0  }
0x16: {  	s3 =	sld [smem:$0x3FDB];
	s0 =	simm.s32 @p2 $0x1  }
0x17: {  	s4 =	simm.s32 $0x1BF5;
	[smem:$0x3FB7] =	sst s0  }
0x18: {  	s0 =	sld [smem:$0x3F9A];
	_ =	swait.ge [sflag:s4], $0x0  }
0x19: {  	s7 =	sld [smem:$0x3F9B]  }
0x1a: {  	s8 =	sadd.s32 $0xFFFFE003, lr  }
0x1b: {  	s9 =	sadd.s32 $0xFFFFFEF7, lr;
	s5 =	simm.s32 $0xFFFFFFFF;
	p2 =	slt.u32 s8, $0xFFFFF086  }
0x1c: {  	p1 =	slt.u32 s9, $0xF7A;
	s5 =	simm.s32 @!p2 $0x0  }
0x1d: {  	s5 =	simm.s32 @p1 $0x1;
	p0 =	seq.s32 s7, s2  }
0x1e: {  	s7 =	smul.u32 @!p0 $0xF7A, s2;
	p2 =	seq.s32 @!p0 s5, $0x0  }
0x1f: {  	s9 =	smul.u32 $0xF7A, s1;
	s8 =	simm.s32 @!p0 $0x1BF5;
	p2 =	por !p2, p0  }
0x20: {  	[sflag:s8] =	ssyncset.s32 @!p0 $0xFFFFF086;
	s6 =	sadd.s32 @!p0 s3, s7;
	s7 =	simm.s32 @!p0 $0x108  }
0x21: {  	s3 =	sadd.s32 s3, s9;
	s6 =	sadd.s32 @!p0 $0x88, s6;
	s7 =	simm.s32 @p2 $0x1082  }
0x22: {  	[simem:s7], [sflag:s8] =	dma.local @!p0 [hbm:s6], $0xF7A  }
0x23: {  	s9 =	sor.u32 $0xD0000000, s2;
	s6 =	simm.s32 $0x108;
	_ =	swait.ge @!p0 [sflag:s8], $0x0  }
0x24: {  	s3 =	sadd.s32 $0x88, s3;
	s6 =	simm.s32 @!p1 $0x1082;
	[sflag:s4] =	ssyncset.s32 $0xFFFFF086  }
0x25: {  	[simem:s6], [sflag:s4] =	dma.local [hbm:s3], $0xF7A  }
0x26: {  	[smem:$0x3F9B] =	sst s1;
	(tag) =	ssettag s2;
	_ =	strace s9  }
0x27: {  	s1 =	sld [smem:$0x3FAB]  }
0x28: {  	s2 =	sld [smem:$0x3FAC]  }
0x29: {  	s4 =	sld [smem:$0x3FAE]  }
0x2a: {  	p0 =	seq.s32 s5, $0x0;
	s5 =	sld [smem:$0x3FAF]  }
0x2b: {  	s6 =	sld [smem:$0x3FB0]  }
0x2c: {  	s7 =	sld [smem:$0x3FB1]  }
0x2d: {  	s3 =	simm.s32 $0x108;
	s8 =	sld [smem:$0x3FB2]  }
0x2e: {  	s3 =	simm.s32 @!p0 $0x1082;
	s9 =	sld [smem:$0x3FB3]  }
0x2f: {  	lr =	sadd.s32 s0, s3;
	s0 =	sld [smem:$0x3FAA]  }
0x30: {  	s3 =	sld [smem:$0x3FAD]  }
0x31: {  	[smem:$0x3FB6] =	sst s10  }
0x32: {  	s10 =	sld [smem:$0x3FB4];
	_ =	sdelay $0x3  }
0x33: {  	p0 =	seq.s32 s10, $0x1;
	s10 =	sld [smem:$0x3FB6];
	_ =	sdelay $0x3  }
0x34: {  	[smem:$0x3FB6] =	sst s10  }
0x35: {  	s10 =	sld [smem:$0x3FB5];
	_ =	sdelay $0x3  }
0x36: {  	p1 =	seq.s32 s10, $0x1;
	s10 =	sld [smem:$0x3FB6];
	_ =	sdelay $0x3  }
0x37: {  	[smem:$0x3FB6] =	sst s10  }
0x38: {  	s10 =	sld [smem:$0x3FB7]  }
0x39: {  	_ = 	snop;
	(pc) =	sbr.ind lr, $3  }
0x3a: {  	_ = 	snop  }
0x3b: {  	_ = 	snop  }
0x3c: {  	p2 =	seq.s32 s10, $0x1;
	s10 =	sld [smem:$0x3FB6]  }
0x3d: {  	_ =	shalt  }
0x3e: {  	_ =	shalt  }
0x3f: {  	_ =	shalt  }
0x40: {  	_ =	shalt  }
0x41: {  	_ =	shalt  }
0x42: {  	_ =	shalt  }
0x43: {  	_ =	shalt  }
0x44: {  	_ =	shalt  }
0x45: {  	_ =	shalt  }
0x46: {  	_ =	shalt  }
0x47: {  	_ =	shalt  }
0x48: {  	_ =	shalt  }
0x49: {  	_ =	shalt  }
0x4a: {  	_ =	shalt  }
0x4b: {  	_ =	shalt  }
0x4c: {  	_ =	shalt  }
0x4d: {  	_ =	shalt  }
0x4e: {  	_ =	shalt  }
0x4f: {  	_ =	shalt  }
0x50: {  	_ =	shalt  }
0x51: {  	_ =	shalt  }
0x52: {  	_ =	shalt  }
0x53: {  	_ =	shalt  }
0x54: {  	_ =	shalt  }
0x55: {  	_ =	shalt  }
0x56: {  	_ =	shalt  }
0x57: {  	_ =	shalt  }
0x58: {  	_ =	shalt  }
0x59: {  	_ =	shalt  }
0x5a: {  	_ =	shalt  }
0x5b: {  	_ =	shalt  }
0x5c: {  	_ =	shalt  }
0x5d: {  	_ =	shalt  }
0x5e: {  	_ =	shalt  }
0x5f: {  	_ =	shalt  }
0x60: {  	_ =	shalt  }
0x61: {  	_ =	shalt  }
0x62: {  	_ =	shalt  }
0x63: {  	_ =	shalt  }
0x64: {  	_ =	shalt  }
0x65: {  	_ =	shalt  }
0x66: {  	_ =	shalt  }
0x67: {  	_ =	shalt  }
0x68: {  	_ =	shalt  }
0x69: {  	_ =	shalt  }
0x6a: {  	_ =	shalt  }
0x6b: {  	_ =	shalt  }
0x6c: {  	_ =	shalt  }
0x6d: {  	_ =	shalt  }
0x6e: {  	_ =	shalt  }
0x6f: {  	_ =	shalt  }
0x70: {  	_ =	shalt  }
0x71: {  	_ =	shalt  }
0x72: {  	_ =	shalt  }
0x73: {  	_ =	shalt  }
0x74: {  	_ =	shalt  }
0x75: {  	_ =	shalt  }
0x76: {  	_ =	shalt  }
0x77: {  	_ =	shalt  }
0x78: {  	_ =	shalt  }
0x79: {  	_ =	shalt  }
0x7a: {  	_ =	shalt  }
0x7b: {  	_ =	shalt  }
0x7c: {  	_ =	shalt  }
0x7d: {  	_ =	shalt  }
0x7e: {  	_ =	shalt  }
0x7f: {  	_ =	shalt  }
0x80: {  	_ =	shalt  }
0x81: {  	_ =	shalt  }
0x82: {  	_ =	shalt  }
0x83: {  	_ =	shalt  }
0x84: {  	_ =	shalt  }
0x85: {  	_ =	shalt  }
0x86: {  	_ =	shalt  }
0x87: {  	_ =	shalt  }
.Lfunc_end0:
.L_simem_size_0:
called_computation_lowered:
.L_overlay_start_0:
0x88: {  	s2 =	sld [smem:$0x3FD9]  }
0x89: {  	s3 =	sld [smem:$0x3FFE];
	_ =	sdelay $0x1  }
0x8a: {  	s1 =	srdreg.scid  }
0x8b: {  	s0 =	sand.u32 $0x1, s1  }
0x8c: {  	s14 =	sshll.u32 s0, $0xA;
	s2 =	sadd.s32 s3, s2  }
0x8d: {  	s2 =	sadd.s32 s2, s14  }
0x8e: {  	[smem:$0x3FC2] =	sst s2  }
0x8f: {  	_ = 	snop  }
0x90: {  	s2 =	sld [smem:$0x3FD0];
	_ =	sdelay $0x2  }
0x91: {  	s15 =	simm.s32 $0xA;
	s4 =	simm.s32 $0x10  }
0x92: {  	[smem:s4], [sflag:s15] =	dma.local [hbm:s2], $0x1  }
0x93: {  	_ =	swait.eq [sflag:s15], $0x1  }
0x94: {  	[sflag:s15] =	ssyncset.done $0x0  }
0x95: {  	[sflag:s15] =	ssyncadd.s32 $0xFFFFFFFF  }
0x96: {  	s16 =	sld [smem:$0x11];
	(tm) =	ssettm $0x1  }
0x97: {  	s17 =	sld [smem:$0x3FFB];
	_ =	sdelay $0x3  }
0x98: {  	_ =	strace s17  }
0x99: {  	s3 =	sld [smem:$0x3FFC];
	_ =	sdelay $0x3  }
0x9a: {  	_ =	strace s3  }
0x9b: {  	s3 =	sld [smem:$0x3FFD];
	_ =	sdelay $0x3  }
0x9c: {  	_ =	strace s3  }
0x9d: {  	_ =	strace $0x8FFFFFFF  }
0x9e: {  	s18 =	sld [smem:$0x3FDB];
	_ =	sdelay $0x1  }
0x9f: {  	s19 =	simm.s32 $_scs_section_size  }
0xa0: {  	s5 =	simm.s32 $_size__tile_overlayer_lowered;
	s6 =	simm.s32 $_tile_overlayer_lowered  }
0xa1: {  	s22 =	simm.s32 $0x1BFF;
	s21 =	sshll.u32 s6, $0x1;
	s3 =	sadd.s32 s19, s18  }
0xa2: {  	s7 =	simm.s32 $0x0;
	s20 =	sshll.u32 s5, $0x1;
	s5 =	sadd.s32 s21, s3  }
0xa3: {  	[timem:s7], [sflag:s22] =	dma.local [hbm:s5], s20  }
0xa4: {  	_ =	swait.ge [sflag:s22], s20  }
0xa5: {  	s4 =	ssub.s32 $0x0, s20;
	[sflag:s22] =	ssyncset.done $0x0  }
0xa6: {  	[sflag:s22] =	ssyncadd.s32 s4;
	_ =	sdelay $0x1  }
0xa7: {  	s23 =	simm.s32 $0x1B8B  }
0xa8: {  	_ =	swait.ge [sflag:s23], $0x1  }
0xa9: {  	[sflag:s23] =	ssyncset.done $0x0  }
0xaa: {  	s25 =	simm.s32 $0x1B8E;
	s24 =	sld [smem:$0x3FFE];
	[sflag:s23] =	ssyncadd.s32 $0xFFFFFFFF  }
0xab: {  	s26 =	simm.s32 $execute0_lowered;
	[smem:$0x3FD2] =	sst s25  }
0xac: {  	s5 =	sshll.u32 s26, $0x1;
	_ =	strace $0x80000049;
	[dreg:$0x1] =	wrdreg $0xFFFFFFFF  }
0xad: {  	s28 =	simm.s32 $_size_execute0_lowered;
	s3 =	sadd.s32 s3, s5;
	[dreg:$0x0] =	wrdreg $0x0  }
0xae: {  	s5 =	sshll.u32 s28, $0x1;
	[dreg:$0x2] =	wrdreg s3  }
0xaf: {  	[dreg:$0x3] =	wrdreg s5  }
0xb0: {  	[dreg:$0x4] =	wrdreg $0xC0  }
0xb1: {  	_ =	task [dreg:s7], $0x5FFFF  }
0xb2: {  	[dreg:$0x1] =	wrdreg $0xFFFFFFFF  }
0xb3: {  	[dreg:$0x0] =	wrdreg $0x60  }
0xb4: {  	[dreg:$0x2] =	wrdreg s24  }
0xb5: {  	[dreg:$0x3] =	wrdreg s16  }
0xb6: {  	[dreg:$0x4] =	wrdreg $0x9  }
0xb7: {  	_ =	task.clear_ibuf [dreg:s7], $0x5FFFF;
	_ =	strace $0x90000049  }
0xb8: {  	s29 =	simm.s32 $0x9;
	_ =	strace $0x8000004B  }
0xb9: {  	_ =	swait.ge [sflag:s29], $0x1  }
0xba: {  	[sflag:s29] =	ssyncadd.s32 $0xFFFFFFFF  }
0xbb: {  	_ =	strace $0x9000004B  }
0xbc: {  	_ =	sfence  }
0xbd: {  	s30 =	sld [smem:$0x0];
	_ =	sdelay $0x2  }
0xbe: {  	s31 =	sshll.u32 s1, $0xD;
	s1 =	sshrl.u32 s1, $0x2  }
0xbf: {  	s3 =	sand.u32 $0x4000, s31;
	s1 =	sadd.s32 s1, s30  }
0xc0: {  	s0 =	sor.u32 s3, s0;
	s1 =	sshll.u32 s1, $0x11  }
0xc1: {  	s0 =	sor.u32 s1, s0  }
0xc2: {  	s0 =	sadd.s32 $0x8F2B, s0  }
0xc3: {  	[sflag:s0] =	ssyncadd.remote.s32 $0x1  }
0xc4: {  	_ =	sfence.sel $0xFFFF  }
0xc5: {  	[dreg:$0x0] =	wrdreg $0xFFFFFFFF;
	(pc) =	sbr.abs _section_cstart, $3  }
0xc6: {  	[dreg:$0x1] =	wrdreg $0xFFFFFFFF  }
0xc7: {  	_ =	task.clear_ibuf [dreg:s7], $0x2FFFF;
	_ =	strace $0x9FFFFFFF  }
0xc8: {  	(tm) =	ssettm $0x7FFFFFFF  }
0xc9: {  	_ =	shalt  }
tec
execute0_lowered:
.L_overlay_start_1:
0x0: {  	(tag) =	ssettag $0x1  }
0x1: {  	s8 =	rddreg [dreg:$0x0];
	s0 =	stileid.u32  }
0x2: {  	s1 =	srdreg.scid;
	s2 =	rddreg [dreg:$0x1]  }
0x3: {  	s5 =	simm.s32 $0x1;
	s9 =	simm.s32 $0x1;
	s10 =	simm.s32 $0x3  }
0x4: {  	s13 =	simm.s32 $0x0;
	s3 =	sand.u32 $0x1, s1;
	s4 =	sshll.u32 s0, $0x1  }
0x5: {  	s12 =	simm.s32 $0x0;
	s1 =	rddreg [dreg:$0x2];
	s6 =	sor.u32 s4, s3  }
0x6: {  	_ =	strace $0x8000004A;
	s3 =	sadd.s32 $0x1800, s8;
	s4 =	smul.u32 $0xA0, s6  }
0x7: {  	[sflag:s5] =	ssyncpa.u1 $0x0;
	p0 =	slt.u32 s6, $0x5;
	s6 =	simm.s32 $0x1400  }
.Ltmp0:
0x8: {  	s6 =	simm.s32 @!p0 $0x0;
	s7 =	ssub.s32 $0x1680, s4;
	(pc) =	sbr.rel .LBB2_1-.Ltmp0, $4  }
0x9: {  	s9 =	simm.s32 @!p0 $0x0;
	p0 =	sne.s32 s7, s6;
	s7 =	simm.s32 $0x1  }
0xa: {  	s8 =	sadd.s32 $0x3A00, s8;
	s6 =	simm.s32 $0x2;
	s7 =	simm.s32 @!p0 $0x0  }
0xb: {  	s11 =	smov.u32 s4;
	[sflag:s6] =	ssyncpa.u1 $0x0;
	s7 =	sadd.s32 s9, s7  }
0xc: {  	vm0 =	vmmov $0xffff;
	[sflag:s10] =	ssyncpa.u1 $0x0;
	s10 =	simm.s32 $0x0;
	s9 =	sadd.s32 $0x1, s7  }
.LBB2_4:
0xd: {  	vm1 =	veq.s32 v0, $0x80000000;
	v63 =	vand.u32 $0x1F, v0;
	v2 =	vand.u32 $0x7FF, v2  }
0xe: {  	v0 =	vsel vm1, $0xFFFFFFFF, v63;
	v2 =	vsel vm1, $0xFFFFFFFF, v2  }
0xf: {  	v3 =	vshll.u32 v0, $0xB;
	v4 =	vshll.u32 v2, $0x3  }
0x10: {  	v0 =	vshll.u32 v0, $0x7;
	v3 =	vand.u32 $0xFFFFC000, v3;
	v4 =	vand.u32 $0xFFFFFC00, v4  }
0x11: {  	v0 =	vand.u32 $0x380, v0;
	v3 =	vadd.s32 v3, v4  }
0x12: {  	v2 =	vand.u32 $0x7F, v2;
	v0 =	vor.u32 v0, v3  }
0x13: {  	v0 =	vor.u32 v2, v0;
	_ =	sdelay $0x1  }
0x14: {  	(ifvalue) =	ssetifvalue $0x7FFFFFFF;
	s15 =	sadd.s32 $0x10, s15  }
0x15: {  	[tilespmem:s15], [sflag:$0x1] =	stream.indirect_vreg.gather [hbm4b:s3+s10], $0x1, v1, vm0, $0x4038;
	[tilespmem:$0x280] =	vst v63  }
0x16: {  	(ifvalue) =	ssetifvalue $0x7FFFFFFF;
	s15 =	sadd.s32 $0x10, s15  }
0x17: {  	[tilespmem:s15], [sflag:$0x1] =	stream.indirect_vreg.gather [hbm4b:s3+s10], $0x1, v0, vm0, $0x4038;
	[tilespmem:$0x280] =	vst v63  }
0x18: {  	_ =	swait.ge [sflag:s5], $0xA0  }
0x19: {  	s30 =	sshrl.u32 s13, $0x3;
	[sflag:s5] =	ssyncset.done $0x0  }
0x1a: {  	s31 =	sand.u32 $0x7, s13;
	s15 =	sadd.s32 s8, s30;
	[sflag:s5] =	ssyncadd.s32 $0xFFFFFF60  }
0x1b: {  	[hbm4b:s15+s31] =	stream.linear.scatter [tilespmem:s14], [sflag:$0x3], $0xA0, $0x38;
	[tilespmem:$0x280] =	vst v63  }
.LBB2_5:
0x1c: {  	s15 =	sadd.s32 $0x1400, s11  }
0x1d: {  	p1 =	sgt.s32 s15, $0x167F  }
0x1e: {  	s15 =	smov.u32 @p1 s4;
	p1 =	sne.s32 s12, s9  }
.Ltmp1:
0x1f: {  	p0 =	slt.u32 s12, $0x2;
	(pc) =	sbr.rel @!p1 .LBB2_6-.Ltmp1, $4  }
0x20: {  	s14 =	simm.s32 @!p0 $0x3  }
0x21: {  	_ =	swait.ge @!p0 [sflag:s14], $0xA0  }
0x22: {  	s16 =	sadd.s32 $0x1, s12;
	s13 =	smov.u32 s11;
	[sflag:s14] =	ssyncset.done @!p0 $0x0  }
0x23: {  	s12 =	smov.u32 s16;
	s11 =	smov.u32 s15;
	[sflag:s14] =	ssyncadd.s32 @!p0 $0xFFFFFF60  }
.LBB2_1:
0x24: {  	p0 =	sge.u32 s12, s7  }
0x25: {  	s14 =	sxor.u32 @!p0 $0x1, s12  }
0x26: {  	s14 =	smul.u32 @!p0 $0x280, s14  }
0x27: {  	s31 =	sadd.s32 $0xFFFFFFFF, s12;
	s15 =	sshrl.u32 @!p0 s11, $0x3  }
0x28: {  	s16 =	sand.u32 @!p0 $0x7, s11;
	s15 =	sadd.s32 @!p0 s2, s15;
	s14 =	sshra.s32 @!p0 s14, $0x2  }
0x29: {  	[tilespmem:s14], [sflag:$0x2] =	stream.linear.gather @!p0 [hbm4b:s15+s16], $0xA0, $0x38;
	[tilespmem:$0x280] =	vst v63  }
0x2a: {  	p0 =	sge.u32 s31, s7  }
.Ltmp2:
0x2b: {  	_ = 	snop;
	(pc) =	sbr.rel @p0 .LBB2_5-.Ltmp2, $1  }
0x2c: {  	_ =	sdelay $0x3  }
0x2d: {  	s14 =	sand.u32 $0x1, s12  }
0x2e: {  	_ =	swait.ge [sflag:s6], $0xA0;
	p0 =	seq.s32 s14, $0x1;
	s14 =	simm.s32 $0xA0  }
0x2f: {  	[sflag:s6] =	ssyncset.done $0x0;
	s14 =	simm.s32 @!p0 $0x0  }
0x30: {  	[sflag:s6] =	ssyncadd.s32 $0xFFFFFF60;
	(ifvalue) =	ssetifvalue $0x7FFFFFFF;
	v0 =	vld.msk [tilespmem:s14+$0x0 ss:$0x1], $0xffff;
	_ =	sdelay $0x3  }
0x31: {  	s15 =	sadd.s32 $0x10, s14  }
0x32: {  	v2 =	vld.msk [tilespmem:s15+$0x0 ss:$0x1], $0xffff;
	v1 =	vshrl.u32 v0, $0x5  }
0x33: {  	vm1 =	veq.s32 v0, $0x80000000;
	v0 =	vand.u32 $0x1F, v0;
	v1 =	vand.u32 $0x7FF, v1  }
0x34: {  	v0 =	vsel vm1, $0xFFFFFFFF, v0;
	v1 =	vsel vm1, $0xFFFFFFFF, v1  }
0x35: {  	v3 =	vshll.u32 v0, $0xB;
	v4 =	vshll.u32 v1, $0x3  }
0x36: {  	v0 =	vshll.u32 v0, $0x7;
	v3 =	vand.u32 $0xFFFFC000, v3;
	v4 =	vand.u32 $0xFFFFFC00, v4  }
0x37: {  	vm1 =	veq.s32 v2, $0x80000000;
	v0 =	vand.u32 $0x380, v0;
	v3 =	vadd.s32 v3, v4  }
0x38: {  	v1 =	vand.u32 $0x7F, v1;
	v0 =	vor.u32 v0, v3;
	v3 =	vshrl.u32 v2, $0x5  }
0x39: {  	s15 =	sadd.s32 $0x10, s15;
	v2 =	vand.u32 $0x1F, v2;
	v1 =	vor.u32 v1, v0;
	v3 =	vand.u32 $0x7FF, v3  }
0x3a: {  	v0 =	vld.msk [tilespmem:s15+$0x0 ss:$0x1], $0xffff;
	v2 =	vsel vm1, $0xFFFFFFFF, v2;
	v3 =	vsel vm1, $0xFFFFFFFF, v3  }
0x3b: {  	v63 =	vshll.u32 v2, $0xB;
	v5 =	vshll.u32 v3, $0x3  }
0x3c: {  	v2 =	vshll.u32 v2, $0x7;
	v4 =	vand.u32 $0xFFFFC000, v63;
	v5 =	vand.u32 $0xFFFFFC00, v5  }
0x3d: {  	s14 =	sor.u32 $0x140, s14;
	(ifvalue) =	ssetifvalue $0x7FFFFFFF;
	v2 =	vand.u32 $0x380, v2;
	v4 =	vadd.s32 v4, v5  }
0x3e: {  	[tilespmem:s14], [sflag:$0x1] =	stream.indirect_vreg.gather [hbm4b:s3+s10], $0x1, v1, vm0, $0x4038;
	v1 =	vand.u32 $0x7F, v3;
	v3 =	vor.u32 v2, v4;
	[tilespmem:$0x280] =	vst v63  }
0x3f: {  	s16 =	simm.s32 $0x20;
	s17 =	sadd.s32 $0x10, s15;
	s15 =	smov.u32 s14;
	v2 =	vshrl.u32 v0, $0x5;
	v1 =	vor.u32 v1, v3  }
.LBB2_3:
0x40: {  	s16 =	sadd.s32 $0x10, s16;
	vm1 =	veq.s32 v0, $0x80000000;
	v3 =	vand.u32 $0x1F, v0;
	v0 =	vld.msk [tilespmem:s17+$0x0 ss:$0x1], $0xffff;
	v2 =	vand.u32 $0x7FF, v2  }
0x41: {  	p0 =	slt.u32 s16, $0x90;
	v3 =	vsel vm1, $0xFFFFFFFF, v3;
	v2 =	vsel vm1, $0xFFFFFFFF, v2  }
.Ltmp3:
0x42: {  	v4 =	vshll.u32 v3, $0xB;
	v5 =	vshll.u32 v2, $0x3;
	(pc) =	sbr.rel @p0 .LBB2_3-.Ltmp3, $4  }
0x43: {  	s15 =	sadd.s32 $0x10, s15;
	v3 =	vshll.u32 v3, $0x7;
	v4 =	vand.u32 $0xFFFFC000, v4;
	v5 =	vand.u32 $0xFFFFFC00, v5;
	(ifvalue) =	ssetifvalue $0x7FFFFFFF  }
0x44: {  	v3 =	vand.u32 $0x380, v3;
	v4 =	vadd.s32 v4, v5;
	[tilespmem:s15], [sflag:$0x1] =	stream.indirect_vreg.gather [hbm4b:s3+s10], $0x1, v1, vm0, $0x4038;
	[tilespmem:$0x280] =	vst v63  }
0x45: {  	v1 =	vand.u32 $0x7F, v2;
	v3 =	vor.u32 v3, v4  }
0x46: {  	s17 =	sadd.s32 $0x10, s17;
	v2 =	vshrl.u32 v0, $0x5;
	v1 =	vor.u32 v1, v3  }
.Ltmp4:
0x47: {  	_ = 	snop;
	(pc) =	sbr.rel .LBB2_4-.Ltmp4, $1  }
0x48: {  	_ =	sdelay $0x3  }
.LBB2_6:
0x49: {  	_ =	sfence.sel $0x180000  }
0x4a: {  	s2 =	simm.s32 $0x2;
	[bflag:$0x0] =	sbarrier.arrive $0xFFFF  }
0x4b: {  	s30 =	simm.s32 $0x3;
	[sflag:s2] =	ssyncpa.u1 $0x1  }
0x4c: {  	s31 =	simm.s32 $0x1;
	[sflag:s30] =	ssyncpa.u1 $0x1  }
0x4d: {  	[sflag:s31] =	ssyncpa.u1 $0x1  }
0x4e: {  	p0 =	sne.s32 s0, $0x0;
	_ =	strace $0x9000004A  }
0x4f: {  	s0 =	sadd.s32 @!p0 $0x100000, s1;
	[bflag:$0x2] =	sbarrier.arrive $0xFFFF  }
0x50: {  	[sflag:s0] =	ssyncadd.tile.s32 @!p0 $0x1;
	_ =	shalt  }
.Lfunc_end2:
_tile_overlayer_lowered:
.L_overlay_start_2:
0x51: {  	(tag) =	ssettag $0x2  }
0x52: {  	s0 =	rddreg [dreg:$0x0];
	s2 =	stileid.u32  }
0x53: {  	s1 =	rddreg [dreg:$0x1];
	p0 =	sne.s32 s2, $0x0  }
0x54: {  	s3 =	rddreg [dreg:$0x2];
	[bflag:$0x3] =	sbarrier.arrive $0xFFFF;
	s2 =	simm.s32 @!p0 $0x1C01  }
0x55: {  	[timem:s3], [sflag:s2] =	dma.local @!p0 [hbm:s0], s1  }
0x56: {  	s0 =	simm.s32 @!p0 $0x1  }
0x57: {  	_ =	swait.ge @!p0 [sflag:s0], s1  }
0x58: {  	s1 =	ssub.s32 @!p0 $0x0, s1;
	[sflag:s0] =	ssyncset.done @!p0 $0x0  }
0x59: {  	[sflag:s0] =	ssyncadd.s32 @!p0 s1  }
0x5a: {  	[bflag:$0x3] =	sbarrier.arrive $0xFFFF  }
0x5b: {  	_ =	shalt  }

// kernel: kernel.4.cloned.1.call-start
scs
__scs_entry_jumppad:
0x0: {  	(pc) =	sbr.rel $0x88, $3  }
0x1: {  	(tag) =	ssettag $0x0;
	lr =	simm.s32 $0x1  }
0x2: {  	[smem:$0x3F9B] =	sst lr;
	_ =	strace $0xD0000000  }
0x3: {  	_ = 	snop  }
0x4: {  	_ = 	snop  }
0x5: {  	_ = 	snop  }
0x6: {  	_ = 	snop  }
0x7: {  	_ = 	snop  }
__scs_overlays_trampoline_lowered:
0x8: {  	[smem:$0x3FAA] =	sst s0  }
0x9: {  	[smem:$0x3FAB] =	sst s1  }
0xa: {  	[smem:$0x3FAC] =	sst s2  }
0xb: {  	[smem:$0x3FAD] =	sst s3  }
0xc: {  	[smem:$0x3FAE] =	sst s4  }
0xd: {  	[smem:$0x3FAF] =	sst s5  }
0xe: {  	[smem:$0x3FB0] =	sst s6  }
0xf: {  	[smem:$0x3FB1] =	sst s7  }
0x10: {  	[smem:$0x3FB2] =	sst s8  }
0x11: {  	[smem:$0x3FB3] =	sst s9;
	s0 =	simm.s32 @!p0 $0x0  }
0x12: {  	s1 =	sld [smem:$0x3F99];
	s0 =	simm.s32 @p0 $0x1  }
0x13: {  	[smem:$0x3FB4] =	sst s0;
	s0 =	simm.s32 @!p1 $0x0  }
0x14: {  	s2 =	sld [smem:$0x3F98];
	s0 =	simm.s32 @p1 $0x1  }
0x15: {  	[smem:$0x3FB5] =	sst s0;
	s0 =	simm.s32 @!p2 $0x0  }
0x16: {  	s3 =	sld [smem:$0x3FDB];
	s0 =	simm.s32 @p2 $0x1  }
0x17: {  	s4 =	simm.s32 $0x1BF5;
	[smem:$0x3FB7] =	sst s0  }
0x18: {  	s0 =	sld [smem:$0x3F9A];
	_ =	swait.ge [sflag:s4], $0x0  }
0x19: {  	s7 =	sld [smem:$0x3F9B]  }
0x1a: {  	s8 =	sadd.s32 $0xFFFFE003, lr  }
0x1b: {  	s9 =	sadd.s32 $0xFFFFFEF7, lr;
	s5 =	simm.s32 $0xFFFFFFFF;
	p2 =	slt.u32 s8, $0xFFFFF086  }
0x1c: {  	p1 =	slt.u32 s9, $0xF7A;
	s5 =	simm.s32 @!p2 $0x0  }
0x1d: {  	s5 =	simm.s32 @p1 $0x1;
	p0 =	seq.s32 s7, s2  }
0x1e: {  	s7 =	smul.u32 @!p0 $0xF7A, s2;
	p2 =	seq.s32 @!p0 s5, $0x0  }
0x1f: {  	s9 =	smul.u32 $0xF7A, s1;
	s8 =	simm.s32 @!p0 $0x1BF5;
	p2 =	por !p2, p0  }
0x20: {  	[sflag:s8] =	ssyncset.s32 @!p0 $0xFFFFF086;
	s6 =	sadd.s32 @!p0 s3, s7;
	s7 =	simm.s32 @!p0 $0x108  }
0x21: {  	s3 =	sadd.s32 s3, s9;
	s6 =	sadd.s32 @!p0 $0x88, s6;
	s7 =	simm.s32 @p2 $0x1082  }
0x22: {  	[simem:s7], [sflag:s8] =	dma.local @!p0 [hbm:s6], $0xF7A  }
0x23: {  	s9 =	sor.u32 $0xD0000000, s2;
	s6 =	simm.s32 $0x108;
	_ =	swait.ge @!p0 [sflag:s8], $0x0  }
0x24: {  	s3 =	sadd.s32 $0x88, s3;
	s6 =	simm.s32 @!p1 $0x1082;
	[sflag:s4] =	ssyncset.s32 $0xFFFFF086  }
0x25: {  	[simem:s6], [sflag:s4] =	dma.local [hbm:s3], $0xF7A  }
0x26: {  	[smem:$0x3F9B] =	sst s1;
	(tag) =	ssettag s2;
	_ =	strace s9  }
0x27: {  	s1 =	sld [smem:$0x3FAB]  }
0x28: {  	s2 =	sld [smem:$0x3FAC]  }
0x29: {  	s4 =	sld [smem:$0x3FAE]  }
0x2a: {  	p0 =	seq.s32 s5, $0x0;
	s5 =	sld [smem:$0x3FAF]  }
0x2b: {  	s6 =	sld [smem:$0x3FB0]  }
0x2c: {  	s7 =	sld [smem:$0x3FB1]  }
0x2d: {  	s3 =	simm.s32 $0x108;
	s8 =	sld [smem:$0x3FB2]  }
0x2e: {  	s3 =	simm.s32 @!p0 $0x1082;
	s9 =	sld [smem:$0x3FB3]  }
0x2f: {  	lr =	sadd.s32 s0, s3;
	s0 =	sld [smem:$0x3FAA]  }
0x30: {  	s3 =	sld [smem:$0x3FAD]  }
0x31: {  	[smem:$0x3FB6] =	sst s10  }
0x32: {  	s10 =	sld [smem:$0x3FB4];
	_ =	sdelay $0x3  }
0x33: {  	p0 =	seq.s32 s10, $0x1;
	s10 =	sld [smem:$0x3FB6];
	_ =	sdelay $0x3  }
0x34: {  	[smem:$0x3FB6] =	sst s10  }
0x35: {  	s10 =	sld [smem:$0x3FB5];
	_ =	sdelay $0x3  }
0x36: {  	p1 =	seq.s32 s10, $0x1;
	s10 =	sld [smem:$0x3FB6];
	_ =	sdelay $0x3  }
0x37: {  	[smem:$0x3FB6] =	sst s10  }
0x38: {  	s10 =	sld [smem:$0x3FB7]  }
0x39: {  	_ = 	snop;
	(pc) =	sbr.ind lr, $3  }
0x3a: {  	_ = 	snop  }
0x3b: {  	_ = 	snop  }
0x3c: {  	p2 =	seq.s32 s10, $0x1;
	s10 =	sld [smem:$0x3FB6]  }
0x3d: {  	_ =	shalt  }
0x3e: {  	_ =	shalt  }
0x3f: {  	_ =	shalt  }
0x40: {  	_ =	shalt  }
0x41: {  	_ =	shalt  }
0x42: {  	_ =	shalt  }
0x43: {  	_ =	shalt  }
0x44: {  	_ =	shalt  }
0x45: {  	_ =	shalt  }
0x46: {  	_ =	shalt  }
0x47: {  	_ =	shalt  }
0x48: {  	_ =	shalt  }
0x49: {  	_ =	shalt  }
0x4a: {  	_ =	shalt  }
0x4b: {  	_ =	shalt  }
0x4c: {  	_ =	shalt  }
0x4d: {  	_ =	shalt  }
0x4e: {  	_ =	shalt  }
0x4f: {  	_ =	shalt  }
0x50: {  	_ =	shalt  }
0x51: {  	_ =	shalt  }
0x52: {  	_ =	shalt  }
0x53: {  	_ =	shalt  }
0x54: {  	_ =	shalt  }
0x55: {  	_ =	shalt  }
0x56: {  	_ =	shalt  }
0x57: {  	_ =	shalt  }
0x58: {  	_ =	shalt  }
0x59: {  	_ =	shalt  }
0x5a: {  	_ =	shalt  }
0x5b: {  	_ =	shalt  }
0x5c: {  	_ =	shalt  }
0x5d: {  	_ =	shalt  }
0x5e: {  	_ =	shalt  }
0x5f: {  	_ =	shalt  }
0x60: {  	_ =	shalt  }
0x61: {  	_ =	shalt  }
0x62: {  	_ =	shalt  }
0x63: {  	_ =	shalt  }
0x64: {  	_ =	shalt  }
0x65: {  	_ =	shalt  }
0x66: {  	_ =	shalt  }
0x67: {  	_ =	shalt  }
0x68: {  	_ =	shalt  }
0x69: {  	_ =	shalt  }
0x6a: {  	_ =	shalt  }
0x6b: {  	_ =	shalt  }
0x6c: {  	_ =	shalt  }
0x6d: {  	_ =	shalt  }
0x6e: {  	_ =	shalt  }
0x6f: {  	_ =	shalt  }
0x70: {  	_ =	shalt  }
0x71: {  	_ =	shalt  }
0x72: {  	_ =	shalt  }
0x73: {  	_ =	shalt  }
0x74: {  	_ =	shalt  }
0x75: {  	_ =	shalt  }
0x76: {  	_ =	shalt  }
0x77: {  	_ =	shalt  }
0x78: {  	_ =	shalt  }
0x79: {  	_ =	shalt  }
0x7a: {  	_ =	shalt  }
0x7b: {  	_ =	shalt  }
0x7c: {  	_ =	shalt  }
0x7d: {  	_ =	shalt  }
0x7e: {  	_ =	shalt  }
0x7f: {  	_ =	shalt  }
0x80: {  	_ =	shalt  }
0x81: {  	_ =	shalt  }
0x82: {  	_ =	shalt  }
0x83: {  	_ =	shalt  }
0x84: {  	_ =	shalt  }
0x85: {  	_ =	shalt  }
0x86: {  	_ =	shalt  }
0x87: {  	_ =	shalt  }
.Lfunc_end0:
.L_simem_size_0:
called_computation.1_lowered:
.L_overlay_start_0:
0x88: {  	s2 =	sld [smem:$0x3FD9]  }
0x89: {  	s3 =	sld [smem:$0x3FFE];
	_ =	sdelay $0x1  }
0x8a: {  	s1 =	srdreg.scid  }
0x8b: {  	s0 =	sand.u32 $0x1, s1  }
0x8c: {  	s14 =	sshll.u32 s0, $0xA;
	s2 =	sadd.s32 s3, s2  }
0x8d: {  	s2 =	sadd.s32 s2, s14  }
0x8e: {  	[smem:$0x3FC2] =	sst s2  }
0x8f: {  	_ = 	snop  }
0x90: {  	s2 =	sld [smem:$0x3FD0];
	_ =	sdelay $0x2  }
0x91: {  	s4 =	simm.s32 $0xA;
	s5 =	simm.s32 $0x10;
	s15 =	sld [smem:$0x3FC9]  }
0x92: {  	[smem:s5], [sflag:s4] =	dma.local [hbm:s2], $0x1  }
0x93: {  	_ =	swait.eq [sflag:s4], $0x1  }
0x94: {  	[sflag:s4] =	ssyncset.done $0x0  }
0x95: {  	s16 =	sld [smem:$0x10];
	[sflag:s4] =	ssyncadd.s32 $0xFFFFFFFF  }
0x96: {  	s17 =	sld [smem:$0x11];
	(tm) =	ssettm $0x1  }
0x97: {  	s18 =	sld [smem:$0x3FFB];
	_ =	sdelay $0x3  }
0x98: {  	_ =	strace s18  }
0x99: {  	s5 =	sld [smem:$0x3FFC];
	_ =	sdelay $0x3  }
0x9a: {  	_ =	strace s5  }
0x9b: {  	s5 =	sld [smem:$0x3FFD];
	_ =	sdelay $0x3  }
0x9c: {  	_ =	strace s5  }
0x9d: {  	_ =	strace $0x8FFFFFFF  }
0x9e: {  	s19 =	sld [smem:$0x3FDB];
	_ =	sdelay $0x1  }
0x9f: {  	s6 =	simm.s32 $_scs_section_size  }
0xa0: {  	s7 =	simm.s32 $_size__tile_overlayer_lowered;
	s8 =	simm.s32 $_tile_overlayer_lowered  }
0xa1: {  	s22 =	simm.s32 $0x1BFF;
	s21 =	sshll.u32 s8, $0x1;
	s5 =	sadd.s32 s6, s19  }
0xa2: {  	s9 =	simm.s32 $0x0;
	s20 =	sshll.u32 s7, $0x1;
	s7 =	sadd.s32 s21, s5  }
0xa3: {  	[timem:s9], [sflag:s22] =	dma.local [hbm:s7], s20  }
0xa4: {  	_ =	swait.ge [sflag:s22], s20  }
0xa5: {  	s6 =	ssub.s32 $0x0, s20;
	[sflag:s22] =	ssyncset.done $0x0  }
0xa6: {  	[sflag:s22] =	ssyncadd.s32 s6;
	_ =	sdelay $0x1  }
0xa7: {  	s23 =	simm.s32 $0x1B8B  }
0xa8: {  	_ =	swait.ge [sflag:s23], $0x1  }
0xa9: {  	[sflag:s23] =	ssyncset.done $0x0  }
0xaa: {  	s25 =	simm.s32 $0x1B8E;
	s24 =	sld [smem:$0x3FFE];
	[sflag:s23] =	ssyncadd.s32 $0xFFFFFFFF  }
0xab: {  	s26 =	simm.s32 $execute0_lowered;
	[smem:$0x3FD2] =	sst s25  }
0xac: {  	s7 =	sshll.u32 s26, $0x1;
	_ =	strace $0x80000046;
	[dreg:$0x1] =	wrdreg $0xFFFFFFFF  }
0xad: {  	s28 =	simm.s32 $_size_execute0_lowered;
	s5 =	sadd.s32 s5, s7;
	[dreg:$0x0] =	wrdreg $0x0  }
0xae: {  	s7 =	sshll.u32 s28, $0x1;
	[dreg:$0x2] =	wrdreg s5  }
0xaf: {  	[dreg:$0x3] =	wrdreg s7  }
0xb0: {  	[dreg:$0x4] =	wrdreg $0xC0  }
0xb1: {  	_ =	task [dreg:s9], $0x5FFFF  }
0xb2: {  	[dreg:$0x1] =	wrdreg $0xFFFFFFFF  }
0xb3: {  	[dreg:$0x0] =	wrdreg $0x60  }
0xb4: {  	[dreg:$0x2] =	wrdreg s15  }
0xb5: {  	[dreg:$0x3] =	wrdreg s24  }
0xb6: {  	[dreg:$0x4] =	wrdreg s17  }
0xb7: {  	[dreg:$0x5] =	wrdreg s16  }
0xb8: {  	[dreg:$0x6] =	wrdreg $0x9  }
0xb9: {  	_ =	task.clear_ibuf [dreg:s9], $0x7FFFF;
	_ =	strace $0x90000046  }
0xba: {  	s29 =	simm.s32 $0x9;
	_ =	strace $0x80000048  }
0xbb: {  	_ =	swait.ge [sflag:s29], $0x1  }
0xbc: {  	[sflag:s29] =	ssyncadd.s32 $0xFFFFFFFF  }
0xbd: {  	_ =	strace $0x90000048  }
0xbe: {  	_ =	sfence  }
0xbf: {  	s30 =	sld [smem:$0x0];
	_ =	sdelay $0x2  }
0xc0: {  	s31 =	sshll.u32 s1, $0xD;
	s1 =	sshrl.u32 s1, $0x2  }
0xc1: {  	s3 =	sand.u32 $0x4000, s31;
	s1 =	sadd.s32 s1, s30  }
0xc2: {  	s0 =	sor.u32 s3, s0;
	s1 =	sshll.u32 s1, $0x11  }
0xc3: {  	s0 =	sor.u32 s1, s0  }
0xc4: {  	s0 =	sadd.s32 $0x8F2B, s0  }
0xc5: {  	[sflag:s0] =	ssyncadd.remote.s32 $0x1  }
0xc6: {  	_ =	sfence.sel $0xFFFF  }
0xc7: {  	[dreg:$0x0] =	wrdreg $0xFFFFFFFF;
	(pc) =	sbr.abs _section_cstart, $3  }
0xc8: {  	[dreg:$0x1] =	wrdreg $0xFFFFFFFF  }
0xc9: {  	_ =	task.clear_ibuf [dreg:s9], $0x2FFFF;
	_ =	strace $0x9FFFFFFF  }
0xca: {  	(tm) =	ssettm $0x7FFFFFFF  }
0xcb: {  	_ =	shalt  }
tec
execute0_lowered:
.L_overlay_start_1:
0x0: {  	(tag) =	ssettag $0x1  }
0x1: {  	s1 =	rddreg [dreg:$0x0]  }
0x2: {  	s4 =	rddreg [dreg:$0x1]  }
0x3: {  	s10 =	rddreg [dreg:$0x2];
	s2 =	srdreg.scid  }
0x4: {  	s0 =	stileid.u32;
	s9 =	rddreg [dreg:$0x3];
	s3 =	simm.s32 $0x0  }
0x5: {  	s16 =	simm.s32 $0xA400;
	s17 =	simm.s32 $0x1;
	s18 =	simm.s32 $0x2  }
0x6: {  	s19 =	simm.s32 $0xC400;
	s20 =	simm.s32 $0x10400;
	s21 =	simm.s32 $0x0  }
0x7: {  	s11 =	sand.u32 $0x1, s2;
	s5 =	sshll.u32 s0, $0x1;
	[smem:$0x7FF] =	sst s3  }
0x8: {  	v0 =	vimm.s32 $0x76543210;
	s31 =	sshll.u32 s0, $0xB;
	s12 =	sor.u32 s11, s5;
	s6 =	ssub.s32 $0x2, s11  }
0x9: {  	v0 =	vunpack.c.l.s4.s8 v0;
	_ =	strace $0x80000047;
	s15 =	sshll.u32 s11, $0xA;
	s5 =	sshll.u32 s12, $0x7  }
0xa: {  	s29 =	sshrl.u32 s6, $0x1;
	s30 =	sshll.u32 s12, $0xE;
	s14 =	sshll.u32 s12, $0xB  }
0xb: {  	v0 =	vunpack.c.0.s8.s32 v0;
	s7 =	sadd.s32 s5, s4;
	s4 =	sadd.s32 $0x1800, s4;
	s13 =	ssub.s32 s6, s29  }
0xc: {  	v1 =	vimm.s32 $0xB0A0908;
	vm0 =	vcmask $0x1F00;
	s5 =	sshll.u32 s12, $0xA;
	s9 =	sadd.s32 s9, s14;
	s12 =	sshll.u32 s12, $0x1  }
0xd: {  	vm1 =	vcmask $0x704;
	v1 =	vunpack.c.0.s8.s32 v1;
	s14 =	simm.s32 $0x8000;
	s6 =	sadd.s32 $0x800, s7;
	s7 =	sadd.s32 s4, s30;
	v0 =	vand.u32 $0xF, v0  }
0xe: {  	vm2 =	vcmask $0x3F04;
	s8 =	sor.u32 $0x80, s5;
	s10 =	sadd.s32 s10, s12;
	s11 =	smax.u32 s13, $0x1;
	v0 =	vnsel vm0, $0xB, v0;
	vm0 =	vcmask $0x2F20  }
0xf: {  	s12 =	sor.u32 s15, s31;
	s13 =	simm.s32 $0x3;
	s15 =	simm.s32 $0x8400;
	v0 =	vsel vm0, v1, v0;
	vm0 =	vcmask $0x3F30;
	v1 =	vimm.s32 $0x0  }
.LBB2_1:
0x10: {  	[tilespmem:s3], [sflag:$0x3] =	stream.linear.gather [hbm4b:s1+s3], $0x8000, $0x38;
	[tilespmem:$0x10480] =	vst v63  }
0x11: {  	_ =	swait.ge [sflag:s13], $0x8000  }
0x12: {  	[sflag:s13] =	ssyncset.done $0x0  }
0x13: {  	[sflag:s13] =	ssyncadd.s32 $0xFFFF8000  }
0x14: {  	[tilespmem:s14], [sflag:$0x3] =	stream.linear.gather [hbm4b:s6+s3], $0x400, $0x38;
	[tilespmem:$0x10480] =	vst v63  }
0x15: {  	_ =	swait.ge [sflag:s13], $0x400  }
0x16: {  	s22 =	simm.s32 $0x0;
	[sflag:s13] =	ssyncset.done $0x0  }
0x17: {  	s23 =	smov.u32 s12;
	s24 =	simm.s32 $0x0;
	[sflag:s13] =	ssyncadd.s32 $0xFFFFFC00  }
0x18: {  	[tilespmem:s15], [sflag:$0x1] =	stream.linear.gather [hbm4b:s7+s3], $0x2000, $0x38;
	[tilespmem:$0x10480] =	vst v63  }
.LBB2_2:
0x19: {  	s25 =	sshll.u32 s24, $0x7  }
0x1a: {  	s26 =	sadd.s32 s25, s5  }
0x1b: {  	s26 =	sshll.u32 s26, $0x4  }
0x1c: {  	s26 =	sadd.s32 s4, s26  }
0x1d: {  	s28 =	sadd.s32 $0x400, s26;
	s26 =	simm.s32 $0x0  }
0x1e: {  	[tilespmem:s16], [sflag:$0x2] =	stream.linear.gather [hbm4b:s28+s26], $0x2000, $0x38;
	[tilespmem:$0x10480] =	vst v63  }
0x1f: {  	_ =	swait.ge [sflag:s17], $0x2000  }
0x20: {  	[sflag:s17] =	ssyncset.done $0x0  }
0x21: {  	s28 =	simm.s32 $0x0;
	[sflag:s17] =	ssyncadd.s32 $0xFFFFE000  }
.LBB2_3:
0x22: {  	s29 =	sshll.u32 s26, $0x7  }
0x23: {  	v2 =	vor.u32 s29, v0;
	_ =	sdelay $0x4  }
0x24: {  	v2 =	vld.idx.msk [tilespmem:v2+s15+$0x0], $0xffff;
	_ =	sdelay $0x3  }
0x25: {  	s30 =	sadd.s32 s26, s23  }
0x26: {  	v2 =	vsel vm0, s30, v2;
	_ =	sdelay $0x4  }
0x27: {  	s31 =	sadd.s32 $0x80, s29;
	v2 =	vld.idx.msk [tilespmem:v2+s3+$0x0], $0xffff  }
0x28: {  	v3 =	vor.u32 s31, v0  }
0x29: {  	s31 =	sadd.s32 s28, s22  }
0x2a: {  	s2 =	sand.u32 $0x40, s28;
	s0 =	sand.u32 $0x3B80, s31  }
0x2b: {  	s0 =	sor.u32 s2, s0  }
0x2c: {  	[tilespmem:s0+$0xC400] =	vst v2  }
0x2d: {  	v2 =	vld.idx.msk [tilespmem:v3+s15+$0x0], $0xffff;
	_ =	sdelay $0x3  }
0x2e: {  	s2 =	sadd.s32 $0x1, s30  }
0x2f: {  	v2 =	vsel vm0, s2, v2;
	_ =	sdelay $0x4  }
0x30: {  	s2 =	sadd.s32 $0x100, s29;
	v2 =	vld.idx.msk [tilespmem:v2+s3+$0x0], $0xffff  }
0x31: {  	v3 =	vor.u32 s2, v0  }
0x32: {  	s0 =	sadd.s32 $0x10, s28;
	s2 =	sadd.s32 $0x10, s31  }
0x33: {  	s0 =	sand.u32 $0x50, s0;
	s2 =	sand.u32 $0x3B80, s2  }
0x34: {  	s0 =	sor.u32 s0, s2  }
0x35: {  	[tilespmem:s0+$0xC400] =	vst v2  }
0x36: {  	v2 =	vld.idx.msk [tilespmem:v3+s15+$0x0], $0xffff;
	_ =	sdelay $0x3  }
0x37: {  	s2 =	sadd.s32 $0x2, s30  }
0x38: {  	v2 =	vsel vm0, s2, v2;
	_ =	sdelay $0x4  }
0x39: {  	s29 =	sadd.s32 $0x180, s29;
	v2 =	vld.idx.msk [tilespmem:v2+s3+$0x0], $0xffff  }
0x3a: {  	v3 =	vor.u32 s29, v0  }
0x3b: {  	s29 =	sadd.s32 $0x20, s31;
	s2 =	sadd.s32 $0x20, s28  }
0x3c: {  	s0 =	sand.u32 $0x60, s2;
	s2 =	sand.u32 $0x3B80, s29  }
0x3d: {  	s0 =	sor.u32 s0, s2  }
0x3e: {  	[tilespmem:s0+$0xC400] =	vst v2  }
0x3f: {  	v2 =	vld.idx.msk [tilespmem:v3+s15+$0x0], $0xffff;
	_ =	sdelay $0x3  }
0x40: {  	s29 =	sadd.s32 $0x3, s30  }
0x41: {  	v2 =	vsel vm0, s29, v2;
	_ =	sdelay $0x4  }
0x42: {  	p0 =	sne.s32 s28, $0x3C0;
	v2 =	vld.idx.msk [tilespmem:v2+s3+$0x0], $0xffff  }
.Ltmp0:
0x43: {  	_ = 	snop;
	(pc) =	sbr.rel @p0 .LBB2_3-.Ltmp0, $4  }
0x44: {  	s31 =	sadd.s32 $0x30, s31;
	s30 =	sadd.s32 $0x30, s28  }
0x45: {  	s2 =	sand.u32 $0x3B80, s31;
	s0 =	sand.u32 $0x70, s30  }
0x46: {  	s0 =	sor.u32 s0, s2  }
0x47: {  	s26 =	sadd.s32 $0x4, s26;
	s28 =	sadd.s32 $0x40, s28;
	[tilespmem:s0+$0xC400] =	vst v2  }
0x48: {  	p0 =	seq.s32 s24, $0x7  }
0x49: {  	s0 =	sadd.s32 @!p0 s25, s8  }
0x4a: {  	s0 =	sshll.u32 @!p0 s0, $0x4  }
0x4b: {  	s2 =	simm.s32 @!p0 $0x0;
	s25 =	simm.s32 @!p0 $0x8400;
	s0 =	sadd.s32 @!p0 s4, s0  }
0x4c: {  	[tilespmem:s25], [sflag:$0x1] =	stream.linear.gather @!p0 [hbm4b:s0+s2], $0x2000, $0x38;
	[tilespmem:$0x10480] =	vst v63  }
0x4d: {  	_ =	swait.ge [sflag:s18], $0x2000  }
0x4e: {  	[sflag:s18] =	ssyncset.done $0x0  }
0x4f: {  	s26 =	simm.s32 $0x1;
	s25 =	simm.s32 $0x0;
	[sflag:s18] =	ssyncadd.s32 $0xFFFFE000  }
.LBB2_5:
0x50: {  	s0 =	sshll.u32 s26, $0x7  }
0x51: {  	s2 =	sadd.s32 $0xFFFFFF80, s0  }
0x52: {  	v2 =	vor.u32 s2, v0;
	_ =	sdelay $0x4  }
0x53: {  	v2 =	vld.idx.msk [tilespmem:v2+s16+$0x0], $0xffff;
	_ =	sdelay $0x2  }
0x54: {  	s2 =	sadd.s32 s26, s23  }
0x55: {  	s28 =	sadd.s32 $0x3F, s2  }
0x56: {  	v2 =	vsel vm0, s28, v2;
	_ =	sdelay $0x4  }
0x57: {  	v2 =	vld.idx.msk [tilespmem:v2+s3+$0x0], $0xffff  }
0x58: {  	v3 =	vor.u32 s0, v0;
	s28 =	sadd.s32 s25, s22  }
0x59: {  	s29 =	sadd.s32 $0x400, s28  }
0x5a: {  	s30 =	sand.u32 $0x40, s25;
	s29 =	sand.u32 $0x3F80, s29  }
0x5b: {  	s29 =	sor.u32 s30, s29  }
0x5c: {  	[tilespmem:s29+$0xC400] =	vst v2  }
0x5d: {  	v2 =	vld.idx.msk [tilespmem:v3+s16+$0x0], $0xffff;
	_ =	sdelay $0x3  }
0x5e: {  	s31 =	sadd.s32 $0x40, s2  }
0x5f: {  	v2 =	vsel vm0, s31, v2;
	_ =	sdelay $0x4  }
0x60: {  	s30 =	sadd.s32 $0x80, s0;
	v2 =	vld.idx.msk [tilespmem:v2+s3+$0x0], $0xffff  }
0x61: {  	v3 =	vor.u32 s30, v0  }
0x62: {  	s29 =	sadd.s32 $0x10, s25;
	s31 =	sadd.s32 $0x410, s28  }
0x63: {  	s29 =	sand.u32 $0x50, s29;
	s30 =	sand.u32 $0x3F80, s31  }
0x64: {  	s29 =	sor.u32 s29, s30  }
0x65: {  	[tilespmem:s29+$0xC400] =	vst v2  }
0x66: {  	v2 =	vld.idx.msk [tilespmem:v3+s16+$0x0], $0xffff;
	_ =	sdelay $0x3  }
0x67: {  	s31 =	sadd.s32 $0x41, s2  }
0x68: {  	v2 =	vsel vm0, s31, v2;
	_ =	sdelay $0x4  }
0x69: {  	s0 =	sadd.s32 $0x100, s0;
	v2 =	vld.idx.msk [tilespmem:v2+s3+$0x0], $0xffff  }
0x6a: {  	v3 =	vor.u32 s0, v0  }
0x6b: {  	s30 =	sadd.s32 $0x20, s25;
	s31 =	sadd.s32 $0x420, s28  }
0x6c: {  	s0 =	sand.u32 $0x60, s30;
	s29 =	sand.u32 $0x3F80, s31  }
0x6d: {  	s0 =	sor.u32 s0, s29  }
0x6e: {  	[tilespmem:s0+$0xC400] =	vst v2  }
0x6f: {  	v2 =	vld.idx.msk [tilespmem:v3+s16+$0x0], $0xffff;
	_ =	sdelay $0x3  }
0x70: {  	s29 =	sadd.s32 $0x42, s2  }
0x71: {  	v2 =	vsel vm0, s29, v2;
	_ =	sdelay $0x4  }
0x72: {  	p0 =	sne.s32 s25, $0x3C0;
	v2 =	vld.idx.msk [tilespmem:v2+s3+$0x0], $0xffff  }
.Ltmp1:
0x73: {  	_ = 	snop;
	(pc) =	sbr.rel @p0 .LBB2_5-.Ltmp1, $4  }
0x74: {  	s30 =	sadd.s32 $0x30, s25;
	s31 =	sadd.s32 $0x430, s28  }
0x75: {  	s2 =	sand.u32 $0x3F80, s31;
	s0 =	sand.u32 $0x70, s30  }
0x76: {  	s0 =	sor.u32 s0, s2  }
0x77: {  	s26 =	sadd.s32 $0x4, s26;
	s25 =	sadd.s32 $0x40, s25;
	[tilespmem:s0+$0xC400] =	vst v2  }
0x78: {  	s24 =	sadd.s32 $0x1, s24  }
0x79: {  	p0 =	sne.s32 s24, $0x8  }
.Ltmp2:
0x7a: {  	_ = 	snop;
	(pc) =	sbr.rel @p0 .LBB2_2-.Ltmp2, $2  }
0x7b: {  	_ =	sdelay $0x2  }
0x7c: {  	s23 =	sadd.s32 $0x80, s23;
	s22 =	sadd.s32 $0x800, s22  }
0x7d: {  	s0 =	simm.s32 $0x0  }
0x7e: {  	[hbm4b:s9+s0] =	stream.linear.scatter [tilespmem:s19], [sflag:$0x3], $0x4000, $0x38;
	[tilespmem:$0x10480] =	vst v63  }
0x7f: {  	_ =	swait.ge [sflag:s13], $0x4000  }
0x80: {  	[sflag:s13] =	ssyncset.done $0x0  }
0x81: {  	s31 =	simm.s32 $0x0;
	[sflag:s13] =	ssyncadd.s32 $0xFFFFC000  }
0x82: {  	v3 =	vld [tilespmem:s31+$0x8000];
	_ =	sdelay $0x7  }
0x83: {  	v2 =	vimm.s32 $0x0;
	s23 =	simm.s32 $0x10;
	s22 =	simm.s32 $0x80;
	v4 =	vld.idx.msk [tilespmem:v3+s3+$0x0], $0xffff;
	v3 =	vimm.s32 $0x0  }
.LBB2_8:
0x84: {  	p0 =	sne.s32 s22, $0xFC0;
	v5 =	vld [tilespmem:s23+$0x8000];
	_ =	sdelay $0x3  }
.Ltmp3:
0x85: {  	(pc) =	sbr.rel @p0 .LBB2_8-.Ltmp3, $4  }
0x86: {  	vm3 =	veq.s32 v4, $0x6;
	vm4 =	vne.s32 v4, $0x6;
	vm5 =	vne.s32 v4, $0x1  }
0x87: {  	vm4 =	vmand vm4, vm5;
	v4 =	vsel vm3, $0x1, v1  }
0x88: {  	v6 =	vsel vm4, $0x1, v1;
	v2 =	vadd.s32 v4, v2  }
0x89: {  	s23 =	sshra.s32 s22, $0x2;
	s22 =	sadd.s32 $0x40, s22;
	v3 =	vadd.s32 v6, v3;
	v4 =	vld.idx.msk [tilespmem:v5+s3+$0x0], $0xffff  }
0x8a: {  	v5 =	vld [tilespmem:s23+$0x8000];
	_ =	sdelay $0x7  }
0x8b: {  	v5 =	vld.idx.msk [tilespmem:v5+s3+$0x0], $0xffff;
	_ =	sdelay $0x3  }
0x8c: {  	vm3 =	veq.s32 v4, $0x6;
	vm4 =	vne.s32 v4, $0x6;
	vm5 =	vne.s32 v4, $0x1  }
0x8d: {  	vm4 =	vmand vm4, vm5;
	vm15 =	vne.s32 v5, $0x6;
	vm6 =	vne.s32 v5, $0x1  }
0x8e: {  	v61 =	vsel vm3, $0x1, v1;
	v6 =	vsel vm4, $0x1, v1;
	vm5 =	vmand vm15, vm6  }
0x8f: {  	v3 =	vadd.s32 v6, v3;
	vm3 =	veq.s32 v5, $0x6;
	v62 =	vsel vm5, $0x1, v1  }
0x90: {  	v2 =	vadd.s32 v61, v2;
	v63 =	vsel vm3, $0x1, v1;
	v3 =	vadd.s32 v62, v3  }
0x91: {  	v2 =	vadd.s32 v63, v2;
	(xrf0) =	vadd.scan.msk.s32 $0xffff, v3  }
0x92: {  	(xrf0) =	vadd.scan.msk.s32 $0xffff, v2;
	_ =	sdelay $0x4  }
0x93: {  	v2, _, _ =	vpop (xrf0)  }
0x94: {  	v3, _, _ =	vpop (xrf0)  }
0x95: {  	v3 =	vbroadcast v3, $0xF  }
0x96: {  	v2 =	vbroadcast v2, $0xF  }
0x97: {  	s21 =	sadd.s32 $0x1, s21;
	v3 =	vnsel vm1, $0x0, v3  }
0x98: {  	p0 =	sne.s32 s21, s11;
	v2 =	vsel vm2, v3, v2  }
.Ltmp4:
0x99: {  	[tilespmem:$0x10400] =	vst v2;
	(pc) =	sbr.rel @p0 .LBB2_1-.Ltmp4, $4  }
0x9a: {  	[hbm4b:s10+s3] =	stream.linear.scatter [tilespmem:s20], [sflag:$0x3], $0x10, $0x38;
	[tilespmem:$0x10480] =	vst v63  }
0x9b: {  	_ =	swait.ge [sflag:s13], $0x10  }
0x9c: {  	[sflag:s13] =	ssyncset.done $0x0  }
0x9d: {  	[sflag:s13] =	ssyncadd.s32 $0xFFFFFFF0  }
0x9e: {  	_ =	sfence.sel $0x180000  }
0x9f: {  	[bflag:$0x0] =	sbarrier.arrive $0xFFFF  }
0xa0: {  	_ =	strace $0x90000047  }
0xa1: {  	s0 =	stileid.u32;
	[bflag:$0x2] =	sbarrier.arrive $0xFFFF  }
0xa2: {  	p0 =	sne.s32 s0, $0x0;
	s0 =	rddreg [dreg:$0x4]  }
0xa3: {  	s0 =	sadd.s32 @!p0 $0x100000, s0  }
0xa4: {  	[sflag:s0] =	ssyncadd.tile.s32 @!p0 $0x1;
	_ =	shalt  }
.Lfunc_end2:
_tile_overlayer_lowered:
.L_overlay_start_2:
0xa5: {  	(tag) =	ssettag $0x2  }
0xa6: {  	s0 =	rddreg [dreg:$0x0];
	s2 =	stileid.u32  }
0xa7: {  	s1 =	rddreg [dreg:$0x1];
	p0 =	sne.s32 s2, $0x0  }
0xa8: {  	s3 =	rddreg [dreg:$0x2];
	[bflag:$0x3] =	sbarrier.arrive $0xFFFF;
	s2 =	simm.s32 @!p0 $0x1C03  }
0xa9: {  	[timem:s3], [sflag:s2] =	dma.local @!p0 [hbm:s0], s1  }
0xaa: {  	s0 =	simm.s32 @!p0 $0x3  }
0xab: {  	_ =	swait.ge @!p0 [sflag:s0], s1  }
0xac: {  	s1 =	ssub.s32 @!p0 $0x0, s1;
	[sflag:s0] =	ssyncset.done @!p0 $0x0  }
0xad: {  	[sflag:s0] =	ssyncadd.s32 @!p0 s1  }
0xae: {  	[bflag:$0x3] =	sbarrier.arrive $0xFFFF  }
0xaf: {  	_ =	shalt  }

// kernel: kernel.7.cloned.1.call-start
scs
__scs_entry_jumppad:
0x0: {  	(pc) =	sbr.rel $0x88, $3  }
0x1: {  	(tag) =	ssettag $0x0;
	lr =	simm.s32 $0x1  }
0x2: {  	[smem:$0x3F9B] =	sst lr;
	_ =	strace $0xD0000000  }
0x3: {  	_ = 	snop  }
0x4: {  	_ = 	snop  }
0x5: {  	_ = 	snop  }
0x6: {  	_ = 	snop  }
0x7: {  	_ = 	snop  }
__scs_overlays_trampoline_lowered:
0x8: {  	[smem:$0x3FAA] =	sst s0  }
0x9: {  	[smem:$0x3FAB] =	sst s1  }
0xa: {  	[smem:$0x3FAC] =	sst s2  }
0xb: {  	[smem:$0x3FAD] =	sst s3  }
0xc: {  	[smem:$0x3FAE] =	sst s4  }
0xd: {  	[smem:$0x3FAF] =	sst s5  }
0xe: {  	[smem:$0x3FB0] =	sst s6  }
0xf: {  	[smem:$0x3FB1] =	sst s7  }
0x10: {  	[smem:$0x3FB2] =	sst s8  }
0x11: {  	[smem:$0x3FB3] =	sst s9;
	s0 =	simm.s32 @!p0 $0x0  }
0x12: {  	s1 =	sld [smem:$0x3F99];
	s0 =	simm.s32 @p0 $0x1  }
0x13: {  	[smem:$0x3FB4] =	sst s0;
	s0 =	simm.s32 @!p1 $0x0  }
0x14: {  	s2 =	sld [smem:$0x3F98];
	s0 =	simm.s32 @p1 $0x1  }
0x15: {  	[smem:$0x3FB5] =	sst s0;
	s0 =	simm.s32 @!p2 $0x0  }
0x16: {  	s3 =	sld [smem:$0x3FDB];
	s0 =	simm.s32 @p2 $0x1  }
0x17: {  	s4 =	simm.s32 $0x1BF5;
	[smem:$0x3FB7] =	sst s0  }
0x18: {  	s0 =	sld [smem:$0x3F9A];
	_ =	swait.ge [sflag:s4], $0x0  }
0x19: {  	s7 =	sld [smem:$0x3F9B]  }
0x1a: {  	s8 =	sadd.s32 $0xFFFFE003, lr  }
0x1b: {  	s9 =	sadd.s32 $0xFFFFFEF7, lr;
	s5 =	simm.s32 $0xFFFFFFFF;
	p2 =	slt.u32 s8, $0xFFFFF086  }
0x1c: {  	p1 =	slt.u32 s9, $0xF7A;
	s5 =	simm.s32 @!p2 $0x0  }
0x1d: {  	s5 =	simm.s32 @p1 $0x1;
	p0 =	seq.s32 s7, s2  }
0x1e: {  	s7 =	smul.u32 @!p0 $0xF7A, s2;
	p2 =	seq.s32 @!p0 s5, $0x0  }
0x1f: {  	s9 =	smul.u32 $0xF7A, s1;
	s8 =	simm.s32 @!p0 $0x1BF5;
	p2 =	por !p2, p0  }
0x20: {  	[sflag:s8] =	ssyncset.s32 @!p0 $0xFFFFF086;
	s6 =	sadd.s32 @!p0 s3, s7;
	s7 =	simm.s32 @!p0 $0x108  }
0x21: {  	s3 =	sadd.s32 s3, s9;
	s6 =	sadd.s32 @!p0 $0x88, s6;
	s7 =	simm.s32 @p2 $0x1082  }
0x22: {  	[simem:s7], [sflag:s8] =	dma.local @!p0 [hbm:s6], $0xF7A  }
0x23: {  	s9 =	sor.u32 $0xD0000000, s2;
	s6 =	simm.s32 $0x108;
	_ =	swait.ge @!p0 [sflag:s8], $0x0  }
0x24: {  	s3 =	sadd.s32 $0x88, s3;
	s6 =	simm.s32 @!p1 $0x1082;
	[sflag:s4] =	ssyncset.s32 $0xFFFFF086  }
0x25: {  	[simem:s6], [sflag:s4] =	dma.local [hbm:s3], $0xF7A  }
0x26: {  	[smem:$0x3F9B] =	sst s1;
	(tag) =	ssettag s2;
	_ =	strace s9  }
0x27: {  	s1 =	sld [smem:$0x3FAB]  }
0x28: {  	s2 =	sld [smem:$0x3FAC]  }
0x29: {  	s4 =	sld [smem:$0x3FAE]  }
0x2a: {  	p0 =	seq.s32 s5, $0x0;
	s5 =	sld [smem:$0x3FAF]  }
0x2b: {  	s6 =	sld [smem:$0x3FB0]  }
0x2c: {  	s7 =	sld [smem:$0x3FB1]  }
0x2d: {  	s3 =	simm.s32 $0x108;
	s8 =	sld [smem:$0x3FB2]  }
0x2e: {  	s3 =	simm.s32 @!p0 $0x1082;
	s9 =	sld [smem:$0x3FB3]  }
0x2f: {  	lr =	sadd.s32 s0, s3;
	s0 =	sld [smem:$0x3FAA]  }
0x30: {  	s3 =	sld [smem:$0x3FAD]  }
0x31: {  	[smem:$0x3FB6] =	sst s10  }
0x32: {  	s10 =	sld [smem:$0x3FB4];
	_ =	sdelay $0x3  }
0x33: {  	p0 =	seq.s32 s10, $0x1;
	s10 =	sld [smem:$0x3FB6];
	_ =	sdelay $0x3  }
0x34: {  	[smem:$0x3FB6] =	sst s10  }
0x35: {  	s10 =	sld [smem:$0x3FB5];
	_ =	sdelay $0x3  }
0x36: {  	p1 =	seq.s32 s10, $0x1;
	s10 =	sld [smem:$0x3FB6];
	_ =	sdelay $0x3  }
0x37: {  	[smem:$0x3FB6] =	sst s10  }
0x38: {  	s10 =	sld [smem:$0x3FB7]  }
0x39: {  	_ = 	snop;
	(pc) =	sbr.ind lr, $3  }
0x3a: {  	_ = 	snop  }
0x3b: {  	_ = 	snop  }
0x3c: {  	p2 =	seq.s32 s10, $0x1;
	s10 =	sld [smem:$0x3FB6]  }
0x3d: {  	_ =	shalt  }
0x3e: {  	_ =	shalt  }
0x3f: {  	_ =	shalt  }
0x40: {  	_ =	shalt  }
0x41: {  	_ =	shalt  }
0x42: {  	_ =	shalt  }
0x43: {  	_ =	shalt  }
0x44: {  	_ =	shalt  }
0x45: {  	_ =	shalt  }
0x46: {  	_ =	shalt  }
0x47: {  	_ =	shalt  }
0x48: {  	_ =	shalt  }
0x49: {  	_ =	shalt  }
0x4a: {  	_ =	shalt  }
0x4b: {  	_ =	shalt  }
0x4c: {  	_ =	shalt  }
0x4d: {  	_ =	shalt  }
0x4e: {  	_ =	shalt  }
0x4f: {  	_ =	shalt  }
0x50: {  	_ =	shalt  }
0x51: {  	_ =	shalt  }
0x52: {  	_ =	shalt  }
0x53: {  	_ =	shalt  }
0x54: {  	_ =	shalt  }
0x55: {  	_ =	shalt  }
0x56: {  	_ =	shalt  }
0x57: {  	_ =	shalt  }
0x58: {  	_ =	shalt  }
0x59: {  	_ =	shalt  }
0x5a: {  	_ =	shalt  }
0x5b: {  	_ =	shalt  }
0x5c: {  	_ =	shalt  }
0x5d: {  	_ =	shalt  }
0x5e: {  	_ =	shalt  }
0x5f: {  	_ =	shalt  }
0x60: {  	_ =	shalt  }
0x61: {  	_ =	shalt  }
0x62: {  	_ =	shalt  }
0x63: {  	_ =	shalt  }
0x64: {  	_ =	shalt  }
0x65: {  	_ =	shalt  }
0x66: {  	_ =	shalt  }
0x67: {  	_ =	shalt  }
0x68: {  	_ =	shalt  }
0x69: {  	_ =	shalt  }
0x6a: {  	_ =	shalt  }
0x6b: {  	_ =	shalt  }
0x6c: {  	_ =	shalt  }
0x6d: {  	_ =	shalt  }
0x6e: {  	_ =	shalt  }
0x6f: {  	_ =	shalt  }
0x70: {  	_ =	shalt  }
0x71: {  	_ =	shalt  }
0x72: {  	_ =	shalt  }
0x73: {  	_ =	shalt  }
0x74: {  	_ =	shalt  }
0x75: {  	_ =	shalt  }
0x76: {  	_ =	shalt  }
0x77: {  	_ =	shalt  }
0x78: {  	_ =	shalt  }
0x79: {  	_ =	shalt  }
0x7a: {  	_ =	shalt  }
0x7b: {  	_ =	shalt  }
0x7c: {  	_ =	shalt  }
0x7d: {  	_ =	shalt  }
0x7e: {  	_ =	shalt  }
0x7f: {  	_ =	shalt  }
0x80: {  	_ =	shalt  }
0x81: {  	_ =	shalt  }
0x82: {  	_ =	shalt  }
0x83: {  	_ =	shalt  }
0x84: {  	_ =	shalt  }
0x85: {  	_ =	shalt  }
0x86: {  	_ =	shalt  }
0x87: {  	_ =	shalt  }
.Lfunc_end0:
.L_simem_size_0:
called_computation.2_lowered:
.L_overlay_start_0:
0x88: {  	s2 =	sld [smem:$0x3FD9]  }
0x89: {  	s3 =	sld [smem:$0x3FFE];
	_ =	sdelay $0x1  }
0x8a: {  	s1 =	srdreg.scid  }
0x8b: {  	s0 =	sand.u32 $0x1, s1  }
0x8c: {  	s14 =	sshll.u32 s0, $0xA;
	s2 =	sadd.s32 s3, s2  }
0x8d: {  	s2 =	sadd.s32 s2, s14  }
0x8e: {  	[smem:$0x3FC2] =	sst s2  }
0x8f: {  	_ = 	snop  }
0x90: {  	s2 =	sld [smem:$0x3FD0];
	_ =	sdelay $0x2  }
0x91: {  	s15 =	simm.s32 $0xA;
	s4 =	simm.s32 $0x10  }
0x92: {  	[smem:s4], [sflag:s15] =	dma.local [hbm:s2], $0x1  }
0x93: {  	_ =	swait.eq [sflag:s15], $0x1  }
0x94: {  	[sflag:s15] =	ssyncset.done $0x0  }
0x95: {  	s16 =	sld [smem:$0x10];
	[sflag:s15] =	ssyncadd.s32 $0xFFFFFFFF  }
0x96: {  	s17 =	sld [smem:$0x11];
	(tm) =	ssettm $0x1  }
0x97: {  	s18 =	sld [smem:$0x3FFB];
	_ =	sdelay $0x3  }
0x98: {  	_ =	strace s18  }
0x99: {  	s4 =	sld [smem:$0x3FFC];
	_ =	sdelay $0x3  }
0x9a: {  	_ =	strace s4  }
0x9b: {  	s4 =	sld [smem:$0x3FFD];
	_ =	sdelay $0x3  }
0x9c: {  	_ =	strace s4  }
0x9d: {  	_ =	strace $0x8FFFFFFF  }
0x9e: {  	s19 =	sld [smem:$0x3FDB];
	_ =	sdelay $0x1  }
0x9f: {  	s5 =	simm.s32 $_scs_section_size  }
0xa0: {  	s6 =	simm.s32 $_size__tile_overlayer_lowered;
	s7 =	simm.s32 $_tile_overlayer_lowered  }
0xa1: {  	s22 =	simm.s32 $0x1BFF;
	s21 =	sshll.u32 s7, $0x1;
	s4 =	sadd.s32 s5, s19  }
0xa2: {  	s8 =	simm.s32 $0x0;
	s20 =	sshll.u32 s6, $0x1;
	s6 =	sadd.s32 s21, s4  }
0xa3: {  	[timem:s8], [sflag:s22] =	dma.local [hbm:s6], s20  }
0xa4: {  	_ =	swait.ge [sflag:s22], s20  }
0xa5: {  	s5 =	ssub.s32 $0x0, s20;
	[sflag:s22] =	ssyncset.done $0x0  }
0xa6: {  	[sflag:s22] =	ssyncadd.s32 s5;
	_ =	sdelay $0x1  }
0xa7: {  	s23 =	simm.s32 $0x1B8B  }
0xa8: {  	_ =	swait.ge [sflag:s23], $0x1  }
0xa9: {  	[sflag:s23] =	ssyncset.done $0x0  }
0xaa: {  	s25 =	simm.s32 $0x1B8E;
	s24 =	sld [smem:$0x3FFE];
	[sflag:s23] =	ssyncadd.s32 $0xFFFFFFFF  }
0xab: {  	s26 =	simm.s32 $execute0_lowered;
	[smem:$0x3FD2] =	sst s25  }
0xac: {  	s6 =	sshll.u32 s26, $0x1;
	_ =	strace $0x8000004C;
	[dreg:$0x1] =	wrdreg $0xFFFFFFFF  }
0xad: {  	s28 =	simm.s32 $_size_execute0_lowered;
	s4 =	sadd.s32 s4, s6;
	[dreg:$0x0] =	wrdreg $0x0  }
0xae: {  	s6 =	sshll.u32 s28, $0x1;
	[dreg:$0x2] =	wrdreg s4  }
0xaf: {  	[dreg:$0x3] =	wrdreg s6  }
0xb0: {  	[dreg:$0x4] =	wrdreg $0xC0  }
0xb1: {  	_ =	task [dreg:s8], $0x5FFFF  }
0xb2: {  	[dreg:$0x1] =	wrdreg $0xFFFFFFFF  }
0xb3: {  	[dreg:$0x0] =	wrdreg $0x60  }
0xb4: {  	[dreg:$0x2] =	wrdreg s24  }
0xb5: {  	[dreg:$0x3] =	wrdreg s16  }
0xb6: {  	[dreg:$0x4] =	wrdreg s17  }
0xb7: {  	[dreg:$0x5] =	wrdreg $0x9  }
0xb8: {  	_ =	task.clear_ibuf [dreg:s8], $0x6FFFF;
	_ =	strace $0x9000004C  }
0xb9: {  	s29 =	simm.s32 $0x9;
	_ =	strace $0x8000004E  }
0xba: {  	_ =	swait.ge [sflag:s29], $0x1  }
0xbb: {  	[sflag:s29] =	ssyncadd.s32 $0xFFFFFFFF  }
0xbc: {  	_ =	strace $0x9000004E  }
0xbd: {  	_ =	sfence  }
0xbe: {  	s30 =	sld [smem:$0x0];
	_ =	sdelay $0x2  }
0xbf: {  	s31 =	sshll.u32 s1, $0xD;
	s1 =	sshrl.u32 s1, $0x2  }
0xc0: {  	s3 =	sand.u32 $0x4000, s31;
	s1 =	sadd.s32 s1, s30  }
0xc1: {  	s0 =	sor.u32 s3, s0;
	s1 =	sshll.u32 s1, $0x11  }
0xc2: {  	s0 =	sor.u32 s1, s0  }
0xc3: {  	s0 =	sadd.s32 $0x8F2B, s0  }
0xc4: {  	[sflag:s0] =	ssyncadd.remote.s32 $0x1  }
0xc5: {  	_ =	sfence.sel $0xFFFF  }
0xc6: {  	[dreg:$0x0] =	wrdreg $0xFFFFFFFF;
	(pc) =	sbr.abs _section_cstart, $3  }
0xc7: {  	[dreg:$0x1] =	wrdreg $0xFFFFFFFF  }
0xc8: {  	_ =	task.clear_ibuf [dreg:s8], $0x2FFFF;
	_ =	strace $0x9FFFFFFF  }
0xc9: {  	(tm) =	ssettm $0x7FFFFFFF  }
tec
execute0_lowered:
.L_overlay_start_1:
0x0: {  	(tag) =	ssettag $0x1  }
0x1: {  	s0 =	rddreg [dreg:$0x0]  }
0x2: {  	s29 =	rddreg [dreg:$0x1]  }
0x3: {  	s1 =	rddreg [dreg:$0x2];
	s2 =	simm.s32 $0x0  }
0x4: {  	s19 =	srdreg.scid;
	s7 =	stileid.u32;
	s12 =	simm.s32 $0xA  }
0x5: {  	s28 =	simm.s32 $0x6;
	s31 =	simm.s32 $0xFA80;
	[smem:$0x7FF] =	sst s2  }
0x6: {  	s18 =	sadd.s32 $0x800, s0;
	s5 =	sadd.s32 $0x82800, s0;
	s2 =	sand.u32 $0x1, s19  }
0x7: {  	s3 =	sshll.u32 s7, $0x1;
	s4 =	sadd.s32 $0x81800, s0;
	s21 =	sadd.s32 $0x82000, s0  }
0x8: {  	s8 =	sadd.s32 $0x3800, s0;
	_ =	strace $0x8000004D;
	[dreg:$0x4] =	wrdreg s18  }
0x9: {  	s23 =	sadd.s32 $0x3A00, s0;
	p0 =	slt.u32 s7, $0x8;
	[dreg:$0x5] =	wrdreg s4  }
0xa: {  	s24 =	sshll.u32 s7, $0x5;
	s13 =	sadd.s32 $0x82900, s0;
	[dreg:$0x6] =	wrdreg s21  }
0xb: {  	s14 =	sadd.s32 $0x82A00, s0;
	s20 =	ssub.s32 $0x2, s2;
	[dreg:$0x7] =	wrdreg s8  }
0xc: {  	s11 =	sor.u32 s2, s3;
	[dreg:$0x8] =	wrdreg s23;
	s12 =	simm.s32 @!p0 $0x9  }
0xd: {  	s2 =	sshll.u32 s2, $0x4;
	s21 =	simm.s32 $0xBC00;
	s23 =	simm.s32 $0x1  }
0xe: {  	s22 =	sshrl.u32 s20, $0x1;
	s6 =	smul.u32 $0x14, s11;
	p0 =	sgt.u32 s11, $0x12  }
0xf: {  	s25 =	sor.u32 s2, s24;
	s30 =	sor.u32 $0x20, s11;
	s2 =	simm.s32 $0x0  }
0x10: {  	s3 =	ssub.s32 s20, s22;
	[dreg:$0xa] =	wrdreg s25;
	s0 =	sor.u32 $0x200, s25  }
.Ltmp0:
0x11: {  	[dreg:$0xd] =	wrdreg s30;
	s20 =	simm.s32 $0x8000;
	(pc) =	sbr.rel .LBB2_1-.Ltmp0, $4  }
0x12: {  	v1 =	vlaneseq.u32;
	vm0 =	vmmov $0xffff;
	s22 =	simm.s32 $0xF800;
	s25 =	simm.s32 $0x2;
	s1 =	sadd.s32 s1, s6  }
0x13: {  	v5 =	vimm.f32 $0.0e+00;
	v2 =	vand.u32 $0x7, v1;
	v3 =	vshrl.u32 v1, $0x3;
	s26 =	smax.u32 s3, $0x1;
	[dreg:$0x9] =	wrdreg s1;
	s1 =	simm.s32 $0x800  }
0x14: {  	v4 =	vor.u32 $0x8, v1;
	v6 =	vor.u32 $0x10, v1;
	v7 =	vor.u32 $0x20, v1;
	[dreg:$0xc] =	wrdreg s0;
	s3 =	simm.s32 $0xFB80;
	s1 =	simm.s32 @!p0 $0x0  }
0x15: {  	v8 =	vor.u32 $0x30, v1;
	v3 =	vmul.u32 $0x8, v3;
	s0 =	simm.s32 $0x10380;
	[dreg:$0xb] =	wrdreg s26;
	s26 =	simm.s32 $0xF980;
	v0 =	vmov s1  }
.LBB2_9:
0x16: {  	s2 =	rddreg [dreg:$0xe]  }
0x17: {  	s1 =	rddreg [dreg:$0xb];
	s2 =	sadd.s32 $0x1, s2  }
0x18: {  	p0 =	sne.s32 s2, s1  }
.Ltmp1:
0x19: {  	_ = 	snop;
	(pc) =	sbr.rel @!p0 .LBB2_10-.Ltmp1, $1  }
0x1a: {  	_ =	sdelay $0x3  }
.LBB2_1:
0x1b: {  	s1 =	simm.s32 $0x0;
	s4 =	rddreg [dreg:$0x4]  }
0x1c: {  	[tilespmem:s1], [sflag:$0x5] =	stream.linear.gather [hbm4b:s4+s1], $0x8000, $0x38;
	[tilespmem:$0x16B80] =	vst v63  }
0x1d: {  	[dreg:$0xe] =	wrdreg s2;
	s4 =	simm.s32 $0x5  }
0x1e: {  	_ =	swait.ge [sflag:s4], $0x8000  }
0x1f: {  	[sflag:s4] =	ssyncset.done $0x0  }
0x20: {  	s6 =	rddreg [dreg:$0x5];
	[sflag:s4] =	ssyncadd.s32 $0xFFFF8000  }
0x21: {  	[tilespmem:s20], [sflag:$0x5] =	stream.linear.gather [hbm4b:s6+s1], $0x3B80, $0x38;
	[tilespmem:$0x16B80] =	vst v63  }
0x22: {  	_ =	swait.ge [sflag:s4], $0x3B80  }
0x23: {  	[sflag:s4] =	ssyncset.done $0x0  }
0x24: {  	s7 =	rddreg [dreg:$0x6];
	[sflag:s4] =	ssyncadd.s32 $0xFFFFC480  }
0x25: {  	[tilespmem:s21], [sflag:$0x5] =	stream.linear.gather [hbm4b:s7+s1], $0x3B80, $0x38;
	[tilespmem:$0x16B80] =	vst v63  }
0x26: {  	_ =	swait.ge [sflag:s4], $0x3B80  }
0x27: {  	[sflag:s4] =	ssyncset.done $0x0  }
0x28: {  	s8 =	rddreg [dreg:$0x7];
	[sflag:s4] =	ssyncadd.s32 $0xFFFFC480  }
0x29: {  	[tilespmem:s22], [sflag:$0x5] =	stream.linear.gather [hbm4b:s8+s1], $0x80, $0x38;
	[tilespmem:$0x16B80] =	vst v63  }
0x2a: {  	_ =	swait.ge [sflag:s4], $0x80  }
0x2b: {  	[sflag:s4] =	ssyncset.done $0x0  }
0x2c: {  	s6 =	simm.s32 $0xF880;
	s9 =	rddreg [dreg:$0x9];
	[sflag:s4] =	ssyncadd.s32 $0xFFFFFF80  }
0x2d: {  	[tilespmem:s6], [sflag:$0x5] =	stream.linear.gather [hbm4b:s9+s1], $0xA0, $0x38;
	[tilespmem:$0x16B80] =	vst v63  }
0x2e: {  	_ =	swait.ge [sflag:s4], $0xA0  }
0x2f: {  	[sflag:s4] =	ssyncset.done $0x0  }
0x30: {  	[sflag:s4] =	ssyncadd.s32 $0xFFFFFF60  }
0x31: {  	v9 =	vld [tilespmem:$0xF880];
	_ =	sdelay $0x4  }
0x32: {  	v9 =	vadd.s32 v0, v9;
	_ =	sdelay $0x4  }
0x33: {  	v9 =	vld.idx.msk [tilespmem:v9+s1+$0x0], $0xffff;
	_ =	sdelay $0x4  }
0x34: {  	[tilespmem:$0xF980] =	vst v9  }
0x35: {  	v10 =	vld [tilespmem:$0xF980];
	_ =	sdelay $0x4  }
0x36: {  	v11 =	vshrl.u32 v10, $0x3  }
0x37: {  	v11 =	vmul.u32 $0x30, v11  }
0x38: {  	v10 =	vand.u32 $0x7, v10  }
0x39: {  	v10 =	vor.u32 v10, v11  }
0x3a: {  	v11 =	vperm.xlane v10, v2;
	_ =	sdelay $0x1  }
0x3b: {  	v11 =	vadd.s32 v3, v11;
	_ =	sdelay $0x2  }
0x3c: {  	v9 =	vshrl.u32 v9, $0x3  }
0x3d: {  	s10 =	simm.s32 $0x10B80;
	[tilespmem:$0xFA00] =	vst v9;
	v9 =	vperm.xlane v10, v4  }
0x3e: {  	[tilespmem:s10], [sflag:$0x1] =	stream.indirect_vreg.gather [hbm4b:s5+s1], $0x80, v11, vm0, $0xb8;
	[tilespmem:$0x16B80] =	vst v63  }
0x3f: {  	s15 =	simm.s32 $0x11380;
	v9 =	vadd.s32 v3, v9  }
0x40: {  	[tilespmem:s15], [sflag:$0x1] =	stream.indirect_vreg.gather [hbm4b:s13+s1], $0x80, v11, vm0, $0xb8;
	[tilespmem:$0x16B80] =	vst v63  }
0x41: {  	s16 =	simm.s32 $0x11B80  }
0x42: {  	[tilespmem:s16], [sflag:$0x1] =	stream.indirect_vreg.gather [hbm4b:s14+s1], $0x80, v11, vm0, $0xb8;
	[tilespmem:$0x16B80] =	vst v63  }
0x43: {  	s17 =	simm.s32 $0x12380  }
0x44: {  	[tilespmem:s17], [sflag:$0x1] =	stream.indirect_vreg.gather [hbm4b:s5+s1], $0x80, v9, vm0, $0xb8;
	[tilespmem:$0x16B80] =	vst v63  }
0x45: {  	s18 =	simm.s32 $0x12B80  }
0x46: {  	[tilespmem:s18], [sflag:$0x1] =	stream.indirect_vreg.gather [hbm4b:s13+s1], $0x80, v9, vm0, $0xb8;
	[tilespmem:$0x16B80] =	vst v63  }
.Ltmp2:
0x47: {  	s19 =	simm.s32 $0x13380;
	s15 =	rddreg [dreg:$0xa];
	(pc) =	sbr.rel .LBB2_2-.Ltmp2, $4  }
0x48: {  	s24 =	simm.s32 $0x10;
	s30 =	simm.s32 $0xFA00;
	s17 =	rddreg [dreg:$0xc]  }
0x49: {  	[tilespmem:s19], [sflag:$0x1] =	stream.indirect_vreg.gather [hbm4b:s14+s1], $0x80, v9, vm0, $0xb8;
	[tilespmem:$0x16B80] =	vst v63  }
0x4a: {  	s7 =	smov.u32 s11;
	s9 =	simm.s32 $0x0;
	s18 =	rddreg [dreg:$0xd]  }
0x4b: {  	[tilespmem:s3], [sflag:$0x2] =	stream.indirect.gather [hbm4b:s29+s24], $0x80, s30, s24, $0xb8;
	[tilespmem:$0x16B80] =	vst v63  }
.LBB2_8:
0x4c: {  	s9 =	sadd.s32 $0x1, s9  }
0x4d: {  	p0 =	sne.s32 s9, $0x5  }
.Ltmp3:
0x4e: {  	_ = 	snop;
	(pc) =	sbr.rel @!p0 .LBB2_9-.Ltmp3, $3  }
0x4f: {  	_ =	sdelay $0x1  }
0x50: {  	s15 =	sadd.s32 $0x400, s15  }
0x51: {  	s7 =	sadd.s32 $0x40, s7;
	s17 =	sadd.s32 $0x400, s17;
	s18 =	sadd.s32 $0x40, s18  }
.LBB2_2:
0x52: {  	s16 =	sshllo.u32 s9, $0x1  }
0x53: {  	p0 =	sge.u32 s16, s12  }
0x54: {  	s1 =	sshll.u32 @!p0 s16, $0x4  }
0x55: {  	s2 =	sshll.u32 @!p0 s16, $0x5;
	s1 =	sand.u32 @!p0 $0x3FFFFFF0, s1  }
0x56: {  	s2 =	sor.u32 @!p0 s11, s2;
	v9 =	vld @!p0 [tilespmem:s1+$0xF880]  }
0x57: {  	s1 =	smulhi.u32 @!p0 $0x6BCA1AF3, s2;
	_ =	sdelay $0x1  }
0x58: {  	s1 =	sshll.u32 @!p0 s1, $0x8  }
0x59: {  	s1 =	sand.u32 @!p0 $0xFFFFF800, s1  }
0x5a: {  	v9 =	vadd.s32 @!p0 s1, v9;
	_ =	sdelay $0x3  }
0x5b: {  	s1 =	simm.s32 @!p0 $0x0  }
0x5c: {  	v9 =	vld.idx.msk @!p0 [tilespmem:v9+s1+$0x0], $0xffff;
	_ =	sdelay $0x4  }
0x5d: {  	[tilespmem:$0xFA80] =	vst @!p0 v9  }
0x5e: {  	v10 =	vld @!p0 [tilespmem:$0xFA80];
	_ =	sdelay $0x4  }
0x5f: {  	v11 =	vshrl.u32 @!p0 v10, $0x3  }
0x60: {  	v11 =	vmul.u32 @!p0 $0x30, v11  }
0x61: {  	v12 =	vlaneseq.u32 @!p0;
	v10 =	vand.u32 @!p0 $0x7, v10  }
0x62: {  	v13 =	vshrl.u32 @!p0 v12, $0x3;
	v10 =	vor.u32 @!p0 v10, v11;
	v11 =	vand.u32 @!p0 $0x7, v12  }
0x63: {  	v13 =	vmul.u32 @!p0 $0x8, v13;
	v11 =	vperm.xlane @!p0 v10, v11;
	_ =	sdelay $0x1  }
0x64: {  	v11 =	vadd.s32 @!p0 v13, v11;
	_ =	sdelay $0x2  }
0x65: {  	v9 =	vshrl.u32 @!p0 v9, $0x3;
	v12 =	vor.u32 @!p0 $0x8, v12  }
0x66: {  	vm1 =	vmmov @!p0 $0xffff;
	s2 =	simm.s32 @!p0 $0x13B80;
	[tilespmem:$0xFB00] =	vst @!p0 v9;
	v9 =	vperm.xlane @!p0 v10, v12  }
0x67: {  	[tilespmem:s2], [sflag:$0x3] =	stream.indirect_vreg.gather @!p0 [hbm4b:s5+s1], $0x80, v11, vm1, $0xb8;
	[tilespmem:$0x16B80] =	vst v63  }
0x68: {  	v9 =	vadd.s32 @!p0 v13, v9;
	s2 =	simm.s32 @!p0 $0x14380  }
0x69: {  	[tilespmem:s2], [sflag:$0x3] =	stream.indirect_vreg.gather @!p0 [hbm4b:s13+s1], $0x80, v11, vm1, $0xb8;
	[tilespmem:$0x16B80] =	vst v63  }
0x6a: {  	s2 =	simm.s32 @!p0 $0x14B80  }
0x6b: {  	[tilespmem:s2], [sflag:$0x3] =	stream.indirect_vreg.gather @!p0 [hbm4b:s14+s1], $0x80, v11, vm1, $0xb8;
	[tilespmem:$0x16B80] =	vst v63  }
0x6c: {  	s2 =	simm.s32 @!p0 $0x15380  }
0x6d: {  	[tilespmem:s2], [sflag:$0x3] =	stream.indirect_vreg.gather @!p0 [hbm4b:s5+s1], $0x80, v9, vm1, $0xb8;
	[tilespmem:$0x16B80] =	vst v63  }
0x6e: {  	s10 =	sshll.u32 s9, $0x6;
	s2 =	simm.s32 @!p0 $0x15B80  }
0x6f: {  	[tilespmem:s2], [sflag:$0x3] =	stream.indirect_vreg.gather @!p0 [hbm4b:s13+s1], $0x80, v9, vm1, $0xb8;
	[tilespmem:$0x16B80] =	vst v63  }
0x70: {  	s2 =	sor.u32 s11, s10  }
0x71: {  	s6 =	simm.s32 @!p0 $0x16380;
	s8 =	smulhi.u32 $0x6BCA1AF3, s2  }
0x72: {  	[tilespmem:s6], [sflag:$0x3] =	stream.indirect_vreg.gather @!p0 [hbm4b:s14+s1], $0x80, v9, vm1, $0xb8;
	[tilespmem:$0x16B80] =	vst v63  }
0x73: {  	s6 =	sshrl.u32 s8, $0x3  }
0x74: {  	s4 =	smulhi.u32 $0xAF286BCB, s18;
	s19 =	simm.s32 @!p0 $0xFB00;
	v9 =	vmov s6  }
0x75: {  	s24 =	simm.s32 @!p0 $0x10380;
	s1 =	smulhi.u32 $0xAF286BCB, s7;
	s8 =	simm.s32 @!p0 $0x10;
	v10 =	vadd.s32 $0x10, v9  }
0x76: {  	[tilespmem:s24], [sflag:$0x4] =	stream.indirect.gather @!p0 [hbm4b:s29+s8], $0x80, s19, s8, $0xb8;
	[tilespmem:$0x16B80] =	vst v63  }
0x77: {  	s30 =	simm.s32 $0x0;
	s19 =	ssub.s32 s18, s4  }
0x78: {  	s10 =	smov.u32 s29;
	s24 =	ssub.s32 s7, s1;
	s8 =	sshrl.u32 s19, $0x1  }
0x79: {  	s24 =	sshrl.u32 s24, $0x1;
	s19 =	smul.u32 $0xFFFFFED, s6;
	s4 =	sadd.s32 s4, s8;
	v9 =	vld.idx.msk [tilespmem:v9+s22+$0x0], $0xffff  }
0x7a: {  	s1 =	sadd.s32 s1, s24;
	s4 =	sshrl.u32 s4, $0x4;
	v10 =	vld.idx.msk [tilespmem:v10+s22+$0x0], $0xffff;
	_ =	swait.ge [sflag:s23], $0x3000  }
0x7b: {  	s1 =	sshrl.u32 s1, $0x4;
	s4 =	smul.u32 $0x130, s4;
	[sflag:s23] =	ssyncset.done $0x0  }
0x7c: {  	s2 =	sadd.s32 s2, s19;
	s1 =	smul.u32 $0x130, s1;
	[sflag:s23] =	ssyncadd.s32 $0xFFFFD000  }
0x7d: {  	s29 =	sshll.u32 s2, $0x4;
	s2 =	simm.s32 $0x0;
	_ =	swait.ge [sflag:s25], $0x800  }
0x7e: {  	s8 =	ssub.s32 s17, s4;
	s4 =	sshll.u32 s9, $0x1;
	[sflag:s25] =	ssyncset.done $0x0  }
0x7f: {  	s24 =	ssub.s32 s15, s1;
	s4 =	sadd.s32 $0x2, s4;
	[sflag:s25] =	ssyncadd.s32 $0xFFFFF800  }
.LBB2_3:
0x80: {  	v11 =	vmov s2;
	_ =	sdelay $0x4  }
0x81: {  	v12 =	vld.idx.msk [tilespmem:v11+s26+$0x0], $0xffff;
	_ =	sdelay $0x4  }
0x82: {  	v12 =	vshll.u32 v12, $0x4  }
0x83: {  	v11 =	vshll.u32 v11, $0x7;
	v12 =	vand.u32 $0x70, v12  }
0x84: {  	v11 =	vor.u32 v11, v12  }
0x85: {  	v12 =	vor.u32 $0xC, v11;
	_ =	sdelay $0x3  }
0x86: {  	v13 =	vld.idx.msk [tilespmem:v11+s3+$0x0], $0xffff  }
0x87: {  	v12 =	vld.idx.msk [tilespmem:v12+s3+$0x0], $0xffff;
	_ =	sdelay $0x3  }
0x88: {  	v17 =	vshll.u32 v13, $0x7  }
0x89: {  	v12 =	vshll.u32 v12, $0x7;
	v15 =	vor.u32 v1, v17  }
0x8a: {  	v14 =	vor.u32 v1, v12;
	_ =	sdelay $0x1  }
0x8b: {  	s1 =	sshrl.u32 s2, $0x3  }
0x8c: {  	s1 =	smul.u32 $0x6000, s1  }
0x8d: {  	v53 =	vld.idx.msk [tilespmem:v15+s21+$0x0], $0xffff  }
0x8e: {  	s19 =	sand.u32 $0x380, s30;
	s1 =	sshra.s32 s1, $0x2;
	v13 =	vld.idx.msk [tilespmem:v14+s20+$0x0], $0xffff  }
0x8f: {  	s1 =	sor.u32 s19, s1;
	s19 =	sadd.s32 s2, s24  }
0x90: {  	v54 =	vmov s19;
	v16 =	vld [tilespmem:s1+$0x10B80]  }
0x91: {  	vm1 =	vlt.s32 v54, $0xB4;
	v18 =	vadd.s32 $0xFFFFFF4C, v54  }
0x92: {  	vm2 =	vlt.s32 v54, v9;
	vm3 =	vlt.s32 v18, v10;
	v55 =	vor.u32 v7, v12  }
0x93: {  	vm4 =	vmneg vm1;
	v19 =	vor.u32 v6, v12;
	v57 =	vadd.f32 v53, v13  }
0x94: {  	vm1 =	vmand vm1, vm2;
	vm2 =	vmand vm4, vm3;
	v56 =	vor.u32 v8, v12  }
0x95: {  	vm1 =	vmor vm1, vm2;
	v20 =	vor.u32 v6, v17;
	v14 =	vadd.f32 v16, v57  }
0x96: {  	v12 =	vsel vm1, $0x3F800000, v5  }
0x97: {  	v15 =	vld.idx.msk [tilespmem:v55+s20+$0x0], $0xffff;
	v58 =	vmul.f32 v14, v12  }
0x98: {  	v16 =	vld.idx.msk [tilespmem:v19+s20+$0x0], $0xffff  }
0x99: {  	v14 =	vld.idx.msk [tilespmem:v56+s20+$0x0], $0xffff;
	[tilespmem:s1+$0x10B80] =	vst v58  }
0x9a: {  	v59 =	vld.idx.msk [tilespmem:v20+s21+$0x0], $0xffff  }
0x9b: {  	s19 =	sadd.s32 $0x10B80, s1  }
0x9c: {  	v19 =	vld [tilespmem:s19+$0x10];
	_ =	sdelay $0x2  }
0x9d: {  	v18 =	vadd.f32 v59, v16;
	_ =	sdelay $0x1  }
0x9e: {  	v60 =	vor.u32 v7, v17;
	v18 =	vadd.f32 v19, v18;
	_ =	sdelay $0x1  }
0x9f: {  	v18 =	vmul.f32 v18, v12;
	_ =	sdelay $0x1  }
0xa0: {  	[tilespmem:s19+$0x10] =	vst v18  }
0xa1: {  	v18 =	vld.idx.msk [tilespmem:v60+s21+$0x0], $0xffff;
	_ =	sdelay $0x1  }
0xa2: {  	v61 =	vld [tilespmem:s19+$0x20];
	_ =	sdelay $0x2  }
0xa3: {  	v18 =	vadd.f32 v18, v15;
	_ =	sdelay $0x1  }
0xa4: {  	v17 =	vor.u32 v8, v17;
	v18 =	vadd.f32 v61, v18;
	_ =	sdelay $0x1  }
0xa5: {  	v18 =	vmul.f32 v18, v12;
	_ =	sdelay $0x1  }
0xa6: {  	[tilespmem:s19+$0x20] =	vst v18  }
0xa7: {  	v17 =	vld.idx.msk [tilespmem:v17+s21+$0x0], $0xffff;
	_ =	sdelay $0x1  }
0xa8: {  	v62 =	vld [tilespmem:s19+$0x30];
	_ =	sdelay $0x2  }
0xa9: {  	v17 =	vadd.f32 v17, v14;
	_ =	sdelay $0x1  }
0xaa: {  	v63 =	vor.u32 $0x1, v11;
	v17 =	vadd.f32 v62, v17;
	_ =	sdelay $0x1  }
0xab: {  	v17 =	vmul.f32 v17, v12;
	_ =	sdelay $0x1  }
0xac: {  	[tilespmem:s19+$0x30] =	vst v17  }
0xad: {  	v17 =	vld.idx.msk [tilespmem:v63+s3+$0x0], $0xffff;
	_ =	sdelay $0x4  }
0xae: {  	v17 =	vshll.u32 v17, $0x7  }
0xaf: {  	v21 =	vor.u32 v1, v17;
	_ =	sdelay $0x4  }
0xb0: {  	v18 =	vld.idx.msk [tilespmem:v21+s21+$0x0], $0xffff;
	_ =	sdelay $0x1  }
0xb1: {  	v22 =	vld [tilespmem:s19+$0x40];
	_ =	sdelay $0x2  }
0xb2: {  	v18 =	vadd.f32 v18, v13;
	_ =	sdelay $0x1  }
0xb3: {  	v23 =	vor.u32 v6, v17;
	v18 =	vadd.f32 v22, v18;
	_ =	sdelay $0x1  }
0xb4: {  	v18 =	vmul.f32 v18, v12;
	_ =	sdelay $0x1  }
0xb5: {  	[tilespmem:s19+$0x40] =	vst v18  }
0xb6: {  	v18 =	vld.idx.msk [tilespmem:v23+s21+$0x0], $0xffff;
	_ =	sdelay $0x1  }
0xb7: {  	v24 =	vld [tilespmem:s19+$0x50];
	_ =	sdelay $0x2  }
0xb8: {  	v18 =	vadd.f32 v18, v16;
	_ =	sdelay $0x1  }
0xb9: {  	v25 =	vor.u32 v7, v17;
	v18 =	vadd.f32 v24, v18;
	_ =	sdelay $0x1  }
0xba: {  	v18 =	vmul.f32 v18, v12;
	_ =	sdelay $0x1  }
0xbb: {  	[tilespmem:s19+$0x50] =	vst v18  }
0xbc: {  	v18 =	vld.idx.msk [tilespmem:v25+s21+$0x0], $0xffff;
	_ =	sdelay $0x1  }
0xbd: {  	v26 =	vld [tilespmem:s19+$0x60];
	_ =	sdelay $0x2  }
0xbe: {  	v18 =	vadd.f32 v18, v15;
	_ =	sdelay $0x1  }
0xbf: {  	v17 =	vor.u32 v8, v17;
	v18 =	vadd.f32 v26, v18;
	_ =	sdelay $0x1  }
0xc0: {  	v18 =	vmul.f32 v18, v12;
	_ =	sdelay $0x1  }
0xc1: {  	[tilespmem:s19+$0x60] =	vst v18  }
0xc2: {  	v17 =	vld.idx.msk [tilespmem:v17+s21+$0x0], $0xffff;
	_ =	sdelay $0x1  }
0xc3: {  	v27 =	vld [tilespmem:s19+$0x70];
	_ =	sdelay $0x2  }
0xc4: {  	v17 =	vadd.f32 v17, v14;
	_ =	sdelay $0x1  }
0xc5: {  	v28 =	vor.u32 $0x2, v11;
	v17 =	vadd.f32 v27, v17;
	_ =	sdelay $0x1  }
0xc6: {  	v17 =	vmul.f32 v17, v12;
	_ =	sdelay $0x1  }
0xc7: {  	[tilespmem:s19+$0x70] =	vst v17  }
0xc8: {  	v17 =	vld.idx.msk [tilespmem:v28+s3+$0x0], $0xffff;
	_ =	sdelay $0x4  }
0xc9: {  	v17 =	vshll.u32 v17, $0x7  }
0xca: {  	v29 =	vor.u32 v1, v17;
	_ =	sdelay $0x4  }
0xcb: {  	v18 =	vld.idx.msk [tilespmem:v29+s21+$0x0], $0xffff;
	_ =	sdelay $0x1  }
0xcc: {  	v30 =	vld [tilespmem:s19+$0x400];
	_ =	sdelay $0x2  }
0xcd: {  	v18 =	vadd.f32 v18, v13;
	_ =	sdelay $0x1  }
0xce: {  	v31 =	vor.u32 v6, v17;
	v18 =	vadd.f32 v30, v18;
	_ =	sdelay $0x1  }
0xcf: {  	v18 =	vmul.f32 v18, v12;
	_ =	sdelay $0x1  }
0xd0: {  	[tilespmem:s19+$0x400] =	vst v18  }
0xd1: {  	v18 =	vld.idx.msk [tilespmem:v31+s21+$0x0], $0xffff;
	_ =	sdelay $0x1  }
0xd2: {  	v32 =	vld [tilespmem:s19+$0x410];
	_ =	sdelay $0x2  }
0xd3: {  	v18 =	vadd.f32 v18, v16;
	_ =	sdelay $0x1  }
0xd4: {  	v33 =	vor.u32 v7, v17;
	v18 =	vadd.f32 v32, v18;
	_ =	sdelay $0x1  }
0xd5: {  	v18 =	vmul.f32 v18, v12;
	_ =	sdelay $0x1  }
0xd6: {  	[tilespmem:s19+$0x410] =	vst v18  }
0xd7: {  	v18 =	vld.idx.msk [tilespmem:v33+s21+$0x0], $0xffff;
	_ =	sdelay $0x1  }
0xd8: {  	v34 =	vld [tilespmem:s19+$0x420];
	_ =	sdelay $0x2  }
0xd9: {  	v18 =	vadd.f32 v18, v15;
	_ =	sdelay $0x1  }
0xda: {  	v17 =	vor.u32 v8, v17;
	v18 =	vadd.f32 v34, v18;
	_ =	sdelay $0x1  }
0xdb: {  	v18 =	vmul.f32 v18, v12;
	_ =	sdelay $0x1  }
0xdc: {  	[tilespmem:s19+$0x420] =	vst v18  }
0xdd: {  	v17 =	vld.idx.msk [tilespmem:v17+s21+$0x0], $0xffff;
	_ =	sdelay $0x1  }
0xde: {  	v35 =	vld [tilespmem:s19+$0x430];
	_ =	sdelay $0x2  }
0xdf: {  	v17 =	vadd.f32 v17, v14;
	_ =	sdelay $0x1  }
0xe0: {  	v36 =	vor.u32 $0x3, v11;
	v17 =	vadd.f32 v35, v17;
	_ =	sdelay $0x1  }
0xe1: {  	v17 =	vmul.f32 v17, v12;
	_ =	sdelay $0x1  }
0xe2: {  	[tilespmem:s19+$0x430] =	vst v17  }
0xe3: {  	v17 =	vld.idx.msk [tilespmem:v36+s3+$0x0], $0xffff;
	_ =	sdelay $0x4  }
0xe4: {  	v17 =	vshll.u32 v17, $0x7  }
0xe5: {  	v37 =	vor.u32 v1, v17;
	_ =	sdelay $0x4  }
0xe6: {  	v18 =	vld.idx.msk [tilespmem:v37+s21+$0x0], $0xffff;
	_ =	sdelay $0x1  }
0xe7: {  	v38 =	vld [tilespmem:s19+$0x440];
	_ =	sdelay $0x2  }
0xe8: {  	v18 =	vadd.f32 v18, v13;
	_ =	sdelay $0x1  }
0xe9: {  	v39 =	vor.u32 v6, v17;
	v18 =	vadd.f32 v38, v18;
	_ =	sdelay $0x1  }
0xea: {  	v18 =	vmul.f32 v18, v12;
	_ =	sdelay $0x1  }
0xeb: {  	[tilespmem:s19+$0x440] =	vst v18  }
0xec: {  	v18 =	vld.idx.msk [tilespmem:v39+s21+$0x0], $0xffff;
	_ =	sdelay $0x1  }
0xed: {  	v40 =	vld [tilespmem:s19+$0x450];
	_ =	sdelay $0x2  }
0xee: {  	v18 =	vadd.f32 v18, v16;
	_ =	sdelay $0x1  }
0xef: {  	v41 =	vor.u32 v7, v17;
	v18 =	vadd.f32 v40, v18;
	_ =	sdelay $0x1  }
0xf0: {  	v18 =	vmul.f32 v18, v12;
	_ =	sdelay $0x1  }
0xf1: {  	[tilespmem:s19+$0x450] =	vst v18  }
0xf2: {  	v18 =	vld.idx.msk [tilespmem:v41+s21+$0x0], $0xffff;
	_ =	sdelay $0x1  }
0xf3: {  	v42 =	vld [tilespmem:s19+$0x460];
	_ =	sdelay $0x2  }
0xf4: {  	v18 =	vadd.f32 v18, v15;
	_ =	sdelay $0x1  }
0xf5: {  	v17 =	vor.u32 v8, v17;
	v18 =	vadd.f32 v42, v18;
	_ =	sdelay $0x1  }
0xf6: {  	v18 =	vmul.f32 v18, v12;
	_ =	sdelay $0x1  }
0xf7: {  	[tilespmem:s19+$0x460] =	vst v18  }
0xf8: {  	v17 =	vld.idx.msk [tilespmem:v17+s21+$0x0], $0xffff;
	_ =	sdelay $0x1  }
0xf9: {  	v43 =	vld [tilespmem:s19+$0x470];
	_ =	sdelay $0x2  }
0xfa: {  	v17 =	vadd.f32 v17, v14;
	_ =	sdelay $0x1  }
0xfb: {  	v44 =	vor.u32 $0x4, v11;
	v17 =	vadd.f32 v43, v17;
	_ =	sdelay $0x1  }
0xfc: {  	v17 =	vmul.f32 v17, v12;
	_ =	sdelay $0x1  }
0xfd: {  	[tilespmem:s19+$0x470] =	vst v17  }
0xfe: {  	v17 =	vld.idx.msk [tilespmem:v44+s3+$0x0], $0xffff;
	_ =	sdelay $0x4  }
0xff: {  	v17 =	vshll.u32 v17, $0x7  }
0x100: {  	v45 =	vor.u32 v1, v17;
	_ =	sdelay $0x4  }
0x101: {  	v18 =	vld.idx.msk [tilespmem:v45+s21+$0x0], $0xffff;
	_ =	sdelay $0x1  }
0x102: {  	v46 =	vld [tilespmem:s1+$0x11380];
	_ =	sdelay $0x2  }
0x103: {  	v18 =	vadd.f32 v18, v13;
	_ =	sdelay $0x1  }
0x104: {  	v47 =	vor.u32 v6, v17;
	v18 =	vadd.f32 v46, v18;
	_ =	sdelay $0x1  }
0x105: {  	v18 =	vmul.f32 v18, v12;
	_ =	sdelay $0x1  }
0x106: {  	[tilespmem:s1+$0x11380] =	vst v18  }
0x107: {  	v18 =	vld.idx.msk [tilespmem:v47+s21+$0x0], $0xffff  }
0x108: {  	s19 =	sadd.s32 $0x11380, s1  }
0x109: {  	v48 =	vld [tilespmem:s19+$0x10];
	_ =	sdelay $0x2  }
0x10a: {  	v18 =	vadd.f32 v18, v16;
	_ =	sdelay $0x1  }
0x10b: {  	v49 =	vor.u32 v7, v17;
	v18 =	vadd.f32 v48, v18;
	_ =	sdelay $0x1  }
0x10c: {  	v18 =	vmul.f32 v18, v12;
	_ =	sdelay $0x1  }
0x10d: {  	[tilespmem:s19+$0x10] =	vst v18  }
0x10e: {  	v18 =	vld.idx.msk [tilespmem:v49+s21+$0x0], $0xffff;
	_ =	sdelay $0x1  }
0x10f: {  	v50 =	vld [tilespmem:s19+$0x20];
	_ =	sdelay $0x2  }
0x110: {  	v18 =	vadd.f32 v18, v15;
	_ =	sdelay $0x1  }
0x111: {  	v17 =	vor.u32 v8, v17;
	v18 =	vadd.f32 v50, v18;
	_ =	sdelay $0x1  }
0x112: {  	v18 =	vmul.f32 v18, v12;
	_ =	sdelay $0x1  }
0x113: {  	[tilespmem:s19+$0x20] =	vst v18  }
0x114: {  	v17 =	vld.idx.msk [tilespmem:v17+s21+$0x0], $0xffff;
	_ =	sdelay $0x1  }
0x115: {  	v51 =	vld [tilespmem:s19+$0x30];
	_ =	sdelay $0x2  }
0x116: {  	v17 =	vadd.f32 v17, v14;
	_ =	sdelay $0x1  }
0x117: {  	v52 =	vor.u32 $0x5, v11;
	v17 =	vadd.f32 v51, v17;
	_ =	sdelay $0x1  }
0x118: {  	v17 =	vmul.f32 v17, v12;
	_ =	sdelay $0x1  }
0x119: {  	[tilespmem:s19+$0x30] =	vst v17  }
0x11a: {  	v17 =	vld.idx.msk [tilespmem:v52+s3+$0x0], $0xffff;
	_ =	sdelay $0x4  }
0x11b: {  	v17 =	vshll.u32 v17, $0x7  }
0x11c: {  	v53 =	vor.u32 v1, v17;
	_ =	sdelay $0x4  }
0x11d: {  	v18 =	vld.idx.msk [tilespmem:v53+s21+$0x0], $0xffff;
	_ =	sdelay $0x1  }
0x11e: {  	v54 =	vld [tilespmem:s19+$0x40];
	_ =	sdelay $0x2  }
0x11f: {  	v18 =	vadd.f32 v18, v13;
	_ =	sdelay $0x1  }
0x120: {  	v55 =	vor.u32 v6, v17;
	v18 =	vadd.f32 v54, v18;
	_ =	sdelay $0x1  }
0x121: {  	v18 =	vmul.f32 v18, v12;
	_ =	sdelay $0x1  }
0x122: {  	[tilespmem:s19+$0x40] =	vst v18  }
0x123: {  	v18 =	vld.idx.msk [tilespmem:v55+s21+$0x0], $0xffff;
	_ =	sdelay $0x1  }
0x124: {  	v56 =	vld [tilespmem:s19+$0x50];
	_ =	sdelay $0x2  }
0x125: {  	v18 =	vadd.f32 v18, v16;
	_ =	sdelay $0x1  }
0x126: {  	v57 =	vor.u32 v7, v17;
	v18 =	vadd.f32 v56, v18;
	_ =	sdelay $0x1  }
0x127: {  	v18 =	vmul.f32 v18, v12;
	_ =	sdelay $0x1  }
0x128: {  	[tilespmem:s19+$0x50] =	vst v18  }
0x129: {  	v18 =	vld.idx.msk [tilespmem:v57+s21+$0x0], $0xffff;
	_ =	sdelay $0x1  }
0x12a: {  	v58 =	vld [tilespmem:s19+$0x60];
	_ =	sdelay $0x2  }
0x12b: {  	v18 =	vadd.f32 v18, v15;
	_ =	sdelay $0x1  }
0x12c: {  	v17 =	vor.u32 v8, v17;
	v18 =	vadd.f32 v58, v18;
	_ =	sdelay $0x1  }
0x12d: {  	v18 =	vmul.f32 v18, v12;
	_ =	sdelay $0x1  }
0x12e: {  	[tilespmem:s19+$0x60] =	vst v18  }
0x12f: {  	v17 =	vld.idx.msk [tilespmem:v17+s21+$0x0], $0xffff;
	_ =	sdelay $0x1  }
0x130: {  	v59 =	vld [tilespmem:s19+$0x70];
	_ =	sdelay $0x2  }
0x131: {  	v17 =	vadd.f32 v17, v14;
	_ =	sdelay $0x1  }
0x132: {  	v60 =	vor.u32 $0x6, v11;
	v17 =	vadd.f32 v59, v17;
	_ =	sdelay $0x1  }
0x133: {  	v17 =	vmul.f32 v17, v12;
	_ =	sdelay $0x1  }
0x134: {  	[tilespmem:s19+$0x70] =	vst v17  }
0x135: {  	v17 =	vld.idx.msk [tilespmem:v60+s3+$0x0], $0xffff;
	_ =	sdelay $0x4  }
0x136: {  	v17 =	vshll.u32 v17, $0x7  }
0x137: {  	v61 =	vor.u32 v1, v17;
	_ =	sdelay $0x4  }
0x138: {  	v18 =	vld.idx.msk [tilespmem:v61+s21+$0x0], $0xffff;
	_ =	sdelay $0x1  }
0x139: {  	v62 =	vld [tilespmem:s1+$0x11780];
	_ =	sdelay $0x2  }
0x13a: {  	v18 =	vadd.f32 v18, v13;
	_ =	sdelay $0x1  }
0x13b: {  	v63 =	vor.u32 v6, v17;
	v18 =	vadd.f32 v62, v18;
	_ =	sdelay $0x1  }
0x13c: {  	v18 =	vmul.f32 v18, v12;
	_ =	sdelay $0x1  }
0x13d: {  	[tilespmem:s1+$0x11780] =	vst v18  }
0x13e: {  	v18 =	vld.idx.msk [tilespmem:v63+s21+$0x0], $0xffff  }
0x13f: {  	s19 =	sadd.s32 $0x11780, s1  }
0x140: {  	v21 =	vld [tilespmem:s19+$0x10];
	_ =	sdelay $0x2  }
0x141: {  	v18 =	vadd.f32 v18, v16;
	_ =	sdelay $0x1  }
0x142: {  	v22 =	vor.u32 v7, v17;
	v18 =	vadd.f32 v21, v18;
	_ =	sdelay $0x1  }
0x143: {  	v18 =	vmul.f32 v18, v12;
	_ =	sdelay $0x1  }
0x144: {  	[tilespmem:s19+$0x10] =	vst v18  }
0x145: {  	v18 =	vld.idx.msk [tilespmem:v22+s21+$0x0], $0xffff;
	_ =	sdelay $0x1  }
0x146: {  	v23 =	vld [tilespmem:s19+$0x20];
	_ =	sdelay $0x2  }
0x147: {  	v18 =	vadd.f32 v18, v15;
	_ =	sdelay $0x1  }
0x148: {  	v17 =	vor.u32 v8, v17;
	v18 =	vadd.f32 v23, v18;
	_ =	sdelay $0x1  }
0x149: {  	v18 =	vmul.f32 v18, v12;
	_ =	sdelay $0x1  }
0x14a: {  	[tilespmem:s19+$0x20] =	vst v18  }
0x14b: {  	v17 =	vld.idx.msk [tilespmem:v17+s21+$0x0], $0xffff;
	_ =	sdelay $0x1  }
0x14c: {  	v24 =	vld [tilespmem:s19+$0x30];
	_ =	sdelay $0x2  }
0x14d: {  	v17 =	vadd.f32 v17, v14;
	_ =	sdelay $0x1  }
0x14e: {  	v25 =	vor.u32 $0x7, v11;
	v17 =	vadd.f32 v24, v17;
	_ =	sdelay $0x1  }
0x14f: {  	v17 =	vmul.f32 v17, v12;
	_ =	sdelay $0x1  }
0x150: {  	[tilespmem:s19+$0x30] =	vst v17  }
0x151: {  	v17 =	vld.idx.msk [tilespmem:v25+s3+$0x0], $0xffff;
	_ =	sdelay $0x4  }
0x152: {  	v17 =	vshll.u32 v17, $0x7  }
0x153: {  	v26 =	vor.u32 v1, v17;
	_ =	sdelay $0x4  }
0x154: {  	v18 =	vld.idx.msk [tilespmem:v26+s21+$0x0], $0xffff;
	_ =	sdelay $0x1  }
0x155: {  	v27 =	vld [tilespmem:s19+$0x40];
	_ =	sdelay $0x2  }
0x156: {  	v18 =	vadd.f32 v18, v13;
	_ =	sdelay $0x1  }
0x157: {  	v28 =	vor.u32 v6, v17;
	v18 =	vadd.f32 v27, v18;
	_ =	sdelay $0x1  }
0x158: {  	v18 =	vmul.f32 v18, v12;
	_ =	sdelay $0x1  }
0x159: {  	[tilespmem:s19+$0x40] =	vst v18  }
0x15a: {  	v18 =	vld.idx.msk [tilespmem:v28+s21+$0x0], $0xffff;
	_ =	sdelay $0x1  }
0x15b: {  	v29 =	vld [tilespmem:s19+$0x50];
	_ =	sdelay $0x2  }
0x15c: {  	v18 =	vadd.f32 v18, v16;
	_ =	sdelay $0x1  }
0x15d: {  	v30 =	vor.u32 v7, v17;
	v18 =	vadd.f32 v29, v18;
	_ =	sdelay $0x1  }
0x15e: {  	v18 =	vmul.f32 v18, v12;
	_ =	sdelay $0x1  }
0x15f: {  	[tilespmem:s19+$0x50] =	vst v18  }
0x160: {  	v18 =	vld.idx.msk [tilespmem:v30+s21+$0x0], $0xffff;
	_ =	sdelay $0x1  }
0x161: {  	v31 =	vld [tilespmem:s19+$0x60];
	_ =	sdelay $0x2  }
0x162: {  	v18 =	vadd.f32 v18, v15;
	_ =	sdelay $0x1  }
0x163: {  	v17 =	vor.u32 v8, v17;
	v18 =	vadd.f32 v31, v18;
	_ =	sdelay $0x1  }
0x164: {  	v18 =	vmul.f32 v18, v12;
	_ =	sdelay $0x1  }
0x165: {  	[tilespmem:s19+$0x60] =	vst v18  }
0x166: {  	v17 =	vld.idx.msk [tilespmem:v17+s21+$0x0], $0xffff;
	_ =	sdelay $0x1  }
0x167: {  	v32 =	vld [tilespmem:s19+$0x70];
	_ =	sdelay $0x2  }
0x168: {  	v17 =	vadd.f32 v17, v14;
	_ =	sdelay $0x1  }
0x169: {  	v33 =	vor.u32 $0x8, v11;
	v17 =	vadd.f32 v32, v17;
	_ =	sdelay $0x1  }
0x16a: {  	v17 =	vmul.f32 v17, v12;
	_ =	sdelay $0x1  }
0x16b: {  	[tilespmem:s19+$0x70] =	vst v17  }
0x16c: {  	v17 =	vld.idx.msk [tilespmem:v33+s3+$0x0], $0xffff;
	_ =	sdelay $0x4  }
0x16d: {  	v17 =	vshll.u32 v17, $0x7  }
0x16e: {  	v34 =	vor.u32 v1, v17;
	_ =	sdelay $0x4  }
0x16f: {  	v18 =	vld.idx.msk [tilespmem:v34+s21+$0x0], $0xffff;
	_ =	sdelay $0x1  }
0x170: {  	v35 =	vld [tilespmem:s1+$0x11B80];
	_ =	sdelay $0x2  }
0x171: {  	v18 =	vadd.f32 v18, v13;
	_ =	sdelay $0x1  }
0x172: {  	v36 =	vor.u32 v6, v17;
	v18 =	vadd.f32 v35, v18;
	_ =	sdelay $0x1  }
0x173: {  	v18 =	vmul.f32 v18, v12;
	_ =	sdelay $0x1  }
0x174: {  	[tilespmem:s1+$0x11B80] =	vst v18  }
0x175: {  	v18 =	vld.idx.msk [tilespmem:v36+s21+$0x0], $0xffff  }
0x176: {  	s19 =	sadd.s32 $0x11B80, s1  }
0x177: {  	v37 =	vld [tilespmem:s19+$0x10];
	_ =	sdelay $0x2  }
0x178: {  	v18 =	vadd.f32 v18, v16;
	_ =	sdelay $0x1  }
0x179: {  	v38 =	vor.u32 v7, v17;
	v18 =	vadd.f32 v37, v18;
	_ =	sdelay $0x1  }
0x17a: {  	v18 =	vmul.f32 v18, v12;
	_ =	sdelay $0x1  }
0x17b: {  	[tilespmem:s19+$0x10] =	vst v18  }
0x17c: {  	v18 =	vld.idx.msk [tilespmem:v38+s21+$0x0], $0xffff;
	_ =	sdelay $0x1  }
0x17d: {  	v39 =	vld [tilespmem:s19+$0x20];
	_ =	sdelay $0x2  }
0x17e: {  	v18 =	vadd.f32 v18, v15;
	_ =	sdelay $0x1  }
0x17f: {  	v17 =	vor.u32 v8, v17;
	v18 =	vadd.f32 v39, v18;
	_ =	sdelay $0x1  }
0x180: {  	v18 =	vmul.f32 v18, v12;
	_ =	sdelay $0x1  }
0x181: {  	[tilespmem:s19+$0x20] =	vst v18  }
0x182: {  	v17 =	vld.idx.msk [tilespmem:v17+s21+$0x0], $0xffff;
	_ =	sdelay $0x1  }
0x183: {  	v40 =	vld [tilespmem:s19+$0x30];
	_ =	sdelay $0x2  }
0x184: {  	v17 =	vadd.f32 v17, v14;
	_ =	sdelay $0x1  }
0x185: {  	v41 =	vor.u32 $0x9, v11;
	v17 =	vadd.f32 v40, v17;
	_ =	sdelay $0x1  }
0x186: {  	v17 =	vmul.f32 v17, v12;
	_ =	sdelay $0x1  }
0x187: {  	[tilespmem:s19+$0x30] =	vst v17  }
0x188: {  	v17 =	vld.idx.msk [tilespmem:v41+s3+$0x0], $0xffff;
	_ =	sdelay $0x4  }
0x189: {  	v17 =	vshll.u32 v17, $0x7  }
0x18a: {  	v42 =	vor.u32 v1, v17;
	_ =	sdelay $0x4  }
0x18b: {  	v18 =	vld.idx.msk [tilespmem:v42+s21+$0x0], $0xffff;
	_ =	sdelay $0x1  }
0x18c: {  	v43 =	vld [tilespmem:s19+$0x40];
	_ =	sdelay $0x2  }
0x18d: {  	v18 =	vadd.f32 v18, v13;
	_ =	sdelay $0x1  }
0x18e: {  	v44 =	vor.u32 v6, v17;
	v18 =	vadd.f32 v43, v18;
	_ =	sdelay $0x1  }
0x18f: {  	v18 =	vmul.f32 v18, v12;
	_ =	sdelay $0x1  }
0x190: {  	[tilespmem:s19+$0x40] =	vst v18  }
0x191: {  	v18 =	vld.idx.msk [tilespmem:v44+s21+$0x0], $0xffff;
	_ =	sdelay $0x1  }
0x192: {  	v45 =	vld [tilespmem:s19+$0x50];
	_ =	sdelay $0x2  }
0x193: {  	v18 =	vadd.f32 v18, v16;
	_ =	sdelay $0x1  }
0x194: {  	v46 =	vor.u32 v7, v17;
	v18 =	vadd.f32 v45, v18;
	_ =	sdelay $0x1  }
0x195: {  	v18 =	vmul.f32 v18, v12;
	_ =	sdelay $0x1  }
0x196: {  	[tilespmem:s19+$0x50] =	vst v18  }
0x197: {  	v18 =	vld.idx.msk [tilespmem:v46+s21+$0x0], $0xffff;
	_ =	sdelay $0x1  }
0x198: {  	v47 =	vld [tilespmem:s19+$0x60];
	_ =	sdelay $0x2  }
0x199: {  	v18 =	vadd.f32 v18, v15;
	_ =	sdelay $0x1  }
0x19a: {  	v17 =	vor.u32 v8, v17;
	v18 =	vadd.f32 v47, v18;
	_ =	sdelay $0x1  }
0x19b: {  	v18 =	vmul.f32 v18, v12;
	_ =	sdelay $0x1  }
0x19c: {  	[tilespmem:s19+$0x60] =	vst v18  }
0x19d: {  	v17 =	vld.idx.msk [tilespmem:v17+s21+$0x0], $0xffff;
	_ =	sdelay $0x1  }
0x19e: {  	v48 =	vld [tilespmem:s19+$0x70];
	_ =	sdelay $0x2  }
0x19f: {  	v17 =	vadd.f32 v17, v14;
	_ =	sdelay $0x1  }
0x1a0: {  	v49 =	vor.u32 $0xA, v11;
	v17 =	vadd.f32 v48, v17;
	_ =	sdelay $0x1  }
0x1a1: {  	v17 =	vmul.f32 v17, v12;
	_ =	sdelay $0x1  }
0x1a2: {  	[tilespmem:s19+$0x70] =	vst v17  }
0x1a3: {  	v17 =	vld.idx.msk [tilespmem:v49+s3+$0x0], $0xffff;
	_ =	sdelay $0x4  }
0x1a4: {  	v17 =	vshll.u32 v17, $0x7  }
0x1a5: {  	v50 =	vor.u32 v1, v17;
	_ =	sdelay $0x4  }
0x1a6: {  	v18 =	vld.idx.msk [tilespmem:v50+s21+$0x0], $0xffff;
	_ =	sdelay $0x1  }
0x1a7: {  	v51 =	vld [tilespmem:s1+$0x11F80];
	_ =	sdelay $0x2  }
0x1a8: {  	v18 =	vadd.f32 v18, v13;
	_ =	sdelay $0x1  }
0x1a9: {  	v52 =	vor.u32 v6, v17;
	v18 =	vadd.f32 v51, v18;
	_ =	sdelay $0x1  }
0x1aa: {  	v18 =	vmul.f32 v18, v12;
	_ =	sdelay $0x1  }
0x1ab: {  	[tilespmem:s1+$0x11F80] =	vst v18  }
0x1ac: {  	v18 =	vld.idx.msk [tilespmem:v52+s21+$0x0], $0xffff  }
0x1ad: {  	s1 =	sadd.s32 $0x11F80, s1  }
0x1ae: {  	v53 =	vld [tilespmem:s1+$0x10];
	_ =	sdelay $0x2  }
0x1af: {  	v18 =	vadd.f32 v18, v16;
	_ =	sdelay $0x1  }
0x1b0: {  	v54 =	vor.u32 v7, v17;
	v18 =	vadd.f32 v53, v18;
	_ =	sdelay $0x1  }
0x1b1: {  	v18 =	vmul.f32 v18, v12;
	_ =	sdelay $0x1  }
0x1b2: {  	[tilespmem:s1+$0x10] =	vst v18  }
0x1b3: {  	v18 =	vld.idx.msk [tilespmem:v54+s21+$0x0], $0xffff;
	_ =	sdelay $0x1  }
0x1b4: {  	v55 =	vld [tilespmem:s1+$0x20];
	_ =	sdelay $0x2  }
0x1b5: {  	v18 =	vadd.f32 v18, v15;
	_ =	sdelay $0x1  }
0x1b6: {  	v17 =	vor.u32 v8, v17;
	v18 =	vadd.f32 v55, v18;
	_ =	sdelay $0x1  }
0x1b7: {  	v18 =	vmul.f32 v18, v12;
	_ =	sdelay $0x1  }
0x1b8: {  	[tilespmem:s1+$0x20] =	vst v18  }
0x1b9: {  	v17 =	vld.idx.msk [tilespmem:v17+s21+$0x0], $0xffff;
	_ =	sdelay $0x1  }
0x1ba: {  	v56 =	vld [tilespmem:s1+$0x30];
	_ =	sdelay $0x2  }
0x1bb: {  	v17 =	vadd.f32 v17, v14;
	_ =	sdelay $0x1  }
0x1bc: {  	v11 =	vor.u32 $0xB, v11;
	v17 =	vadd.f32 v56, v17;
	_ =	sdelay $0x1  }
0x1bd: {  	v17 =	vmul.f32 v17, v12;
	_ =	sdelay $0x1  }
0x1be: {  	[tilespmem:s1+$0x30] =	vst v17  }
0x1bf: {  	v11 =	vld.idx.msk [tilespmem:v11+s3+$0x0], $0xffff;
	_ =	sdelay $0x4  }
0x1c0: {  	v11 =	vshll.u32 v11, $0x7  }
0x1c1: {  	v57 =	vor.u32 v1, v11;
	_ =	sdelay $0x4  }
0x1c2: {  	v17 =	vld.idx.msk [tilespmem:v57+s21+$0x0], $0xffff;
	_ =	sdelay $0x1  }
0x1c3: {  	v58 =	vld [tilespmem:s1+$0x40];
	_ =	sdelay $0x2  }
0x1c4: {  	v13 =	vadd.f32 v17, v13;
	_ =	sdelay $0x1  }
0x1c5: {  	v59 =	vor.u32 v6, v11;
	v13 =	vadd.f32 v58, v13;
	_ =	sdelay $0x1  }
0x1c6: {  	v13 =	vmul.f32 v13, v12;
	_ =	sdelay $0x1  }
0x1c7: {  	[tilespmem:s1+$0x40] =	vst v13  }
0x1c8: {  	v13 =	vld.idx.msk [tilespmem:v59+s21+$0x0], $0xffff;
	_ =	sdelay $0x1  }
0x1c9: {  	v60 =	vld [tilespmem:s1+$0x50];
	_ =	sdelay $0x2  }
0x1ca: {  	v13 =	vadd.f32 v13, v16;
	_ =	sdelay $0x1  }
0x1cb: {  	v61 =	vor.u32 v7, v11;
	v13 =	vadd.f32 v60, v13;
	_ =	sdelay $0x1  }
0x1cc: {  	v13 =	vmul.f32 v13, v12;
	_ =	sdelay $0x1  }
0x1cd: {  	[tilespmem:s1+$0x50] =	vst v13  }
0x1ce: {  	v13 =	vld.idx.msk [tilespmem:v61+s21+$0x0], $0xffff;
	_ =	sdelay $0x1  }
0x1cf: {  	v62 =	vld [tilespmem:s1+$0x60];
	_ =	sdelay $0x2  }
0x1d0: {  	v13 =	vadd.f32 v13, v15;
	_ =	sdelay $0x1  }
0x1d1: {  	v11 =	vor.u32 v8, v11;
	v13 =	vadd.f32 v62, v13;
	_ =	sdelay $0x1  }
0x1d2: {  	v13 =	vmul.f32 v13, v12;
	_ =	sdelay $0x1  }
0x1d3: {  	[tilespmem:s1+$0x60] =	vst v13  }
0x1d4: {  	v11 =	vld.idx.msk [tilespmem:v11+s21+$0x0], $0xffff;
	_ =	sdelay $0x1  }
0x1d5: {  	v63 =	vld [tilespmem:s1+$0x70];
	_ =	sdelay $0x2  }
0x1d6: {  	v11 =	vadd.f32 v11, v14  }
0x1d7: {  	p1 =	sne.s32 s2, $0xF  }
.Ltmp4:
0x1d8: {  	v11 =	vadd.f32 v63, v11;
	(pc) =	sbr.rel @p1 .LBB2_3-.Ltmp4, $3  }
0x1d9: {  	_ = 	snop  }
0x1da: {  	v11 =	vmul.f32 v11, v12;
	_ =	sdelay $0x1  }
0x1db: {  	s30 =	sadd.s32 $0x80, s30;
	s2 =	sadd.s32 $0x1, s2;
	[tilespmem:s1+$0x70] =	vst v11  }
0x1dc: {  	s1 =	smul.u32 $0x39000, s6;
	s2 =	sshrl.u32 s29, $0x3  }
0x1dd: {  	s2 =	smul.u32 $0x1800, s2;
	_ =	sdelay $0x1  }
0x1de: {  	s1 =	sadd.s32 s1, s2  }
0x1df: {  	s19 =	rddreg [dreg:$0x8];
	s1 =	sshrl.u32 s1, $0x3  }
0x1e0: {  	s24 =	simm.s32 $0x0;
	s30 =	simm.s32 $0x10B80;
	s1 =	sadd.s32 s19, s1  }
0x1e1: {  	[hbm4b:s1+s24] =	stream.linear.scatter [tilespmem:s30], [sflag:$0x6], $0x3000, $0x38;
	[tilespmem:$0x16B80] =	vst v63  }
0x1e2: {  	p1 =	sge.u32 s4, s12;
	_ =	swait.ge [sflag:s28], $0x3000  }
0x1e3: {  	s1 =	sshll.u32 @!p1 s4, $0x4;
	[sflag:s28] =	ssyncset.done $0x0  }
0x1e4: {  	s2 =	sshll.u32 @!p1 s4, $0x5;
	s1 =	sand.u32 @!p1 $0x3FFFFFF0, s1;
	[sflag:s28] =	ssyncadd.s32 $0xFFFFD000  }
0x1e5: {  	s2 =	sor.u32 @!p1 s11, s2;
	v9 =	vld @!p1 [tilespmem:s1+$0xF880]  }
0x1e6: {  	s1 =	smulhi.u32 @!p1 $0x6BCA1AF3, s2;
	_ =	sdelay $0x1  }
0x1e7: {  	s1 =	sshll.u32 @!p1 s1, $0x8  }
0x1e8: {  	s1 =	sand.u32 @!p1 $0xFFFFF800, s1  }
0x1e9: {  	v9 =	vadd.s32 @!p1 s1, v9;
	_ =	sdelay $0x3  }
0x1ea: {  	s1 =	simm.s32 @!p1 $0x0  }
0x1eb: {  	v9 =	vld.idx.msk @!p1 [tilespmem:v9+s1+$0x0], $0xffff;
	_ =	sdelay $0x4  }
0x1ec: {  	[tilespmem:$0xF980] =	vst @!p1 v9  }
0x1ed: {  	v10 =	vld @!p1 [tilespmem:$0xF980];
	_ =	sdelay $0x4  }
0x1ee: {  	v11 =	vshrl.u32 @!p1 v10, $0x3  }
0x1ef: {  	v11 =	vmul.u32 @!p1 $0x30, v11  }
0x1f0: {  	v12 =	vlaneseq.u32 @!p1;
	v10 =	vand.u32 @!p1 $0x7, v10  }
0x1f1: {  	v13 =	vshrl.u32 @!p1 v12, $0x3;
	v10 =	vor.u32 @!p1 v10, v11;
	v11 =	vand.u32 @!p1 $0x7, v12  }
0x1f2: {  	v13 =	vmul.u32 @!p1 $0x8, v13;
	v11 =	vperm.xlane @!p1 v10, v11;
	_ =	sdelay $0x1  }
0x1f3: {  	v11 =	vadd.s32 @!p1 v13, v11;
	_ =	sdelay $0x2  }
0x1f4: {  	v9 =	vshrl.u32 @!p1 v9, $0x3;
	v12 =	vor.u32 @!p1 $0x8, v12  }
0x1f5: {  	vm1 =	vmmov @!p1 $0xffff;
	s2 =	simm.s32 @!p1 $0x10B80;
	[tilespmem:$0xFA00] =	vst @!p1 v9;
	v9 =	vperm.xlane @!p1 v10, v12  }
0x1f6: {  	[tilespmem:s2], [sflag:$0x1] =	stream.indirect_vreg.gather @!p1 [hbm4b:s5+s1], $0x80, v11, vm1, $0xb8;
	[tilespmem:$0x16B80] =	vst v63  }
0x1f7: {  	v9 =	vadd.s32 @!p1 v13, v9;
	s2 =	simm.s32 @!p1 $0x11380  }
0x1f8: {  	[tilespmem:s2], [sflag:$0x1] =	stream.indirect_vreg.gather @!p1 [hbm4b:s13+s1], $0x80, v11, vm1, $0xb8;
	[tilespmem:$0x16B80] =	vst v63  }
0x1f9: {  	s2 =	simm.s32 @!p1 $0x11B80  }
0x1fa: {  	[tilespmem:s2], [sflag:$0x1] =	stream.indirect_vreg.gather @!p1 [hbm4b:s14+s1], $0x80, v11, vm1, $0xb8;
	[tilespmem:$0x16B80] =	vst v63  }
0x1fb: {  	s2 =	simm.s32 @!p1 $0x12380  }
0x1fc: {  	[tilespmem:s2], [sflag:$0x1] =	stream.indirect_vreg.gather @!p1 [hbm4b:s5+s1], $0x80, v9, vm1, $0xb8;
	[tilespmem:$0x16B80] =	vst v63  }
0x1fd: {  	s2 =	simm.s32 @!p1 $0x12B80  }
0x1fe: {  	[tilespmem:s2], [sflag:$0x1] =	stream.indirect_vreg.gather @!p1 [hbm4b:s13+s1], $0x80, v9, vm1, $0xb8;
	[tilespmem:$0x16B80] =	vst v63  }
.Ltmp5:
0x1ff: {  	_ = 	snop;
	(pc) =	sbr.rel @p0 .LBB2_8-.Ltmp5, $4  }
0x200: {  	s29 =	smov.u32 s10;
	s2 =	simm.s32 @!p1 $0x13380  }
0x201: {  	[tilespmem:s2], [sflag:$0x1] =	stream.indirect_vreg.gather @!p1 [hbm4b:s14+s1], $0x80, v9, vm1, $0xb8;
	[tilespmem:$0x16B80] =	vst v63  }
0x202: {  	s4 =	simm.s32 @!p1 $0xFB80;
	s1 =	simm.s32 @!p1 $0x10;
	s2 =	simm.s32 @!p1 $0xFA00  }
0x203: {  	[tilespmem:s4], [sflag:$0x2] =	stream.indirect.gather @!p1 [hbm4b:s10+s1], $0x80, s2, s1, $0xb8;
	[tilespmem:$0x16B80] =	vst v63  }
0x204: {  	s1 =	sshll.u32 s16, $0x5  }
0x205: {  	s1 =	sor.u32 s11, s1  }
0x206: {  	s2 =	smulhi.u32 $0x6BCA1AF3, s1;
	_ =	sdelay $0x1  }
0x207: {  	s4 =	sshrl.u32 s2, $0x3  }
0x208: {  	v9 =	vmov s4  }
0x209: {  	v10 =	vadd.s32 $0x10, v9;
	_ =	sdelay $0x3  }
0x20a: {  	s6 =	simm.s32 $0x3;
	v9 =	vld.idx.msk [tilespmem:v9+s22+$0x0], $0xffff  }
0x20b: {  	v10 =	vld.idx.msk [tilespmem:v10+s22+$0x0], $0xffff;
	_ =	swait.ge [sflag:s6], $0x3000  }
0x20c: {  	[sflag:s6] =	ssyncset.done $0x0  }
0x20d: {  	s30 =	simm.s32 $0x4;
	s2 =	smul.u32 $0xFFFFFED, s4;
	[sflag:s6] =	ssyncadd.s32 $0xFFFFD000  }
0x20e: {  	_ =	swait.ge [sflag:s30], $0x800  }
0x20f: {  	s16 =	simm.s32 $0x0;
	s1 =	sadd.s32 s1, s2;
	[sflag:s30] =	ssyncset.done $0x0  }
0x210: {  	s2 =	simm.s32 $0x0;
	s6 =	sshll.u32 s1, $0x4;
	[sflag:s30] =	ssyncadd.s32 $0xFFFFF800  }
.LBB2_6:
0x211: {  	v11 =	vmov s2;
	_ =	sdelay $0x4  }
0x212: {  	v12 =	vld.idx.msk [tilespmem:v11+s31+$0x0], $0xffff;
	_ =	sdelay $0x4  }
0x213: {  	v12 =	vshll.u32 v12, $0x4  }
0x214: {  	v11 =	vshll.u32 v11, $0x7;
	v12 =	vand.u32 $0x70, v12  }
0x215: {  	v11 =	vor.u32 v11, v12  }
0x216: {  	v12 =	vor.u32 $0xC, v11;
	_ =	sdelay $0x3  }
0x217: {  	v13 =	vld.idx.msk [tilespmem:v11+s0+$0x0], $0xffff  }
0x218: {  	v12 =	vld.idx.msk [tilespmem:v12+s0+$0x0], $0xffff;
	_ =	sdelay $0x3  }
0x219: {  	v17 =	vshll.u32 v13, $0x7  }
0x21a: {  	v12 =	vshll.u32 v12, $0x7;
	v15 =	vor.u32 v1, v17  }
0x21b: {  	v14 =	vor.u32 v1, v12;
	_ =	sdelay $0x1  }
0x21c: {  	s1 =	sshrl.u32 s2, $0x3  }
0x21d: {  	s1 =	smul.u32 $0x6000, s1  }
0x21e: {  	v53 =	vld.idx.msk [tilespmem:v15+s21+$0x0], $0xffff  }
0x21f: {  	s19 =	sand.u32 $0x380, s16;
	s1 =	sshra.s32 s1, $0x2;
	v13 =	vld.idx.msk [tilespmem:v14+s20+$0x0], $0xffff  }
0x220: {  	s24 =	sadd.s32 s2, s8;
	s1 =	sor.u32 s19, s1  }
0x221: {  	v54 =	vmov s24;
	v16 =	vld [tilespmem:s1+$0x13B80]  }
0x222: {  	vm1 =	vlt.s32 v54, $0xB4;
	v18 =	vadd.s32 $0xFFFFFF4C, v54  }
0x223: {  	vm2 =	vlt.s32 v54, v9;
	vm3 =	vlt.s32 v18, v10;
	v55 =	vor.u32 v7, v12  }
0x224: {  	vm4 =	vmneg vm1;
	v19 =	vor.u32 v6, v12;
	v57 =	vadd.f32 v53, v13  }
0x225: {  	vm1 =	vmand vm1, vm2;
	vm2 =	vmand vm4, vm3;
	v56 =	vor.u32 v8, v12  }
0x226: {  	vm1 =	vmor vm1, vm2;
	v20 =	vor.u32 v6, v17;
	v14 =	vadd.f32 v16, v57  }
0x227: {  	v12 =	vsel vm1, $0x3F800000, v5  }
0x228: {  	v15 =	vld.idx.msk [tilespmem:v55+s20+$0x0], $0xffff;
	v58 =	vmul.f32 v14, v12  }
0x229: {  	v16 =	vld.idx.msk [tilespmem:v19+s20+$0x0], $0xffff  }
0x22a: {  	v14 =	vld.idx.msk [tilespmem:v56+s20+$0x0], $0xffff;
	[tilespmem:s1+$0x13B80] =	vst v58  }
0x22b: {  	v59 =	vld.idx.msk [tilespmem:v20+s21+$0x0], $0xffff  }
0x22c: {  	s30 =	sadd.s32 $0x13B80, s1  }
0x22d: {  	v19 =	vld [tilespmem:s30+$0x10];
	_ =	sdelay $0x2  }
0x22e: {  	v18 =	vadd.f32 v59, v16;
	_ =	sdelay $0x1  }
0x22f: {  	v60 =	vor.u32 v7, v17;
	v18 =	vadd.f32 v19, v18;
	_ =	sdelay $0x1  }
0x230: {  	v18 =	vmul.f32 v18, v12;
	_ =	sdelay $0x1  }
0x231: {  	[tilespmem:s30+$0x10] =	vst v18  }
0x232: {  	v18 =	vld.idx.msk [tilespmem:v60+s21+$0x0], $0xffff;
	_ =	sdelay $0x1  }
0x233: {  	v61 =	vld [tilespmem:s30+$0x20];
	_ =	sdelay $0x2  }
0x234: {  	v18 =	vadd.f32 v18, v15;
	_ =	sdelay $0x1  }
0x235: {  	v17 =	vor.u32 v8, v17;
	v18 =	vadd.f32 v61, v18;
	_ =	sdelay $0x1  }
0x236: {  	v18 =	vmul.f32 v18, v12;
	_ =	sdelay $0x1  }
0x237: {  	[tilespmem:s30+$0x20] =	vst v18  }
0x238: {  	v17 =	vld.idx.msk [tilespmem:v17+s21+$0x0], $0xffff;
	_ =	sdelay $0x1  }
0x239: {  	v62 =	vld [tilespmem:s30+$0x30];
	_ =	sdelay $0x2  }
0x23a: {  	v17 =	vadd.f32 v17, v14;
	_ =	sdelay $0x1  }
0x23b: {  	v63 =	vor.u32 $0x1, v11;
	v17 =	vadd.f32 v62, v17;
	_ =	sdelay $0x1  }
0x23c: {  	v17 =	vmul.f32 v17, v12;
	_ =	sdelay $0x1  }
0x23d: {  	[tilespmem:s30+$0x30] =	vst v17  }
0x23e: {  	v17 =	vld.idx.msk [tilespmem:v63+s0+$0x0], $0xffff;
	_ =	sdelay $0x4  }
0x23f: {  	v17 =	vshll.u32 v17, $0x7  }
0x240: {  	v21 =	vor.u32 v1, v17;
	_ =	sdelay $0x4  }
0x241: {  	v18 =	vld.idx.msk [tilespmem:v21+s21+$0x0], $0xffff;
	_ =	sdelay $0x1  }
0x242: {  	v22 =	vld [tilespmem:s30+$0x40];
	_ =	sdelay $0x2  }
0x243: {  	v18 =	vadd.f32 v18, v13;
	_ =	sdelay $0x1  }
0x244: {  	v23 =	vor.u32 v6, v17;
	v18 =	vadd.f32 v22, v18;
	_ =	sdelay $0x1  }
0x245: {  	v18 =	vmul.f32 v18, v12;
	_ =	sdelay $0x1  }
0x246: {  	[tilespmem:s30+$0x40] =	vst v18  }
0x247: {  	v18 =	vld.idx.msk [tilespmem:v23+s21+$0x0], $0xffff;
	_ =	sdelay $0x1  }
0x248: {  	v24 =	vld [tilespmem:s30+$0x50];
	_ =	sdelay $0x2  }
0x249: {  	v18 =	vadd.f32 v18, v16;
	_ =	sdelay $0x1  }
0x24a: {  	v25 =	vor.u32 v7, v17;
	v18 =	vadd.f32 v24, v18;
	_ =	sdelay $0x1  }
0x24b: {  	v18 =	vmul.f32 v18, v12;
	_ =	sdelay $0x1  }
0x24c: {  	[tilespmem:s30+$0x50] =	vst v18  }
0x24d: {  	v18 =	vld.idx.msk [tilespmem:v25+s21+$0x0], $0xffff;
	_ =	sdelay $0x1  }
0x24e: {  	v26 =	vld [tilespmem:s30+$0x60];
	_ =	sdelay $0x2  }
0x24f: {  	v18 =	vadd.f32 v18, v15;
	_ =	sdelay $0x1  }
0x250: {  	v17 =	vor.u32 v8, v17;
	v18 =	vadd.f32 v26, v18;
	_ =	sdelay $0x1  }
0x251: {  	v18 =	vmul.f32 v18, v12;
	_ =	sdelay $0x1  }
0x252: {  	[tilespmem:s30+$0x60] =	vst v18  }
0x253: {  	v17 =	vld.idx.msk [tilespmem:v17+s21+$0x0], $0xffff;
	_ =	sdelay $0x1  }
0x254: {  	v27 =	vld [tilespmem:s30+$0x70];
	_ =	sdelay $0x2  }
0x255: {  	v17 =	vadd.f32 v17, v14;
	_ =	sdelay $0x1  }
0x256: {  	v28 =	vor.u32 $0x2, v11;
	v17 =	vadd.f32 v27, v17;
	_ =	sdelay $0x1  }
0x257: {  	v17 =	vmul.f32 v17, v12;
	_ =	sdelay $0x1  }
0x258: {  	[tilespmem:s30+$0x70] =	vst v17  }
0x259: {  	v17 =	vld.idx.msk [tilespmem:v28+s0+$0x0], $0xffff;
	_ =	sdelay $0x4  }
0x25a: {  	v17 =	vshll.u32 v17, $0x7  }
0x25b: {  	v29 =	vor.u32 v1, v17;
	_ =	sdelay $0x4  }
0x25c: {  	v18 =	vld.idx.msk [tilespmem:v29+s21+$0x0], $0xffff;
	_ =	sdelay $0x1  }
0x25d: {  	v30 =	vld [tilespmem:s30+$0x400];
	_ =	sdelay $0x2  }
0x25e: {  	v18 =	vadd.f32 v18, v13;
	_ =	sdelay $0x1  }
0x25f: {  	v31 =	vor.u32 v6, v17;
	v18 =	vadd.f32 v30, v18;
	_ =	sdelay $0x1  }
0x260: {  	v18 =	vmul.f32 v18, v12;
	_ =	sdelay $0x1  }
0x261: {  	[tilespmem:s30+$0x400] =	vst v18  }
0x262: {  	v18 =	vld.idx.msk [tilespmem:v31+s21+$0x0], $0xffff;
	_ =	sdelay $0x1  }
0x263: {  	v32 =	vld [tilespmem:s30+$0x410];
	_ =	sdelay $0x2  }
0x264: {  	v18 =	vadd.f32 v18, v16;
	_ =	sdelay $0x1  }
0x265: {  	v33 =	vor.u32 v7, v17;
	v18 =	vadd.f32 v32, v18;
	_ =	sdelay $0x1  }
0x266: {  	v18 =	vmul.f32 v18, v12;
	_ =	sdelay $0x1  }
0x267: {  	[tilespmem:s30+$0x410] =	vst v18  }
0x268: {  	v18 =	vld.idx.msk [tilespmem:v33+s21+$0x0], $0xffff;
	_ =	sdelay $0x1  }
0x269: {  	v34 =	vld [tilespmem:s30+$0x420];
	_ =	sdelay $0x2  }
0x26a: {  	v18 =	vadd.f32 v18, v15;
	_ =	sdelay $0x1  }
0x26b: {  	v17 =	vor.u32 v8, v17;
	v18 =	vadd.f32 v34, v18;
	_ =	sdelay $0x1  }
0x26c: {  	v18 =	vmul.f32 v18, v12;
	_ =	sdelay $0x1  }
0x26d: {  	[tilespmem:s30+$0x420] =	vst v18  }
0x26e: {  	v17 =	vld.idx.msk [tilespmem:v17+s21+$0x0], $0xffff;
	_ =	sdelay $0x1  }
0x26f: {  	v35 =	vld [tilespmem:s30+$0x430];
	_ =	sdelay $0x2  }
0x270: {  	v17 =	vadd.f32 v17, v14;
	_ =	sdelay $0x1  }
0x271: {  	v36 =	vor.u32 $0x3, v11;
	v17 =	vadd.f32 v35, v17;
	_ =	sdelay $0x1  }
0x272: {  	v17 =	vmul.f32 v17, v12;
	_ =	sdelay $0x1  }
0x273: {  	[tilespmem:s30+$0x430] =	vst v17  }
0x274: {  	v17 =	vld.idx.msk [tilespmem:v36+s0+$0x0], $0xffff;
	_ =	sdelay $0x4  }
0x275: {  	v17 =	vshll.u32 v17, $0x7  }
0x276: {  	v37 =	vor.u32 v1, v17;
	_ =	sdelay $0x4  }
0x277: {  	v18 =	vld.idx.msk [tilespmem:v37+s21+$0x0], $0xffff;
	_ =	sdelay $0x1  }
0x278: {  	v38 =	vld [tilespmem:s30+$0x440];
	_ =	sdelay $0x2  }
0x279: {  	v18 =	vadd.f32 v18, v13;
	_ =	sdelay $0x1  }
0x27a: {  	v39 =	vor.u32 v6, v17;
	v18 =	vadd.f32 v38, v18;
	_ =	sdelay $0x1  }
0x27b: {  	v18 =	vmul.f32 v18, v12;
	_ =	sdelay $0x1  }
0x27c: {  	[tilespmem:s30+$0x440] =	vst v18  }
0x27d: {  	v18 =	vld.idx.msk [tilespmem:v39+s21+$0x0], $0xffff;
	_ =	sdelay $0x1  }
0x27e: {  	v40 =	vld [tilespmem:s30+$0x450];
	_ =	sdelay $0x2  }
0x27f: {  	v18 =	vadd.f32 v18, v16;
	_ =	sdelay $0x1  }
0x280: {  	v41 =	vor.u32 v7, v17;
	v18 =	vadd.f32 v40, v18;
	_ =	sdelay $0x1  }
0x281: {  	v18 =	vmul.f32 v18, v12;
	_ =	sdelay $0x1  }
0x282: {  	[tilespmem:s30+$0x450] =	vst v18  }
0x283: {  	v18 =	vld.idx.msk [tilespmem:v41+s21+$0x0], $0xffff;
	_ =	sdelay $0x1  }
0x284: {  	v42 =	vld [tilespmem:s30+$0x460];
	_ =	sdelay $0x2  }
0x285: {  	v18 =	vadd.f32 v18, v15;
	_ =	sdelay $0x1  }
0x286: {  	v17 =	vor.u32 v8, v17;
	v18 =	vadd.f32 v42, v18;
	_ =	sdelay $0x1  }
0x287: {  	v18 =	vmul.f32 v18, v12;
	_ =	sdelay $0x1  }
0x288: {  	[tilespmem:s30+$0x460] =	vst v18  }
0x289: {  	v17 =	vld.idx.msk [tilespmem:v17+s21+$0x0], $0xffff;
	_ =	sdelay $0x1  }
0x28a: {  	v43 =	vld [tilespmem:s30+$0x470];
	_ =	sdelay $0x2  }
0x28b: {  	v17 =	vadd.f32 v17, v14;
	_ =	sdelay $0x1  }
0x28c: {  	v44 =	vor.u32 $0x4, v11;
	v17 =	vadd.f32 v43, v17;
	_ =	sdelay $0x1  }
0x28d: {  	v17 =	vmul.f32 v17, v12;
	_ =	sdelay $0x1  }
0x28e: {  	[tilespmem:s30+$0x470] =	vst v17  }
0x28f: {  	v17 =	vld.idx.msk [tilespmem:v44+s0+$0x0], $0xffff;
	_ =	sdelay $0x4  }
0x290: {  	v17 =	vshll.u32 v17, $0x7  }
0x291: {  	v45 =	vor.u32 v1, v17;
	_ =	sdelay $0x4  }
0x292: {  	v18 =	vld.idx.msk [tilespmem:v45+s21+$0x0], $0xffff;
	_ =	sdelay $0x1  }
0x293: {  	v46 =	vld [tilespmem:s1+$0x14380];
	_ =	sdelay $0x2  }
0x294: {  	v18 =	vadd.f32 v18, v13;
	_ =	sdelay $0x1  }
0x295: {  	v47 =	vor.u32 v6, v17;
	v18 =	vadd.f32 v46, v18;
	_ =	sdelay $0x1  }
0x296: {  	v18 =	vmul.f32 v18, v12;
	_ =	sdelay $0x1  }
0x297: {  	[tilespmem:s1+$0x14380] =	vst v18  }
0x298: {  	v18 =	vld.idx.msk [tilespmem:v47+s21+$0x0], $0xffff  }
0x299: {  	s10 =	sadd.s32 $0x14380, s1  }
0x29a: {  	v48 =	vld [tilespmem:s10+$0x10];
	_ =	sdelay $0x2  }
0x29b: {  	v18 =	vadd.f32 v18, v16;
	_ =	sdelay $0x1  }
0x29c: {  	v49 =	vor.u32 v7, v17;
	v18 =	vadd.f32 v48, v18;
	_ =	sdelay $0x1  }
0x29d: {  	v18 =	vmul.f32 v18, v12;
	_ =	sdelay $0x1  }
0x29e: {  	[tilespmem:s10+$0x10] =	vst v18  }
0x29f: {  	v18 =	vld.idx.msk [tilespmem:v49+s21+$0x0], $0xffff;
	_ =	sdelay $0x1  }
0x2a0: {  	v50 =	vld [tilespmem:s10+$0x20];
	_ =	sdelay $0x2  }
0x2a1: {  	v18 =	vadd.f32 v18, v15;
	_ =	sdelay $0x1  }
0x2a2: {  	v17 =	vor.u32 v8, v17;
	v18 =	vadd.f32 v50, v18;
	_ =	sdelay $0x1  }
0x2a3: {  	v18 =	vmul.f32 v18, v12;
	_ =	sdelay $0x1  }
0x2a4: {  	[tilespmem:s10+$0x20] =	vst v18  }
0x2a5: {  	v17 =	vld.idx.msk [tilespmem:v17+s21+$0x0], $0xffff;
	_ =	sdelay $0x1  }
0x2a6: {  	v51 =	vld [tilespmem:s10+$0x30];
	_ =	sdelay $0x2  }
0x2a7: {  	v17 =	vadd.f32 v17, v14;
	_ =	sdelay $0x1  }
0x2a8: {  	v52 =	vor.u32 $0x5, v11;
	v17 =	vadd.f32 v51, v17;
	_ =	sdelay $0x1  }
0x2a9: {  	v17 =	vmul.f32 v17, v12;
	_ =	sdelay $0x1  }
0x2aa: {  	[tilespmem:s10+$0x30] =	vst v17  }
0x2ab: {  	v17 =	vld.idx.msk [tilespmem:v52+s0+$0x0], $0xffff;
	_ =	sdelay $0x4  }
0x2ac: {  	v17 =	vshll.u32 v17, $0x7  }
0x2ad: {  	v53 =	vor.u32 v1, v17;
	_ =	sdelay $0x4  }
0x2ae: {  	v18 =	vld.idx.msk [tilespmem:v53+s21+$0x0], $0xffff;
	_ =	sdelay $0x1  }
0x2af: {  	v54 =	vld [tilespmem:s10+$0x40];
	_ =	sdelay $0x2  }
0x2b0: {  	v18 =	vadd.f32 v18, v13;
	_ =	sdelay $0x1  }
0x2b1: {  	v55 =	vor.u32 v6, v17;
	v18 =	vadd.f32 v54, v18;
	_ =	sdelay $0x1  }
0x2b2: {  	v18 =	vmul.f32 v18, v12;
	_ =	sdelay $0x1  }
0x2b3: {  	[tilespmem:s10+$0x40] =	vst v18  }
0x2b4: {  	v18 =	vld.idx.msk [tilespmem:v55+s21+$0x0], $0xffff;
	_ =	sdelay $0x1  }
0x2b5: {  	v56 =	vld [tilespmem:s10+$0x50];
	_ =	sdelay $0x2  }
0x2b6: {  	v18 =	vadd.f32 v18, v16;
	_ =	sdelay $0x1  }
0x2b7: {  	v57 =	vor.u32 v7, v17;
	v18 =	vadd.f32 v56, v18;
	_ =	sdelay $0x1  }
0x2b8: {  	v18 =	vmul.f32 v18, v12;
	_ =	sdelay $0x1  }
0x2b9: {  	[tilespmem:s10+$0x50] =	vst v18  }
0x2ba: {  	v18 =	vld.idx.msk [tilespmem:v57+s21+$0x0], $0xffff;
	_ =	sdelay $0x1  }
0x2bb: {  	v58 =	vld [tilespmem:s10+$0x60];
	_ =	sdelay $0x2  }
0x2bc: {  	v18 =	vadd.f32 v18, v15;
	_ =	sdelay $0x1  }
0x2bd: {  	v17 =	vor.u32 v8, v17;
	v18 =	vadd.f32 v58, v18;
	_ =	sdelay $0x1  }
0x2be: {  	v18 =	vmul.f32 v18, v12;
	_ =	sdelay $0x1  }
0x2bf: {  	[tilespmem:s10+$0x60] =	vst v18  }
0x2c0: {  	v17 =	vld.idx.msk [tilespmem:v17+s21+$0x0], $0xffff;
	_ =	sdelay $0x1  }
0x2c1: {  	v59 =	vld [tilespmem:s10+$0x70];
	_ =	sdelay $0x2  }
0x2c2: {  	v17 =	vadd.f32 v17, v14;
	_ =	sdelay $0x1  }
0x2c3: {  	v60 =	vor.u32 $0x6, v11;
	v17 =	vadd.f32 v59, v17;
	_ =	sdelay $0x1  }
0x2c4: {  	v17 =	vmul.f32 v17, v12;
	_ =	sdelay $0x1  }
0x2c5: {  	[tilespmem:s10+$0x70] =	vst v17  }
0x2c6: {  	v17 =	vld.idx.msk [tilespmem:v60+s0+$0x0], $0xffff;
	_ =	sdelay $0x4  }
0x2c7: {  	v17 =	vshll.u32 v17, $0x7  }
0x2c8: {  	v61 =	vor.u32 v1, v17;
	_ =	sdelay $0x4  }
0x2c9: {  	v18 =	vld.idx.msk [tilespmem:v61+s21+$0x0], $0xffff;
	_ =	sdelay $0x1  }
0x2ca: {  	v62 =	vld [tilespmem:s1+$0x14780];
	_ =	sdelay $0x2  }
0x2cb: {  	v18 =	vadd.f32 v18, v13;
	_ =	sdelay $0x1  }
0x2cc: {  	v63 =	vor.u32 v6, v17;
	v18 =	vadd.f32 v62, v18;
	_ =	sdelay $0x1  }
0x2cd: {  	v18 =	vmul.f32 v18, v12;
	_ =	sdelay $0x1  }
0x2ce: {  	[tilespmem:s1+$0x14780] =	vst v18  }
0x2cf: {  	v18 =	vld.idx.msk [tilespmem:v63+s21+$0x0], $0xffff  }
0x2d0: {  	s24 =	sadd.s32 $0x14780, s1  }
0x2d1: {  	v21 =	vld [tilespmem:s24+$0x10];
	_ =	sdelay $0x2  }
0x2d2: {  	v18 =	vadd.f32 v18, v16;
	_ =	sdelay $0x1  }
0x2d3: {  	v22 =	vor.u32 v7, v17;
	v18 =	vadd.f32 v21, v18;
	_ =	sdelay $0x1  }
0x2d4: {  	v18 =	vmul.f32 v18, v12;
	_ =	sdelay $0x1  }
0x2d5: {  	[tilespmem:s24+$0x10] =	vst v18  }
0x2d6: {  	v18 =	vld.idx.msk [tilespmem:v22+s21+$0x0], $0xffff;
	_ =	sdelay $0x1  }
0x2d7: {  	v23 =	vld [tilespmem:s24+$0x20];
	_ =	sdelay $0x2  }
0x2d8: {  	v18 =	vadd.f32 v18, v15;
	_ =	sdelay $0x1  }
0x2d9: {  	v17 =	vor.u32 v8, v17;
	v18 =	vadd.f32 v23, v18;
	_ =	sdelay $0x1  }
0x2da: {  	v18 =	vmul.f32 v18, v12;
	_ =	sdelay $0x1  }
0x2db: {  	[tilespmem:s24+$0x20] =	vst v18  }
0x2dc: {  	v17 =	vld.idx.msk [tilespmem:v17+s21+$0x0], $0xffff;
	_ =	sdelay $0x1  }
0x2dd: {  	v24 =	vld [tilespmem:s24+$0x30];
	_ =	sdelay $0x2  }
0x2de: {  	v17 =	vadd.f32 v17, v14;
	_ =	sdelay $0x1  }
0x2df: {  	v25 =	vor.u32 $0x7, v11;
	v17 =	vadd.f32 v24, v17;
	_ =	sdelay $0x1  }
0x2e0: {  	v17 =	vmul.f32 v17, v12;
	_ =	sdelay $0x1  }
0x2e1: {  	[tilespmem:s24+$0x30] =	vst v17  }
0x2e2: {  	v17 =	vld.idx.msk [tilespmem:v25+s0+$0x0], $0xffff;
	_ =	sdelay $0x4  }
0x2e3: {  	v17 =	vshll.u32 v17, $0x7  }
0x2e4: {  	v26 =	vor.u32 v1, v17;
	_ =	sdelay $0x4  }
0x2e5: {  	v18 =	vld.idx.msk [tilespmem:v26+s21+$0x0], $0xffff;
	_ =	sdelay $0x1  }
0x2e6: {  	v27 =	vld [tilespmem:s24+$0x40];
	_ =	sdelay $0x2  }
0x2e7: {  	v18 =	vadd.f32 v18, v13;
	_ =	sdelay $0x1  }
0x2e8: {  	v28 =	vor.u32 v6, v17;
	v18 =	vadd.f32 v27, v18;
	_ =	sdelay $0x1  }
0x2e9: {  	v18 =	vmul.f32 v18, v12;
	_ =	sdelay $0x1  }
0x2ea: {  	[tilespmem:s24+$0x40] =	vst v18  }
0x2eb: {  	v18 =	vld.idx.msk [tilespmem:v28+s21+$0x0], $0xffff;
	_ =	sdelay $0x1  }
0x2ec: {  	v29 =	vld [tilespmem:s24+$0x50];
	_ =	sdelay $0x2  }
0x2ed: {  	v18 =	vadd.f32 v18, v16;
	_ =	sdelay $0x1  }
0x2ee: {  	v30 =	vor.u32 v7, v17;
	v18 =	vadd.f32 v29, v18;
	_ =	sdelay $0x1  }
0x2ef: {  	v18 =	vmul.f32 v18, v12;
	_ =	sdelay $0x1  }
0x2f0: {  	[tilespmem:s24+$0x50] =	vst v18  }
0x2f1: {  	v18 =	vld.idx.msk [tilespmem:v30+s21+$0x0], $0xffff;
	_ =	sdelay $0x1  }
0x2f2: {  	v31 =	vld [tilespmem:s24+$0x60];
	_ =	sdelay $0x2  }
0x2f3: {  	v18 =	vadd.f32 v18, v15;
	_ =	sdelay $0x1  }
0x2f4: {  	v17 =	vor.u32 v8, v17;
	v18 =	vadd.f32 v31, v18;
	_ =	sdelay $0x1  }
0x2f5: {  	v18 =	vmul.f32 v18, v12;
	_ =	sdelay $0x1  }
0x2f6: {  	[tilespmem:s24+$0x60] =	vst v18  }
0x2f7: {  	v17 =	vld.idx.msk [tilespmem:v17+s21+$0x0], $0xffff;
	_ =	sdelay $0x1  }
0x2f8: {  	v32 =	vld [tilespmem:s24+$0x70];
	_ =	sdelay $0x2  }
0x2f9: {  	v17 =	vadd.f32 v17, v14;
	_ =	sdelay $0x1  }
0x2fa: {  	v33 =	vor.u32 $0x8, v11;
	v17 =	vadd.f32 v32, v17;
	_ =	sdelay $0x1  }
0x2fb: {  	v17 =	vmul.f32 v17, v12;
	_ =	sdelay $0x1  }
0x2fc: {  	[tilespmem:s24+$0x70] =	vst v17  }
0x2fd: {  	v17 =	vld.idx.msk [tilespmem:v33+s0+$0x0], $0xffff;
	_ =	sdelay $0x4  }
0x2fe: {  	v17 =	vshll.u32 v17, $0x7  }
0x2ff: {  	v34 =	vor.u32 v1, v17;
	_ =	sdelay $0x4  }
0x300: {  	v18 =	vld.idx.msk [tilespmem:v34+s21+$0x0], $0xffff;
	_ =	sdelay $0x1  }
0x301: {  	v35 =	vld [tilespmem:s1+$0x14B80];
	_ =	sdelay $0x2  }
0x302: {  	v18 =	vadd.f32 v18, v13;
	_ =	sdelay $0x1  }
0x303: {  	v36 =	vor.u32 v6, v17;
	v18 =	vadd.f32 v35, v18;
	_ =	sdelay $0x1  }
0x304: {  	v18 =	vmul.f32 v18, v12;
	_ =	sdelay $0x1  }
0x305: {  	[tilespmem:s1+$0x14B80] =	vst v18  }
0x306: {  	v18 =	vld.idx.msk [tilespmem:v36+s21+$0x0], $0xffff  }
0x307: {  	s30 =	sadd.s32 $0x14B80, s1  }
0x308: {  	v37 =	vld [tilespmem:s30+$0x10];
	_ =	sdelay $0x2  }
0x309: {  	v18 =	vadd.f32 v18, v16;
	_ =	sdelay $0x1  }
0x30a: {  	v38 =	vor.u32 v7, v17;
	v18 =	vadd.f32 v37, v18;
	_ =	sdelay $0x1  }
0x30b: {  	v18 =	vmul.f32 v18, v12;
	_ =	sdelay $0x1  }
0x30c: {  	[tilespmem:s30+$0x10] =	vst v18  }
0x30d: {  	v18 =	vld.idx.msk [tilespmem:v38+s21+$0x0], $0xffff;
	_ =	sdelay $0x1  }
0x30e: {  	v39 =	vld [tilespmem:s30+$0x20];
	_ =	sdelay $0x2  }
0x30f: {  	v18 =	vadd.f32 v18, v15;
	_ =	sdelay $0x1  }
0x310: {  	v17 =	vor.u32 v8, v17;
	v18 =	vadd.f32 v39, v18;
	_ =	sdelay $0x1  }
0x311: {  	v18 =	vmul.f32 v18, v12;
	_ =	sdelay $0x1  }
0x312: {  	[tilespmem:s30+$0x20] =	vst v18  }
0x313: {  	v17 =	vld.idx.msk [tilespmem:v17+s21+$0x0], $0xffff;
	_ =	sdelay $0x1  }
0x314: {  	v40 =	vld [tilespmem:s30+$0x30];
	_ =	sdelay $0x2  }
0x315: {  	v17 =	vadd.f32 v17, v14;
	_ =	sdelay $0x1  }
0x316: {  	v41 =	vor.u32 $0x9, v11;
	v17 =	vadd.f32 v40, v17;
	_ =	sdelay $0x1  }
0x317: {  	v17 =	vmul.f32 v17, v12;
	_ =	sdelay $0x1  }
0x318: {  	[tilespmem:s30+$0x30] =	vst v17  }
0x319: {  	v17 =	vld.idx.msk [tilespmem:v41+s0+$0x0], $0xffff;
	_ =	sdelay $0x4  }
0x31a: {  	v17 =	vshll.u32 v17, $0x7  }
0x31b: {  	v42 =	vor.u32 v1, v17;
	_ =	sdelay $0x4  }
0x31c: {  	v18 =	vld.idx.msk [tilespmem:v42+s21+$0x0], $0xffff;
	_ =	sdelay $0x1  }
0x31d: {  	v43 =	vld [tilespmem:s30+$0x40];
	_ =	sdelay $0x2  }
0x31e: {  	v18 =	vadd.f32 v18, v13;
	_ =	sdelay $0x1  }
0x31f: {  	v44 =	vor.u32 v6, v17;
	v18 =	vadd.f32 v43, v18;
	_ =	sdelay $0x1  }
0x320: {  	v18 =	vmul.f32 v18, v12;
	_ =	sdelay $0x1  }
0x321: {  	[tilespmem:s30+$0x40] =	vst v18  }
0x322: {  	v18 =	vld.idx.msk [tilespmem:v44+s21+$0x0], $0xffff;
	_ =	sdelay $0x1  }
0x323: {  	v45 =	vld [tilespmem:s30+$0x50];
	_ =	sdelay $0x2  }
0x324: {  	v18 =	vadd.f32 v18, v16;
	_ =	sdelay $0x1  }
0x325: {  	v46 =	vor.u32 v7, v17;
	v18 =	vadd.f32 v45, v18;
	_ =	sdelay $0x1  }
0x326: {  	v18 =	vmul.f32 v18, v12;
	_ =	sdelay $0x1  }
0x327: {  	[tilespmem:s30+$0x50] =	vst v18  }
0x328: {  	v18 =	vld.idx.msk [tilespmem:v46+s21+$0x0], $0xffff;
	_ =	sdelay $0x1  }
0x329: {  	v47 =	vld [tilespmem:s30+$0x60];
	_ =	sdelay $0x2  }
0x32a: {  	v18 =	vadd.f32 v18, v15;
	_ =	sdelay $0x1  }
0x32b: {  	v17 =	vor.u32 v8, v17;
	v18 =	vadd.f32 v47, v18;
	_ =	sdelay $0x1  }
0x32c: {  	v18 =	vmul.f32 v18, v12;
	_ =	sdelay $0x1  }
0x32d: {  	[tilespmem:s30+$0x60] =	vst v18  }
0x32e: {  	v17 =	vld.idx.msk [tilespmem:v17+s21+$0x0], $0xffff;
	_ =	sdelay $0x1  }
0x32f: {  	v48 =	vld [tilespmem:s30+$0x70];
	_ =	sdelay $0x2  }
0x330: {  	v17 =	vadd.f32 v17, v14;
	_ =	sdelay $0x1  }
0x331: {  	v49 =	vor.u32 $0xA, v11;
	v17 =	vadd.f32 v48, v17;
	_ =	sdelay $0x1  }
0x332: {  	v17 =	vmul.f32 v17, v12;
	_ =	sdelay $0x1  }
0x333: {  	[tilespmem:s30+$0x70] =	vst v17  }
0x334: {  	v17 =	vld.idx.msk [tilespmem:v49+s0+$0x0], $0xffff;
	_ =	sdelay $0x4  }
0x335: {  	v17 =	vshll.u32 v17, $0x7  }
0x336: {  	v50 =	vor.u32 v1, v17;
	_ =	sdelay $0x4  }
0x337: {  	v18 =	vld.idx.msk [tilespmem:v50+s21+$0x0], $0xffff;
	_ =	sdelay $0x1  }
0x338: {  	v51 =	vld [tilespmem:s1+$0x14F80];
	_ =	sdelay $0x2  }
0x339: {  	v18 =	vadd.f32 v18, v13;
	_ =	sdelay $0x1  }
0x33a: {  	v52 =	vor.u32 v6, v17;
	v18 =	vadd.f32 v51, v18;
	_ =	sdelay $0x1  }
0x33b: {  	v18 =	vmul.f32 v18, v12;
	_ =	sdelay $0x1  }
0x33c: {  	[tilespmem:s1+$0x14F80] =	vst v18  }
0x33d: {  	v18 =	vld.idx.msk [tilespmem:v52+s21+$0x0], $0xffff  }
0x33e: {  	s1 =	sadd.s32 $0x14F80, s1  }
0x33f: {  	v53 =	vld [tilespmem:s1+$0x10];
	_ =	sdelay $0x2  }
0x340: {  	v18 =	vadd.f32 v18, v16;
	_ =	sdelay $0x1  }
0x341: {  	v54 =	vor.u32 v7, v17;
	v18 =	vadd.f32 v53, v18;
	_ =	sdelay $0x1  }
0x342: {  	v18 =	vmul.f32 v18, v12;
	_ =	sdelay $0x1  }
0x343: {  	[tilespmem:s1+$0x10] =	vst v18  }
0x344: {  	v18 =	vld.idx.msk [tilespmem:v54+s21+$0x0], $0xffff;
	_ =	sdelay $0x1  }
0x345: {  	v55 =	vld [tilespmem:s1+$0x20];
	_ =	sdelay $0x2  }
0x346: {  	v18 =	vadd.f32 v18, v15;
	_ =	sdelay $0x1  }
0x347: {  	v17 =	vor.u32 v8, v17;
	v18 =	vadd.f32 v55, v18;
	_ =	sdelay $0x1  }
0x348: {  	v18 =	vmul.f32 v18, v12;
	_ =	sdelay $0x1  }
0x349: {  	[tilespmem:s1+$0x20] =	vst v18  }
0x34a: {  	v17 =	vld.idx.msk [tilespmem:v17+s21+$0x0], $0xffff;
	_ =	sdelay $0x1  }
0x34b: {  	v56 =	vld [tilespmem:s1+$0x30];
	_ =	sdelay $0x2  }
0x34c: {  	v17 =	vadd.f32 v17, v14;
	_ =	sdelay $0x1  }
0x34d: {  	v11 =	vor.u32 $0xB, v11;
	v17 =	vadd.f32 v56, v17;
	_ =	sdelay $0x1  }
0x34e: {  	v17 =	vmul.f32 v17, v12;
	_ =	sdelay $0x1  }
0x34f: {  	[tilespmem:s1+$0x30] =	vst v17  }
0x350: {  	v11 =	vld.idx.msk [tilespmem:v11+s0+$0x0], $0xffff;
	_ =	sdelay $0x4  }
0x351: {  	v11 =	vshll.u32 v11, $0x7  }
0x352: {  	v57 =	vor.u32 v1, v11;
	_ =	sdelay $0x4  }
0x353: {  	v17 =	vld.idx.msk [tilespmem:v57+s21+$0x0], $0xffff;
	_ =	sdelay $0x1  }
0x354: {  	v58 =	vld [tilespmem:s1+$0x40];
	_ =	sdelay $0x2  }
0x355: {  	v13 =	vadd.f32 v17, v13;
	_ =	sdelay $0x1  }
0x356: {  	v59 =	vor.u32 v6, v11;
	v13 =	vadd.f32 v58, v13;
	_ =	sdelay $0x1  }
0x357: {  	v13 =	vmul.f32 v13, v12;
	_ =	sdelay $0x1  }
0x358: {  	[tilespmem:s1+$0x40] =	vst v13  }
0x359: {  	v13 =	vld.idx.msk [tilespmem:v59+s21+$0x0], $0xffff;
	_ =	sdelay $0x1  }
0x35a: {  	v60 =	vld [tilespmem:s1+$0x50];
	_ =	sdelay $0x2  }
0x35b: {  	v13 =	vadd.f32 v13, v16;
	_ =	sdelay $0x1  }
0x35c: {  	v61 =	vor.u32 v7, v11;
	v13 =	vadd.f32 v60, v13;
	_ =	sdelay $0x1  }
0x35d: {  	v13 =	vmul.f32 v13, v12;
	_ =	sdelay $0x1  }
0x35e: {  	[tilespmem:s1+$0x50] =	vst v13  }
0x35f: {  	v13 =	vld.idx.msk [tilespmem:v61+s21+$0x0], $0xffff;
	_ =	sdelay $0x1  }
0x360: {  	v62 =	vld [tilespmem:s1+$0x60];
	_ =	sdelay $0x2  }
0x361: {  	v13 =	vadd.f32 v13, v15;
	_ =	sdelay $0x1  }
0x362: {  	v11 =	vor.u32 v8, v11;
	v13 =	vadd.f32 v62, v13;
	_ =	sdelay $0x1  }
0x363: {  	v13 =	vmul.f32 v13, v12;
	_ =	sdelay $0x1  }
0x364: {  	[tilespmem:s1+$0x60] =	vst v13  }
0x365: {  	v11 =	vld.idx.msk [tilespmem:v11+s21+$0x0], $0xffff;
	_ =	sdelay $0x1  }
0x366: {  	v63 =	vld [tilespmem:s1+$0x70];
	_ =	sdelay $0x2  }
0x367: {  	v11 =	vadd.f32 v11, v14  }
0x368: {  	p0 =	sne.s32 s2, $0xF  }
.Ltmp6:
0x369: {  	v11 =	vadd.f32 v63, v11;
	(pc) =	sbr.rel @p0 .LBB2_6-.Ltmp6, $3  }
0x36a: {  	_ = 	snop  }
0x36b: {  	v11 =	vmul.f32 v11, v12;
	_ =	sdelay $0x1  }
0x36c: {  	s16 =	sadd.s32 $0x80, s16;
	s2 =	sadd.s32 $0x1, s2;
	[tilespmem:s1+$0x70] =	vst v11  }
0x36d: {  	s1 =	smul.u32 $0x39000, s4;
	s2 =	sshrl.u32 s6, $0x3  }
0x36e: {  	s2 =	smul.u32 $0x1800, s2;
	_ =	sdelay $0x1  }
0x36f: {  	s16 =	rddreg [dreg:$0x8];
	s1 =	sadd.s32 s1, s2  }
0x370: {  	s19 =	simm.s32 $0x0;
	s24 =	simm.s32 $0x13B80;
	s1 =	sshrl.u32 s1, $0x3  }
.Ltmp7:
0x371: {  	s30 =	simm.s32 $0x5;
	s1 =	sadd.s32 s16, s1;
	(pc) =	sbr.rel .LBB2_8-.Ltmp7, $4  }
0x372: {  	[hbm4b:s1+s19] =	stream.linear.scatter [tilespmem:s24], [sflag:$0x5], $0x3000, $0x38;
	[tilespmem:$0x16B80] =	vst v63  }
0x373: {  	_ =	swait.ge [sflag:s30], $0x3000  }
0x374: {  	[sflag:s30] =	ssyncset.done $0x0  }
0x375: {  	[sflag:s30] =	ssyncadd.s32 $0xFFFFD000  }
.LBB2_10:
0x376: {  	_ =	sfence.sel $0x180000  }
0x377: {  	[bflag:$0x0] =	sbarrier.arrive $0xFFFF  }
0x378: {  	_ =	strace $0x9000004D  }
0x379: {  	s0 =	stileid.u32;
	[bflag:$0x2] =	sbarrier.arrive $0xFFFF  }
0x37a: {  	p0 =	sne.s32 s0, $0x0;
	s0 =	rddreg [dreg:$0x3]  }
0x37b: {  	s0 =	sadd.s32 @!p0 $0x100000, s0  }
0x37c: {  	[sflag:s0] =	ssyncadd.tile.s32 @!p0 $0x1;
	_ =	shalt  }
.Lfunc_end2:
_tile_overlayer_lowered:
.L_overlay_start_2:
0x37d: {  	(tag) =	ssettag $0x2  }
0x37e: {  	s0 =	rddreg [dreg:$0x0];
	s2 =	stileid.u32  }
0x37f: {  	s1 =	rddreg [dreg:$0x1];
	p0 =	sne.s32 s2, $0x0  }
0x380: {  	s3 =	rddreg [dreg:$0x2];
	[bflag:$0x3] =	sbarrier.arrive $0xFFFF;
	s2 =	simm.s32 @!p0 $0x1C05  }
0x381: {  	[timem:s3], [sflag:s2] =	dma.local @!p0 [hbm:s0], s1  }
0x382: {  	s0 =	simm.s32 @!p0 $0x5  }
0x383: {  	_ =	swait.ge @!p0 [sflag:s0], s1  }
0x384: {  	s1 =	ssub.s32 @!p0 $0x0, s1;
	[sflag:s0] =	ssyncset.done @!p0 $0x0  }
0x385: {  	[sflag:s0] =	ssyncadd.s32 @!p0 s1  }
0x386: {  	[bflag:$0x3] =	sbarrier.arrive $0xFFFF  }
0x387: {  	_ =	shalt  }

</sc_bundles>
